<compile_context>
chip_gen: v7x
topology: tpu7x:2x2x1
jax: 0.10.2.dev20260603
libtpu: 0.0.44.dev20260713+nightly
codegen_flags: <defaults>
</compile_context>

<pallas_src>
import functools

import jax
import jax.numpy as jnp
from jax import lax
from jax.experimental import pallas as pl
from jax.experimental.pallas import tpu as pltpu
from jax.experimental.pallas import tpu_sc as plsc

ALPHA_C = 1.5
S = 2048
H = 12
QTOT = H * S
BATCH = 2
NW = 32
Q_SC = 1024
Q_TC = QTOT - Q_SC
QBLK = 1024
NQ = Q_TC // QBLK
RPW = Q_SC // NW
CH = 16
NCH = RPW // CH


def _tc_body(x_ref, o_ref, acc_ref):
    i = pl.program_id(1)

    @pl.when(i == 0)
    def _init():
        acc_ref[...] = jnp.zeros_like(acc_ref)

    x = x_ref[0]
    part = jnp.zeros((8, S), jnp.float32)
    for k in range(QBLK // 8):
        part = part + x[k * 8:(k + 1) * 8, :]
    acc_ref[...] += part

    @pl.when(i == NQ - 1)
    def _final():
        o_ref[0] = jnp.sum(acc_ref[...], axis=0, keepdims=True)


def _sc_partial_fn(x_hbm, out_hbm, buf_v, acc_v, sem0, sem1):
    wid = lax.axis_index("s") * 2 + lax.axis_index("c")
    row0 = Q_TC + wid * RPW
    sems = (sem0, sem1)
    zero = jnp.zeros((16,), jnp.float32)
    for b in range(BATCH):
        for j in range(S // 16):
            acc_v[pl.ds(j * 16, 16)] = zero
        cps = [None, None]
        cps[0] = pltpu.async_copy(
            x_hbm.at[b, pl.ds(row0, CH), :], buf_v.at[0], sems[0])
        for c in range(NCH):
            cur = c % 2
            nxt = (c + 1) % 2
            if c + 1 < NCH:
                cps[nxt] = pltpu.async_copy(
                    x_hbm.at[b, pl.ds(row0 + (c + 1) * CH, CH), :],
                    buf_v.at[nxt], sems[nxt])
            cps[cur].wait()
            bufc = buf_v.at[cur]

            @plsc.parallel_loop(0, S // 16, step=1)
            def _col(j):
                sl = pl.ds(j * 16, 16)
                v = bufc[0, sl]
                for r in range(1, CH):
                    v = v + bufc[r, sl]
                plsc.addupdate(acc_v.at[sl], v)
        pltpu.sync_copy(acc_v, out_hbm.at[b, wid])


def _combine_body(tcp_ref, scp_ref, m_ref, o_ref):
    colsum = tcp_ref[0] + jnp.sum(scp_ref[0], axis=0, keepdims=True)
    scores = colsum * jnp.float32(1.0 / QTOT)
    m = m_ref[0]
    sep_i = (jnp.sum(m) - 1.0).astype(jnp.int32)
    idx = jax.lax.broadcasted_iota(jnp.int32, (1, S), 1)
    valid = (idx >= 1) & (idx <= sep_i - 1)
    n = (sep_i - 1).astype(jnp.float32)
    mean = jnp.sum(jnp.where(valid, scores, 0.0)) / n
    dev = jnp.where(valid, scores - mean, 0.0)
    var = jnp.sum(dev * dev) / (n - 1.0)
    std = jnp.sqrt(var)
    lo = mean - jnp.float32(ALPHA_C) * std
    hi = mean + jnp.float32(ALPHA_C) * std
    keep = valid & (scores >= lo) & (scores <= hi)
    out = jnp.where(keep | (idx == 0) | (idx == sep_i), 1.0, 0.0)
    o_ref[0] = out.astype(jnp.float32)


_sc_partial = functools.partial(
    pl.kernel,
    out_type=jax.ShapeDtypeStruct((BATCH, NW, S), jnp.float32),
    mesh=plsc.VectorSubcoreMesh(core_axis_name="c", subcore_axis_name="s"),
    scratch_types=[
        pltpu.VMEM((2, CH, S), jnp.float32),
        pltpu.VMEM((S,), jnp.float32),
        pltpu.SemaphoreType.DMA,
        pltpu.SemaphoreType.DMA,
    ],
)(_sc_partial_fn)


@jax.jit
def kernel(layer_attention_probes, mask):
    b = layer_attention_probes.shape[0]
    x3 = layer_attention_probes.reshape(b, QTOT, S)
    mask3 = mask.reshape(b, 1, S)

    tc_partial = pl.pallas_call(
        _tc_body,
        grid=(b, NQ),
        in_specs=[pl.BlockSpec((1, QBLK, S), lambda bi, qi: (bi, qi, 0))],
        out_specs=pl.BlockSpec((1, 1, S), lambda bi, qi: (bi, 0, 0)),
        out_shape=jax.ShapeDtypeStruct((b, 1, S), jnp.float32),
        scratch_shapes=[pltpu.VMEM((8, S), jnp.float32)],
        compiler_params=pltpu.CompilerParams(
            dimension_semantics=("arbitrary", "arbitrary"),
        ),
    )(x3)

    sc_partial = _sc_partial(x3)

    out = pl.pallas_call(
        _combine_body,
        grid=(b,),
        in_specs=[
            pl.BlockSpec((1, 1, S), lambda bi: (bi, 0, 0)),
            pl.BlockSpec((1, NW, S), lambda bi: (bi, 0, 0)),
            pl.BlockSpec((1, 1, S), lambda bi: (bi, 0, 0)),
        ],
        out_specs=pl.BlockSpec((1, 1, S), lambda bi: (bi, 0, 0)),
        out_shape=jax.ShapeDtypeStruct((b, 1, S), jnp.float32),
    )(tc_partial, sc_partial, mask3)
    return out.reshape(b, S)

# --- scband reference (transcript-rebuilt; emitter-appended) ---
"""Pipeline reference for scband-iqrpruner-31585189495416 (READ-ONLY COPY).

The authoritative reference and input builder live on the scoring server;
editing this copy changes nothing except your own understanding.
"""

import jax, jax.numpy as jnp
import numpy as np

ALPHA = 1.5


def setup_inputs(seed: int = 0) -> dict:
    key = jax.random.key(seed)
    k1, k2 = jax.random.split(key)
    layer_attention_probes = jax.random.uniform(k1, (2, 12, 2048, 2048), dtype=jnp.float32)
    mask = jnp.ones((2, 1, 1, 2048), dtype=jnp.float32)
    return {"layer_attention_probes": layer_attention_probes, "mask": mask}


def reference(layer_attention_probes, mask):
    nan = jnp.float32(jnp.nan)
    mask_squeezed = mask[:, 0, 0, :]  # [B, S]
    bs, seq_len = mask_squeezed.shape
    attention_probes = layer_attention_probes.mean(axis=1)  # mean over heads -> [B, S, S]
    sep_pos = (mask_squeezed.sum(axis=1) - 1)[:, None]  # [B, 1]
    sep_idx = sep_pos.astype(jnp.int64)
    scores = attention_probes.mean(axis=1)  # mean over query dim -> [B, S]
    scores = scores.at[:, 0].set(nan)
    rows = jnp.arange(bs)[:, None]
    scores = scores.at[rows, sep_idx].set(nan)
    indices = sep_idx + 1
    _upper_bound = jnp.full((bs, 1), seq_len, dtype=jnp.int64)
    interval_bounds = jnp.concatenate((indices, _upper_bound), axis=1)
    _indices = jnp.arange(seq_len)[None, :]
    lower_bounds = interval_bounds[:, 0, None]
    upper_bounds = interval_bounds[:, 1, None]
    interval_mask = (_indices >= lower_bounds) & (_indices <= upper_bounds)
    scores = jnp.where(interval_mask, nan, scores)
    _mean = jnp.nanmean(scores, axis=1, keepdims=True)
    _std = jnp.nanstd(scores, axis=1, ddof=1)[:, None]
    _max = _mean + ALPHA * _std
    _min = _mean - ALPHA * _std
    not_nan = ~jnp.isnan(scores)
    intermediate_mask = (scores >= _min) & not_nan & ((scores <= _max) & not_nan)
    updated_mask = jnp.where(intermediate_mask, jnp.float32(1.0), jnp.float32(0.0))
    updated_mask = updated_mask.at[:, 0].set(1.0)
    updated_mask = updated_mask.at[rows, sep_idx].set(1.0)
    return updated_mask

if __name__ == "__main__":
    import jax
    _d = setup_inputs()
    print(jax.jit(kernel)(*tuple(_d.values())))

</pallas_src>

<mosaic_0001>
#map = affine_map<(d0, d1) -> (0, 0, 0)>
module attributes {stable_mosaic.version = 14 : i64} {
  func.func @_sc_partial_fn(%arg0: i32, %arg1: i32, %arg2: memref<2x24576x2048xf32, #tpu.memory_space<hbm>>, %arg3: memref<2x32x2048xf32, #tpu.memory_space<hbm>>, %arg4: memref<2x16x2048xf32, #tpu.memory_space<vmem>>, %arg5: memref<2048xf32, #tpu.memory_space<vmem>>, %arg6: memref<!tpu.dma_semaphore, #tpu.memory_space<semaphore_mem>>, %arg7: memref<!tpu.dma_semaphore, #tpu.memory_space<semaphore_mem>>) attributes {dimension_semantics = [#tpu.dimension_semantics<core_parallel>, #tpu.dimension_semantics<subcore_parallel>], iteration_bounds = array<i64: 2, 16>, scalar_prefetch = 0 : i64, scratch_operands = 4 : i64, tpu.core_type = #tpu.core_type<sc_vector_subcore>, window_params = [{transform_indices = #map}, {transform_indices = #map}]} {
    %mul3A = arith.constant 2 : i32
    %mul3A_0 = arith.muli %arg1, %mul3A : i32
    %add3A = arith.addi %mul3A_0, %arg0 : i32
    %mul3A_1 = arith.constant 32 : i32
    %mul3A_2 = arith.muli %add3A, %mul3A_1 : i32
    %add3A_3 = arith.constant 23552 : i32
    %add3A_4 = arith.addi %add3A_3, %mul3A_2 : i32
    %broadcast_in_dim3A = arith.constant 0.000000e+00 : f32
    %broadcast_in_dim3A_5 = vector.broadcast %broadcast_in_dim3A : f32 to vector<16xf32>
    %swap3A = arith.constant 0 : index
    %swap3A_6 = tpu.vector_load %arg5[%swap3A] {strides = array<i32>} : memref<2048xf32, #tpu.memory_space<vmem>>, vector<16xf32>,
    %swap3A_7 = vector.shape_cast %swap3A_6 : vector<16xf32> to vector<16xf32>
    %swap3A_8 = vector.shape_cast %broadcast_in_dim3A_5 : vector<16xf32> to vector<16xf32>
    tpu.vector_store %arg5[%swap3A], %swap3A_8 {strides = array<i32>} : memref<2048xf32, #tpu.memory_space<vmem>>, vector<16xf32>,
    %swap3A_9 = arith.constant 16 : index
    %swap3A_10 = tpu.vector_load %arg5[%swap3A_9] {strides = array<i32>} : memref<2048xf32, #tpu.memory_space<vmem>>, vector<16xf32>,
    %swap3A_11 = vector.shape_cast %swap3A_10 : vector<16xf32> to vector<16xf32>
    %swap3A_12 = vector.shape_cast %broadcast_in_dim3A_5 : vector<16xf32> to vector<16xf32>
    tpu.vector_store %arg5[%swap3A_9], %swap3A_12 {strides = array<i32>} : memref<2048xf32, #tpu.memory_space<vmem>>, vector<16xf32>,
    %swap3A_13 = arith.constant 32 : index
    %swap3A_14 = tpu.vector_load %arg5[%swap3A_13] {strides = array<i32>} : memref<2048xf32, #tpu.memory_space<vmem>>, vector<16xf32>,
    %swap3A_15 = vector.shape_cast %swap3A_14 : vector<16xf32> to vector<16xf32>
    %swap3A_16 = vector.shape_cast %broadcast_in_dim3A_5 : vector<16xf32> to vector<16xf32>
    tpu.vector_store %arg5[%swap3A_13], %swap3A_16 {strides = array<i32>} : memref<2048xf32, #tpu.memory_space<vmem>>, vector<16xf32>,
    %swap3A_17 = arith.constant 48 : index
    %swap3A_18 = tpu.vector_load %arg5[%swap3A_17] {strides = array<i32>} : memref<2048xf32, #tpu.memory_space<vmem>>, vector<16xf32>,
    %swap3A_19 = vector.shape_cast %swap3A_18 : vector<16xf32> to vector<16xf32>
    %swap3A_20 = vector.shape_cast %broadcast_in_dim3A_5 : vector<16xf32> to vector<16xf32>
    tpu.vector_store %arg5[%swap3A_17], %swap3A_20 {strides = array<i32>} : memref<2048xf32, #tpu.memory_space<vmem>>, vector<16xf32>,
    %swap3A_21 = arith.constant 64 : index
    %swap3A_22 = tpu.vector_load %arg5[%swap3A_21] {strides = array<i32>} : memref<2048xf32, #tpu.memory_space<vmem>>, vector<16xf32>,
    %swap3A_23 = vector.shape_cast %swap3A_22 : vector<16xf32> to vector<16xf32>
    %swap3A_24 = vector.shape_cast %broadcast_in_dim3A_5 : vector<16xf32> to vector<16xf32>
    tpu.vector_store %arg5[%swap3A_21], %swap3A_24 {strides = array<i32>} : memref<2048xf32, #tpu.memory_space<vmem>>, vector<16xf32>,
    %swap3A_25 = arith.constant 80 : index
    %swap3A_26 = tpu.vector_load %arg5[%swap3A_25] {strides = array<i32>} : memref<2048xf32, #tpu.memory_space<vmem>>, vector<16xf32>,
    %swap3A_27 = vector.shape_cast %swap3A_26 : vector<16xf32> to vector<16xf32>
    %swap3A_28 = vector.shape_cast %broadcast_in_dim3A_5 : vector<16xf32> to vector<16xf32>
    tpu.vector_store %arg5[%swap3A_25], %swap3A_28 {strides = array<i32>} : memref<2048xf32, #tpu.memory_space<vmem>>, vector<16xf32>,
    %swap3A_29 = arith.constant 96 : index
    %swap3A_30 = tpu.vector_load %arg5[%swap3A_29] {strides = array<i32>} : memref<2048xf32, #tpu.memory_space<vmem>>, vector<16xf32>,
    %swap3A_31 = vector.shape_cast %swap3A_30 : vector<16xf32> to vector<16xf32>
    %swap3A_32 = vector.shape_cast %broadcast_in_dim3A_5 : vector<16xf32> to vector<16xf32>
    tpu.vector_store %arg5[%swap3A_29], %swap3A_32 {strides = array<i32>} : memref<2048xf32, #tpu.memory_space<vmem>>, vector<16xf32>,
    %swap3A_33 = arith.constant 112 : index
    %swap3A_34 = tpu.vector_load %arg5[%swap3A_33] {strides = array<i32>} : memref<2048xf32, #tpu.memory_space<vmem>>, vector<16xf32>,
    %swap3A_35 = vector.shape_cast %swap3A_34 : vector<16xf32> to vector<16xf32>
    %swap3A_36 = vector.shape_cast %broadcast_in_dim3A_5 : vector<16xf32> to vector<16xf32>
    tpu.vector_store %arg5[%swap3A_33], %swap3A_36 {strides = array<i32>} : memref<2048xf32, #tpu.memory_space<vmem>>, vector<16xf32>,
    %swap3A_37 = arith.constant 128 : index
    %swap3A_38 = tpu.vector_load %arg5[%swap3A_37] {strides = array<i32>} : memref<2048xf32, #tpu.memory_space<vmem>>, vector<16xf32>,
    %swap3A_39 = vector.shape_cast %swap3A_38 : vector<16xf32> to vector<16xf32>
    %swap3A_40 = vector.shape_cast %broadcast_in_dim3A_5 : vector<16xf32> to vector<16xf32>
    tpu.vector_store %arg5[%swap3A_37], %swap3A_40 {strides = array<i32>} : memref<2048xf32, #tpu.memory_space<vmem>>, vector<16xf32>,
    %swap3A_41 = arith.constant 144 : index
    %swap3A_42 = tpu.vector_load %arg5[%swap3A_41] {strides = array<i32>} : memref<2048xf32, #tpu.memory_space<vmem>>, vector<16xf32>,
    %swap3A_43 = vector.shape_cast %swap3A_42 : vector<16xf32> to vector<16xf32>
    %swap3A_44 = vector.shape_cast %broadcast_in_dim3A_5 : vector<16xf32> to vector<16xf32>
    tpu.vector_store %arg5[%swap3A_41], %swap3A_44 {strides = array<i32>} : memref<2048xf32, #tpu.memory_space<vmem>>, vector<16xf32>,
    %swap3A_45 = arith.constant 160 : index
    %swap3A_46 = tpu.vector_load %arg5[%swap3A_45] {strides = array<i32>} : memref<2048xf32, #tpu.memory_space<vmem>>, vector<16xf32>,
    %swap3A_47 = vector.shape_cast %swap3A_46 : vector<16xf32> to vector<16xf32>
    %swap3A_48 = vector.shape_cast %broadcast_in_dim3A_5 : vector<16xf32> to vector<16xf32>
    tpu.vector_store %arg5[%swap3A_45], %swap3A_48 {strides = array<i32>} : memref<2048xf32, #tpu.memory_space<vmem>>, vector<16xf32>,
    %swap3A_49 = arith.constant 176 : index
    %swap3A_50 = tpu.vector_load %arg5[%swap3A_49] {strides = array<i32>} : memref<2048xf32, #tpu.memory_space<vmem>>, vector<16xf32>,
    %swap3A_51 = vector.shape_cast %swap3A_50 : vector<16xf32> to vector<16xf32>
    %swap3A_52 = vector.shape_cast %broadcast_in_dim3A_5 : vector<16xf32> to vector<16xf32>
    tpu.vector_store %arg5[%swap3A_49], %swap3A_52 {strides = array<i32>} : memref<2048xf32, #tpu.memory_space<vmem>>, vector<16xf32>,
    %swap3A_53 = arith.constant 192 : index
    %swap3A_54 = tpu.vector_load %arg5[%swap3A_53] {strides = array<i32>} : memref<2048xf32, #tpu.memory_space<vmem>>, vector<16xf32>,
    %swap3A_55 = vector.shape_cast %swap3A_54 : vector<16xf32> to vector<16xf32>
    %swap3A_56 = vector.shape_cast %broadcast_in_dim3A_5 : vector<16xf32> to vector<16xf32>
    tpu.vector_store %arg5[%swap3A_53], %swap3A_56 {strides = array<i32>} : memref<2048xf32, #tpu.memory_space<vmem>>, vector<16xf32>,
    %swap3A_57 = arith.constant 208 : index
    %swap3A_58 = tpu.vector_load %arg5[%swap3A_57] {strides = array<i32>} : memref<2048xf32, #tpu.memory_space<vmem>>, vector<16xf32>,
    %swap3A_59 = vector.shape_cast %swap3A_58 : vector<16xf32> to vector<16xf32>
    %swap3A_60 = vector.shape_cast %broadcast_in_dim3A_5 : vector<16xf32> to vector<16xf32>
    tpu.vector_store %arg5[%swap3A_57], %swap3A_60 {strides = array<i32>} : memref<2048xf32, #tpu.memory_space<vmem>>, vector<16xf32>,
    %swap3A_61 = arith.constant 224 : index
    %swap3A_62 = tpu.vector_load %arg5[%swap3A_61] {strides = array<i32>} : memref<2048xf32, #tpu.memory_space<vmem>>, vector<16xf32>,
    %swap3A_63 = vector.shape_cast %swap3A_62 : vector<16xf32> to vector<16xf32>
    %swap3A_64 = vector.shape_cast %broadcast_in_dim3A_5 : vector<16xf32> to vector<16xf32>
    tpu.vector_store %arg5[%swap3A_61], %swap3A_64 {strides = array<i32>} : memref<2048xf32, #tpu.memory_space<vmem>>, vector<16xf32>,
    %swap3A_65 = arith.constant 240 : index
    %swap3A_66 = tpu.vector_load %arg5[%swap3A_65] {strides = array<i32>} : memref<2048xf32, #tpu.memory_space<vmem>>, vector<16xf32>,
    %swap3A_67 = vector.shape_cast %swap3A_66 : vector<16xf32> to vector<16xf32>
    %swap3A_68 = vector.shape_cast %broadcast_in_dim3A_5 : vector<16xf32> to vector<16xf32>
    tpu.vector_store %arg5[%swap3A_65], %swap3A_68 {strides = array<i32>} : memref<2048xf32, #tpu.memory_space<vmem>>, vector<16xf32>,
    %swap3A_69 = arith.constant 256 : index
    %swap3A_70 = tpu.vector_load %arg5[%swap3A_69] {strides = array<i32>} : memref<2048xf32, #tpu.memory_space<vmem>>, vector<16xf32>,
    %swap3A_71 = vector.shape_cast %swap3A_70 : vector<16xf32> to vector<16xf32>
    %swap3A_72 = vector.shape_cast %broadcast_in_dim3A_5 : vector<16xf32> to vector<16xf32>
    tpu.vector_store %arg5[%swap3A_69], %swap3A_72 {strides = array<i32>} : memref<2048xf32, #tpu.memory_space<vmem>>, vector<16xf32>,
    %swap3A_73 = arith.constant 272 : index
    %swap3A_74 = tpu.vector_load %arg5[%swap3A_73] {strides = array<i32>} : memref<2048xf32, #tpu.memory_space<vmem>>, vector<16xf32>,
    %swap3A_75 = vector.shape_cast %swap3A_74 : vector<16xf32> to vector<16xf32>
    %swap3A_76 = vector.shape_cast %broadcast_in_dim3A_5 : vector<16xf32> to vector<16xf32>
    tpu.vector_store %arg5[%swap3A_73], %swap3A_76 {strides = array<i32>} : memref<2048xf32, #tpu.memory_space<vmem>>, vector<16xf32>,
    %swap3A_77 = arith.constant 288 : index
    %swap3A_78 = tpu.vector_load %arg5[%swap3A_77] {strides = array<i32>} : memref<2048xf32, #tpu.memory_space<vmem>>, vector<16xf32>,
    %swap3A_79 = vector.shape_cast %swap3A_78 : vector<16xf32> to vector<16xf32>
    %swap3A_80 = vector.shape_cast %broadcast_in_dim3A_5 : vector<16xf32> to vector<16xf32>
    tpu.vector_store %arg5[%swap3A_77], %swap3A_80 {strides = array<i32>} : memref<2048xf32, #tpu.memory_space<vmem>>, vector<16xf32>,
    %swap3A_81 = arith.constant 304 : index
    %swap3A_82 = tpu.vector_load %arg5[%swap3A_81] {strides = array<i32>} : memref<2048xf32, #tpu.memory_space<vmem>>, vector<16xf32>,
    %swap3A_83 = vector.shape_cast %swap3A_82 : vector<16xf32> to vector<16xf32>
    %swap3A_84 = vector.shape_cast %broadcast_in_dim3A_5 : vector<16xf32> to vector<16xf32>
    tpu.vector_store %arg5[%swap3A_81], %swap3A_84 {strides = array<i32>} : memref<2048xf32, #tpu.memory_space<vmem>>, vector<16xf32>,
    %swap3A_85 = arith.constant 320 : index
    %swap3A_86 = tpu.vector_load %arg5[%swap3A_85] {strides = array<i32>} : memref<2048xf32, #tpu.memory_space<vmem>>, vector<16xf32>,
    %swap3A_87 = vector.shape_cast %swap3A_86 : vector<16xf32> to vector<16xf32>
    %swap3A_88 = vector.shape_cast %broadcast_in_dim3A_5 : vector<16xf32> to vector<16xf32>
    tpu.vector_store %arg5[%swap3A_85], %swap3A_88 {strides = array<i32>} : memref<2048xf32, #tpu.memory_space<vmem>>, vector<16xf32>,
    %swap3A_89 = arith.constant 336 : index
    %swap3A_90 = tpu.vector_load %arg5[%swap3A_89] {strides = array<i32>} : memref<2048xf32, #tpu.memory_space<vmem>>, vector<16xf32>,
    %swap3A_91 = vector.shape_cast %swap3A_90 : vector<16xf32> to vector<16xf32>
    %swap3A_92 = vector.shape_cast %broadcast_in_dim3A_5 : vector<16xf32> to vector<16xf32>
    tpu.vector_store %arg5[%swap3A_89], %swap3A_92 {strides = array<i32>} : memref<2048xf32, #tpu.memory_space<vmem>>, vector<16xf32>,
    %swap3A_93 = arith.constant 352 : index
    %swap3A_94 = tpu.vector_load %arg5[%swap3A_93] {strides = array<i32>} : memref<2048xf32, #tpu.memory_space<vmem>>, vector<16xf32>,
    %swap3A_95 = vector.shape_cast %swap3A_94 : vector<16xf32> to vector<16xf32>
    %swap3A_96 = vector.shape_cast %broadcast_in_dim3A_5 : vector<16xf32> to vector<16xf32>
    tpu.vector_store %arg5[%swap3A_93], %swap3A_96 {strides = array<i32>} : memref<2048xf32, #tpu.memory_space<vmem>>, vector<16xf32>,
    %swap3A_97 = arith.constant 368 : index
    %swap3A_98 = tpu.vector_load %arg5[%swap3A_97] {strides = array<i32>} : memref<2048xf32, #tpu.memory_space<vmem>>, vector<16xf32>,
    %swap3A_99 = vector.shape_cast %swap3A_98 : vector<16xf32> to vector<16xf32>
    %swap3A_100 = vector.shape_cast %broadcast_in_dim3A_5 : vector<16xf32> to vector<16xf32>
    tpu.vector_store %arg5[%swap3A_97], %swap3A_100 {strides = array<i32>} : memref<2048xf32, #tpu.memory_space<vmem>>, vector<16xf32>,
    %swap3A_101 = arith.constant 384 : index
    %swap3A_102 = tpu.vector_load %arg5[%swap3A_101] {strides = array<i32>} : memref<2048xf32, #tpu.memory_space<vmem>>, vector<16xf32>,
    %swap3A_103 = vector.shape_cast %swap3A_102 : vector<16xf32> to vector<16xf32>
    %swap3A_104 = vector.shape_cast %broadcast_in_dim3A_5 : vector<16xf32> to vector<16xf32>
    tpu.vector_store %arg5[%swap3A_101], %swap3A_104 {strides = array<i32>} : memref<2048xf32, #tpu.memory_space<vmem>>, vector<16xf32>,
    %swap3A_105 = arith.constant 400 : index
    %swap3A_106 = tpu.vector_load %arg5[%swap3A_105] {strides = array<i32>} : memref<2048xf32, #tpu.memory_space<vmem>>, vector<16xf32>,
    %swap3A_107 = vector.shape_cast %swap3A_106 : vector<16xf32> to vector<16xf32>
    %swap3A_108 = vector.shape_cast %broadcast_in_dim3A_5 : vector<16xf32> to vector<16xf32>
    tpu.vector_store %arg5[%swap3A_105], %swap3A_108 {strides = array<i32>} : memref<2048xf32, #tpu.memory_space<vmem>>, vector<16xf32>,
    %swap3A_109 = arith.constant 416 : index
    %swap3A_110 = tpu.vector_load %arg5[%swap3A_109] {strides = array<i32>} : memref<2048xf32, #tpu.memory_space<vmem>>, vector<16xf32>,
    %swap3A_111 = vector.shape_cast %swap3A_110 : vector<16xf32> to vector<16xf32>
    %swap3A_112 = vector.shape_cast %broadcast_in_dim3A_5 : vector<16xf32> to vector<16xf32>
    tpu.vector_store %arg5[%swap3A_109], %swap3A_112 {strides = array<i32>} : memref<2048xf32, #tpu.memory_space<vmem>>, vector<16xf32>,
    %swap3A_113 = arith.constant 432 : index
    %swap3A_114 = tpu.vector_load %arg5[%swap3A_113] {strides = array<i32>} : memref<2048xf32, #tpu.memory_space<vmem>>, vector<16xf32>,
    %swap3A_115 = vector.shape_cast %swap3A_114 : vector<16xf32> to vector<16xf32>
    %swap3A_116 = vector.shape_cast %broadcast_in_dim3A_5 : vector<16xf32> to vector<16xf32>
    tpu.vector_store %arg5[%swap3A_113], %swap3A_116 {strides = array<i32>} : memref<2048xf32, #tpu.memory_space<vmem>>, vector<16xf32>,
    %swap3A_117 = arith.constant 448 : index
    %swap3A_118 = tpu.vector_load %arg5[%swap3A_117] {strides = array<i32>} : memref<2048xf32, #tpu.memory_space<vmem>>, vector<16xf32>,
    %swap3A_119 = vector.shape_cast %swap3A_118 : vector<16xf32> to vector<16xf32>
    %swap3A_120 = vector.shape_cast %broadcast_in_dim3A_5 : vector<16xf32> to vector<16xf32>
    tpu.vector_store %arg5[%swap3A_117], %swap3A_120 {strides = array<i32>} : memref<2048xf32, #tpu.memory_space<vmem>>, vector<16xf32>,
    %swap3A_121 = arith.constant 464 : index
    %swap3A_122 = tpu.vector_load %arg5[%swap3A_121] {strides = array<i32>} : memref<2048xf32, #tpu.memory_space<vmem>>, vector<16xf32>,
    %swap3A_123 = vector.shape_cast %swap3A_122 : vector<16xf32> to vector<16xf32>
    %swap3A_124 = vector.shape_cast %broadcast_in_dim3A_5 : vector<16xf32> to vector<16xf32>
    tpu.vector_store %arg5[%swap3A_121], %swap3A_124 {strides = array<i32>} : memref<2048xf32, #tpu.memory_space<vmem>>, vector<16xf32>,
    %swap3A_125 = arith.constant 480 : index
    %swap3A_126 = tpu.vector_load %arg5[%swap3A_125] {strides = array<i32>} : memref<2048xf32, #tpu.memory_space<vmem>>, vector<16xf32>,
    %swap3A_127 = vector.shape_cast %swap3A_126 : vector<16xf32> to vector<16xf32>
    %swap3A_128 = vector.shape_cast %broadcast_in_dim3A_5 : vector<16xf32> to vector<16xf32>
    tpu.vector_store %arg5[%swap3A_125], %swap3A_128 {strides = array<i32>} : memref<2048xf32, #tpu.memory_space<vmem>>, vector<16xf32>,
    %swap3A_129 = arith.constant 496 : index
    %swap3A_130 = tpu.vector_load %arg5[%swap3A_129] {strides = array<i32>} : memref<2048xf32, #tpu.memory_space<vmem>>, vector<16xf32>,
    %swap3A_131 = vector.shape_cast %swap3A_130 : vector<16xf32> to vector<16xf32>
    %swap3A_132 = vector.shape_cast %broadcast_in_dim3A_5 : vector<16xf32> to vector<16xf32>
    tpu.vector_store %arg5[%swap3A_129], %swap3A_132 {strides = array<i32>} : memref<2048xf32, #tpu.memory_space<vmem>>, vector<16xf32>,
    %swap3A_133 = arith.constant 512 : index
    %swap3A_134 = tpu.vector_load %arg5[%swap3A_133] {strides = array<i32>} : memref<2048xf32, #tpu.memory_space<vmem>>, vector<16xf32>,
    %swap3A_135 = vector.shape_cast %swap3A_134 : vector<16xf32> to vector<16xf32>
    %swap3A_136 = vector.shape_cast %broadcast_in_dim3A_5 : vector<16xf32> to vector<16xf32>
    tpu.vector_store %arg5[%swap3A_133], %swap3A_136 {strides = array<i32>} : memref<2048xf32, #tpu.memory_space<vmem>>, vector<16xf32>,
    %swap3A_137 = arith.constant 528 : index
    %swap3A_138 = tpu.vector_load %arg5[%swap3A_137] {strides = array<i32>} : memref<2048xf32, #tpu.memory_space<vmem>>, vector<16xf32>,
    %swap3A_139 = vector.shape_cast %swap3A_138 : vector<16xf32> to vector<16xf32>
    %swap3A_140 = vector.shape_cast %broadcast_in_dim3A_5 : vector<16xf32> to vector<16xf32>
    tpu.vector_store %arg5[%swap3A_137], %swap3A_140 {strides = array<i32>} : memref<2048xf32, #tpu.memory_space<vmem>>, vector<16xf32>,
    %swap3A_141 = arith.constant 544 : index
    %swap3A_142 = tpu.vector_load %arg5[%swap3A_141] {strides = array<i32>} : memref<2048xf32, #tpu.memory_space<vmem>>, vector<16xf32>,
    %swap3A_143 = vector.shape_cast %swap3A_142 : vector<16xf32> to vector<16xf32>
    %swap3A_144 = vector.shape_cast %broadcast_in_dim3A_5 : vector<16xf32> to vector<16xf32>
    tpu.vector_store %arg5[%swap3A_141], %swap3A_144 {strides = array<i32>} : memref<2048xf32, #tpu.memory_space<vmem>>, vector<16xf32>,
    %swap3A_145 = arith.constant 560 : index
    %swap3A_146 = tpu.vector_load %arg5[%swap3A_145] {strides = array<i32>} : memref<2048xf32, #tpu.memory_space<vmem>>, vector<16xf32>,
    %swap3A_147 = vector.shape_cast %swap3A_146 : vector<16xf32> to vector<16xf32>
    %swap3A_148 = vector.shape_cast %broadcast_in_dim3A_5 : vector<16xf32> to vector<16xf32>
    tpu.vector_store %arg5[%swap3A_145], %swap3A_148 {strides = array<i32>} : memref<2048xf32, #tpu.memory_space<vmem>>, vector<16xf32>,
    %swap3A_149 = arith.constant 576 : index
    %swap3A_150 = tpu.vector_load %arg5[%swap3A_149] {strides = array<i32>} : memref<2048xf32, #tpu.memory_space<vmem>>, vector<16xf32>,
    %swap3A_151 = vector.shape_cast %swap3A_150 : vector<16xf32> to vector<16xf32>
    %swap3A_152 = vector.shape_cast %broadcast_in_dim3A_5 : vector<16xf32> to vector<16xf32>
    tpu.vector_store %arg5[%swap3A_149], %swap3A_152 {strides = array<i32>} : memref<2048xf32, #tpu.memory_space<vmem>>, vector<16xf32>,
    %swap3A_153 = arith.constant 592 : index
    %swap3A_154 = tpu.vector_load %arg5[%swap3A_153] {strides = array<i32>} : memref<2048xf32, #tpu.memory_space<vmem>>, vector<16xf32>,
    %swap3A_155 = vector.shape_cast %swap3A_154 : vector<16xf32> to vector<16xf32>
    %swap3A_156 = vector.shape_cast %broadcast_in_dim3A_5 : vector<16xf32> to vector<16xf32>
    tpu.vector_store %arg5[%swap3A_153], %swap3A_156 {strides = array<i32>} : memref<2048xf32, #tpu.memory_space<vmem>>, vector<16xf32>,
    %swap3A_157 = arith.constant 608 : index
    %swap3A_158 = tpu.vector_load %arg5[%swap3A_157] {strides = array<i32>} : memref<2048xf32, #tpu.memory_space<vmem>>, vector<16xf32>,
    %swap3A_159 = vector.shape_cast %swap3A_158 : vector<16xf32> to vector<16xf32>
    %swap3A_160 = vector.shape_cast %broadcast_in_dim3A_5 : vector<16xf32> to vector<16xf32>
    tpu.vector_store %arg5[%swap3A_157], %swap3A_160 {strides = array<i32>} : memref<2048xf32, #tpu.memory_space<vmem>>, vector<16xf32>,
    %swap3A_161 = arith.constant 624 : index
    %swap3A_162 = tpu.vector_load %arg5[%swap3A_161] {strides = array<i32>} : memref<2048xf32, #tpu.memory_space<vmem>>, vector<16xf32>,
    %swap3A_163 = vector.shape_cast %swap3A_162 : vector<16xf32> to vector<16xf32>
    %swap3A_164 = vector.shape_cast %broadcast_in_dim3A_5 : vector<16xf32> to vector<16xf32>
    tpu.vector_store %arg5[%swap3A_161], %swap3A_164 {strides = array<i32>} : memref<2048xf32, #tpu.memory_space<vmem>>, vector<16xf32>,
    %swap3A_165 = arith.constant 640 : index
    %swap3A_166 = tpu.vector_load %arg5[%swap3A_165] {strides = array<i32>} : memref<2048xf32, #tpu.memory_space<vmem>>, vector<16xf32>,
    %swap3A_167 = vector.shape_cast %swap3A_166 : vector<16xf32> to vector<16xf32>
    %swap3A_168 = vector.shape_cast %broadcast_in_dim3A_5 : vector<16xf32> to vector<16xf32>
    tpu.vector_store %arg5[%swap3A_165], %swap3A_168 {strides = array<i32>} : memref<2048xf32, #tpu.memory_space<vmem>>, vector<16xf32>,
    %swap3A_169 = arith.constant 656 : index
    %swap3A_170 = tpu.vector_load %arg5[%swap3A_169] {strides = array<i32>} : memref<2048xf32, #tpu.memory_space<vmem>>, vector<16xf32>,
    %swap3A_171 = vector.shape_cast %swap3A_170 : vector<16xf32> to vector<16xf32>
    %swap3A_172 = vector.shape_cast %broadcast_in_dim3A_5 : vector<16xf32> to vector<16xf32>
    tpu.vector_store %arg5[%swap3A_169], %swap3A_172 {strides = array<i32>} : memref<2048xf32, #tpu.memory_space<vmem>>, vector<16xf32>,
    %swap3A_173 = arith.constant 672 : index
    %swap3A_174 = tpu.vector_load %arg5[%swap3A_173] {strides = array<i32>} : memref<2048xf32, #tpu.memory_space<vmem>>, vector<16xf32>,
    %swap3A_175 = vector.shape_cast %swap3A_174 : vector<16xf32> to vector<16xf32>
    %swap3A_176 = vector.shape_cast %broadcast_in_dim3A_5 : vector<16xf32> to vector<16xf32>
    tpu.vector_store %arg5[%swap3A_173], %swap3A_176 {strides = array<i32>} : memref<2048xf32, #tpu.memory_space<vmem>>, vector<16xf32>,
    %swap3A_177 = arith.constant 688 : index
    %swap3A_178 = tpu.vector_load %arg5[%swap3A_177] {strides = array<i32>} : memref<2048xf32, #tpu.memory_space<vmem>>, vector<16xf32>,
    %swap3A_179 = vector.shape_cast %swap3A_178 : vector<16xf32> to vector<16xf32>
    %swap3A_180 = vector.shape_cast %broadcast_in_dim3A_5 : vector<16xf32> to vector<16xf32>
    tpu.vector_store %arg5[%swap3A_177], %swap3A_180 {strides = array<i32>} : memref<2048xf32, #tpu.memory_space<vmem>>, vector<16xf32>,
    %swap3A_181 = arith.constant 704 : index
    %swap3A_182 = tpu.vector_load %arg5[%swap3A_181] {strides = array<i32>} : memref<2048xf32, #tpu.memory_space<vmem>>, vector<16xf32>,
    %swap3A_183 = vector.shape_cast %swap3A_182 : vector<16xf32> to vector<16xf32>
    %swap3A_184 = vector.shape_cast %broadcast_in_dim3A_5 : vector<16xf32> to vector<16xf32>
    tpu.vector_store %arg5[%swap3A_181], %swap3A_184 {strides = array<i32>} : memref<2048xf32, #tpu.memory_space<vmem>>, vector<16xf32>,
    %swap3A_185 = arith.constant 720 : index
    %swap3A_186 = tpu.vector_load %arg5[%swap3A_185] {strides = array<i32>} : memref<2048xf32, #tpu.memory_space<vmem>>, vector<16xf32>,
    %swap3A_187 = vector.shape_cast %swap3A_186 : vector<16xf32> to vector<16xf32>
    %swap3A_188 = vector.shape_cast %broadcast_in_dim3A_5 : vector<16xf32> to vector<16xf32>
    tpu.vector_store %arg5[%swap3A_185], %swap3A_188 {strides = array<i32>} : memref<2048xf32, #tpu.memory_space<vmem>>, vector<16xf32>,
    %swap3A_189 = arith.constant 736 : index
    %swap3A_190 = tpu.vector_load %arg5[%swap3A_189] {strides = array<i32>} : memref<2048xf32, #tpu.memory_space<vmem>>, vector<16xf32>,
    %swap3A_191 = vector.shape_cast %swap3A_190 : vector<16xf32> to vector<16xf32>
    %swap3A_192 = vector.shape_cast %broadcast_in_dim3A_5 : vector<16xf32> to vector<16xf32>
    tpu.vector_store %arg5[%swap3A_189], %swap3A_192 {strides = array<i32>} : memref<2048xf32, #tpu.memory_space<vmem>>, vector<16xf32>,
    %swap3A_193 = arith.constant 752 : index
    %swap3A_194 = tpu.vector_load %arg5[%swap3A_193] {strides = array<i32>} : memref<2048xf32, #tpu.memory_space<vmem>>, vector<16xf32>,
    %swap3A_195 = vector.shape_cast %swap3A_194 : vector<16xf32> to vector<16xf32>
    %swap3A_196 = vector.shape_cast %broadcast_in_dim3A_5 : vector<16xf32> to vector<16xf32>
    tpu.vector_store %arg5[%swap3A_193], %swap3A_196 {strides = array<i32>} : memref<2048xf32, #tpu.memory_space<vmem>>, vector<16xf32>,
    %swap3A_197 = arith.constant 768 : index
    %swap3A_198 = tpu.vector_load %arg5[%swap3A_197] {strides = array<i32>} : memref<2048xf32, #tpu.memory_space<vmem>>, vector<16xf32>,
    %swap3A_199 = vector.shape_cast %swap3A_198 : vector<16xf32> to vector<16xf32>
    %swap3A_200 = vector.shape_cast %broadcast_in_dim3A_5 : vector<16xf32> to vector<16xf32>
    tpu.vector_store %arg5[%swap3A_197], %swap3A_200 {strides = array<i32>} : memref<2048xf32, #tpu.memory_space<vmem>>, vector<16xf32>,
    %swap3A_201 = arith.constant 784 : index
    %swap3A_202 = tpu.vector_load %arg5[%swap3A_201] {strides = array<i32>} : memref<2048xf32, #tpu.memory_space<vmem>>, vector<16xf32>,
    %swap3A_203 = vector.shape_cast %swap3A_202 : vector<16xf32> to vector<16xf32>
    %swap3A_204 = vector.shape_cast %broadcast_in_dim3A_5 : vector<16xf32> to vector<16xf32>
    tpu.vector_store %arg5[%swap3A_201], %swap3A_204 {strides = array<i32>} : memref<2048xf32, #tpu.memory_space<vmem>>, vector<16xf32>,
    %swap3A_205 = arith.constant 800 : index
    %swap3A_206 = tpu.vector_load %arg5[%swap3A_205] {strides = array<i32>} : memref<2048xf32, #tpu.memory_space<vmem>>, vector<16xf32>,
    %swap3A_207 = vector.shape_cast %swap3A_206 : vector<16xf32> to vector<16xf32>
    %swap3A_208 = vector.shape_cast %broadcast_in_dim3A_5 : vector<16xf32> to vector<16xf32>
    tpu.vector_store %arg5[%swap3A_205], %swap3A_208 {strides = array<i32>} : memref<2048xf32, #tpu.memory_space<vmem>>, vector<16xf32>,
    %swap3A_209 = arith.constant 816 : index
    %swap3A_210 = tpu.vector_load %arg5[%swap3A_209] {strides = array<i32>} : memref<2048xf32, #tpu.memory_space<vmem>>, vector<16xf32>,
    %swap3A_211 = vector.shape_cast %swap3A_210 : vector<16xf32> to vector<16xf32>
    %swap3A_212 = vector.shape_cast %broadcast_in_dim3A_5 : vector<16xf32> to vector<16xf32>
    tpu.vector_store %arg5[%swap3A_209], %swap3A_212 {strides = array<i32>} : memref<2048xf32, #tpu.memory_space<vmem>>, vector<16xf32>,
    %swap3A_213 = arith.constant 832 : index
    %swap3A_214 = tpu.vector_load %arg5[%swap3A_213] {strides = array<i32>} : memref<2048xf32, #tpu.memory_space<vmem>>, vector<16xf32>,
    %swap3A_215 = vector.shape_cast %swap3A_214 : vector<16xf32> to vector<16xf32>
    %swap3A_216 = vector.shape_cast %broadcast_in_dim3A_5 : vector<16xf32> to vector<16xf32>
    tpu.vector_store %arg5[%swap3A_213], %swap3A_216 {strides = array<i32>} : memref<2048xf32, #tpu.memory_space<vmem>>, vector<16xf32>,
    %swap3A_217 = arith.constant 848 : index
    %swap3A_218 = tpu.vector_load %arg5[%swap3A_217] {strides = array<i32>} : memref<2048xf32, #tpu.memory_space<vmem>>, vector<16xf32>,
    %swap3A_219 = vector.shape_cast %swap3A_218 : vector<16xf32> to vector<16xf32>
    %swap3A_220 = vector.shape_cast %broadcast_in_dim3A_5 : vector<16xf32> to vector<16xf32>
    tpu.vector_store %arg5[%swap3A_217], %swap3A_220 {strides = array<i32>} : memref<2048xf32, #tpu.memory_space<vmem>>, vector<16xf32>,
    %swap3A_221 = arith.constant 864 : index
    %swap3A_222 = tpu.vector_load %arg5[%swap3A_221] {strides = array<i32>} : memref<2048xf32, #tpu.memory_space<vmem>>, vector<16xf32>,
    %swap3A_223 = vector.shape_cast %swap3A_222 : vector<16xf32> to vector<16xf32>
    %swap3A_224 = vector.shape_cast %broadcast_in_dim3A_5 : vector<16xf32> to vector<16xf32>
    tpu.vector_store %arg5[%swap3A_221], %swap3A_224 {strides = array<i32>} : memref<2048xf32, #tpu.memory_space<vmem>>, vector<16xf32>,
    %swap3A_225 = arith.constant 880 : index
    %swap3A_226 = tpu.vector_load %arg5[%swap3A_225] {strides = array<i32>} : memref<2048xf32, #tpu.memory_space<vmem>>, vector<16xf32>,
    %swap3A_227 = vector.shape_cast %swap3A_226 : vector<16xf32> to vector<16xf32>
    %swap3A_228 = vector.shape_cast %broadcast_in_dim3A_5 : vector<16xf32> to vector<16xf32>
    tpu.vector_store %arg5[%swap3A_225], %swap3A_228 {strides = array<i32>} : memref<2048xf32, #tpu.memory_space<vmem>>, vector<16xf32>,
    %swap3A_229 = arith.constant 896 : index
    %swap3A_230 = tpu.vector_load %arg5[%swap3A_229] {strides = array<i32>} : memref<2048xf32, #tpu.memory_space<vmem>>, vector<16xf32>,
    %swap3A_231 = vector.shape_cast %swap3A_230 : vector<16xf32> to vector<16xf32>
    %swap3A_232 = vector.shape_cast %broadcast_in_dim3A_5 : vector<16xf32> to vector<16xf32>
    tpu.vector_store %arg5[%swap3A_229], %swap3A_232 {strides = array<i32>} : memref<2048xf32, #tpu.memory_space<vmem>>, vector<16xf32>,
    %swap3A_233 = arith.constant 912 : index
    %swap3A_234 = tpu.vector_load %arg5[%swap3A_233] {strides = array<i32>} : memref<2048xf32, #tpu.memory_space<vmem>>, vector<16xf32>,
    %swap3A_235 = vector.shape_cast %swap3A_234 : vector<16xf32> to vector<16xf32>
    %swap3A_236 = vector.shape_cast %broadcast_in_dim3A_5 : vector<16xf32> to vector<16xf32>
    tpu.vector_store %arg5[%swap3A_233], %swap3A_236 {strides = array<i32>} : memref<2048xf32, #tpu.memory_space<vmem>>, vector<16xf32>,
    %swap3A_237 = arith.constant 928 : index
    %swap3A_238 = tpu.vector_load %arg5[%swap3A_237] {strides = array<i32>} : memref<2048xf32, #tpu.memory_space<vmem>>, vector<16xf32>,
    %swap3A_239 = vector.shape_cast %swap3A_238 : vector<16xf32> to vector<16xf32>
    %swap3A_240 = vector.shape_cast %broadcast_in_dim3A_5 : vector<16xf32> to vector<16xf32>
    tpu.vector_store %arg5[%swap3A_237], %swap3A_240 {strides = array<i32>} : memref<2048xf32, #tpu.memory_space<vmem>>, vector<16xf32>,
    %swap3A_241 = arith.constant 944 : index
    %swap3A_242 = tpu.vector_load %arg5[%swap3A_241] {strides = array<i32>} : memref<2048xf32, #tpu.memory_space<vmem>>, vector<16xf32>,
    %swap3A_243 = vector.shape_cast %swap3A_242 : vector<16xf32> to vector<16xf32>
    %swap3A_244 = vector.shape_cast %broadcast_in_dim3A_5 : vector<16xf32> to vector<16xf32>
    tpu.vector_store %arg5[%swap3A_241], %swap3A_244 {strides = array<i32>} : memref<2048xf32, #tpu.memory_space<vmem>>, vector<16xf32>,
    %swap3A_245 = arith.constant 960 : index
    %swap3A_246 = tpu.vector_load %arg5[%swap3A_245] {strides = array<i32>} : memref<2048xf32, #tpu.memory_space<vmem>>, vector<16xf32>,
    %swap3A_247 = vector.shape_cast %swap3A_246 : vector<16xf32> to vector<16xf32>
    %swap3A_248 = vector.shape_cast %broadcast_in_dim3A_5 : vector<16xf32> to vector<16xf32>
    tpu.vector_store %arg5[%swap3A_245], %swap3A_248 {strides = array<i32>} : memref<2048xf32, #tpu.memory_space<vmem>>, vector<16xf32>,
    %swap3A_249 = arith.constant 976 : index
    %swap3A_250 = tpu.vector_load %arg5[%swap3A_249] {strides = array<i32>} : memref<2048xf32, #tpu.memory_space<vmem>>, vector<16xf32>,
    %swap3A_251 = vector.shape_cast %swap3A_250 : vector<16xf32> to vector<16xf32>
    %swap3A_252 = vector.shape_cast %broadcast_in_dim3A_5 : vector<16xf32> to vector<16xf32>
    tpu.vector_store %arg5[%swap3A_249], %swap3A_252 {strides = array<i32>} : memref<2048xf32, #tpu.memory_space<vmem>>, vector<16xf32>,
    %swap3A_253 = arith.constant 992 : index
    %swap3A_254 = tpu.vector_load %arg5[%swap3A_253] {strides = array<i32>} : memref<2048xf32, #tpu.memory_space<vmem>>, vector<16xf32>,
    %swap3A_255 = vector.shape_cast %swap3A_254 : vector<16xf32> to vector<16xf32>
    %swap3A_256 = vector.shape_cast %broadcast_in_dim3A_5 : vector<16xf32> to vector<16xf32>
    tpu.vector_store %arg5[%swap3A_253], %swap3A_256 {strides = array<i32>} : memref<2048xf32, #tpu.memory_space<vmem>>, vector<16xf32>,
    %swap3A_257 = arith.constant 1008 : index
    %swap3A_258 = tpu.vector_load %arg5[%swap3A_257] {strides = array<i32>} : memref<2048xf32, #tpu.memory_space<vmem>>, vector<16xf32>,
    %swap3A_259 = vector.shape_cast %swap3A_258 : vector<16xf32> to vector<16xf32>
    %swap3A_260 = vector.shape_cast %broadcast_in_dim3A_5 : vector<16xf32> to vector<16xf32>
    tpu.vector_store %arg5[%swap3A_257], %swap3A_260 {strides = array<i32>} : memref<2048xf32, #tpu.memory_space<vmem>>, vector<16xf32>,
    %swap3A_261 = arith.constant 1024 : index
    %swap3A_262 = tpu.vector_load %arg5[%swap3A_261] {strides = array<i32>} : memref<2048xf32, #tpu.memory_space<vmem>>, vector<16xf32>,
    %swap3A_263 = vector.shape_cast %swap3A_262 : vector<16xf32> to vector<16xf32>
    %swap3A_264 = vector.shape_cast %broadcast_in_dim3A_5 : vector<16xf32> to vector<16xf32>
    tpu.vector_store %arg5[%swap3A_261], %swap3A_264 {strides = array<i32>} : memref<2048xf32, #tpu.memory_space<vmem>>, vector<16xf32>,
    %swap3A_265 = arith.constant 1040 : index
    %swap3A_266 = tpu.vector_load %arg5[%swap3A_265] {strides = array<i32>} : memref<2048xf32, #tpu.memory_space<vmem>>, vector<16xf32>,
    %swap3A_267 = vector.shape_cast %swap3A_266 : vector<16xf32> to vector<16xf32>
    %swap3A_268 = vector.shape_cast %broadcast_in_dim3A_5 : vector<16xf32> to vector<16xf32>
    tpu.vector_store %arg5[%swap3A_265], %swap3A_268 {strides = array<i32>} : memref<2048xf32, #tpu.memory_space<vmem>>, vector<16xf32>,
    %swap3A_269 = arith.constant 1056 : index
    %swap3A_270 = tpu.vector_load %arg5[%swap3A_269] {strides = array<i32>} : memref<2048xf32, #tpu.memory_space<vmem>>, vector<16xf32>,
    %swap3A_271 = vector.shape_cast %swap3A_270 : vector<16xf32> to vector<16xf32>
    %swap3A_272 = vector.shape_cast %broadcast_in_dim3A_5 : vector<16xf32> to vector<16xf32>
    tpu.vector_store %arg5[%swap3A_269], %swap3A_272 {strides = array<i32>} : memref<2048xf32, #tpu.memory_space<vmem>>, vector<16xf32>,
    %swap3A_273 = arith.constant 1072 : index
    %swap3A_274 = tpu.vector_load %arg5[%swap3A_273] {strides = array<i32>} : memref<2048xf32, #tpu.memory_space<vmem>>, vector<16xf32>,
    %swap3A_275 = vector.shape_cast %swap3A_274 : vector<16xf32> to vector<16xf32>
    %swap3A_276 = vector.shape_cast %broadcast_in_dim3A_5 : vector<16xf32> to vector<16xf32>
    tpu.vector_store %arg5[%swap3A_273], %swap3A_276 {strides = array<i32>} : memref<2048xf32, #tpu.memory_space<vmem>>, vector<16xf32>,
    %swap3A_277 = arith.constant 1088 : index
    %swap3A_278 = tpu.vector_load %arg5[%swap3A_277] {strides = array<i32>} : memref<2048xf32, #tpu.memory_space<vmem>>, vector<16xf32>,
    %swap3A_279 = vector.shape_cast %swap3A_278 : vector<16xf32> to vector<16xf32>
    %swap3A_280 = vector.shape_cast %broadcast_in_dim3A_5 : vector<16xf32> to vector<16xf32>
    tpu.vector_store %arg5[%swap3A_277], %swap3A_280 {strides = array<i32>} : memref<2048xf32, #tpu.memory_space<vmem>>, vector<16xf32>,
    %swap3A_281 = arith.constant 1104 : index
    %swap3A_282 = tpu.vector_load %arg5[%swap3A_281] {strides = array<i32>} : memref<2048xf32, #tpu.memory_space<vmem>>, vector<16xf32>,
    %swap3A_283 = vector.shape_cast %swap3A_282 : vector<16xf32> to vector<16xf32>
    %swap3A_284 = vector.shape_cast %broadcast_in_dim3A_5 : vector<16xf32> to vector<16xf32>
    tpu.vector_store %arg5[%swap3A_281], %swap3A_284 {strides = array<i32>} : memref<2048xf32, #tpu.memory_space<vmem>>, vector<16xf32>,
    %swap3A_285 = arith.constant 1120 : index
    %swap3A_286 = tpu.vector_load %arg5[%swap3A_285] {strides = array<i32>} : memref<2048xf32, #tpu.memory_space<vmem>>, vector<16xf32>,
    %swap3A_287 = vector.shape_cast %swap3A_286 : vector<16xf32> to vector<16xf32>
    %swap3A_288 = vector.shape_cast %broadcast_in_dim3A_5 : vector<16xf32> to vector<16xf32>
    tpu.vector_store %arg5[%swap3A_285], %swap3A_288 {strides = array<i32>} : memref<2048xf32, #tpu.memory_space<vmem>>, vector<16xf32>,
    %swap3A_289 = arith.constant 1136 : index
    %swap3A_290 = tpu.vector_load %arg5[%swap3A_289] {strides = array<i32>} : memref<2048xf32, #tpu.memory_space<vmem>>, vector<16xf32>,
    %swap3A_291 = vector.shape_cast %swap3A_290 : vector<16xf32> to vector<16xf32>
    %swap3A_292 = vector.shape_cast %broadcast_in_dim3A_5 : vector<16xf32> to vector<16xf32>
    tpu.vector_store %arg5[%swap3A_289], %swap3A_292 {strides = array<i32>} : memref<2048xf32, #tpu.memory_space<vmem>>, vector<16xf32>,
    %swap3A_293 = arith.constant 1152 : index
    %swap3A_294 = tpu.vector_load %arg5[%swap3A_293] {strides = array<i32>} : memref<2048xf32, #tpu.memory_space<vmem>>, vector<16xf32>,
    %swap3A_295 = vector.shape_cast %swap3A_294 : vector<16xf32> to vector<16xf32>
    %swap3A_296 = vector.shape_cast %broadcast_in_dim3A_5 : vector<16xf32> to vector<16xf32>
    tpu.vector_store %arg5[%swap3A_293], %swap3A_296 {strides = array<i32>} : memref<2048xf32, #tpu.memory_space<vmem>>, vector<16xf32>,
    %swap3A_297 = arith.constant 1168 : index
    %swap3A_298 = tpu.vector_load %arg5[%swap3A_297] {strides = array<i32>} : memref<2048xf32, #tpu.memory_space<vmem>>, vector<16xf32>,
    %swap3A_299 = vector.shape_cast %swap3A_298 : vector<16xf32> to vector<16xf32>
    %swap3A_300 = vector.shape_cast %broadcast_in_dim3A_5 : vector<16xf32> to vector<16xf32>
    tpu.vector_store %arg5[%swap3A_297], %swap3A_300 {strides = array<i32>} : memref<2048xf32, #tpu.memory_space<vmem>>, vector<16xf32>,
    %swap3A_301 = arith.constant 1184 : index
    %swap3A_302 = tpu.vector_load %arg5[%swap3A_301] {strides = array<i32>} : memref<2048xf32, #tpu.memory_space<vmem>>, vector<16xf32>,
    %swap3A_303 = vector.shape_cast %swap3A_302 : vector<16xf32> to vector<16xf32>
    %swap3A_304 = vector.shape_cast %broadcast_in_dim3A_5 : vector<16xf32> to vector<16xf32>
    tpu.vector_store %arg5[%swap3A_301], %swap3A_304 {strides = array<i32>} : memref<2048xf32, #tpu.memory_space<vmem>>, vector<16xf32>,
    %swap3A_305 = arith.constant 1200 : index
    %swap3A_306 = tpu.vector_load %arg5[%swap3A_305] {strides = array<i32>} : memref<2048xf32, #tpu.memory_space<vmem>>, vector<16xf32>,
    %swap3A_307 = vector.shape_cast %swap3A_306 : vector<16xf32> to vector<16xf32>
    %swap3A_308 = vector.shape_cast %broadcast_in_dim3A_5 : vector<16xf32> to vector<16xf32>
    tpu.vector_store %arg5[%swap3A_305], %swap3A_308 {strides = array<i32>} : memref<2048xf32, #tpu.memory_space<vmem>>, vector<16xf32>,
    %swap3A_309 = arith.constant 1216 : index
    %swap3A_310 = tpu.vector_load %arg5[%swap3A_309] {strides = array<i32>} : memref<2048xf32, #tpu.memory_space<vmem>>, vector<16xf32>,
    %swap3A_311 = vector.shape_cast %swap3A_310 : vector<16xf32> to vector<16xf32>
    %swap3A_312 = vector.shape_cast %broadcast_in_dim3A_5 : vector<16xf32> to vector<16xf32>
    tpu.vector_store %arg5[%swap3A_309], %swap3A_312 {strides = array<i32>} : memref<2048xf32, #tpu.memory_space<vmem>>, vector<16xf32>,
    %swap3A_313 = arith.constant 1232 : index
    %swap3A_314 = tpu.vector_load %arg5[%swap3A_313] {strides = array<i32>} : memref<2048xf32, #tpu.memory_space<vmem>>, vector<16xf32>,
    %swap3A_315 = vector.shape_cast %swap3A_314 : vector<16xf32> to vector<16xf32>
    %swap3A_316 = vector.shape_cast %broadcast_in_dim3A_5 : vector<16xf32> to vector<16xf32>
    tpu.vector_store %arg5[%swap3A_313], %swap3A_316 {strides = array<i32>} : memref<2048xf32, #tpu.memory_space<vmem>>, vector<16xf32>,
    %swap3A_317 = arith.constant 1248 : index
    %swap3A_318 = tpu.vector_load %arg5[%swap3A_317] {strides = array<i32>} : memref<2048xf32, #tpu.memory_space<vmem>>, vector<16xf32>,
    %swap3A_319 = vector.shape_cast %swap3A_318 : vector<16xf32> to vector<16xf32>
    %swap3A_320 = vector.shape_cast %broadcast_in_dim3A_5 : vector<16xf32> to vector<16xf32>
    tpu.vector_store %arg5[%swap3A_317], %swap3A_320 {strides = array<i32>} : memref<2048xf32, #tpu.memory_space<vmem>>, vector<16xf32>,
    %swap3A_321 = arith.constant 1264 : index
    %swap3A_322 = tpu.vector_load %arg5[%swap3A_321] {strides = array<i32>} : memref<2048xf32, #tpu.memory_space<vmem>>, vector<16xf32>,
    %swap3A_323 = vector.shape_cast %swap3A_322 : vector<16xf32> to vector<16xf32>
    %swap3A_324 = vector.shape_cast %broadcast_in_dim3A_5 : vector<16xf32> to vector<16xf32>
    tpu.vector_store %arg5[%swap3A_321], %swap3A_324 {strides = array<i32>} : memref<2048xf32, #tpu.memory_space<vmem>>, vector<16xf32>,
    %swap3A_325 = arith.constant 1280 : index
    %swap3A_326 = tpu.vector_load %arg5[%swap3A_325] {strides = array<i32>} : memref<2048xf32, #tpu.memory_space<vmem>>, vector<16xf32>,
    %swap3A_327 = vector.shape_cast %swap3A_326 : vector<16xf32> to vector<16xf32>
    %swap3A_328 = vector.shape_cast %broadcast_in_dim3A_5 : vector<16xf32> to vector<16xf32>
    tpu.vector_store %arg5[%swap3A_325], %swap3A_328 {strides = array<i32>} : memref<2048xf32, #tpu.memory_space<vmem>>, vector<16xf32>,
    %swap3A_329 = arith.constant 1296 : index
    %swap3A_330 = tpu.vector_load %arg5[%swap3A_329] {strides = array<i32>} : memref<2048xf32, #tpu.memory_space<vmem>>, vector<16xf32>,
    %swap3A_331 = vector.shape_cast %swap3A_330 : vector<16xf32> to vector<16xf32>
    %swap3A_332 = vector.shape_cast %broadcast_in_dim3A_5 : vector<16xf32> to vector<16xf32>
    tpu.vector_store %arg5[%swap3A_329], %swap3A_332 {strides = array<i32>} : memref<2048xf32, #tpu.memory_space<vmem>>, vector<16xf32>,
    %swap3A_333 = arith.constant 1312 : index
    %swap3A_334 = tpu.vector_load %arg5[%swap3A_333] {strides = array<i32>} : memref<2048xf32, #tpu.memory_space<vmem>>, vector<16xf32>,
    %swap3A_335 = vector.shape_cast %swap3A_334 : vector<16xf32> to vector<16xf32>
    %swap3A_336 = vector.shape_cast %broadcast_in_dim3A_5 : vector<16xf32> to vector<16xf32>
    tpu.vector_store %arg5[%swap3A_333], %swap3A_336 {strides = array<i32>} : memref<2048xf32, #tpu.memory_space<vmem>>, vector<16xf32>,
    %swap3A_337 = arith.constant 1328 : index
    %swap3A_338 = tpu.vector_load %arg5[%swap3A_337] {strides = array<i32>} : memref<2048xf32, #tpu.memory_space<vmem>>, vector<16xf32>,
    %swap3A_339 = vector.shape_cast %swap3A_338 : vector<16xf32> to vector<16xf32>
    %swap3A_340 = vector.shape_cast %broadcast_in_dim3A_5 : vector<16xf32> to vector<16xf32>
    tpu.vector_store %arg5[%swap3A_337], %swap3A_340 {strides = array<i32>} : memref<2048xf32, #tpu.memory_space<vmem>>, vector<16xf32>,
    %swap3A_341 = arith.constant 1344 : index
    %swap3A_342 = tpu.vector_load %arg5[%swap3A_341] {strides = array<i32>} : memref<2048xf32, #tpu.memory_space<vmem>>, vector<16xf32>,
    %swap3A_343 = vector.shape_cast %swap3A_342 : vector<16xf32> to vector<16xf32>
    %swap3A_344 = vector.shape_cast %broadcast_in_dim3A_5 : vector<16xf32> to vector<16xf32>
    tpu.vector_store %arg5[%swap3A_341], %swap3A_344 {strides = array<i32>} : memref<2048xf32, #tpu.memory_space<vmem>>, vector<16xf32>,
    %swap3A_345 = arith.constant 1360 : index
    %swap3A_346 = tpu.vector_load %arg5[%swap3A_345] {strides = array<i32>} : memref<2048xf32, #tpu.memory_space<vmem>>, vector<16xf32>,
    %swap3A_347 = vector.shape_cast %swap3A_346 : vector<16xf32> to vector<16xf32>
    %swap3A_348 = vector.shape_cast %broadcast_in_dim3A_5 : vector<16xf32> to vector<16xf32>
    tpu.vector_store %arg5[%swap3A_345], %swap3A_348 {strides = array<i32>} : memref<2048xf32, #tpu.memory_space<vmem>>, vector<16xf32>,
    %swap3A_349 = arith.constant 1376 : index
    %swap3A_350 = tpu.vector_load %arg5[%swap3A_349] {strides = array<i32>} : memref<2048xf32, #tpu.memory_space<vmem>>, vector<16xf32>,
    %swap3A_351 = vector.shape_cast %swap3A_350 : vector<16xf32> to vector<16xf32>
    %swap3A_352 = vector.shape_cast %broadcast_in_dim3A_5 : vector<16xf32> to vector<16xf32>
    tpu.vector_store %arg5[%swap3A_349], %swap3A_352 {strides = array<i32>} : memref<2048xf32, #tpu.memory_space<vmem>>, vector<16xf32>,
    %swap3A_353 = arith.constant 1392 : index
    %swap3A_354 = tpu.vector_load %arg5[%swap3A_353] {strides = array<i32>} : memref<2048xf32, #tpu.memory_space<vmem>>, vector<16xf32>,
    %swap3A_355 = vector.shape_cast %swap3A_354 : vector<16xf32> to vector<16xf32>
    %swap3A_356 = vector.shape_cast %broadcast_in_dim3A_5 : vector<16xf32> to vector<16xf32>
    tpu.vector_store %arg5[%swap3A_353], %swap3A_356 {strides = array<i32>} : memref<2048xf32, #tpu.memory_space<vmem>>, vector<16xf32>,
    %swap3A_357 = arith.constant 1408 : index
    %swap3A_358 = tpu.vector_load %arg5[%swap3A_357] {strides = array<i32>} : memref<2048xf32, #tpu.memory_space<vmem>>, vector<16xf32>,
    %swap3A_359 = vector.shape_cast %swap3A_358 : vector<16xf32> to vector<16xf32>
    %swap3A_360 = vector.shape_cast %broadcast_in_dim3A_5 : vector<16xf32> to vector<16xf32>
    tpu.vector_store %arg5[%swap3A_357], %swap3A_360 {strides = array<i32>} : memref<2048xf32, #tpu.memory_space<vmem>>, vector<16xf32>,
    %swap3A_361 = arith.constant 1424 : index
    %swap3A_362 = tpu.vector_load %arg5[%swap3A_361] {strides = array<i32>} : memref<2048xf32, #tpu.memory_space<vmem>>, vector<16xf32>,
    %swap3A_363 = vector.shape_cast %swap3A_362 : vector<16xf32> to vector<16xf32>
    %swap3A_364 = vector.shape_cast %broadcast_in_dim3A_5 : vector<16xf32> to vector<16xf32>
    tpu.vector_store %arg5[%swap3A_361], %swap3A_364 {strides = array<i32>} : memref<2048xf32, #tpu.memory_space<vmem>>, vector<16xf32>,
    %swap3A_365 = arith.constant 1440 : index
    %swap3A_366 = tpu.vector_load %arg5[%swap3A_365] {strides = array<i32>} : memref<2048xf32, #tpu.memory_space<vmem>>, vector<16xf32>,
    %swap3A_367 = vector.shape_cast %swap3A_366 : vector<16xf32> to vector<16xf32>
    %swap3A_368 = vector.shape_cast %broadcast_in_dim3A_5 : vector<16xf32> to vector<16xf32>
    tpu.vector_store %arg5[%swap3A_365], %swap3A_368 {strides = array<i32>} : memref<2048xf32, #tpu.memory_space<vmem>>, vector<16xf32>,
    %swap3A_369 = arith.constant 1456 : index
    %swap3A_370 = tpu.vector_load %arg5[%swap3A_369] {strides = array<i32>} : memref<2048xf32, #tpu.memory_space<vmem>>, vector<16xf32>,
    %swap3A_371 = vector.shape_cast %swap3A_370 : vector<16xf32> to vector<16xf32>
    %swap3A_372 = vector.shape_cast %broadcast_in_dim3A_5 : vector<16xf32> to vector<16xf32>
    tpu.vector_store %arg5[%swap3A_369], %swap3A_372 {strides = array<i32>} : memref<2048xf32, #tpu.memory_space<vmem>>, vector<16xf32>,
    %swap3A_373 = arith.constant 1472 : index
    %swap3A_374 = tpu.vector_load %arg5[%swap3A_373] {strides = array<i32>} : memref<2048xf32, #tpu.memory_space<vmem>>, vector<16xf32>,
    %swap3A_375 = vector.shape_cast %swap3A_374 : vector<16xf32> to vector<16xf32>
    %swap3A_376 = vector.shape_cast %broadcast_in_dim3A_5 : vector<16xf32> to vector<16xf32>
    tpu.vector_store %arg5[%swap3A_373], %swap3A_376 {strides = array<i32>} : memref<2048xf32, #tpu.memory_space<vmem>>, vector<16xf32>,
    %swap3A_377 = arith.constant 1488 : index
    %swap3A_378 = tpu.vector_load %arg5[%swap3A_377] {strides = array<i32>} : memref<2048xf32, #tpu.memory_space<vmem>>, vector<16xf32>,
    %swap3A_379 = vector.shape_cast %swap3A_378 : vector<16xf32> to vector<16xf32>
    %swap3A_380 = vector.shape_cast %broadcast_in_dim3A_5 : vector<16xf32> to vector<16xf32>
    tpu.vector_store %arg5[%swap3A_377], %swap3A_380 {strides = array<i32>} : memref<2048xf32, #tpu.memory_space<vmem>>, vector<16xf32>,
    %swap3A_381 = arith.constant 1504 : index
    %swap3A_382 = tpu.vector_load %arg5[%swap3A_381] {strides = array<i32>} : memref<2048xf32, #tpu.memory_space<vmem>>, vector<16xf32>,
    %swap3A_383 = vector.shape_cast %swap3A_382 : vector<16xf32> to vector<16xf32>
    %swap3A_384 = vector.shape_cast %broadcast_in_dim3A_5 : vector<16xf32> to vector<16xf32>
    tpu.vector_store %arg5[%swap3A_381], %swap3A_384 {strides = array<i32>} : memref<2048xf32, #tpu.memory_space<vmem>>, vector<16xf32>,
    %swap3A_385 = arith.constant 1520 : index
    %swap3A_386 = tpu.vector_load %arg5[%swap3A_385] {strides = array<i32>} : memref<2048xf32, #tpu.memory_space<vmem>>, vector<16xf32>,
    %swap3A_387 = vector.shape_cast %swap3A_386 : vector<16xf32> to vector<16xf32>
    %swap3A_388 = vector.shape_cast %broadcast_in_dim3A_5 : vector<16xf32> to vector<16xf32>
    tpu.vector_store %arg5[%swap3A_385], %swap3A_388 {strides = array<i32>} : memref<2048xf32, #tpu.memory_space<vmem>>, vector<16xf32>,
    %swap3A_389 = arith.constant 1536 : index
    %swap3A_390 = tpu.vector_load %arg5[%swap3A_389] {strides = array<i32>} : memref<2048xf32, #tpu.memory_space<vmem>>, vector<16xf32>,
    %swap3A_391 = vector.shape_cast %swap3A_390 : vector<16xf32> to vector<16xf32>
    %swap3A_392 = vector.shape_cast %broadcast_in_dim3A_5 : vector<16xf32> to vector<16xf32>
    tpu.vector_store %arg5[%swap3A_389], %swap3A_392 {strides = array<i32>} : memref<2048xf32, #tpu.memory_space<vmem>>, vector<16xf32>,
    %swap3A_393 = arith.constant 1552 : index
    %swap3A_394 = tpu.vector_load %arg5[%swap3A_393] {strides = array<i32>} : memref<2048xf32, #tpu.memory_space<vmem>>, vector<16xf32>,
    %swap3A_395 = vector.shape_cast %swap3A_394 : vector<16xf32> to vector<16xf32>
    %swap3A_396 = vector.shape_cast %broadcast_in_dim3A_5 : vector<16xf32> to vector<16xf32>
    tpu.vector_store %arg5[%swap3A_393], %swap3A_396 {strides = array<i32>} : memref<2048xf32, #tpu.memory_space<vmem>>, vector<16xf32>,
    %swap3A_397 = arith.constant 1568 : index
    %swap3A_398 = tpu.vector_load %arg5[%swap3A_397] {strides = array<i32>} : memref<2048xf32, #tpu.memory_space<vmem>>, vector<16xf32>,
    %swap3A_399 = vector.shape_cast %swap3A_398 : vector<16xf32> to vector<16xf32>
    %swap3A_400 = vector.shape_cast %broadcast_in_dim3A_5 : vector<16xf32> to vector<16xf32>
    tpu.vector_store %arg5[%swap3A_397], %swap3A_400 {strides = array<i32>} : memref<2048xf32, #tpu.memory_space<vmem>>, vector<16xf32>,
    %swap3A_401 = arith.constant 1584 : index
    %swap3A_402 = tpu.vector_load %arg5[%swap3A_401] {strides = array<i32>} : memref<2048xf32, #tpu.memory_space<vmem>>, vector<16xf32>,
    %swap3A_403 = vector.shape_cast %swap3A_402 : vector<16xf32> to vector<16xf32>
    %swap3A_404 = vector.shape_cast %broadcast_in_dim3A_5 : vector<16xf32> to vector<16xf32>
    tpu.vector_store %arg5[%swap3A_401], %swap3A_404 {strides = array<i32>} : memref<2048xf32, #tpu.memory_space<vmem>>, vector<16xf32>,
    %swap3A_405 = arith.constant 1600 : index
    %swap3A_406 = tpu.vector_load %arg5[%swap3A_405] {strides = array<i32>} : memref<2048xf32, #tpu.memory_space<vmem>>, vector<16xf32>,
    %swap3A_407 = vector.shape_cast %swap3A_406 : vector<16xf32> to vector<16xf32>
    %swap3A_408 = vector.shape_cast %broadcast_in_dim3A_5 : vector<16xf32> to vector<16xf32>
    tpu.vector_store %arg5[%swap3A_405], %swap3A_408 {strides = array<i32>} : memref<2048xf32, #tpu.memory_space<vmem>>, vector<16xf32>,
    %swap3A_409 = arith.constant 1616 : index
    %swap3A_410 = tpu.vector_load %arg5[%swap3A_409] {strides = array<i32>} : memref<2048xf32, #tpu.memory_space<vmem>>, vector<16xf32>,
    %swap3A_411 = vector.shape_cast %swap3A_410 : vector<16xf32> to vector<16xf32>
    %swap3A_412 = vector.shape_cast %broadcast_in_dim3A_5 : vector<16xf32> to vector<16xf32>
    tpu.vector_store %arg5[%swap3A_409], %swap3A_412 {strides = array<i32>} : memref<2048xf32, #tpu.memory_space<vmem>>, vector<16xf32>,
    %swap3A_413 = arith.constant 1632 : index
    %swap3A_414 = tpu.vector_load %arg5[%swap3A_413] {strides = array<i32>} : memref<2048xf32, #tpu.memory_space<vmem>>, vector<16xf32>,
    %swap3A_415 = vector.shape_cast %swap3A_414 : vector<16xf32> to vector<16xf32>
    %swap3A_416 = vector.shape_cast %broadcast_in_dim3A_5 : vector<16xf32> to vector<16xf32>
    tpu.vector_store %arg5[%swap3A_413], %swap3A_416 {strides = array<i32>} : memref<2048xf32, #tpu.memory_space<vmem>>, vector<16xf32>,
    %swap3A_417 = arith.constant 1648 : index
    %swap3A_418 = tpu.vector_load %arg5[%swap3A_417] {strides = array<i32>} : memref<2048xf32, #tpu.memory_space<vmem>>, vector<16xf32>,
    %swap3A_419 = vector.shape_cast %swap3A_418 : vector<16xf32> to vector<16xf32>
    %swap3A_420 = vector.shape_cast %broadcast_in_dim3A_5 : vector<16xf32> to vector<16xf32>
    tpu.vector_store %arg5[%swap3A_417], %swap3A_420 {strides = array<i32>} : memref<2048xf32, #tpu.memory_space<vmem>>, vector<16xf32>,
    %swap3A_421 = arith.constant 1664 : index
    %swap3A_422 = tpu.vector_load %arg5[%swap3A_421] {strides = array<i32>} : memref<2048xf32, #tpu.memory_space<vmem>>, vector<16xf32>,
    %swap3A_423 = vector.shape_cast %swap3A_422 : vector<16xf32> to vector<16xf32>
    %swap3A_424 = vector.shape_cast %broadcast_in_dim3A_5 : vector<16xf32> to vector<16xf32>
    tpu.vector_store %arg5[%swap3A_421], %swap3A_424 {strides = array<i32>} : memref<2048xf32, #tpu.memory_space<vmem>>, vector<16xf32>,
    %swap3A_425 = arith.constant 1680 : index
    %swap3A_426 = tpu.vector_load %arg5[%swap3A_425] {strides = array<i32>} : memref<2048xf32, #tpu.memory_space<vmem>>, vector<16xf32>,
    %swap3A_427 = vector.shape_cast %swap3A_426 : vector<16xf32> to vector<16xf32>
    %swap3A_428 = vector.shape_cast %broadcast_in_dim3A_5 : vector<16xf32> to vector<16xf32>
    tpu.vector_store %arg5[%swap3A_425], %swap3A_428 {strides = array<i32>} : memref<2048xf32, #tpu.memory_space<vmem>>, vector<16xf32>,
    %swap3A_429 = arith.constant 1696 : index
    %swap3A_430 = tpu.vector_load %arg5[%swap3A_429] {strides = array<i32>} : memref<2048xf32, #tpu.memory_space<vmem>>, vector<16xf32>,
    %swap3A_431 = vector.shape_cast %swap3A_430 : vector<16xf32> to vector<16xf32>
    %swap3A_432 = vector.shape_cast %broadcast_in_dim3A_5 : vector<16xf32> to vector<16xf32>
    tpu.vector_store %arg5[%swap3A_429], %swap3A_432 {strides = array<i32>} : memref<2048xf32, #tpu.memory_space<vmem>>, vector<16xf32>,
    %swap3A_433 = arith.constant 1712 : index
    %swap3A_434 = tpu.vector_load %arg5[%swap3A_433] {strides = array<i32>} : memref<2048xf32, #tpu.memory_space<vmem>>, vector<16xf32>,
    %swap3A_435 = vector.shape_cast %swap3A_434 : vector<16xf32> to vector<16xf32>
    %swap3A_436 = vector.shape_cast %broadcast_in_dim3A_5 : vector<16xf32> to vector<16xf32>
    tpu.vector_store %arg5[%swap3A_433], %swap3A_436 {strides = array<i32>} : memref<2048xf32, #tpu.memory_space<vmem>>, vector<16xf32>,
    %swap3A_437 = arith.constant 1728 : index
    %swap3A_438 = tpu.vector_load %arg5[%swap3A_437] {strides = array<i32>} : memref<2048xf32, #tpu.memory_space<vmem>>, vector<16xf32>,
    %swap3A_439 = vector.shape_cast %swap3A_438 : vector<16xf32> to vector<16xf32>
    %swap3A_440 = vector.shape_cast %broadcast_in_dim3A_5 : vector<16xf32> to vector<16xf32>
    tpu.vector_store %arg5[%swap3A_437], %swap3A_440 {strides = array<i32>} : memref<2048xf32, #tpu.memory_space<vmem>>, vector<16xf32>,
    %swap3A_441 = arith.constant 1744 : index
    %swap3A_442 = tpu.vector_load %arg5[%swap3A_441] {strides = array<i32>} : memref<2048xf32, #tpu.memory_space<vmem>>, vector<16xf32>,
    %swap3A_443 = vector.shape_cast %swap3A_442 : vector<16xf32> to vector<16xf32>
    %swap3A_444 = vector.shape_cast %broadcast_in_dim3A_5 : vector<16xf32> to vector<16xf32>
    tpu.vector_store %arg5[%swap3A_441], %swap3A_444 {strides = array<i32>} : memref<2048xf32, #tpu.memory_space<vmem>>, vector<16xf32>,
    %swap3A_445 = arith.constant 1760 : index
    %swap3A_446 = tpu.vector_load %arg5[%swap3A_445] {strides = array<i32>} : memref<2048xf32, #tpu.memory_space<vmem>>, vector<16xf32>,
    %swap3A_447 = vector.shape_cast %swap3A_446 : vector<16xf32> to vector<16xf32>
    %swap3A_448 = vector.shape_cast %broadcast_in_dim3A_5 : vector<16xf32> to vector<16xf32>
    tpu.vector_store %arg5[%swap3A_445], %swap3A_448 {strides = array<i32>} : memref<2048xf32, #tpu.memory_space<vmem>>, vector<16xf32>,
    %swap3A_449 = arith.constant 1776 : index
    %swap3A_450 = tpu.vector_load %arg5[%swap3A_449] {strides = array<i32>} : memref<2048xf32, #tpu.memory_space<vmem>>, vector<16xf32>,
    %swap3A_451 = vector.shape_cast %swap3A_450 : vector<16xf32> to vector<16xf32>
    %swap3A_452 = vector.shape_cast %broadcast_in_dim3A_5 : vector<16xf32> to vector<16xf32>
    tpu.vector_store %arg5[%swap3A_449], %swap3A_452 {strides = array<i32>} : memref<2048xf32, #tpu.memory_space<vmem>>, vector<16xf32>,
    %swap3A_453 = arith.constant 1792 : index
    %swap3A_454 = tpu.vector_load %arg5[%swap3A_453] {strides = array<i32>} : memref<2048xf32, #tpu.memory_space<vmem>>, vector<16xf32>,
    %swap3A_455 = vector.shape_cast %swap3A_454 : vector<16xf32> to vector<16xf32>
    %swap3A_456 = vector.shape_cast %broadcast_in_dim3A_5 : vector<16xf32> to vector<16xf32>
    tpu.vector_store %arg5[%swap3A_453], %swap3A_456 {strides = array<i32>} : memref<2048xf32, #tpu.memory_space<vmem>>, vector<16xf32>,
    %swap3A_457 = arith.constant 1808 : index
    %swap3A_458 = tpu.vector_load %arg5[%swap3A_457] {strides = array<i32>} : memref<2048xf32, #tpu.memory_space<vmem>>, vector<16xf32>,
    %swap3A_459 = vector.shape_cast %swap3A_458 : vector<16xf32> to vector<16xf32>
    %swap3A_460 = vector.shape_cast %broadcast_in_dim3A_5 : vector<16xf32> to vector<16xf32>
    tpu.vector_store %arg5[%swap3A_457], %swap3A_460 {strides = array<i32>} : memref<2048xf32, #tpu.memory_space<vmem>>, vector<16xf32>,
    %swap3A_461 = arith.constant 1824 : index
    %swap3A_462 = tpu.vector_load %arg5[%swap3A_461] {strides = array<i32>} : memref<2048xf32, #tpu.memory_space<vmem>>, vector<16xf32>,
    %swap3A_463 = vector.shape_cast %swap3A_462 : vector<16xf32> to vector<16xf32>
    %swap3A_464 = vector.shape_cast %broadcast_in_dim3A_5 : vector<16xf32> to vector<16xf32>
    tpu.vector_store %arg5[%swap3A_461], %swap3A_464 {strides = array<i32>} : memref<2048xf32, #tpu.memory_space<vmem>>, vector<16xf32>,
    %swap3A_465 = arith.constant 1840 : index
    %swap3A_466 = tpu.vector_load %arg5[%swap3A_465] {strides = array<i32>} : memref<2048xf32, #tpu.memory_space<vmem>>, vector<16xf32>,
    %swap3A_467 = vector.shape_cast %swap3A_466 : vector<16xf32> to vector<16xf32>
    %swap3A_468 = vector.shape_cast %broadcast_in_dim3A_5 : vector<16xf32> to vector<16xf32>
    tpu.vector_store %arg5[%swap3A_465], %swap3A_468 {strides = array<i32>} : memref<2048xf32, #tpu.memory_space<vmem>>, vector<16xf32>,
    %swap3A_469 = arith.constant 1856 : index
    %swap3A_470 = tpu.vector_load %arg5[%swap3A_469] {strides = array<i32>} : memref<2048xf32, #tpu.memory_space<vmem>>, vector<16xf32>,
    %swap3A_471 = vector.shape_cast %swap3A_470 : vector<16xf32> to vector<16xf32>
    %swap3A_472 = vector.shape_cast %broadcast_in_dim3A_5 : vector<16xf32> to vector<16xf32>
    tpu.vector_store %arg5[%swap3A_469], %swap3A_472 {strides = array<i32>} : memref<2048xf32, #tpu.memory_space<vmem>>, vector<16xf32>,
    %swap3A_473 = arith.constant 1872 : index
    %swap3A_474 = tpu.vector_load %arg5[%swap3A_473] {strides = array<i32>} : memref<2048xf32, #tpu.memory_space<vmem>>, vector<16xf32>,
    %swap3A_475 = vector.shape_cast %swap3A_474 : vector<16xf32> to vector<16xf32>
    %swap3A_476 = vector.shape_cast %broadcast_in_dim3A_5 : vector<16xf32> to vector<16xf32>
    tpu.vector_store %arg5[%swap3A_473], %swap3A_476 {strides = array<i32>} : memref<2048xf32, #tpu.memory_space<vmem>>, vector<16xf32>,
    %swap3A_477 = arith.constant 1888 : index
    %swap3A_478 = tpu.vector_load %arg5[%swap3A_477] {strides = array<i32>} : memref<2048xf32, #tpu.memory_space<vmem>>, vector<16xf32>,
    %swap3A_479 = vector.shape_cast %swap3A_478 : vector<16xf32> to vector<16xf32>
    %swap3A_480 = vector.shape_cast %broadcast_in_dim3A_5 : vector<16xf32> to vector<16xf32>
    tpu.vector_store %arg5[%swap3A_477], %swap3A_480 {strides = array<i32>} : memref<2048xf32, #tpu.memory_space<vmem>>, vector<16xf32>,
    %swap3A_481 = arith.constant 1904 : index
    %swap3A_482 = tpu.vector_load %arg5[%swap3A_481] {strides = array<i32>} : memref<2048xf32, #tpu.memory_space<vmem>>, vector<16xf32>,
    %swap3A_483 = vector.shape_cast %swap3A_482 : vector<16xf32> to vector<16xf32>
    %swap3A_484 = vector.shape_cast %broadcast_in_dim3A_5 : vector<16xf32> to vector<16xf32>
    tpu.vector_store %arg5[%swap3A_481], %swap3A_484 {strides = array<i32>} : memref<2048xf32, #tpu.memory_space<vmem>>, vector<16xf32>,
    %swap3A_485 = arith.constant 1920 : index
    %swap3A_486 = tpu.vector_load %arg5[%swap3A_485] {strides = array<i32>} : memref<2048xf32, #tpu.memory_space<vmem>>, vector<16xf32>,
    %swap3A_487 = vector.shape_cast %swap3A_486 : vector<16xf32> to vector<16xf32>
    %swap3A_488 = vector.shape_cast %broadcast_in_dim3A_5 : vector<16xf32> to vector<16xf32>
    tpu.vector_store %arg5[%swap3A_485], %swap3A_488 {strides = array<i32>} : memref<2048xf32, #tpu.memory_space<vmem>>, vector<16xf32>,
    %swap3A_489 = arith.constant 1936 : index
    %swap3A_490 = tpu.vector_load %arg5[%swap3A_489] {strides = array<i32>} : memref<2048xf32, #tpu.memory_space<vmem>>, vector<16xf32>,
    %swap3A_491 = vector.shape_cast %swap3A_490 : vector<16xf32> to vector<16xf32>
    %swap3A_492 = vector.shape_cast %broadcast_in_dim3A_5 : vector<16xf32> to vector<16xf32>
    tpu.vector_store %arg5[%swap3A_489], %swap3A_492 {strides = array<i32>} : memref<2048xf32, #tpu.memory_space<vmem>>, vector<16xf32>,
    %swap3A_493 = arith.constant 1952 : index
    %swap3A_494 = tpu.vector_load %arg5[%swap3A_493] {strides = array<i32>} : memref<2048xf32, #tpu.memory_space<vmem>>, vector<16xf32>,
    %swap3A_495 = vector.shape_cast %swap3A_494 : vector<16xf32> to vector<16xf32>
    %swap3A_496 = vector.shape_cast %broadcast_in_dim3A_5 : vector<16xf32> to vector<16xf32>
    tpu.vector_store %arg5[%swap3A_493], %swap3A_496 {strides = array<i32>} : memref<2048xf32, #tpu.memory_space<vmem>>, vector<16xf32>,
    %swap3A_497 = arith.constant 1968 : index
    %swap3A_498 = tpu.vector_load %arg5[%swap3A_497] {strides = array<i32>} : memref<2048xf32, #tpu.memory_space<vmem>>, vector<16xf32>,
    %swap3A_499 = vector.shape_cast %swap3A_498 : vector<16xf32> to vector<16xf32>
    %swap3A_500 = vector.shape_cast %broadcast_in_dim3A_5 : vector<16xf32> to vector<16xf32>
    tpu.vector_store %arg5[%swap3A_497], %swap3A_500 {strides = array<i32>} : memref<2048xf32, #tpu.memory_space<vmem>>, vector<16xf32>,
    %swap3A_501 = arith.constant 1984 : index
    %swap3A_502 = tpu.vector_load %arg5[%swap3A_501] {strides = array<i32>} : memref<2048xf32, #tpu.memory_space<vmem>>, vector<16xf32>,
    %swap3A_503 = vector.shape_cast %swap3A_502 : vector<16xf32> to vector<16xf32>
    %swap3A_504 = vector.shape_cast %broadcast_in_dim3A_5 : vector<16xf32> to vector<16xf32>
    tpu.vector_store %arg5[%swap3A_501], %swap3A_504 {strides = array<i32>} : memref<2048xf32, #tpu.memory_space<vmem>>, vector<16xf32>,
    %swap3A_505 = arith.constant 2000 : index
    %swap3A_506 = tpu.vector_load %arg5[%swap3A_505] {strides = array<i32>} : memref<2048xf32, #tpu.memory_space<vmem>>, vector<16xf32>,
    %swap3A_507 = vector.shape_cast %swap3A_506 : vector<16xf32> to vector<16xf32>
    %swap3A_508 = vector.shape_cast %broadcast_in_dim3A_5 : vector<16xf32> to vector<16xf32>
    tpu.vector_store %arg5[%swap3A_505], %swap3A_508 {strides = array<i32>} : memref<2048xf32, #tpu.memory_space<vmem>>, vector<16xf32>,
    %swap3A_509 = arith.constant 2016 : index
    %swap3A_510 = tpu.vector_load %arg5[%swap3A_509] {strides = array<i32>} : memref<2048xf32, #tpu.memory_space<vmem>>, vector<16xf32>,
    %swap3A_511 = vector.shape_cast %swap3A_510 : vector<16xf32> to vector<16xf32>
    %swap3A_512 = vector.shape_cast %broadcast_in_dim3A_5 : vector<16xf32> to vector<16xf32>
    tpu.vector_store %arg5[%swap3A_509], %swap3A_512 {strides = array<i32>} : memref<2048xf32, #tpu.memory_space<vmem>>, vector<16xf32>,
    %swap3A_513 = arith.constant 2032 : index
    %swap3A_514 = tpu.vector_load %arg5[%swap3A_513] {strides = array<i32>} : memref<2048xf32, #tpu.memory_space<vmem>>, vector<16xf32>,
    %swap3A_515 = vector.shape_cast %swap3A_514 : vector<16xf32> to vector<16xf32>
    %swap3A_516 = vector.shape_cast %broadcast_in_dim3A_5 : vector<16xf32> to vector<16xf32>
    tpu.vector_store %arg5[%swap3A_513], %swap3A_516 {strides = array<i32>} : memref<2048xf32, #tpu.memory_space<vmem>>, vector<16xf32>,
    %dma_start3A = arith.constant 0 : i32
    %dma_start3A_517 = arith.constant 0 : i32
    %dma_start3A_518 = arith.constant 0 : i32
    %dma_start3A_519 = arith.constant 0 : i32
    %dma_start3A_520 = tpu.memref_slice %arg4[%dma_start3A_517, %dma_start3A_518, %dma_start3A_519] : memref<2x16x2048xf32, #tpu.memory_space<vmem>> -> memref<1x16x2048xf32, #tpu.memory_space<vmem>>
    %dma_start3A_521 = tpu.memref_squeeze %dma_start3A_520 : memref<1x16x2048xf32, #tpu.memory_space<vmem>> -> memref<16x2048xf32, #tpu.memory_space<vmem>>
    %dma_start3A_522 = arith.constant 0 : i32
    %dma_start3A_523 = tpu.memref_slice %arg2[%dma_start3A, %add3A_4, %dma_start3A_522] : memref<2x24576x2048xf32, #tpu.memory_space<hbm>> -> memref<1x16x2048xf32, #tpu.memory_space<hbm>>
    %dma_start3A_524 = tpu.memref_squeeze %dma_start3A_523 : memref<1x16x2048xf32, #tpu.memory_space<hbm>> -> memref<16x2048xf32, #tpu.memory_space<hbm>>
    %dma_start3A_525 = arith.constant 0 : i32
    %dma_start3A_526 = arith.constant 0 : i32
    %dma_start3A_527 = tpu.memref_slice %arg4[%dma_start3A_517, %dma_start3A_525, %dma_start3A_526] : memref<2x16x2048xf32, #tpu.memory_space<vmem>> -> memref<1x16x2048xf32, #tpu.memory_space<vmem>>
    %dma_start3A_528 = tpu.memref_squeeze %dma_start3A_527 : memref<1x16x2048xf32, #tpu.memory_space<vmem>> -> memref<16x2048xf32, #tpu.memory_space<vmem>>
    %dma_start3A_529 = arith.constant 0 : i32
    %dma_start3A_530 = tpu.memref_slice %arg2[%dma_start3A, %add3A_4, %dma_start3A_529] : memref<2x24576x2048xf32, #tpu.memory_space<hbm>> -> memref<1x16x2048xf32, #tpu.memory_space<hbm>>
    %dma_start3A_531 = tpu.memref_squeeze %dma_start3A_530 : memref<1x16x2048xf32, #tpu.memory_space<hbm>> -> memref<16x2048xf32, #tpu.memory_space<hbm>>
    tpu.enqueue_dma source(%dma_start3A_531 : memref<16x2048xf32, #tpu.memory_space<hbm>>) target(%dma_start3A_528 : memref<16x2048xf32, #tpu.memory_space<vmem>>) target_semaphore(%arg6 : memref<!tpu.dma_semaphore, #tpu.memory_space<semaphore_mem>>)
    %add3A_532 = arith.constant 16 : i32
    %add3A_533 = arith.addi %add3A_4, %add3A_532 : i32
    %dma_start3A_534 = arith.constant 0 : i32
    %dma_start3A_535 = arith.constant 1 : i32
    %dma_start3A_536 = arith.constant 0 : i32
    %dma_start3A_537 = arith.constant 0 : i32
    %dma_start3A_538 = tpu.memref_slice %arg4[%dma_start3A_535, %dma_start3A_536, %dma_start3A_537] : memref<2x16x2048xf32, #tpu.memory_space<vmem>> -> memref<1x16x2048xf32, #tpu.memory_space<vmem>>
    %dma_start3A_539 = tpu.memref_squeeze %dma_start3A_538 : memref<1x16x2048xf32, #tpu.memory_space<vmem>> -> memref<16x2048xf32, #tpu.memory_space<vmem>>
    %dma_start3A_540 = arith.constant 0 : i32
    %dma_start3A_541 = tpu.memref_slice %arg2[%dma_start3A_534, %add3A_533, %dma_start3A_540] : memref<2x24576x2048xf32, #tpu.memory_space<hbm>> -> memref<1x16x2048xf32, #tpu.memory_space<hbm>>
    %dma_start3A_542 = tpu.memref_squeeze %dma_start3A_541 : memref<1x16x2048xf32, #tpu.memory_space<hbm>> -> memref<16x2048xf32, #tpu.memory_space<hbm>>
    %dma_start3A_543 = arith.constant 0 : i32
    %dma_start3A_544 = arith.constant 0 : i32
    %dma_start3A_545 = tpu.memref_slice %arg4[%dma_start3A_535, %dma_start3A_543, %dma_start3A_544] : memref<2x16x2048xf32, #tpu.memory_space<vmem>> -> memref<1x16x2048xf32, #tpu.memory_space<vmem>>
    %dma_start3A_546 = tpu.memref_squeeze %dma_start3A_545 : memref<1x16x2048xf32, #tpu.memory_space<vmem>> -> memref<16x2048xf32, #tpu.memory_space<vmem>>
    %dma_start3A_547 = arith.constant 0 : i32
    %dma_start3A_548 = tpu.memref_slice %arg2[%dma_start3A_534, %add3A_533, %dma_start3A_547] : memref<2x24576x2048xf32, #tpu.memory_space<hbm>> -> memref<1x16x2048xf32, #tpu.memory_space<hbm>>
    %dma_start3A_549 = tpu.memref_squeeze %dma_start3A_548 : memref<1x16x2048xf32, #tpu.memory_space<hbm>> -> memref<16x2048xf32, #tpu.memory_space<hbm>>
    tpu.enqueue_dma source(%dma_start3A_549 : memref<16x2048xf32, #tpu.memory_space<hbm>>) target(%dma_start3A_546 : memref<16x2048xf32, #tpu.memory_space<vmem>>) target_semaphore(%arg7 : memref<!tpu.dma_semaphore, #tpu.memory_space<semaphore_mem>>)
    %dma_wait3A = arith.constant 0 : i32
    %dma_wait3A_550 = arith.constant 0 : i32
    %dma_wait3A_551 = arith.constant 0 : i32
    %dma_wait3A_552 = arith.constant 0 : i32
    %dma_wait3A_553 = tpu.memref_slice %arg4[%dma_wait3A_550, %dma_wait3A_551, %dma_wait3A_552] : memref<2x16x2048xf32, #tpu.memory_space<vmem>> -> memref<1x16x2048xf32, #tpu.memory_space<vmem>>
    %dma_wait3A_554 = tpu.memref_squeeze %dma_wait3A_553 : memref<1x16x2048xf32, #tpu.memory_space<vmem>> -> memref<16x2048xf32, #tpu.memory_space<vmem>>
    %dma_wait3A_555 = arith.constant 0 : i32
    %dma_wait3A_556 = tpu.memref_slice %arg2[%dma_wait3A, %add3A_4, %dma_wait3A_555] : memref<2x24576x2048xf32, #tpu.memory_space<hbm>> -> memref<1x16x2048xf32, #tpu.memory_space<hbm>>
    %dma_wait3A_557 = tpu.memref_squeeze %dma_wait3A_556 : memref<1x16x2048xf32, #tpu.memory_space<hbm>> -> memref<16x2048xf32, #tpu.memory_space<hbm>>
    %dma_wait3A_558 = arith.constant 0 : i32
    %dma_wait3A_559 = arith.constant 0 : i32
    %dma_wait3A_560 = tpu.memref_slice %arg4[%dma_wait3A_550, %dma_wait3A_558, %dma_wait3A_559] : memref<2x16x2048xf32, #tpu.memory_space<vmem>> -> memref<1x16x2048xf32, #tpu.memory_space<vmem>>
    %dma_wait3A_561 = tpu.memref_squeeze %dma_wait3A_560 : memref<1x16x2048xf32, #tpu.memory_space<vmem>> -> memref<16x2048xf32, #tpu.memory_space<vmem>>
    %dma_wait3A_562 = arith.constant 0 : i32
    %dma_wait3A_563 = tpu.memref_slice %arg2[%dma_wait3A, %add3A_4, %dma_wait3A_562] : memref<2x24576x2048xf32, #tpu.memory_space<hbm>> -> memref<1x16x2048xf32, #tpu.memory_space<hbm>>
    %dma_wait3A_564 = tpu.memref_squeeze %dma_wait3A_563 : memref<1x16x2048xf32, #tpu.memory_space<hbm>> -> memref<16x2048xf32, #tpu.memory_space<hbm>>
    tpu.wait_dma2 semaphore(%arg6 : memref<!tpu.dma_semaphore, #tpu.memory_space<semaphore_mem>>) src(%dma_wait3A_564 : memref<16x2048xf32, #tpu.memory_space<hbm>>) dst(%dma_wait3A_561 : memref<16x2048xf32, #tpu.memory_space<vmem>>)
    %parallel_loop3A = arith.constant 0 : i32
    %parallel_loop3A_565 = arith.constant 128 : i32
    %parallel_loop3A_566 = arith.constant 1 : i32
    %parallel_loop3A_567 = arith.constant 0 : i32
    scf.for %parallel_loop3A_1175 = %parallel_loop3A to %parallel_loop3A_565 step %parallel_loop3A_566  : i32 {
      %parallel_loop3A_1176 = arith.constant 16 : i32
      %parallel_loop3A_1177 = arith.muli %parallel_loop3A_1175, %parallel_loop3A_1176 : i32
      %parallel_loop3A_1178 = arith.constant 0 : i32
      %parallel_loop3A_1179 = arith.constant 0 : i32
      %parallel_loop3A_1180 = arith.constant 0 : i32
      %parallel_loop3A_1181 = tpu.memref_slice %arg4[%parallel_loop3A_567, %parallel_loop3A_1179, %parallel_loop3A_1180] : memref<2x16x2048xf32, #tpu.memory_space<vmem>> -> memref<1x16x2048xf32, #tpu.memory_space<vmem>>
      %parallel_loop3A_1182 = tpu.memref_squeeze %parallel_loop3A_1181 : memref<1x16x2048xf32, #tpu.memory_space<vmem>> -> memref<16x2048xf32, #tpu.memory_space<vmem>>
      %parallel_loop3A_1183 = arith.index_cast %parallel_loop3A_1178 : i32 to index
      %parallel_loop3A_1184 = arith.index_cast %parallel_loop3A_1177 : i32 to index
      %parallel_loop3A_1185 = tpu.vector_load %parallel_loop3A_1182[%parallel_loop3A_1183, %parallel_loop3A_1184] {strides = array<i32>} : memref<16x2048xf32, #tpu.memory_space<vmem>>, vector<1x16xf32>,
      %parallel_loop3A_1186 = vector.shape_cast %parallel_loop3A_1185 : vector<1x16xf32> to vector<16xf32>
      %parallel_loop3A_1187 = arith.constant 1 : i32
      %parallel_loop3A_1188 = arith.constant 0 : i32
      %parallel_loop3A_1189 = arith.constant 0 : i32
      %parallel_loop3A_1190 = tpu.memref_slice %arg4[%parallel_loop3A_567, %parallel_loop3A_1188, %parallel_loop3A_1189] : memref<2x16x2048xf32, #tpu.memory_space<vmem>> -> memref<1x16x2048xf32, #tpu.memory_space<vmem>>
      %parallel_loop3A_1191 = tpu.memref_squeeze %parallel_loop3A_1190 : memref<1x16x2048xf32, #tpu.memory_space<vmem>> -> memref<16x2048xf32, #tpu.memory_space<vmem>>
      %parallel_loop3A_1192 = arith.index_cast %parallel_loop3A_1187 : i32 to index
      %parallel_loop3A_1193 = arith.index_cast %parallel_loop3A_1177 : i32 to index
      %parallel_loop3A_1194 = tpu.vector_load %parallel_loop3A_1191[%parallel_loop3A_1192, %parallel_loop3A_1193] {strides = array<i32>} : memref<16x2048xf32, #tpu.memory_space<vmem>>, vector<1x16xf32>,
      %parallel_loop3A_1195 = vector.shape_cast %parallel_loop3A_1194 : vector<1x16xf32> to vector<16xf32>
      %parallel_loop3A_1196 = arith.addf %parallel_loop3A_1186, %parallel_loop3A_1195 : vector<16xf32>
      %parallel_loop3A_1197 = arith.constant 2 : i32
      %parallel_loop3A_1198 = arith.constant 0 : i32
      %parallel_loop3A_1199 = arith.constant 0 : i32
      %parallel_loop3A_1200 = tpu.memref_slice %arg4[%parallel_loop3A_567, %parallel_loop3A_1198, %parallel_loop3A_1199] : memref<2x16x2048xf32, #tpu.memory_space<vmem>> -> memref<1x16x2048xf32, #tpu.memory_space<vmem>>
      %parallel_loop3A_1201 = tpu.memref_squeeze %parallel_loop3A_1200 : memref<1x16x2048xf32, #tpu.memory_space<vmem>> -> memref<16x2048xf32, #tpu.memory_space<vmem>>
      %parallel_loop3A_1202 = arith.index_cast %parallel_loop3A_1197 : i32 to index
      %parallel_loop3A_1203 = arith.index_cast %parallel_loop3A_1177 : i32 to index
      %parallel_loop3A_1204 = tpu.vector_load %parallel_loop3A_1201[%parallel_loop3A_1202, %parallel_loop3A_1203] {strides = array<i32>} : memref<16x2048xf32, #tpu.memory_space<vmem>>, vector<1x16xf32>,
      %parallel_loop3A_1205 = vector.shape_cast %parallel_loop3A_1204 : vector<1x16xf32> to vector<16xf32>
      %parallel_loop3A_1206 = arith.addf %parallel_loop3A_1196, %parallel_loop3A_1205 : vector<16xf32>
      %parallel_loop3A_1207 = arith.constant 3 : i32
      %parallel_loop3A_1208 = arith.constant 0 : i32
      %parallel_loop3A_1209 = arith.constant 0 : i32
      %parallel_loop3A_1210 = tpu.memref_slice %arg4[%parallel_loop3A_567, %parallel_loop3A_1208, %parallel_loop3A_1209] : memref<2x16x2048xf32, #tpu.memory_space<vmem>> -> memref<1x16x2048xf32, #tpu.memory_space<vmem>>
      %parallel_loop3A_1211 = tpu.memref_squeeze %parallel_loop3A_1210 : memref<1x16x2048xf32, #tpu.memory_space<vmem>> -> memref<16x2048xf32, #tpu.memory_space<vmem>>
      %parallel_loop3A_1212 = arith.index_cast %parallel_loop3A_1207 : i32 to index
      %parallel_loop3A_1213 = arith.index_cast %parallel_loop3A_1177 : i32 to index
      %parallel_loop3A_1214 = tpu.vector_load %parallel_loop3A_1211[%parallel_loop3A_1212, %parallel_loop3A_1213] {strides = array<i32>} : memref<16x2048xf32, #tpu.memory_space<vmem>>, vector<1x16xf32>,
      %parallel_loop3A_1215 = vector.shape_cast %parallel_loop3A_1214 : vector<1x16xf32> to vector<16xf32>
      %parallel_loop3A_1216 = arith.addf %parallel_loop3A_1206, %parallel_loop3A_1215 : vector<16xf32>
      %parallel_loop3A_1217 = arith.constant 4 : i32
      %parallel_loop3A_1218 = arith.constant 0 : i32
      %parallel_loop3A_1219 = arith.constant 0 : i32
      %parallel_loop3A_1220 = tpu.memref_slice %arg4[%parallel_loop3A_567, %parallel_loop3A_1218, %parallel_loop3A_1219] : memref<2x16x2048xf32, #tpu.memory_space<vmem>> -> memref<1x16x2048xf32, #tpu.memory_space<vmem>>
      %parallel_loop3A_1221 = tpu.memref_squeeze %parallel_loop3A_1220 : memref<1x16x2048xf32, #tpu.memory_space<vmem>> -> memref<16x2048xf32, #tpu.memory_space<vmem>>
      %parallel_loop3A_1222 = arith.index_cast %parallel_loop3A_1217 : i32 to index
      %parallel_loop3A_1223 = arith.index_cast %parallel_loop3A_1177 : i32 to index
      %parallel_loop3A_1224 = tpu.vector_load %parallel_loop3A_1221[%parallel_loop3A_1222, %parallel_loop3A_1223] {strides = array<i32>} : memref<16x2048xf32, #tpu.memory_space<vmem>>, vector<1x16xf32>,
      %parallel_loop3A_1225 = vector.shape_cast %parallel_loop3A_1224 : vector<1x16xf32> to vector<16xf32>
      %parallel_loop3A_1226 = arith.addf %parallel_loop3A_1216, %parallel_loop3A_1225 : vector<16xf32>
      %parallel_loop3A_1227 = arith.constant 5 : i32
      %parallel_loop3A_1228 = arith.constant 0 : i32
      %parallel_loop3A_1229 = arith.constant 0 : i32
      %parallel_loop3A_1230 = tpu.memref_slice %arg4[%parallel_loop3A_567, %parallel_loop3A_1228, %parallel_loop3A_1229] : memref<2x16x2048xf32, #tpu.memory_space<vmem>> -> memref<1x16x2048xf32, #tpu.memory_space<vmem>>
      %parallel_loop3A_1231 = tpu.memref_squeeze %parallel_loop3A_1230 : memref<1x16x2048xf32, #tpu.memory_space<vmem>> -> memref<16x2048xf32, #tpu.memory_space<vmem>>
      %parallel_loop3A_1232 = arith.index_cast %parallel_loop3A_1227 : i32 to index
      %parallel_loop3A_1233 = arith.index_cast %parallel_loop3A_1177 : i32 to index
      %parallel_loop3A_1234 = tpu.vector_load %parallel_loop3A_1231[%parallel_loop3A_1232, %parallel_loop3A_1233] {strides = array<i32>} : memref<16x2048xf32, #tpu.memory_space<vmem>>, vector<1x16xf32>,
      %parallel_loop3A_1235 = vector.shape_cast %parallel_loop3A_1234 : vector<1x16xf32> to vector<16xf32>
      %parallel_loop3A_1236 = arith.addf %parallel_loop3A_1226, %parallel_loop3A_1235 : vector<16xf32>
      %parallel_loop3A_1237 = arith.constant 6 : i32
      %parallel_loop3A_1238 = arith.constant 0 : i32
      %parallel_loop3A_1239 = arith.constant 0 : i32
      %parallel_loop3A_1240 = tpu.memref_slice %arg4[%parallel_loop3A_567, %parallel_loop3A_1238, %parallel_loop3A_1239] : memref<2x16x2048xf32, #tpu.memory_space<vmem>> -> memref<1x16x2048xf32, #tpu.memory_space<vmem>>
      %parallel_loop3A_1241 = tpu.memref_squeeze %parallel_loop3A_1240 : memref<1x16x2048xf32, #tpu.memory_space<vmem>> -> memref<16x2048xf32, #tpu.memory_space<vmem>>
      %parallel_loop3A_1242 = arith.index_cast %parallel_loop3A_1237 : i32 to index
      %parallel_loop3A_1243 = arith.index_cast %parallel_loop3A_1177 : i32 to index
      %parallel_loop3A_1244 = tpu.vector_load %parallel_loop3A_1241[%parallel_loop3A_1242, %parallel_loop3A_1243] {strides = array<i32>} : memref<16x2048xf32, #tpu.memory_space<vmem>>, vector<1x16xf32>,
      %parallel_loop3A_1245 = vector.shape_cast %parallel_loop3A_1244 : vector<1x16xf32> to vector<16xf32>
      %parallel_loop3A_1246 = arith.addf %parallel_loop3A_1236, %parallel_loop3A_1245 : vector<16xf32>
      %parallel_loop3A_1247 = arith.constant 7 : i32
      %parallel_loop3A_1248 = arith.constant 0 : i32
      %parallel_loop3A_1249 = arith.constant 0 : i32
      %parallel_loop3A_1250 = tpu.memref_slice %arg4[%parallel_loop3A_567, %parallel_loop3A_1248, %parallel_loop3A_1249] : memref<2x16x2048xf32, #tpu.memory_space<vmem>> -> memref<1x16x2048xf32, #tpu.memory_space<vmem>>
      %parallel_loop3A_1251 = tpu.memref_squeeze %parallel_loop3A_1250 : memref<1x16x2048xf32, #tpu.memory_space<vmem>> -> memref<16x2048xf32, #tpu.memory_space<vmem>>
      %parallel_loop3A_1252 = arith.index_cast %parallel_loop3A_1247 : i32 to index
      %parallel_loop3A_1253 = arith.index_cast %parallel_loop3A_1177 : i32 to index
      %parallel_loop3A_1254 = tpu.vector_load %parallel_loop3A_1251[%parallel_loop3A_1252, %parallel_loop3A_1253] {strides = array<i32>} : memref<16x2048xf32, #tpu.memory_space<vmem>>, vector<1x16xf32>,
      %parallel_loop3A_1255 = vector.shape_cast %parallel_loop3A_1254 : vector<1x16xf32> to vector<16xf32>
      %parallel_loop3A_1256 = arith.addf %parallel_loop3A_1246, %parallel_loop3A_1255 : vector<16xf32>
      %parallel_loop3A_1257 = arith.constant 8 : i32
      %parallel_loop3A_1258 = arith.constant 0 : i32
      %parallel_loop3A_1259 = arith.constant 0 : i32
      %parallel_loop3A_1260 = tpu.memref_slice %arg4[%parallel_loop3A_567, %parallel_loop3A_1258, %parallel_loop3A_1259] : memref<2x16x2048xf32, #tpu.memory_space<vmem>> -> memref<1x16x2048xf32, #tpu.memory_space<vmem>>
      %parallel_loop3A_1261 = tpu.memref_squeeze %parallel_loop3A_1260 : memref<1x16x2048xf32, #tpu.memory_space<vmem>> -> memref<16x2048xf32, #tpu.memory_space<vmem>>
      %parallel_loop3A_1262 = arith.index_cast %parallel_loop3A_1257 : i32 to index
      %parallel_loop3A_1263 = arith.index_cast %parallel_loop3A_1177 : i32 to index
      %parallel_loop3A_1264 = tpu.vector_load %parallel_loop3A_1261[%parallel_loop3A_1262, %parallel_loop3A_1263] {strides = array<i32>} : memref<16x2048xf32, #tpu.memory_space<vmem>>, vector<1x16xf32>,
      %parallel_loop3A_1265 = vector.shape_cast %parallel_loop3A_1264 : vector<1x16xf32> to vector<16xf32>
      %parallel_loop3A_1266 = arith.addf %parallel_loop3A_1256, %parallel_loop3A_1265 : vector<16xf32>
      %parallel_loop3A_1267 = arith.constant 9 : i32
      %parallel_loop3A_1268 = arith.constant 0 : i32
      %parallel_loop3A_1269 = arith.constant 0 : i32
      %parallel_loop3A_1270 = tpu.memref_slice %arg4[%parallel_loop3A_567, %parallel_loop3A_1268, %parallel_loop3A_1269] : memref<2x16x2048xf32, #tpu.memory_space<vmem>> -> memref<1x16x2048xf32, #tpu.memory_space<vmem>>
      %parallel_loop3A_1271 = tpu.memref_squeeze %parallel_loop3A_1270 : memref<1x16x2048xf32, #tpu.memory_space<vmem>> -> memref<16x2048xf32, #tpu.memory_space<vmem>>
      %parallel_loop3A_1272 = arith.index_cast %parallel_loop3A_1267 : i32 to index
      %parallel_loop3A_1273 = arith.index_cast %parallel_loop3A_1177 : i32 to index
      %parallel_loop3A_1274 = tpu.vector_load %parallel_loop3A_1271[%parallel_loop3A_1272, %parallel_loop3A_1273] {strides = array<i32>} : memref<16x2048xf32, #tpu.memory_space<vmem>>, vector<1x16xf32>,
      %parallel_loop3A_1275 = vector.shape_cast %parallel_loop3A_1274 : vector<1x16xf32> to vector<16xf32>
      %parallel_loop3A_1276 = arith.addf %parallel_loop3A_1266, %parallel_loop3A_1275 : vector<16xf32>
      %parallel_loop3A_1277 = arith.constant 10 : i32
      %parallel_loop3A_1278 = arith.constant 0 : i32
      %parallel_loop3A_1279 = arith.constant 0 : i32
      %parallel_loop3A_1280 = tpu.memref_slice %arg4[%parallel_loop3A_567, %parallel_loop3A_1278, %parallel_loop3A_1279] : memref<2x16x2048xf32, #tpu.memory_space<vmem>> -> memref<1x16x2048xf32, #tpu.memory_space<vmem>>
      %parallel_loop3A_1281 = tpu.memref_squeeze %parallel_loop3A_1280 : memref<1x16x2048xf32, #tpu.memory_space<vmem>> -> memref<16x2048xf32, #tpu.memory_space<vmem>>
      %parallel_loop3A_1282 = arith.index_cast %parallel_loop3A_1277 : i32 to index
      %parallel_loop3A_1283 = arith.index_cast %parallel_loop3A_1177 : i32 to index
      %parallel_loop3A_1284 = tpu.vector_load %parallel_loop3A_1281[%parallel_loop3A_1282, %parallel_loop3A_1283] {strides = array<i32>} : memref<16x2048xf32, #tpu.memory_space<vmem>>, vector<1x16xf32>,
      %parallel_loop3A_1285 = vector.shape_cast %parallel_loop3A_1284 : vector<1x16xf32> to vector<16xf32>
      %parallel_loop3A_1286 = arith.addf %parallel_loop3A_1276, %parallel_loop3A_1285 : vector<16xf32>
      %parallel_loop3A_1287 = arith.constant 11 : i32
      %parallel_loop3A_1288 = arith.constant 0 : i32
      %parallel_loop3A_1289 = arith.constant 0 : i32
      %parallel_loop3A_1290 = tpu.memref_slice %arg4[%parallel_loop3A_567, %parallel_loop3A_1288, %parallel_loop3A_1289] : memref<2x16x2048xf32, #tpu.memory_space<vmem>> -> memref<1x16x2048xf32, #tpu.memory_space<vmem>>
      %parallel_loop3A_1291 = tpu.memref_squeeze %parallel_loop3A_1290 : memref<1x16x2048xf32, #tpu.memory_space<vmem>> -> memref<16x2048xf32, #tpu.memory_space<vmem>>
      %parallel_loop3A_1292 = arith.index_cast %parallel_loop3A_1287 : i32 to index
      %parallel_loop3A_1293 = arith.index_cast %parallel_loop3A_1177 : i32 to index
      %parallel_loop3A_1294 = tpu.vector_load %parallel_loop3A_1291[%parallel_loop3A_1292, %parallel_loop3A_1293] {strides = array<i32>} : memref<16x2048xf32, #tpu.memory_space<vmem>>, vector<1x16xf32>,
      %parallel_loop3A_1295 = vector.shape_cast %parallel_loop3A_1294 : vector<1x16xf32> to vector<16xf32>
      %parallel_loop3A_1296 = arith.addf %parallel_loop3A_1286, %parallel_loop3A_1295 : vector<16xf32>
      %parallel_loop3A_1297 = arith.constant 12 : i32
      %parallel_loop3A_1298 = arith.constant 0 : i32
      %parallel_loop3A_1299 = arith.constant 0 : i32
      %parallel_loop3A_1300 = tpu.memref_slice %arg4[%parallel_loop3A_567, %parallel_loop3A_1298, %parallel_loop3A_1299] : memref<2x16x2048xf32, #tpu.memory_space<vmem>> -> memref<1x16x2048xf32, #tpu.memory_space<vmem>>
      %parallel_loop3A_1301 = tpu.memref_squeeze %parallel_loop3A_1300 : memref<1x16x2048xf32, #tpu.memory_space<vmem>> -> memref<16x2048xf32, #tpu.memory_space<vmem>>
      %parallel_loop3A_1302 = arith.index_cast %parallel_loop3A_1297 : i32 to index
      %parallel_loop3A_1303 = arith.index_cast %parallel_loop3A_1177 : i32 to index
      %parallel_loop3A_1304 = tpu.vector_load %parallel_loop3A_1301[%parallel_loop3A_1302, %parallel_loop3A_1303] {strides = array<i32>} : memref<16x2048xf32, #tpu.memory_space<vmem>>, vector<1x16xf32>,
      %parallel_loop3A_1305 = vector.shape_cast %parallel_loop3A_1304 : vector<1x16xf32> to vector<16xf32>
      %parallel_loop3A_1306 = arith.addf %parallel_loop3A_1296, %parallel_loop3A_1305 : vector<16xf32>
      %parallel_loop3A_1307 = arith.constant 13 : i32
      %parallel_loop3A_1308 = arith.constant 0 : i32
      %parallel_loop3A_1309 = arith.constant 0 : i32
      %parallel_loop3A_1310 = tpu.memref_slice %arg4[%parallel_loop3A_567, %parallel_loop3A_1308, %parallel_loop3A_1309] : memref<2x16x2048xf32, #tpu.memory_space<vmem>> -> memref<1x16x2048xf32, #tpu.memory_space<vmem>>
      %parallel_loop3A_1311 = tpu.memref_squeeze %parallel_loop3A_1310 : memref<1x16x2048xf32, #tpu.memory_space<vmem>> -> memref<16x2048xf32, #tpu.memory_space<vmem>>
      %parallel_loop3A_1312 = arith.index_cast %parallel_loop3A_1307 : i32 to index
      %parallel_loop3A_1313 = arith.index_cast %parallel_loop3A_1177 : i32 to index
      %parallel_loop3A_1314 = tpu.vector_load %parallel_loop3A_1311[%parallel_loop3A_1312, %parallel_loop3A_1313] {strides = array<i32>} : memref<16x2048xf32, #tpu.memory_space<vmem>>, vector<1x16xf32>,
      %parallel_loop3A_1315 = vector.shape_cast %parallel_loop3A_1314 : vector<1x16xf32> to vector<16xf32>
      %parallel_loop3A_1316 = arith.addf %parallel_loop3A_1306, %parallel_loop3A_1315 : vector<16xf32>
      %parallel_loop3A_1317 = arith.constant 14 : i32
      %parallel_loop3A_1318 = arith.constant 0 : i32
      %parallel_loop3A_1319 = arith.constant 0 : i32
      %parallel_loop3A_1320 = tpu.memref_slice %arg4[%parallel_loop3A_567, %parallel_loop3A_1318, %parallel_loop3A_1319] : memref<2x16x2048xf32, #tpu.memory_space<vmem>> -> memref<1x16x2048xf32, #tpu.memory_space<vmem>>
      %parallel_loop3A_1321 = tpu.memref_squeeze %parallel_loop3A_1320 : memref<1x16x2048xf32, #tpu.memory_space<vmem>> -> memref<16x2048xf32, #tpu.memory_space<vmem>>
      %parallel_loop3A_1322 = arith.index_cast %parallel_loop3A_1317 : i32 to index
      %parallel_loop3A_1323 = arith.index_cast %parallel_loop3A_1177 : i32 to index
      %parallel_loop3A_1324 = tpu.vector_load %parallel_loop3A_1321[%parallel_loop3A_1322, %parallel_loop3A_1323] {strides = array<i32>} : memref<16x2048xf32, #tpu.memory_space<vmem>>, vector<1x16xf32>,
      %parallel_loop3A_1325 = vector.shape_cast %parallel_loop3A_1324 : vector<1x16xf32> to vector<16xf32>
      %parallel_loop3A_1326 = arith.addf %parallel_loop3A_1316, %parallel_loop3A_1325 : vector<16xf32>
      %parallel_loop3A_1327 = arith.constant 15 : i32
      %parallel_loop3A_1328 = arith.constant 0 : i32
      %parallel_loop3A_1329 = arith.constant 0 : i32
      %parallel_loop3A_1330 = tpu.memref_slice %arg4[%parallel_loop3A_567, %parallel_loop3A_1328, %parallel_loop3A_1329] : memref<2x16x2048xf32, #tpu.memory_space<vmem>> -> memref<1x16x2048xf32, #tpu.memory_space<vmem>>
      %parallel_loop3A_1331 = tpu.memref_squeeze %parallel_loop3A_1330 : memref<1x16x2048xf32, #tpu.memory_space<vmem>> -> memref<16x2048xf32, #tpu.memory_space<vmem>>
      %parallel_loop3A_1332 = arith.index_cast %parallel_loop3A_1327 : i32 to index
      %parallel_loop3A_1333 = arith.index_cast %parallel_loop3A_1177 : i32 to index
      %parallel_loop3A_1334 = tpu.vector_load %parallel_loop3A_1331[%parallel_loop3A_1332, %parallel_loop3A_1333] {strides = array<i32>} : memref<16x2048xf32, #tpu.memory_space<vmem>>, vector<1x16xf32>,
      %parallel_loop3A_1335 = vector.shape_cast %parallel_loop3A_1334 : vector<1x16xf32> to vector<16xf32>
      %parallel_loop3A_1336 = arith.addf %parallel_loop3A_1326, %parallel_loop3A_1335 : vector<16xf32>
      %parallel_loop3A_1337 = arith.index_cast %parallel_loop3A_1177 : i32 to index
      %parallel_loop3A_1338 = tpu.vector_load %arg5[%parallel_loop3A_1337] {strides = array<i32>} : memref<2048xf32, #tpu.memory_space<vmem>>, vector<16xf32>,
      %parallel_loop3A_1339 = vector.shape_cast %parallel_loop3A_1338 : vector<16xf32> to vector<16xf32>
      %parallel_loop3A_1340 = vector.shape_cast %parallel_loop3A_1336 : vector<16xf32> to vector<16xf32>
      tpu.vector_store %arg5[%parallel_loop3A_1337], %parallel_loop3A_1340 {add = true, strides = array<i32>} : memref<2048xf32, #tpu.memory_space<vmem>>, vector<16xf32>,
    } {sc.loop_unroll_factor = 1 : i64, sc.parallel_access}
    %dma_wait3A_568 = arith.constant 0 : i32
    %dma_wait3A_569 = arith.constant 1 : i32
    %dma_wait3A_570 = arith.constant 0 : i32
    %dma_wait3A_571 = arith.constant 0 : i32
    %dma_wait3A_572 = tpu.memref_slice %arg4[%dma_wait3A_569, %dma_wait3A_570, %dma_wait3A_571] : memref<2x16x2048xf32, #tpu.memory_space<vmem>> -> memref<1x16x2048xf32, #tpu.memory_space<vmem>>
    %dma_wait3A_573 = tpu.memref_squeeze %dma_wait3A_572 : memref<1x16x2048xf32, #tpu.memory_space<vmem>> -> memref<16x2048xf32, #tpu.memory_space<vmem>>
    %dma_wait3A_574 = arith.constant 0 : i32
    %dma_wait3A_575 = tpu.memref_slice %arg2[%dma_wait3A_568, %add3A_533, %dma_wait3A_574] : memref<2x24576x2048xf32, #tpu.memory_space<hbm>> -> memref<1x16x2048xf32, #tpu.memory_space<hbm>>
    %dma_wait3A_576 = tpu.memref_squeeze %dma_wait3A_575 : memref<1x16x2048xf32, #tpu.memory_space<hbm>> -> memref<16x2048xf32, #tpu.memory_space<hbm>>
    %dma_wait3A_577 = arith.constant 0 : i32
    %dma_wait3A_578 = arith.constant 0 : i32
    %dma_wait3A_579 = tpu.memref_slice %arg4[%dma_wait3A_569, %dma_wait3A_577, %dma_wait3A_578] : memref<2x16x2048xf32, #tpu.memory_space<vmem>> -> memref<1x16x2048xf32, #tpu.memory_space<vmem>>
    %dma_wait3A_580 = tpu.memref_squeeze %dma_wait3A_579 : memref<1x16x2048xf32, #tpu.memory_space<vmem>> -> memref<16x2048xf32, #tpu.memory_space<vmem>>
    %dma_wait3A_581 = arith.constant 0 : i32
    %dma_wait3A_582 = tpu.memref_slice %arg2[%dma_wait3A_568, %add3A_533, %dma_wait3A_581] : memref<2x24576x2048xf32, #tpu.memory_space<hbm>> -> memref<1x16x2048xf32, #tpu.memory_space<hbm>>
    %dma_wait3A_583 = tpu.memref_squeeze %dma_wait3A_582 : memref<1x16x2048xf32, #tpu.memory_space<hbm>> -> memref<16x2048xf32, #tpu.memory_space<hbm>>
    tpu.wait_dma2 semaphore(%arg7 : memref<!tpu.dma_semaphore, #tpu.memory_space<semaphore_mem>>) src(%dma_wait3A_583 : memref<16x2048xf32, #tpu.memory_space<hbm>>) dst(%dma_wait3A_580 : memref<16x2048xf32, #tpu.memory_space<vmem>>)
    %parallel_loop3A_584 = arith.constant 0 : i32
    %parallel_loop3A_585 = arith.constant 128 : i32
    %parallel_loop3A_586 = arith.constant 1 : i32
    %parallel_loop3A_587 = arith.constant 1 : i32
    scf.for %parallel_loop3A_1175 = %parallel_loop3A_584 to %parallel_loop3A_585 step %parallel_loop3A_586  : i32 {
      %parallel_loop3A_1176 = arith.constant 16 : i32
      %parallel_loop3A_1177 = arith.muli %parallel_loop3A_1175, %parallel_loop3A_1176 : i32
      %parallel_loop3A_1178 = arith.constant 0 : i32
      %parallel_loop3A_1179 = arith.constant 0 : i32
      %parallel_loop3A_1180 = arith.constant 0 : i32
      %parallel_loop3A_1181 = tpu.memref_slice %arg4[%parallel_loop3A_587, %parallel_loop3A_1179, %parallel_loop3A_1180] : memref<2x16x2048xf32, #tpu.memory_space<vmem>> -> memref<1x16x2048xf32, #tpu.memory_space<vmem>>
      %parallel_loop3A_1182 = tpu.memref_squeeze %parallel_loop3A_1181 : memref<1x16x2048xf32, #tpu.memory_space<vmem>> -> memref<16x2048xf32, #tpu.memory_space<vmem>>
      %parallel_loop3A_1183 = arith.index_cast %parallel_loop3A_1178 : i32 to index
      %parallel_loop3A_1184 = arith.index_cast %parallel_loop3A_1177 : i32 to index
      %parallel_loop3A_1185 = tpu.vector_load %parallel_loop3A_1182[%parallel_loop3A_1183, %parallel_loop3A_1184] {strides = array<i32>} : memref<16x2048xf32, #tpu.memory_space<vmem>>, vector<1x16xf32>,
      %parallel_loop3A_1186 = vector.shape_cast %parallel_loop3A_1185 : vector<1x16xf32> to vector<16xf32>
      %parallel_loop3A_1187 = arith.constant 1 : i32
      %parallel_loop3A_1188 = arith.constant 0 : i32
      %parallel_loop3A_1189 = arith.constant 0 : i32
      %parallel_loop3A_1190 = tpu.memref_slice %arg4[%parallel_loop3A_587, %parallel_loop3A_1188, %parallel_loop3A_1189] : memref<2x16x2048xf32, #tpu.memory_space<vmem>> -> memref<1x16x2048xf32, #tpu.memory_space<vmem>>
      %parallel_loop3A_1191 = tpu.memref_squeeze %parallel_loop3A_1190 : memref<1x16x2048xf32, #tpu.memory_space<vmem>> -> memref<16x2048xf32, #tpu.memory_space<vmem>>
      %parallel_loop3A_1192 = arith.index_cast %parallel_loop3A_1187 : i32 to index
      %parallel_loop3A_1193 = arith.index_cast %parallel_loop3A_1177 : i32 to index
      %parallel_loop3A_1194 = tpu.vector_load %parallel_loop3A_1191[%parallel_loop3A_1192, %parallel_loop3A_1193] {strides = array<i32>} : memref<16x2048xf32, #tpu.memory_space<vmem>>, vector<1x16xf32>,
      %parallel_loop3A_1195 = vector.shape_cast %parallel_loop3A_1194 : vector<1x16xf32> to vector<16xf32>
      %parallel_loop3A_1196 = arith.addf %parallel_loop3A_1186, %parallel_loop3A_1195 : vector<16xf32>
      %parallel_loop3A_1197 = arith.constant 2 : i32
      %parallel_loop3A_1198 = arith.constant 0 : i32
      %parallel_loop3A_1199 = arith.constant 0 : i32
      %parallel_loop3A_1200 = tpu.memref_slice %arg4[%parallel_loop3A_587, %parallel_loop3A_1198, %parallel_loop3A_1199] : memref<2x16x2048xf32, #tpu.memory_space<vmem>> -> memref<1x16x2048xf32, #tpu.memory_space<vmem>>
      %parallel_loop3A_1201 = tpu.memref_squeeze %parallel_loop3A_1200 : memref<1x16x2048xf32, #tpu.memory_space<vmem>> -> memref<16x2048xf32, #tpu.memory_space<vmem>>
      %parallel_loop3A_1202 = arith.index_cast %parallel_loop3A_1197 : i32 to index
      %parallel_loop3A_1203 = arith.index_cast %parallel_loop3A_1177 : i32 to index
      %parallel_loop3A_1204 = tpu.vector_load %parallel_loop3A_1201[%parallel_loop3A_1202, %parallel_loop3A_1203] {strides = array<i32>} : memref<16x2048xf32, #tpu.memory_space<vmem>>, vector<1x16xf32>,
      %parallel_loop3A_1205 = vector.shape_cast %parallel_loop3A_1204 : vector<1x16xf32> to vector<16xf32>
      %parallel_loop3A_1206 = arith.addf %parallel_loop3A_1196, %parallel_loop3A_1205 : vector<16xf32>
      %parallel_loop3A_1207 = arith.constant 3 : i32
      %parallel_loop3A_1208 = arith.constant 0 : i32
      %parallel_loop3A_1209 = arith.constant 0 : i32
      %parallel_loop3A_1210 = tpu.memref_slice %arg4[%parallel_loop3A_587, %parallel_loop3A_1208, %parallel_loop3A_1209] : memref<2x16x2048xf32, #tpu.memory_space<vmem>> -> memref<1x16x2048xf32, #tpu.memory_space<vmem>>
      %parallel_loop3A_1211 = tpu.memref_squeeze %parallel_loop3A_1210 : memref<1x16x2048xf32, #tpu.memory_space<vmem>> -> memref<16x2048xf32, #tpu.memory_space<vmem>>
      %parallel_loop3A_1212 = arith.index_cast %parallel_loop3A_1207 : i32 to index
      %parallel_loop3A_1213 = arith.index_cast %parallel_loop3A_1177 : i32 to index
      %parallel_loop3A_1214 = tpu.vector_load %parallel_loop3A_1211[%parallel_loop3A_1212, %parallel_loop3A_1213] {strides = array<i32>} : memref<16x2048xf32, #tpu.memory_space<vmem>>, vector<1x16xf32>,
      %parallel_loop3A_1215 = vector.shape_cast %parallel_loop3A_1214 : vector<1x16xf32> to vector<16xf32>
      %parallel_loop3A_1216 = arith.addf %parallel_loop3A_1206, %parallel_loop3A_1215 : vector<16xf32>
      %parallel_loop3A_1217 = arith.constant 4 : i32
      %parallel_loop3A_1218 = arith.constant 0 : i32
      %parallel_loop3A_1219 = arith.constant 0 : i32
      %parallel_loop3A_1220 = tpu.memref_slice %arg4[%parallel_loop3A_587, %parallel_loop3A_1218, %parallel_loop3A_1219] : memref<2x16x2048xf32, #tpu.memory_space<vmem>> -> memref<1x16x2048xf32, #tpu.memory_space<vmem>>
      %parallel_loop3A_1221 = tpu.memref_squeeze %parallel_loop3A_1220 : memref<1x16x2048xf32, #tpu.memory_space<vmem>> -> memref<16x2048xf32, #tpu.memory_space<vmem>>
      %parallel_loop3A_1222 = arith.index_cast %parallel_loop3A_1217 : i32 to index
      %parallel_loop3A_1223 = arith.index_cast %parallel_loop3A_1177 : i32 to index
      %parallel_loop3A_1224 = tpu.vector_load %parallel_loop3A_1221[%parallel_loop3A_1222, %parallel_loop3A_1223] {strides = array<i32>} : memref<16x2048xf32, #tpu.memory_space<vmem>>, vector<1x16xf32>,
      %parallel_loop3A_1225 = vector.shape_cast %parallel_loop3A_1224 : vector<1x16xf32> to vector<16xf32>
      %parallel_loop3A_1226 = arith.addf %parallel_loop3A_1216, %parallel_loop3A_1225 : vector<16xf32>
      %parallel_loop3A_1227 = arith.constant 5 : i32
      %parallel_loop3A_1228 = arith.constant 0 : i32
      %parallel_loop3A_1229 = arith.constant 0 : i32
      %parallel_loop3A_1230 = tpu.memref_slice %arg4[%parallel_loop3A_587, %parallel_loop3A_1228, %parallel_loop3A_1229] : memref<2x16x2048xf32, #tpu.memory_space<vmem>> -> memref<1x16x2048xf32, #tpu.memory_space<vmem>>
      %parallel_loop3A_1231 = tpu.memref_squeeze %parallel_loop3A_1230 : memref<1x16x2048xf32, #tpu.memory_space<vmem>> -> memref<16x2048xf32, #tpu.memory_space<vmem>>
      %parallel_loop3A_1232 = arith.index_cast %parallel_loop3A_1227 : i32 to index
      %parallel_loop3A_1233 = arith.index_cast %parallel_loop3A_1177 : i32 to index
      %parallel_loop3A_1234 = tpu.vector_load %parallel_loop3A_1231[%parallel_loop3A_1232, %parallel_loop3A_1233] {strides = array<i32>} : memref<16x2048xf32, #tpu.memory_space<vmem>>, vector<1x16xf32>,
      %parallel_loop3A_1235 = vector.shape_cast %parallel_loop3A_1234 : vector<1x16xf32> to vector<16xf32>
      %parallel_loop3A_1236 = arith.addf %parallel_loop3A_1226, %parallel_loop3A_1235 : vector<16xf32>
      %parallel_loop3A_1237 = arith.constant 6 : i32
      %parallel_loop3A_1238 = arith.constant 0 : i32
      %parallel_loop3A_1239 = arith.constant 0 : i32
      %parallel_loop3A_1240 = tpu.memref_slice %arg4[%parallel_loop3A_587, %parallel_loop3A_1238, %parallel_loop3A_1239] : memref<2x16x2048xf32, #tpu.memory_space<vmem>> -> memref<1x16x2048xf32, #tpu.memory_space<vmem>>
      %parallel_loop3A_1241 = tpu.memref_squeeze %parallel_loop3A_1240 : memref<1x16x2048xf32, #tpu.memory_space<vmem>> -> memref<16x2048xf32, #tpu.memory_space<vmem>>
      %parallel_loop3A_1242 = arith.index_cast %parallel_loop3A_1237 : i32 to index
      %parallel_loop3A_1243 = arith.index_cast %parallel_loop3A_1177 : i32 to index
      %parallel_loop3A_1244 = tpu.vector_load %parallel_loop3A_1241[%parallel_loop3A_1242, %parallel_loop3A_1243] {strides = array<i32>} : memref<16x2048xf32, #tpu.memory_space<vmem>>, vector<1x16xf32>,
      %parallel_loop3A_1245 = vector.shape_cast %parallel_loop3A_1244 : vector<1x16xf32> to vector<16xf32>
      %parallel_loop3A_1246 = arith.addf %parallel_loop3A_1236, %parallel_loop3A_1245 : vector<16xf32>
      %parallel_loop3A_1247 = arith.constant 7 : i32
      %parallel_loop3A_1248 = arith.constant 0 : i32
      %parallel_loop3A_1249 = arith.constant 0 : i32
      %parallel_loop3A_1250 = tpu.memref_slice %arg4[%parallel_loop3A_587, %parallel_loop3A_1248, %parallel_loop3A_1249] : memref<2x16x2048xf32, #tpu.memory_space<vmem>> -> memref<1x16x2048xf32, #tpu.memory_space<vmem>>
      %parallel_loop3A_1251 = tpu.memref_squeeze %parallel_loop3A_1250 : memref<1x16x2048xf32, #tpu.memory_space<vmem>> -> memref<16x2048xf32, #tpu.memory_space<vmem>>
      %parallel_loop3A_1252 = arith.index_cast %parallel_loop3A_1247 : i32 to index
      %parallel_loop3A_1253 = arith.index_cast %parallel_loop3A_1177 : i32 to index
      %parallel_loop3A_1254 = tpu.vector_load %parallel_loop3A_1251[%parallel_loop3A_1252, %parallel_loop3A_1253] {strides = array<i32>} : memref<16x2048xf32, #tpu.memory_space<vmem>>, vector<1x16xf32>,
      %parallel_loop3A_1255 = vector.shape_cast %parallel_loop3A_1254 : vector<1x16xf32> to vector<16xf32>
      %parallel_loop3A_1256 = arith.addf %parallel_loop3A_1246, %parallel_loop3A_1255 : vector<16xf32>
      %parallel_loop3A_1257 = arith.constant 8 : i32
      %parallel_loop3A_1258 = arith.constant 0 : i32
      %parallel_loop3A_1259 = arith.constant 0 : i32
      %parallel_loop3A_1260 = tpu.memref_slice %arg4[%parallel_loop3A_587, %parallel_loop3A_1258, %parallel_loop3A_1259] : memref<2x16x2048xf32, #tpu.memory_space<vmem>> -> memref<1x16x2048xf32, #tpu.memory_space<vmem>>
      %parallel_loop3A_1261 = tpu.memref_squeeze %parallel_loop3A_1260 : memref<1x16x2048xf32, #tpu.memory_space<vmem>> -> memref<16x2048xf32, #tpu.memory_space<vmem>>
      %parallel_loop3A_1262 = arith.index_cast %parallel_loop3A_1257 : i32 to index
      %parallel_loop3A_1263 = arith.index_cast %parallel_loop3A_1177 : i32 to index
      %parallel_loop3A_1264 = tpu.vector_load %parallel_loop3A_1261[%parallel_loop3A_1262, %parallel_loop3A_1263] {strides = array<i32>} : memref<16x2048xf32, #tpu.memory_space<vmem>>, vector<1x16xf32>,
      %parallel_loop3A_1265 = vector.shape_cast %parallel_loop3A_1264 : vector<1x16xf32> to vector<16xf32>
      %parallel_loop3A_1266 = arith.addf %parallel_loop3A_1256, %parallel_loop3A_1265 : vector<16xf32>
      %parallel_loop3A_1267 = arith.constant 9 : i32
      %parallel_loop3A_1268 = arith.constant 0 : i32
      %parallel_loop3A_1269 = arith.constant 0 : i32
      %parallel_loop3A_1270 = tpu.memref_slice %arg4[%parallel_loop3A_587, %parallel_loop3A_1268, %parallel_loop3A_1269] : memref<2x16x2048xf32, #tpu.memory_space<vmem>> -> memref<1x16x2048xf32, #tpu.memory_space<vmem>>
      %parallel_loop3A_1271 = tpu.memref_squeeze %parallel_loop3A_1270 : memref<1x16x2048xf32, #tpu.memory_space<vmem>> -> memref<16x2048xf32, #tpu.memory_space<vmem>>
      %parallel_loop3A_1272 = arith.index_cast %parallel_loop3A_1267 : i32 to index
      %parallel_loop3A_1273 = arith.index_cast %parallel_loop3A_1177 : i32 to index
      %parallel_loop3A_1274 = tpu.vector_load %parallel_loop3A_1271[%parallel_loop3A_1272, %parallel_loop3A_1273] {strides = array<i32>} : memref<16x2048xf32, #tpu.memory_space<vmem>>, vector<1x16xf32>,
      %parallel_loop3A_1275 = vector.shape_cast %parallel_loop3A_1274 : vector<1x16xf32> to vector<16xf32>
      %parallel_loop3A_1276 = arith.addf %parallel_loop3A_1266, %parallel_loop3A_1275 : vector<16xf32>
      %parallel_loop3A_1277 = arith.constant 10 : i32
      %parallel_loop3A_1278 = arith.constant 0 : i32
      %parallel_loop3A_1279 = arith.constant 0 : i32
      %parallel_loop3A_1280 = tpu.memref_slice %arg4[%parallel_loop3A_587, %parallel_loop3A_1278, %parallel_loop3A_1279] : memref<2x16x2048xf32, #tpu.memory_space<vmem>> -> memref<1x16x2048xf32, #tpu.memory_space<vmem>>
      %parallel_loop3A_1281 = tpu.memref_squeeze %parallel_loop3A_1280 : memref<1x16x2048xf32, #tpu.memory_space<vmem>> -> memref<16x2048xf32, #tpu.memory_space<vmem>>
      %parallel_loop3A_1282 = arith.index_cast %parallel_loop3A_1277 : i32 to index
      %parallel_loop3A_1283 = arith.index_cast %parallel_loop3A_1177 : i32 to index
      %parallel_loop3A_1284 = tpu.vector_load %parallel_loop3A_1281[%parallel_loop3A_1282, %parallel_loop3A_1283] {strides = array<i32>} : memref<16x2048xf32, #tpu.memory_space<vmem>>, vector<1x16xf32>,
      %parallel_loop3A_1285 = vector.shape_cast %parallel_loop3A_1284 : vector<1x16xf32> to vector<16xf32>
      %parallel_loop3A_1286 = arith.addf %parallel_loop3A_1276, %parallel_loop3A_1285 : vector<16xf32>
      %parallel_loop3A_1287 = arith.constant 11 : i32
      %parallel_loop3A_1288 = arith.constant 0 : i32
      %parallel_loop3A_1289 = arith.constant 0 : i32
      %parallel_loop3A_1290 = tpu.memref_slice %arg4[%parallel_loop3A_587, %parallel_loop3A_1288, %parallel_loop3A_1289] : memref<2x16x2048xf32, #tpu.memory_space<vmem>> -> memref<1x16x2048xf32, #tpu.memory_space<vmem>>
      %parallel_loop3A_1291 = tpu.memref_squeeze %parallel_loop3A_1290 : memref<1x16x2048xf32, #tpu.memory_space<vmem>> -> memref<16x2048xf32, #tpu.memory_space<vmem>>
      %parallel_loop3A_1292 = arith.index_cast %parallel_loop3A_1287 : i32 to index
      %parallel_loop3A_1293 = arith.index_cast %parallel_loop3A_1177 : i32 to index
      %parallel_loop3A_1294 = tpu.vector_load %parallel_loop3A_1291[%parallel_loop3A_1292, %parallel_loop3A_1293] {strides = array<i32>} : memref<16x2048xf32, #tpu.memory_space<vmem>>, vector<1x16xf32>,
      %parallel_loop3A_1295 = vector.shape_cast %parallel_loop3A_1294 : vector<1x16xf32> to vector<16xf32>
      %parallel_loop3A_1296 = arith.addf %parallel_loop3A_1286, %parallel_loop3A_1295 : vector<16xf32>
      %parallel_loop3A_1297 = arith.constant 12 : i32
      %parallel_loop3A_1298 = arith.constant 0 : i32
      %parallel_loop3A_1299 = arith.constant 0 : i32
      %parallel_loop3A_1300 = tpu.memref_slice %arg4[%parallel_loop3A_587, %parallel_loop3A_1298, %parallel_loop3A_1299] : memref<2x16x2048xf32, #tpu.memory_space<vmem>> -> memref<1x16x2048xf32, #tpu.memory_space<vmem>>
      %parallel_loop3A_1301 = tpu.memref_squeeze %parallel_loop3A_1300 : memref<1x16x2048xf32, #tpu.memory_space<vmem>> -> memref<16x2048xf32, #tpu.memory_space<vmem>>
      %parallel_loop3A_1302 = arith.index_cast %parallel_loop3A_1297 : i32 to index
      %parallel_loop3A_1303 = arith.index_cast %parallel_loop3A_1177 : i32 to index
      %parallel_loop3A_1304 = tpu.vector_load %parallel_loop3A_1301[%parallel_loop3A_1302, %parallel_loop3A_1303] {strides = array<i32>} : memref<16x2048xf32, #tpu.memory_space<vmem>>, vector<1x16xf32>,
      %parallel_loop3A_1305 = vector.shape_cast %parallel_loop3A_1304 : vector<1x16xf32> to vector<16xf32>
      %parallel_loop3A_1306 = arith.addf %parallel_loop3A_1296, %parallel_loop3A_1305 : vector<16xf32>
      %parallel_loop3A_1307 = arith.constant 13 : i32
      %parallel_loop3A_1308 = arith.constant 0 : i32
      %parallel_loop3A_1309 = arith.constant 0 : i32
      %parallel_loop3A_1310 = tpu.memref_slice %arg4[%parallel_loop3A_587, %parallel_loop3A_1308, %parallel_loop3A_1309] : memref<2x16x2048xf32, #tpu.memory_space<vmem>> -> memref<1x16x2048xf32, #tpu.memory_space<vmem>>
      %parallel_loop3A_1311 = tpu.memref_squeeze %parallel_loop3A_1310 : memref<1x16x2048xf32, #tpu.memory_space<vmem>> -> memref<16x2048xf32, #tpu.memory_space<vmem>>
      %parallel_loop3A_1312 = arith.index_cast %parallel_loop3A_1307 : i32 to index
      %parallel_loop3A_1313 = arith.index_cast %parallel_loop3A_1177 : i32 to index
      %parallel_loop3A_1314 = tpu.vector_load %parallel_loop3A_1311[%parallel_loop3A_1312, %parallel_loop3A_1313] {strides = array<i32>} : memref<16x2048xf32, #tpu.memory_space<vmem>>, vector<1x16xf32>,
      %parallel_loop3A_1315 = vector.shape_cast %parallel_loop3A_1314 : vector<1x16xf32> to vector<16xf32>
      %parallel_loop3A_1316 = arith.addf %parallel_loop3A_1306, %parallel_loop3A_1315 : vector<16xf32>
      %parallel_loop3A_1317 = arith.constant 14 : i32
      %parallel_loop3A_1318 = arith.constant 0 : i32
      %parallel_loop3A_1319 = arith.constant 0 : i32
      %parallel_loop3A_1320 = tpu.memref_slice %arg4[%parallel_loop3A_587, %parallel_loop3A_1318, %parallel_loop3A_1319] : memref<2x16x2048xf32, #tpu.memory_space<vmem>> -> memref<1x16x2048xf32, #tpu.memory_space<vmem>>
      %parallel_loop3A_1321 = tpu.memref_squeeze %parallel_loop3A_1320 : memref<1x16x2048xf32, #tpu.memory_space<vmem>> -> memref<16x2048xf32, #tpu.memory_space<vmem>>
      %parallel_loop3A_1322 = arith.index_cast %parallel_loop3A_1317 : i32 to index
      %parallel_loop3A_1323 = arith.index_cast %parallel_loop3A_1177 : i32 to index
      %parallel_loop3A_1324 = tpu.vector_load %parallel_loop3A_1321[%parallel_loop3A_1322, %parallel_loop3A_1323] {strides = array<i32>} : memref<16x2048xf32, #tpu.memory_space<vmem>>, vector<1x16xf32>,
      %parallel_loop3A_1325 = vector.shape_cast %parallel_loop3A_1324 : vector<1x16xf32> to vector<16xf32>
      %parallel_loop3A_1326 = arith.addf %parallel_loop3A_1316, %parallel_loop3A_1325 : vector<16xf32>
      %parallel_loop3A_1327 = arith.constant 15 : i32
      %parallel_loop3A_1328 = arith.constant 0 : i32
      %parallel_loop3A_1329 = arith.constant 0 : i32
      %parallel_loop3A_1330 = tpu.memref_slice %arg4[%parallel_loop3A_587, %parallel_loop3A_1328, %parallel_loop3A_1329] : memref<2x16x2048xf32, #tpu.memory_space<vmem>> -> memref<1x16x2048xf32, #tpu.memory_space<vmem>>
      %parallel_loop3A_1331 = tpu.memref_squeeze %parallel_loop3A_1330 : memref<1x16x2048xf32, #tpu.memory_space<vmem>> -> memref<16x2048xf32, #tpu.memory_space<vmem>>
      %parallel_loop3A_1332 = arith.index_cast %parallel_loop3A_1327 : i32 to index
      %parallel_loop3A_1333 = arith.index_cast %parallel_loop3A_1177 : i32 to index
      %parallel_loop3A_1334 = tpu.vector_load %parallel_loop3A_1331[%parallel_loop3A_1332, %parallel_loop3A_1333] {strides = array<i32>} : memref<16x2048xf32, #tpu.memory_space<vmem>>, vector<1x16xf32>,
      %parallel_loop3A_1335 = vector.shape_cast %parallel_loop3A_1334 : vector<1x16xf32> to vector<16xf32>
      %parallel_loop3A_1336 = arith.addf %parallel_loop3A_1326, %parallel_loop3A_1335 : vector<16xf32>
      %parallel_loop3A_1337 = arith.index_cast %parallel_loop3A_1177 : i32 to index
      %parallel_loop3A_1338 = tpu.vector_load %arg5[%parallel_loop3A_1337] {strides = array<i32>} : memref<2048xf32, #tpu.memory_space<vmem>>, vector<16xf32>,
      %parallel_loop3A_1339 = vector.shape_cast %parallel_loop3A_1338 : vector<16xf32> to vector<16xf32>
      %parallel_loop3A_1340 = vector.shape_cast %parallel_loop3A_1336 : vector<16xf32> to vector<16xf32>
      tpu.vector_store %arg5[%parallel_loop3A_1337], %parallel_loop3A_1340 {add = true, strides = array<i32>} : memref<2048xf32, #tpu.memory_space<vmem>>, vector<16xf32>,
    } {sc.loop_unroll_factor = 1 : i64, sc.parallel_access}
    %run_scoped3A = arith.constant 0 : i32
    "tpu.region"() ({
      %run_scoped3A_1175 = tpu.sem_alloc : memref<!tpu.dma_semaphore, #tpu.memory_space<semaphore_mem>>
      %dma_start3A_1176 = arith.constant 0 : i32
      %dma_start3A_1177 = tpu.memref_slice %arg3[%run_scoped3A, %add3A, %dma_start3A_1176] : memref<2x32x2048xf32, #tpu.memory_space<hbm>> -> memref<1x1x2048xf32, #tpu.memory_space<hbm>>
      %dma_start3A_1178 = tpu.memref_squeeze %dma_start3A_1177 : memref<1x1x2048xf32, #tpu.memory_space<hbm>> -> memref<2048xf32, #tpu.memory_space<hbm>>
      %dma_start3A_1179 = arith.constant 0 : i32
      %dma_start3A_1180 = tpu.memref_slice %arg3[%run_scoped3A, %add3A, %dma_start3A_1179] : memref<2x32x2048xf32, #tpu.memory_space<hbm>> -> memref<1x1x2048xf32, #tpu.memory_space<hbm>>
      %dma_start3A_1181 = tpu.memref_squeeze %dma_start3A_1180 : memref<1x1x2048xf32, #tpu.memory_space<hbm>> -> memref<2048xf32, #tpu.memory_space<hbm>>
      tpu.enqueue_dma source(%arg5 : memref<2048xf32, #tpu.memory_space<vmem>>) target(%dma_start3A_1181 : memref<2048xf32, #tpu.memory_space<hbm>>) target_semaphore(%run_scoped3A_1175 : memref<!tpu.dma_semaphore, #tpu.memory_space<semaphore_mem>>)
      %dma_wait3A_1182 = arith.constant 0 : i32
      %dma_wait3A_1183 = tpu.memref_slice %arg3[%run_scoped3A, %add3A, %dma_wait3A_1182] : memref<2x32x2048xf32, #tpu.memory_space<hbm>> -> memref<1x1x2048xf32, #tpu.memory_space<hbm>>
      %dma_wait3A_1184 = tpu.memref_squeeze %dma_wait3A_1183 : memref<1x1x2048xf32, #tpu.memory_space<hbm>> -> memref<2048xf32, #tpu.memory_space<hbm>>
      %dma_wait3A_1185 = arith.constant 0 : i32
      %dma_wait3A_1186 = tpu.memref_slice %arg3[%run_scoped3A, %add3A, %dma_wait3A_1185] : memref<2x32x2048xf32, #tpu.memory_space<hbm>> -> memref<1x1x2048xf32, #tpu.memory_space<hbm>>
      %dma_wait3A_1187 = tpu.memref_squeeze %dma_wait3A_1186 : memref<1x1x2048xf32, #tpu.memory_space<hbm>> -> memref<2048xf32, #tpu.memory_space<hbm>>
      tpu.wait_dma2 semaphore(%run_scoped3A_1175 : memref<!tpu.dma_semaphore, #tpu.memory_space<semaphore_mem>>) src(%arg5 : memref<2048xf32, #tpu.memory_space<vmem>>) dst(%dma_wait3A_1187 : memref<2048xf32, #tpu.memory_space<hbm>>)
      tpu.yield
    }) : () -> ()
    %swap3A_588 = arith.constant 0 : index
    %swap3A_589 = tpu.vector_load %arg5[%swap3A_588] {strides = array<i32>} : memref<2048xf32, #tpu.memory_space<vmem>>, vector<16xf32>,
    %swap3A_590 = vector.shape_cast %swap3A_589 : vector<16xf32> to vector<16xf32>
    %swap3A_591 = vector.shape_cast %broadcast_in_dim3A_5 : vector<16xf32> to vector<16xf32>
    tpu.vector_store %arg5[%swap3A_588], %swap3A_591 {strides = array<i32>} : memref<2048xf32, #tpu.memory_space<vmem>>, vector<16xf32>,
    %swap3A_592 = arith.constant 16 : index
    %swap3A_593 = tpu.vector_load %arg5[%swap3A_592] {strides = array<i32>} : memref<2048xf32, #tpu.memory_space<vmem>>, vector<16xf32>,
    %swap3A_594 = vector.shape_cast %swap3A_593 : vector<16xf32> to vector<16xf32>
    %swap3A_595 = vector.shape_cast %broadcast_in_dim3A_5 : vector<16xf32> to vector<16xf32>
    tpu.vector_store %arg5[%swap3A_592], %swap3A_595 {strides = array<i32>} : memref<2048xf32, #tpu.memory_space<vmem>>, vector<16xf32>,
    %swap3A_596 = arith.constant 32 : index
    %swap3A_597 = tpu.vector_load %arg5[%swap3A_596] {strides = array<i32>} : memref<2048xf32, #tpu.memory_space<vmem>>, vector<16xf32>,
    %swap3A_598 = vector.shape_cast %swap3A_597 : vector<16xf32> to vector<16xf32>
    %swap3A_599 = vector.shape_cast %broadcast_in_dim3A_5 : vector<16xf32> to vector<16xf32>
    tpu.vector_store %arg5[%swap3A_596], %swap3A_599 {strides = array<i32>} : memref<2048xf32, #tpu.memory_space<vmem>>, vector<16xf32>,
    %swap3A_600 = arith.constant 48 : index
    %swap3A_601 = tpu.vector_load %arg5[%swap3A_600] {strides = array<i32>} : memref<2048xf32, #tpu.memory_space<vmem>>, vector<16xf32>,
    %swap3A_602 = vector.shape_cast %swap3A_601 : vector<16xf32> to vector<16xf32>
    %swap3A_603 = vector.shape_cast %broadcast_in_dim3A_5 : vector<16xf32> to vector<16xf32>
    tpu.vector_store %arg5[%swap3A_600], %swap3A_603 {strides = array<i32>} : memref<2048xf32, #tpu.memory_space<vmem>>, vector<16xf32>,
    %swap3A_604 = arith.constant 64 : index
    %swap3A_605 = tpu.vector_load %arg5[%swap3A_604] {strides = array<i32>} : memref<2048xf32, #tpu.memory_space<vmem>>, vector<16xf32>,
    %swap3A_606 = vector.shape_cast %swap3A_605 : vector<16xf32> to vector<16xf32>
    %swap3A_607 = vector.shape_cast %broadcast_in_dim3A_5 : vector<16xf32> to vector<16xf32>
    tpu.vector_store %arg5[%swap3A_604], %swap3A_607 {strides = array<i32>} : memref<2048xf32, #tpu.memory_space<vmem>>, vector<16xf32>,
    %swap3A_608 = arith.constant 80 : index
    %swap3A_609 = tpu.vector_load %arg5[%swap3A_608] {strides = array<i32>} : memref<2048xf32, #tpu.memory_space<vmem>>, vector<16xf32>,
    %swap3A_610 = vector.shape_cast %swap3A_609 : vector<16xf32> to vector<16xf32>
    %swap3A_611 = vector.shape_cast %broadcast_in_dim3A_5 : vector<16xf32> to vector<16xf32>
    tpu.vector_store %arg5[%swap3A_608], %swap3A_611 {strides = array<i32>} : memref<2048xf32, #tpu.memory_space<vmem>>, vector<16xf32>,
    %swap3A_612 = arith.constant 96 : index
    %swap3A_613 = tpu.vector_load %arg5[%swap3A_612] {strides = array<i32>} : memref<2048xf32, #tpu.memory_space<vmem>>, vector<16xf32>,
    %swap3A_614 = vector.shape_cast %swap3A_613 : vector<16xf32> to vector<16xf32>
    %swap3A_615 = vector.shape_cast %broadcast_in_dim3A_5 : vector<16xf32> to vector<16xf32>
    tpu.vector_store %arg5[%swap3A_612], %swap3A_615 {strides = array<i32>} : memref<2048xf32, #tpu.memory_space<vmem>>, vector<16xf32>,
    %swap3A_616 = arith.constant 112 : index
    %swap3A_617 = tpu.vector_load %arg5[%swap3A_616] {strides = array<i32>} : memref<2048xf32, #tpu.memory_space<vmem>>, vector<16xf32>,
    %swap3A_618 = vector.shape_cast %swap3A_617 : vector<16xf32> to vector<16xf32>
    %swap3A_619 = vector.shape_cast %broadcast_in_dim3A_5 : vector<16xf32> to vector<16xf32>
    tpu.vector_store %arg5[%swap3A_616], %swap3A_619 {strides = array<i32>} : memref<2048xf32, #tpu.memory_space<vmem>>, vector<16xf32>,
    %swap3A_620 = arith.constant 128 : index
    %swap3A_621 = tpu.vector_load %arg5[%swap3A_620] {strides = array<i32>} : memref<2048xf32, #tpu.memory_space<vmem>>, vector<16xf32>,
    %swap3A_622 = vector.shape_cast %swap3A_621 : vector<16xf32> to vector<16xf32>
    %swap3A_623 = vector.shape_cast %broadcast_in_dim3A_5 : vector<16xf32> to vector<16xf32>
    tpu.vector_store %arg5[%swap3A_620], %swap3A_623 {strides = array<i32>} : memref<2048xf32, #tpu.memory_space<vmem>>, vector<16xf32>,
    %swap3A_624 = arith.constant 144 : index
    %swap3A_625 = tpu.vector_load %arg5[%swap3A_624] {strides = array<i32>} : memref<2048xf32, #tpu.memory_space<vmem>>, vector<16xf32>,
    %swap3A_626 = vector.shape_cast %swap3A_625 : vector<16xf32> to vector<16xf32>
    %swap3A_627 = vector.shape_cast %broadcast_in_dim3A_5 : vector<16xf32> to vector<16xf32>
    tpu.vector_store %arg5[%swap3A_624], %swap3A_627 {strides = array<i32>} : memref<2048xf32, #tpu.memory_space<vmem>>, vector<16xf32>,
    %swap3A_628 = arith.constant 160 : index
    %swap3A_629 = tpu.vector_load %arg5[%swap3A_628] {strides = array<i32>} : memref<2048xf32, #tpu.memory_space<vmem>>, vector<16xf32>,
    %swap3A_630 = vector.shape_cast %swap3A_629 : vector<16xf32> to vector<16xf32>
    %swap3A_631 = vector.shape_cast %broadcast_in_dim3A_5 : vector<16xf32> to vector<16xf32>
    tpu.vector_store %arg5[%swap3A_628], %swap3A_631 {strides = array<i32>} : memref<2048xf32, #tpu.memory_space<vmem>>, vector<16xf32>,
    %swap3A_632 = arith.constant 176 : index
    %swap3A_633 = tpu.vector_load %arg5[%swap3A_632] {strides = array<i32>} : memref<2048xf32, #tpu.memory_space<vmem>>, vector<16xf32>,
    %swap3A_634 = vector.shape_cast %swap3A_633 : vector<16xf32> to vector<16xf32>
    %swap3A_635 = vector.shape_cast %broadcast_in_dim3A_5 : vector<16xf32> to vector<16xf32>
    tpu.vector_store %arg5[%swap3A_632], %swap3A_635 {strides = array<i32>} : memref<2048xf32, #tpu.memory_space<vmem>>, vector<16xf32>,
    %swap3A_636 = arith.constant 192 : index
    %swap3A_637 = tpu.vector_load %arg5[%swap3A_636] {strides = array<i32>} : memref<2048xf32, #tpu.memory_space<vmem>>, vector<16xf32>,
    %swap3A_638 = vector.shape_cast %swap3A_637 : vector<16xf32> to vector<16xf32>
    %swap3A_639 = vector.shape_cast %broadcast_in_dim3A_5 : vector<16xf32> to vector<16xf32>
    tpu.vector_store %arg5[%swap3A_636], %swap3A_639 {strides = array<i32>} : memref<2048xf32, #tpu.memory_space<vmem>>, vector<16xf32>,
    %swap3A_640 = arith.constant 208 : index
    %swap3A_641 = tpu.vector_load %arg5[%swap3A_640] {strides = array<i32>} : memref<2048xf32, #tpu.memory_space<vmem>>, vector<16xf32>,
    %swap3A_642 = vector.shape_cast %swap3A_641 : vector<16xf32> to vector<16xf32>
    %swap3A_643 = vector.shape_cast %broadcast_in_dim3A_5 : vector<16xf32> to vector<16xf32>
    tpu.vector_store %arg5[%swap3A_640], %swap3A_643 {strides = array<i32>} : memref<2048xf32, #tpu.memory_space<vmem>>, vector<16xf32>,
    %swap3A_644 = arith.constant 224 : index
    %swap3A_645 = tpu.vector_load %arg5[%swap3A_644] {strides = array<i32>} : memref<2048xf32, #tpu.memory_space<vmem>>, vector<16xf32>,
    %swap3A_646 = vector.shape_cast %swap3A_645 : vector<16xf32> to vector<16xf32>
    %swap3A_647 = vector.shape_cast %broadcast_in_dim3A_5 : vector<16xf32> to vector<16xf32>
    tpu.vector_store %arg5[%swap3A_644], %swap3A_647 {strides = array<i32>} : memref<2048xf32, #tpu.memory_space<vmem>>, vector<16xf32>,
    %swap3A_648 = arith.constant 240 : index
    %swap3A_649 = tpu.vector_load %arg5[%swap3A_648] {strides = array<i32>} : memref<2048xf32, #tpu.memory_space<vmem>>, vector<16xf32>,
    %swap3A_650 = vector.shape_cast %swap3A_649 : vector<16xf32> to vector<16xf32>
    %swap3A_651 = vector.shape_cast %broadcast_in_dim3A_5 : vector<16xf32> to vector<16xf32>
    tpu.vector_store %arg5[%swap3A_648], %swap3A_651 {strides = array<i32>} : memref<2048xf32, #tpu.memory_space<vmem>>, vector<16xf32>,
    %swap3A_652 = arith.constant 256 : index
    %swap3A_653 = tpu.vector_load %arg5[%swap3A_652] {strides = array<i32>} : memref<2048xf32, #tpu.memory_space<vmem>>, vector<16xf32>,
    %swap3A_654 = vector.shape_cast %swap3A_653 : vector<16xf32> to vector<16xf32>
    %swap3A_655 = vector.shape_cast %broadcast_in_dim3A_5 : vector<16xf32> to vector<16xf32>
    tpu.vector_store %arg5[%swap3A_652], %swap3A_655 {strides = array<i32>} : memref<2048xf32, #tpu.memory_space<vmem>>, vector<16xf32>,
    %swap3A_656 = arith.constant 272 : index
    %swap3A_657 = tpu.vector_load %arg5[%swap3A_656] {strides = array<i32>} : memref<2048xf32, #tpu.memory_space<vmem>>, vector<16xf32>,
    %swap3A_658 = vector.shape_cast %swap3A_657 : vector<16xf32> to vector<16xf32>
    %swap3A_659 = vector.shape_cast %broadcast_in_dim3A_5 : vector<16xf32> to vector<16xf32>
    tpu.vector_store %arg5[%swap3A_656], %swap3A_659 {strides = array<i32>} : memref<2048xf32, #tpu.memory_space<vmem>>, vector<16xf32>,
    %swap3A_660 = arith.constant 288 : index
    %swap3A_661 = tpu.vector_load %arg5[%swap3A_660] {strides = array<i32>} : memref<2048xf32, #tpu.memory_space<vmem>>, vector<16xf32>,
    %swap3A_662 = vector.shape_cast %swap3A_661 : vector<16xf32> to vector<16xf32>
    %swap3A_663 = vector.shape_cast %broadcast_in_dim3A_5 : vector<16xf32> to vector<16xf32>
    tpu.vector_store %arg5[%swap3A_660], %swap3A_663 {strides = array<i32>} : memref<2048xf32, #tpu.memory_space<vmem>>, vector<16xf32>,
    %swap3A_664 = arith.constant 304 : index
    %swap3A_665 = tpu.vector_load %arg5[%swap3A_664] {strides = array<i32>} : memref<2048xf32, #tpu.memory_space<vmem>>, vector<16xf32>,
    %swap3A_666 = vector.shape_cast %swap3A_665 : vector<16xf32> to vector<16xf32>
    %swap3A_667 = vector.shape_cast %broadcast_in_dim3A_5 : vector<16xf32> to vector<16xf32>
    tpu.vector_store %arg5[%swap3A_664], %swap3A_667 {strides = array<i32>} : memref<2048xf32, #tpu.memory_space<vmem>>, vector<16xf32>,
    %swap3A_668 = arith.constant 320 : index
    %swap3A_669 = tpu.vector_load %arg5[%swap3A_668] {strides = array<i32>} : memref<2048xf32, #tpu.memory_space<vmem>>, vector<16xf32>,
    %swap3A_670 = vector.shape_cast %swap3A_669 : vector<16xf32> to vector<16xf32>
    %swap3A_671 = vector.shape_cast %broadcast_in_dim3A_5 : vector<16xf32> to vector<16xf32>
    tpu.vector_store %arg5[%swap3A_668], %swap3A_671 {strides = array<i32>} : memref<2048xf32, #tpu.memory_space<vmem>>, vector<16xf32>,
    %swap3A_672 = arith.constant 336 : index
    %swap3A_673 = tpu.vector_load %arg5[%swap3A_672] {strides = array<i32>} : memref<2048xf32, #tpu.memory_space<vmem>>, vector<16xf32>,
    %swap3A_674 = vector.shape_cast %swap3A_673 : vector<16xf32> to vector<16xf32>
    %swap3A_675 = vector.shape_cast %broadcast_in_dim3A_5 : vector<16xf32> to vector<16xf32>
    tpu.vector_store %arg5[%swap3A_672], %swap3A_675 {strides = array<i32>} : memref<2048xf32, #tpu.memory_space<vmem>>, vector<16xf32>,
    %swap3A_676 = arith.constant 352 : index
    %swap3A_677 = tpu.vector_load %arg5[%swap3A_676] {strides = array<i32>} : memref<2048xf32, #tpu.memory_space<vmem>>, vector<16xf32>,
    %swap3A_678 = vector.shape_cast %swap3A_677 : vector<16xf32> to vector<16xf32>
    %swap3A_679 = vector.shape_cast %broadcast_in_dim3A_5 : vector<16xf32> to vector<16xf32>
    tpu.vector_store %arg5[%swap3A_676], %swap3A_679 {strides = array<i32>} : memref<2048xf32, #tpu.memory_space<vmem>>, vector<16xf32>,
    %swap3A_680 = arith.constant 368 : index
    %swap3A_681 = tpu.vector_load %arg5[%swap3A_680] {strides = array<i32>} : memref<2048xf32, #tpu.memory_space<vmem>>, vector<16xf32>,
    %swap3A_682 = vector.shape_cast %swap3A_681 : vector<16xf32> to vector<16xf32>
    %swap3A_683 = vector.shape_cast %broadcast_in_dim3A_5 : vector<16xf32> to vector<16xf32>
    tpu.vector_store %arg5[%swap3A_680], %swap3A_683 {strides = array<i32>} : memref<2048xf32, #tpu.memory_space<vmem>>, vector<16xf32>,
    %swap3A_684 = arith.constant 384 : index
    %swap3A_685 = tpu.vector_load %arg5[%swap3A_684] {strides = array<i32>} : memref<2048xf32, #tpu.memory_space<vmem>>, vector<16xf32>,
    %swap3A_686 = vector.shape_cast %swap3A_685 : vector<16xf32> to vector<16xf32>
    %swap3A_687 = vector.shape_cast %broadcast_in_dim3A_5 : vector<16xf32> to vector<16xf32>
    tpu.vector_store %arg5[%swap3A_684], %swap3A_687 {strides = array<i32>} : memref<2048xf32, #tpu.memory_space<vmem>>, vector<16xf32>,
    %swap3A_688 = arith.constant 400 : index
    %swap3A_689 = tpu.vector_load %arg5[%swap3A_688] {strides = array<i32>} : memref<2048xf32, #tpu.memory_space<vmem>>, vector<16xf32>,
    %swap3A_690 = vector.shape_cast %swap3A_689 : vector<16xf32> to vector<16xf32>
    %swap3A_691 = vector.shape_cast %broadcast_in_dim3A_5 : vector<16xf32> to vector<16xf32>
    tpu.vector_store %arg5[%swap3A_688], %swap3A_691 {strides = array<i32>} : memref<2048xf32, #tpu.memory_space<vmem>>, vector<16xf32>,
    %swap3A_692 = arith.constant 416 : index
    %swap3A_693 = tpu.vector_load %arg5[%swap3A_692] {strides = array<i32>} : memref<2048xf32, #tpu.memory_space<vmem>>, vector<16xf32>,
    %swap3A_694 = vector.shape_cast %swap3A_693 : vector<16xf32> to vector<16xf32>
    %swap3A_695 = vector.shape_cast %broadcast_in_dim3A_5 : vector<16xf32> to vector<16xf32>
    tpu.vector_store %arg5[%swap3A_692], %swap3A_695 {strides = array<i32>} : memref<2048xf32, #tpu.memory_space<vmem>>, vector<16xf32>,
    %swap3A_696 = arith.constant 432 : index
    %swap3A_697 = tpu.vector_load %arg5[%swap3A_696] {strides = array<i32>} : memref<2048xf32, #tpu.memory_space<vmem>>, vector<16xf32>,
    %swap3A_698 = vector.shape_cast %swap3A_697 : vector<16xf32> to vector<16xf32>
    %swap3A_699 = vector.shape_cast %broadcast_in_dim3A_5 : vector<16xf32> to vector<16xf32>
    tpu.vector_store %arg5[%swap3A_696], %swap3A_699 {strides = array<i32>} : memref<2048xf32, #tpu.memory_space<vmem>>, vector<16xf32>,
    %swap3A_700 = arith.constant 448 : index
    %swap3A_701 = tpu.vector_load %arg5[%swap3A_700] {strides = array<i32>} : memref<2048xf32, #tpu.memory_space<vmem>>, vector<16xf32>,
    %swap3A_702 = vector.shape_cast %swap3A_701 : vector<16xf32> to vector<16xf32>
    %swap3A_703 = vector.shape_cast %broadcast_in_dim3A_5 : vector<16xf32> to vector<16xf32>
    tpu.vector_store %arg5[%swap3A_700], %swap3A_703 {strides = array<i32>} : memref<2048xf32, #tpu.memory_space<vmem>>, vector<16xf32>,
    %swap3A_704 = arith.constant 464 : index
    %swap3A_705 = tpu.vector_load %arg5[%swap3A_704] {strides = array<i32>} : memref<2048xf32, #tpu.memory_space<vmem>>, vector<16xf32>,
    %swap3A_706 = vector.shape_cast %swap3A_705 : vector<16xf32> to vector<16xf32>
    %swap3A_707 = vector.shape_cast %broadcast_in_dim3A_5 : vector<16xf32> to vector<16xf32>
    tpu.vector_store %arg5[%swap3A_704], %swap3A_707 {strides = array<i32>} : memref<2048xf32, #tpu.memory_space<vmem>>, vector<16xf32>,
    %swap3A_708 = arith.constant 480 : index
    %swap3A_709 = tpu.vector_load %arg5[%swap3A_708] {strides = array<i32>} : memref<2048xf32, #tpu.memory_space<vmem>>, vector<16xf32>,
    %swap3A_710 = vector.shape_cast %swap3A_709 : vector<16xf32> to vector<16xf32>
    %swap3A_711 = vector.shape_cast %broadcast_in_dim3A_5 : vector<16xf32> to vector<16xf32>
    tpu.vector_store %arg5[%swap3A_708], %swap3A_711 {strides = array<i32>} : memref<2048xf32, #tpu.memory_space<vmem>>, vector<16xf32>,
    %swap3A_712 = arith.constant 496 : index
    %swap3A_713 = tpu.vector_load %arg5[%swap3A_712] {strides = array<i32>} : memref<2048xf32, #tpu.memory_space<vmem>>, vector<16xf32>,
    %swap3A_714 = vector.shape_cast %swap3A_713 : vector<16xf32> to vector<16xf32>
    %swap3A_715 = vector.shape_cast %broadcast_in_dim3A_5 : vector<16xf32> to vector<16xf32>
    tpu.vector_store %arg5[%swap3A_712], %swap3A_715 {strides = array<i32>} : memref<2048xf32, #tpu.memory_space<vmem>>, vector<16xf32>,
    %swap3A_716 = arith.constant 512 : index
    %swap3A_717 = tpu.vector_load %arg5[%swap3A_716] {strides = array<i32>} : memref<2048xf32, #tpu.memory_space<vmem>>, vector<16xf32>,
    %swap3A_718 = vector.shape_cast %swap3A_717 : vector<16xf32> to vector<16xf32>
    %swap3A_719 = vector.shape_cast %broadcast_in_dim3A_5 : vector<16xf32> to vector<16xf32>
    tpu.vector_store %arg5[%swap3A_716], %swap3A_719 {strides = array<i32>} : memref<2048xf32, #tpu.memory_space<vmem>>, vector<16xf32>,
    %swap3A_720 = arith.constant 528 : index
    %swap3A_721 = tpu.vector_load %arg5[%swap3A_720] {strides = array<i32>} : memref<2048xf32, #tpu.memory_space<vmem>>, vector<16xf32>,
    %swap3A_722 = vector.shape_cast %swap3A_721 : vector<16xf32> to vector<16xf32>
    %swap3A_723 = vector.shape_cast %broadcast_in_dim3A_5 : vector<16xf32> to vector<16xf32>
    tpu.vector_store %arg5[%swap3A_720], %swap3A_723 {strides = array<i32>} : memref<2048xf32, #tpu.memory_space<vmem>>, vector<16xf32>,
    %swap3A_724 = arith.constant 544 : index
    %swap3A_725 = tpu.vector_load %arg5[%swap3A_724] {strides = array<i32>} : memref<2048xf32, #tpu.memory_space<vmem>>, vector<16xf32>,
    %swap3A_726 = vector.shape_cast %swap3A_725 : vector<16xf32> to vector<16xf32>
    %swap3A_727 = vector.shape_cast %broadcast_in_dim3A_5 : vector<16xf32> to vector<16xf32>
    tpu.vector_store %arg5[%swap3A_724], %swap3A_727 {strides = array<i32>} : memref<2048xf32, #tpu.memory_space<vmem>>, vector<16xf32>,
    %swap3A_728 = arith.constant 560 : index
    %swap3A_729 = tpu.vector_load %arg5[%swap3A_728] {strides = array<i32>} : memref<2048xf32, #tpu.memory_space<vmem>>, vector<16xf32>,
    %swap3A_730 = vector.shape_cast %swap3A_729 : vector<16xf32> to vector<16xf32>
    %swap3A_731 = vector.shape_cast %broadcast_in_dim3A_5 : vector<16xf32> to vector<16xf32>
    tpu.vector_store %arg5[%swap3A_728], %swap3A_731 {strides = array<i32>} : memref<2048xf32, #tpu.memory_space<vmem>>, vector<16xf32>,
    %swap3A_732 = arith.constant 576 : index
    %swap3A_733 = tpu.vector_load %arg5[%swap3A_732] {strides = array<i32>} : memref<2048xf32, #tpu.memory_space<vmem>>, vector<16xf32>,
    %swap3A_734 = vector.shape_cast %swap3A_733 : vector<16xf32> to vector<16xf32>
    %swap3A_735 = vector.shape_cast %broadcast_in_dim3A_5 : vector<16xf32> to vector<16xf32>
    tpu.vector_store %arg5[%swap3A_732], %swap3A_735 {strides = array<i32>} : memref<2048xf32, #tpu.memory_space<vmem>>, vector<16xf32>,
    %swap3A_736 = arith.constant 592 : index
    %swap3A_737 = tpu.vector_load %arg5[%swap3A_736] {strides = array<i32>} : memref<2048xf32, #tpu.memory_space<vmem>>, vector<16xf32>,
    %swap3A_738 = vector.shape_cast %swap3A_737 : vector<16xf32> to vector<16xf32>
    %swap3A_739 = vector.shape_cast %broadcast_in_dim3A_5 : vector<16xf32> to vector<16xf32>
    tpu.vector_store %arg5[%swap3A_736], %swap3A_739 {strides = array<i32>} : memref<2048xf32, #tpu.memory_space<vmem>>, vector<16xf32>,
    %swap3A_740 = arith.constant 608 : index
    %swap3A_741 = tpu.vector_load %arg5[%swap3A_740] {strides = array<i32>} : memref<2048xf32, #tpu.memory_space<vmem>>, vector<16xf32>,
    %swap3A_742 = vector.shape_cast %swap3A_741 : vector<16xf32> to vector<16xf32>
    %swap3A_743 = vector.shape_cast %broadcast_in_dim3A_5 : vector<16xf32> to vector<16xf32>
    tpu.vector_store %arg5[%swap3A_740], %swap3A_743 {strides = array<i32>} : memref<2048xf32, #tpu.memory_space<vmem>>, vector<16xf32>,
    %swap3A_744 = arith.constant 624 : index
    %swap3A_745 = tpu.vector_load %arg5[%swap3A_744] {strides = array<i32>} : memref<2048xf32, #tpu.memory_space<vmem>>, vector<16xf32>,
    %swap3A_746 = vector.shape_cast %swap3A_745 : vector<16xf32> to vector<16xf32>
    %swap3A_747 = vector.shape_cast %broadcast_in_dim3A_5 : vector<16xf32> to vector<16xf32>
    tpu.vector_store %arg5[%swap3A_744], %swap3A_747 {strides = array<i32>} : memref<2048xf32, #tpu.memory_space<vmem>>, vector<16xf32>,
    %swap3A_748 = arith.constant 640 : index
    %swap3A_749 = tpu.vector_load %arg5[%swap3A_748] {strides = array<i32>} : memref<2048xf32, #tpu.memory_space<vmem>>, vector<16xf32>,
    %swap3A_750 = vector.shape_cast %swap3A_749 : vector<16xf32> to vector<16xf32>
    %swap3A_751 = vector.shape_cast %broadcast_in_dim3A_5 : vector<16xf32> to vector<16xf32>
    tpu.vector_store %arg5[%swap3A_748], %swap3A_751 {strides = array<i32>} : memref<2048xf32, #tpu.memory_space<vmem>>, vector<16xf32>,
    %swap3A_752 = arith.constant 656 : index
    %swap3A_753 = tpu.vector_load %arg5[%swap3A_752] {strides = array<i32>} : memref<2048xf32, #tpu.memory_space<vmem>>, vector<16xf32>,
    %swap3A_754 = vector.shape_cast %swap3A_753 : vector<16xf32> to vector<16xf32>
    %swap3A_755 = vector.shape_cast %broadcast_in_dim3A_5 : vector<16xf32> to vector<16xf32>
    tpu.vector_store %arg5[%swap3A_752], %swap3A_755 {strides = array<i32>} : memref<2048xf32, #tpu.memory_space<vmem>>, vector<16xf32>,
    %swap3A_756 = arith.constant 672 : index
    %swap3A_757 = tpu.vector_load %arg5[%swap3A_756] {strides = array<i32>} : memref<2048xf32, #tpu.memory_space<vmem>>, vector<16xf32>,
    %swap3A_758 = vector.shape_cast %swap3A_757 : vector<16xf32> to vector<16xf32>
    %swap3A_759 = vector.shape_cast %broadcast_in_dim3A_5 : vector<16xf32> to vector<16xf32>
    tpu.vector_store %arg5[%swap3A_756], %swap3A_759 {strides = array<i32>} : memref<2048xf32, #tpu.memory_space<vmem>>, vector<16xf32>,
    %swap3A_760 = arith.constant 688 : index
    %swap3A_761 = tpu.vector_load %arg5[%swap3A_760] {strides = array<i32>} : memref<2048xf32, #tpu.memory_space<vmem>>, vector<16xf32>,
    %swap3A_762 = vector.shape_cast %swap3A_761 : vector<16xf32> to vector<16xf32>
    %swap3A_763 = vector.shape_cast %broadcast_in_dim3A_5 : vector<16xf32> to vector<16xf32>
    tpu.vector_store %arg5[%swap3A_760], %swap3A_763 {strides = array<i32>} : memref<2048xf32, #tpu.memory_space<vmem>>, vector<16xf32>,
    %swap3A_764 = arith.constant 704 : index
    %swap3A_765 = tpu.vector_load %arg5[%swap3A_764] {strides = array<i32>} : memref<2048xf32, #tpu.memory_space<vmem>>, vector<16xf32>,
    %swap3A_766 = vector.shape_cast %swap3A_765 : vector<16xf32> to vector<16xf32>
    %swap3A_767 = vector.shape_cast %broadcast_in_dim3A_5 : vector<16xf32> to vector<16xf32>
    tpu.vector_store %arg5[%swap3A_764], %swap3A_767 {strides = array<i32>} : memref<2048xf32, #tpu.memory_space<vmem>>, vector<16xf32>,
    %swap3A_768 = arith.constant 720 : index
    %swap3A_769 = tpu.vector_load %arg5[%swap3A_768] {strides = array<i32>} : memref<2048xf32, #tpu.memory_space<vmem>>, vector<16xf32>,
    %swap3A_770 = vector.shape_cast %swap3A_769 : vector<16xf32> to vector<16xf32>
    %swap3A_771 = vector.shape_cast %broadcast_in_dim3A_5 : vector<16xf32> to vector<16xf32>
    tpu.vector_store %arg5[%swap3A_768], %swap3A_771 {strides = array<i32>} : memref<2048xf32, #tpu.memory_space<vmem>>, vector<16xf32>,
    %swap3A_772 = arith.constant 736 : index
    %swap3A_773 = tpu.vector_load %arg5[%swap3A_772] {strides = array<i32>} : memref<2048xf32, #tpu.memory_space<vmem>>, vector<16xf32>,
    %swap3A_774 = vector.shape_cast %swap3A_773 : vector<16xf32> to vector<16xf32>
    %swap3A_775 = vector.shape_cast %broadcast_in_dim3A_5 : vector<16xf32> to vector<16xf32>
    tpu.vector_store %arg5[%swap3A_772], %swap3A_775 {strides = array<i32>} : memref<2048xf32, #tpu.memory_space<vmem>>, vector<16xf32>,
    %swap3A_776 = arith.constant 752 : index
    %swap3A_777 = tpu.vector_load %arg5[%swap3A_776] {strides = array<i32>} : memref<2048xf32, #tpu.memory_space<vmem>>, vector<16xf32>,
    %swap3A_778 = vector.shape_cast %swap3A_777 : vector<16xf32> to vector<16xf32>
    %swap3A_779 = vector.shape_cast %broadcast_in_dim3A_5 : vector<16xf32> to vector<16xf32>
    tpu.vector_store %arg5[%swap3A_776], %swap3A_779 {strides = array<i32>} : memref<2048xf32, #tpu.memory_space<vmem>>, vector<16xf32>,
    %swap3A_780 = arith.constant 768 : index
    %swap3A_781 = tpu.vector_load %arg5[%swap3A_780] {strides = array<i32>} : memref<2048xf32, #tpu.memory_space<vmem>>, vector<16xf32>,
    %swap3A_782 = vector.shape_cast %swap3A_781 : vector<16xf32> to vector<16xf32>
    %swap3A_783 = vector.shape_cast %broadcast_in_dim3A_5 : vector<16xf32> to vector<16xf32>
    tpu.vector_store %arg5[%swap3A_780], %swap3A_783 {strides = array<i32>} : memref<2048xf32, #tpu.memory_space<vmem>>, vector<16xf32>,
    %swap3A_784 = arith.constant 784 : index
    %swap3A_785 = tpu.vector_load %arg5[%swap3A_784] {strides = array<i32>} : memref<2048xf32, #tpu.memory_space<vmem>>, vector<16xf32>,
    %swap3A_786 = vector.shape_cast %swap3A_785 : vector<16xf32> to vector<16xf32>
    %swap3A_787 = vector.shape_cast %broadcast_in_dim3A_5 : vector<16xf32> to vector<16xf32>
    tpu.vector_store %arg5[%swap3A_784], %swap3A_787 {strides = array<i32>} : memref<2048xf32, #tpu.memory_space<vmem>>, vector<16xf32>,
    %swap3A_788 = arith.constant 800 : index
    %swap3A_789 = tpu.vector_load %arg5[%swap3A_788] {strides = array<i32>} : memref<2048xf32, #tpu.memory_space<vmem>>, vector<16xf32>,
    %swap3A_790 = vector.shape_cast %swap3A_789 : vector<16xf32> to vector<16xf32>
    %swap3A_791 = vector.shape_cast %broadcast_in_dim3A_5 : vector<16xf32> to vector<16xf32>
    tpu.vector_store %arg5[%swap3A_788], %swap3A_791 {strides = array<i32>} : memref<2048xf32, #tpu.memory_space<vmem>>, vector<16xf32>,
    %swap3A_792 = arith.constant 816 : index
    %swap3A_793 = tpu.vector_load %arg5[%swap3A_792] {strides = array<i32>} : memref<2048xf32, #tpu.memory_space<vmem>>, vector<16xf32>,
    %swap3A_794 = vector.shape_cast %swap3A_793 : vector<16xf32> to vector<16xf32>
    %swap3A_795 = vector.shape_cast %broadcast_in_dim3A_5 : vector<16xf32> to vector<16xf32>
    tpu.vector_store %arg5[%swap3A_792], %swap3A_795 {strides = array<i32>} : memref<2048xf32, #tpu.memory_space<vmem>>, vector<16xf32>,
    %swap3A_796 = arith.constant 832 : index
    %swap3A_797 = tpu.vector_load %arg5[%swap3A_796] {strides = array<i32>} : memref<2048xf32, #tpu.memory_space<vmem>>, vector<16xf32>,
    %swap3A_798 = vector.shape_cast %swap3A_797 : vector<16xf32> to vector<16xf32>
    %swap3A_799 = vector.shape_cast %broadcast_in_dim3A_5 : vector<16xf32> to vector<16xf32>
    tpu.vector_store %arg5[%swap3A_796], %swap3A_799 {strides = array<i32>} : memref<2048xf32, #tpu.memory_space<vmem>>, vector<16xf32>,
    %swap3A_800 = arith.constant 848 : index
    %swap3A_801 = tpu.vector_load %arg5[%swap3A_800] {strides = array<i32>} : memref<2048xf32, #tpu.memory_space<vmem>>, vector<16xf32>,
    %swap3A_802 = vector.shape_cast %swap3A_801 : vector<16xf32> to vector<16xf32>
    %swap3A_803 = vector.shape_cast %broadcast_in_dim3A_5 : vector<16xf32> to vector<16xf32>
    tpu.vector_store %arg5[%swap3A_800], %swap3A_803 {strides = array<i32>} : memref<2048xf32, #tpu.memory_space<vmem>>, vector<16xf32>,
    %swap3A_804 = arith.constant 864 : index
    %swap3A_805 = tpu.vector_load %arg5[%swap3A_804] {strides = array<i32>} : memref<2048xf32, #tpu.memory_space<vmem>>, vector<16xf32>,
    %swap3A_806 = vector.shape_cast %swap3A_805 : vector<16xf32> to vector<16xf32>
    %swap3A_807 = vector.shape_cast %broadcast_in_dim3A_5 : vector<16xf32> to vector<16xf32>
    tpu.vector_store %arg5[%swap3A_804], %swap3A_807 {strides = array<i32>} : memref<2048xf32, #tpu.memory_space<vmem>>, vector<16xf32>,
    %swap3A_808 = arith.constant 880 : index
    %swap3A_809 = tpu.vector_load %arg5[%swap3A_808] {strides = array<i32>} : memref<2048xf32, #tpu.memory_space<vmem>>, vector<16xf32>,
    %swap3A_810 = vector.shape_cast %swap3A_809 : vector<16xf32> to vector<16xf32>
    %swap3A_811 = vector.shape_cast %broadcast_in_dim3A_5 : vector<16xf32> to vector<16xf32>
    tpu.vector_store %arg5[%swap3A_808], %swap3A_811 {strides = array<i32>} : memref<2048xf32, #tpu.memory_space<vmem>>, vector<16xf32>,
    %swap3A_812 = arith.constant 896 : index
    %swap3A_813 = tpu.vector_load %arg5[%swap3A_812] {strides = array<i32>} : memref<2048xf32, #tpu.memory_space<vmem>>, vector<16xf32>,
    %swap3A_814 = vector.shape_cast %swap3A_813 : vector<16xf32> to vector<16xf32>
    %swap3A_815 = vector.shape_cast %broadcast_in_dim3A_5 : vector<16xf32> to vector<16xf32>
    tpu.vector_store %arg5[%swap3A_812], %swap3A_815 {strides = array<i32>} : memref<2048xf32, #tpu.memory_space<vmem>>, vector<16xf32>,
    %swap3A_816 = arith.constant 912 : index
    %swap3A_817 = tpu.vector_load %arg5[%swap3A_816] {strides = array<i32>} : memref<2048xf32, #tpu.memory_space<vmem>>, vector<16xf32>,
    %swap3A_818 = vector.shape_cast %swap3A_817 : vector<16xf32> to vector<16xf32>
    %swap3A_819 = vector.shape_cast %broadcast_in_dim3A_5 : vector<16xf32> to vector<16xf32>
    tpu.vector_store %arg5[%swap3A_816], %swap3A_819 {strides = array<i32>} : memref<2048xf32, #tpu.memory_space<vmem>>, vector<16xf32>,
    %swap3A_820 = arith.constant 928 : index
    %swap3A_821 = tpu.vector_load %arg5[%swap3A_820] {strides = array<i32>} : memref<2048xf32, #tpu.memory_space<vmem>>, vector<16xf32>,
    %swap3A_822 = vector.shape_cast %swap3A_821 : vector<16xf32> to vector<16xf32>
    %swap3A_823 = vector.shape_cast %broadcast_in_dim3A_5 : vector<16xf32> to vector<16xf32>
    tpu.vector_store %arg5[%swap3A_820], %swap3A_823 {strides = array<i32>} : memref<2048xf32, #tpu.memory_space<vmem>>, vector<16xf32>,
    %swap3A_824 = arith.constant 944 : index
    %swap3A_825 = tpu.vector_load %arg5[%swap3A_824] {strides = array<i32>} : memref<2048xf32, #tpu.memory_space<vmem>>, vector<16xf32>,
    %swap3A_826 = vector.shape_cast %swap3A_825 : vector<16xf32> to vector<16xf32>
    %swap3A_827 = vector.shape_cast %broadcast_in_dim3A_5 : vector<16xf32> to vector<16xf32>
    tpu.vector_store %arg5[%swap3A_824], %swap3A_827 {strides = array<i32>} : memref<2048xf32, #tpu.memory_space<vmem>>, vector<16xf32>,
    %swap3A_828 = arith.constant 960 : index
    %swap3A_829 = tpu.vector_load %arg5[%swap3A_828] {strides = array<i32>} : memref<2048xf32, #tpu.memory_space<vmem>>, vector<16xf32>,
    %swap3A_830 = vector.shape_cast %swap3A_829 : vector<16xf32> to vector<16xf32>
    %swap3A_831 = vector.shape_cast %broadcast_in_dim3A_5 : vector<16xf32> to vector<16xf32>
    tpu.vector_store %arg5[%swap3A_828], %swap3A_831 {strides = array<i32>} : memref<2048xf32, #tpu.memory_space<vmem>>, vector<16xf32>,
    %swap3A_832 = arith.constant 976 : index
    %swap3A_833 = tpu.vector_load %arg5[%swap3A_832] {strides = array<i32>} : memref<2048xf32, #tpu.memory_space<vmem>>, vector<16xf32>,
    %swap3A_834 = vector.shape_cast %swap3A_833 : vector<16xf32> to vector<16xf32>
    %swap3A_835 = vector.shape_cast %broadcast_in_dim3A_5 : vector<16xf32> to vector<16xf32>
    tpu.vector_store %arg5[%swap3A_832], %swap3A_835 {strides = array<i32>} : memref<2048xf32, #tpu.memory_space<vmem>>, vector<16xf32>,
    %swap3A_836 = arith.constant 992 : index
    %swap3A_837 = tpu.vector_load %arg5[%swap3A_836] {strides = array<i32>} : memref<2048xf32, #tpu.memory_space<vmem>>, vector<16xf32>,
    %swap3A_838 = vector.shape_cast %swap3A_837 : vector<16xf32> to vector<16xf32>
    %swap3A_839 = vector.shape_cast %broadcast_in_dim3A_5 : vector<16xf32> to vector<16xf32>
    tpu.vector_store %arg5[%swap3A_836], %swap3A_839 {strides = array<i32>} : memref<2048xf32, #tpu.memory_space<vmem>>, vector<16xf32>,
    %swap3A_840 = arith.constant 1008 : index
    %swap3A_841 = tpu.vector_load %arg5[%swap3A_840] {strides = array<i32>} : memref<2048xf32, #tpu.memory_space<vmem>>, vector<16xf32>,
    %swap3A_842 = vector.shape_cast %swap3A_841 : vector<16xf32> to vector<16xf32>
    %swap3A_843 = vector.shape_cast %broadcast_in_dim3A_5 : vector<16xf32> to vector<16xf32>
    tpu.vector_store %arg5[%swap3A_840], %swap3A_843 {strides = array<i32>} : memref<2048xf32, #tpu.memory_space<vmem>>, vector<16xf32>,
    %swap3A_844 = arith.constant 1024 : index
    %swap3A_845 = tpu.vector_load %arg5[%swap3A_844] {strides = array<i32>} : memref<2048xf32, #tpu.memory_space<vmem>>, vector<16xf32>,
    %swap3A_846 = vector.shape_cast %swap3A_845 : vector<16xf32> to vector<16xf32>
    %swap3A_847 = vector.shape_cast %broadcast_in_dim3A_5 : vector<16xf32> to vector<16xf32>
    tpu.vector_store %arg5[%swap3A_844], %swap3A_847 {strides = array<i32>} : memref<2048xf32, #tpu.memory_space<vmem>>, vector<16xf32>,
    %swap3A_848 = arith.constant 1040 : index
    %swap3A_849 = tpu.vector_load %arg5[%swap3A_848] {strides = array<i32>} : memref<2048xf32, #tpu.memory_space<vmem>>, vector<16xf32>,
    %swap3A_850 = vector.shape_cast %swap3A_849 : vector<16xf32> to vector<16xf32>
    %swap3A_851 = vector.shape_cast %broadcast_in_dim3A_5 : vector<16xf32> to vector<16xf32>
    tpu.vector_store %arg5[%swap3A_848], %swap3A_851 {strides = array<i32>} : memref<2048xf32, #tpu.memory_space<vmem>>, vector<16xf32>,
    %swap3A_852 = arith.constant 1056 : index
    %swap3A_853 = tpu.vector_load %arg5[%swap3A_852] {strides = array<i32>} : memref<2048xf32, #tpu.memory_space<vmem>>, vector<16xf32>,
    %swap3A_854 = vector.shape_cast %swap3A_853 : vector<16xf32> to vector<16xf32>
    %swap3A_855 = vector.shape_cast %broadcast_in_dim3A_5 : vector<16xf32> to vector<16xf32>
    tpu.vector_store %arg5[%swap3A_852], %swap3A_855 {strides = array<i32>} : memref<2048xf32, #tpu.memory_space<vmem>>, vector<16xf32>,
    %swap3A_856 = arith.constant 1072 : index
    %swap3A_857 = tpu.vector_load %arg5[%swap3A_856] {strides = array<i32>} : memref<2048xf32, #tpu.memory_space<vmem>>, vector<16xf32>,
    %swap3A_858 = vector.shape_cast %swap3A_857 : vector<16xf32> to vector<16xf32>
    %swap3A_859 = vector.shape_cast %broadcast_in_dim3A_5 : vector<16xf32> to vector<16xf32>
    tpu.vector_store %arg5[%swap3A_856], %swap3A_859 {strides = array<i32>} : memref<2048xf32, #tpu.memory_space<vmem>>, vector<16xf32>,
    %swap3A_860 = arith.constant 1088 : index
    %swap3A_861 = tpu.vector_load %arg5[%swap3A_860] {strides = array<i32>} : memref<2048xf32, #tpu.memory_space<vmem>>, vector<16xf32>,
    %swap3A_862 = vector.shape_cast %swap3A_861 : vector<16xf32> to vector<16xf32>
    %swap3A_863 = vector.shape_cast %broadcast_in_dim3A_5 : vector<16xf32> to vector<16xf32>
    tpu.vector_store %arg5[%swap3A_860], %swap3A_863 {strides = array<i32>} : memref<2048xf32, #tpu.memory_space<vmem>>, vector<16xf32>,
    %swap3A_864 = arith.constant 1104 : index
    %swap3A_865 = tpu.vector_load %arg5[%swap3A_864] {strides = array<i32>} : memref<2048xf32, #tpu.memory_space<vmem>>, vector<16xf32>,
    %swap3A_866 = vector.shape_cast %swap3A_865 : vector<16xf32> to vector<16xf32>
    %swap3A_867 = vector.shape_cast %broadcast_in_dim3A_5 : vector<16xf32> to vector<16xf32>
    tpu.vector_store %arg5[%swap3A_864], %swap3A_867 {strides = array<i32>} : memref<2048xf32, #tpu.memory_space<vmem>>, vector<16xf32>,
    %swap3A_868 = arith.constant 1120 : index
    %swap3A_869 = tpu.vector_load %arg5[%swap3A_868] {strides = array<i32>} : memref<2048xf32, #tpu.memory_space<vmem>>, vector<16xf32>,
    %swap3A_870 = vector.shape_cast %swap3A_869 : vector<16xf32> to vector<16xf32>
    %swap3A_871 = vector.shape_cast %broadcast_in_dim3A_5 : vector<16xf32> to vector<16xf32>
    tpu.vector_store %arg5[%swap3A_868], %swap3A_871 {strides = array<i32>} : memref<2048xf32, #tpu.memory_space<vmem>>, vector<16xf32>,
    %swap3A_872 = arith.constant 1136 : index
    %swap3A_873 = tpu.vector_load %arg5[%swap3A_872] {strides = array<i32>} : memref<2048xf32, #tpu.memory_space<vmem>>, vector<16xf32>,
    %swap3A_874 = vector.shape_cast %swap3A_873 : vector<16xf32> to vector<16xf32>
    %swap3A_875 = vector.shape_cast %broadcast_in_dim3A_5 : vector<16xf32> to vector<16xf32>
    tpu.vector_store %arg5[%swap3A_872], %swap3A_875 {strides = array<i32>} : memref<2048xf32, #tpu.memory_space<vmem>>, vector<16xf32>,
    %swap3A_876 = arith.constant 1152 : index
    %swap3A_877 = tpu.vector_load %arg5[%swap3A_876] {strides = array<i32>} : memref<2048xf32, #tpu.memory_space<vmem>>, vector<16xf32>,
    %swap3A_878 = vector.shape_cast %swap3A_877 : vector<16xf32> to vector<16xf32>
    %swap3A_879 = vector.shape_cast %broadcast_in_dim3A_5 : vector<16xf32> to vector<16xf32>
    tpu.vector_store %arg5[%swap3A_876], %swap3A_879 {strides = array<i32>} : memref<2048xf32, #tpu.memory_space<vmem>>, vector<16xf32>,
    %swap3A_880 = arith.constant 1168 : index
    %swap3A_881 = tpu.vector_load %arg5[%swap3A_880] {strides = array<i32>} : memref<2048xf32, #tpu.memory_space<vmem>>, vector<16xf32>,
    %swap3A_882 = vector.shape_cast %swap3A_881 : vector<16xf32> to vector<16xf32>
    %swap3A_883 = vector.shape_cast %broadcast_in_dim3A_5 : vector<16xf32> to vector<16xf32>
    tpu.vector_store %arg5[%swap3A_880], %swap3A_883 {strides = array<i32>} : memref<2048xf32, #tpu.memory_space<vmem>>, vector<16xf32>,
    %swap3A_884 = arith.constant 1184 : index
    %swap3A_885 = tpu.vector_load %arg5[%swap3A_884] {strides = array<i32>} : memref<2048xf32, #tpu.memory_space<vmem>>, vector<16xf32>,
    %swap3A_886 = vector.shape_cast %swap3A_885 : vector<16xf32> to vector<16xf32>
    %swap3A_887 = vector.shape_cast %broadcast_in_dim3A_5 : vector<16xf32> to vector<16xf32>
    tpu.vector_store %arg5[%swap3A_884], %swap3A_887 {strides = array<i32>} : memref<2048xf32, #tpu.memory_space<vmem>>, vector<16xf32>,
    %swap3A_888 = arith.constant 1200 : index
    %swap3A_889 = tpu.vector_load %arg5[%swap3A_888] {strides = array<i32>} : memref<2048xf32, #tpu.memory_space<vmem>>, vector<16xf32>,
    %swap3A_890 = vector.shape_cast %swap3A_889 : vector<16xf32> to vector<16xf32>
    %swap3A_891 = vector.shape_cast %broadcast_in_dim3A_5 : vector<16xf32> to vector<16xf32>
    tpu.vector_store %arg5[%swap3A_888], %swap3A_891 {strides = array<i32>} : memref<2048xf32, #tpu.memory_space<vmem>>, vector<16xf32>,
    %swap3A_892 = arith.constant 1216 : index
    %swap3A_893 = tpu.vector_load %arg5[%swap3A_892] {strides = array<i32>} : memref<2048xf32, #tpu.memory_space<vmem>>, vector<16xf32>,
    %swap3A_894 = vector.shape_cast %swap3A_893 : vector<16xf32> to vector<16xf32>
    %swap3A_895 = vector.shape_cast %broadcast_in_dim3A_5 : vector<16xf32> to vector<16xf32>
    tpu.vector_store %arg5[%swap3A_892], %swap3A_895 {strides = array<i32>} : memref<2048xf32, #tpu.memory_space<vmem>>, vector<16xf32>,
    %swap3A_896 = arith.constant 1232 : index
    %swap3A_897 = tpu.vector_load %arg5[%swap3A_896] {strides = array<i32>} : memref<2048xf32, #tpu.memory_space<vmem>>, vector<16xf32>,
    %swap3A_898 = vector.shape_cast %swap3A_897 : vector<16xf32> to vector<16xf32>
    %swap3A_899 = vector.shape_cast %broadcast_in_dim3A_5 : vector<16xf32> to vector<16xf32>
    tpu.vector_store %arg5[%swap3A_896], %swap3A_899 {strides = array<i32>} : memref<2048xf32, #tpu.memory_space<vmem>>, vector<16xf32>,
    %swap3A_900 = arith.constant 1248 : index
    %swap3A_901 = tpu.vector_load %arg5[%swap3A_900] {strides = array<i32>} : memref<2048xf32, #tpu.memory_space<vmem>>, vector<16xf32>,
    %swap3A_902 = vector.shape_cast %swap3A_901 : vector<16xf32> to vector<16xf32>
    %swap3A_903 = vector.shape_cast %broadcast_in_dim3A_5 : vector<16xf32> to vector<16xf32>
    tpu.vector_store %arg5[%swap3A_900], %swap3A_903 {strides = array<i32>} : memref<2048xf32, #tpu.memory_space<vmem>>, vector<16xf32>,
    %swap3A_904 = arith.constant 1264 : index
    %swap3A_905 = tpu.vector_load %arg5[%swap3A_904] {strides = array<i32>} : memref<2048xf32, #tpu.memory_space<vmem>>, vector<16xf32>,
    %swap3A_906 = vector.shape_cast %swap3A_905 : vector<16xf32> to vector<16xf32>
    %swap3A_907 = vector.shape_cast %broadcast_in_dim3A_5 : vector<16xf32> to vector<16xf32>
    tpu.vector_store %arg5[%swap3A_904], %swap3A_907 {strides = array<i32>} : memref<2048xf32, #tpu.memory_space<vmem>>, vector<16xf32>,
    %swap3A_908 = arith.constant 1280 : index
    %swap3A_909 = tpu.vector_load %arg5[%swap3A_908] {strides = array<i32>} : memref<2048xf32, #tpu.memory_space<vmem>>, vector<16xf32>,
    %swap3A_910 = vector.shape_cast %swap3A_909 : vector<16xf32> to vector<16xf32>
    %swap3A_911 = vector.shape_cast %broadcast_in_dim3A_5 : vector<16xf32> to vector<16xf32>
    tpu.vector_store %arg5[%swap3A_908], %swap3A_911 {strides = array<i32>} : memref<2048xf32, #tpu.memory_space<vmem>>, vector<16xf32>,
    %swap3A_912 = arith.constant 1296 : index
    %swap3A_913 = tpu.vector_load %arg5[%swap3A_912] {strides = array<i32>} : memref<2048xf32, #tpu.memory_space<vmem>>, vector<16xf32>,
    %swap3A_914 = vector.shape_cast %swap3A_913 : vector<16xf32> to vector<16xf32>
    %swap3A_915 = vector.shape_cast %broadcast_in_dim3A_5 : vector<16xf32> to vector<16xf32>
    tpu.vector_store %arg5[%swap3A_912], %swap3A_915 {strides = array<i32>} : memref<2048xf32, #tpu.memory_space<vmem>>, vector<16xf32>,
    %swap3A_916 = arith.constant 1312 : index
    %swap3A_917 = tpu.vector_load %arg5[%swap3A_916] {strides = array<i32>} : memref<2048xf32, #tpu.memory_space<vmem>>, vector<16xf32>,
    %swap3A_918 = vector.shape_cast %swap3A_917 : vector<16xf32> to vector<16xf32>
    %swap3A_919 = vector.shape_cast %broadcast_in_dim3A_5 : vector<16xf32> to vector<16xf32>
    tpu.vector_store %arg5[%swap3A_916], %swap3A_919 {strides = array<i32>} : memref<2048xf32, #tpu.memory_space<vmem>>, vector<16xf32>,
    %swap3A_920 = arith.constant 1328 : index
    %swap3A_921 = tpu.vector_load %arg5[%swap3A_920] {strides = array<i32>} : memref<2048xf32, #tpu.memory_space<vmem>>, vector<16xf32>,
    %swap3A_922 = vector.shape_cast %swap3A_921 : vector<16xf32> to vector<16xf32>
    %swap3A_923 = vector.shape_cast %broadcast_in_dim3A_5 : vector<16xf32> to vector<16xf32>
    tpu.vector_store %arg5[%swap3A_920], %swap3A_923 {strides = array<i32>} : memref<2048xf32, #tpu.memory_space<vmem>>, vector<16xf32>,
    %swap3A_924 = arith.constant 1344 : index
    %swap3A_925 = tpu.vector_load %arg5[%swap3A_924] {strides = array<i32>} : memref<2048xf32, #tpu.memory_space<vmem>>, vector<16xf32>,
    %swap3A_926 = vector.shape_cast %swap3A_925 : vector<16xf32> to vector<16xf32>
    %swap3A_927 = vector.shape_cast %broadcast_in_dim3A_5 : vector<16xf32> to vector<16xf32>
    tpu.vector_store %arg5[%swap3A_924], %swap3A_927 {strides = array<i32>} : memref<2048xf32, #tpu.memory_space<vmem>>, vector<16xf32>,
    %swap3A_928 = arith.constant 1360 : index
    %swap3A_929 = tpu.vector_load %arg5[%swap3A_928] {strides = array<i32>} : memref<2048xf32, #tpu.memory_space<vmem>>, vector<16xf32>,
    %swap3A_930 = vector.shape_cast %swap3A_929 : vector<16xf32> to vector<16xf32>
    %swap3A_931 = vector.shape_cast %broadcast_in_dim3A_5 : vector<16xf32> to vector<16xf32>
    tpu.vector_store %arg5[%swap3A_928], %swap3A_931 {strides = array<i32>} : memref<2048xf32, #tpu.memory_space<vmem>>, vector<16xf32>,
    %swap3A_932 = arith.constant 1376 : index
    %swap3A_933 = tpu.vector_load %arg5[%swap3A_932] {strides = array<i32>} : memref<2048xf32, #tpu.memory_space<vmem>>, vector<16xf32>,
    %swap3A_934 = vector.shape_cast %swap3A_933 : vector<16xf32> to vector<16xf32>
    %swap3A_935 = vector.shape_cast %broadcast_in_dim3A_5 : vector<16xf32> to vector<16xf32>
    tpu.vector_store %arg5[%swap3A_932], %swap3A_935 {strides = array<i32>} : memref<2048xf32, #tpu.memory_space<vmem>>, vector<16xf32>,
    %swap3A_936 = arith.constant 1392 : index
    %swap3A_937 = tpu.vector_load %arg5[%swap3A_936] {strides = array<i32>} : memref<2048xf32, #tpu.memory_space<vmem>>, vector<16xf32>,
    %swap3A_938 = vector.shape_cast %swap3A_937 : vector<16xf32> to vector<16xf32>
    %swap3A_939 = vector.shape_cast %broadcast_in_dim3A_5 : vector<16xf32> to vector<16xf32>
    tpu.vector_store %arg5[%swap3A_936], %swap3A_939 {strides = array<i32>} : memref<2048xf32, #tpu.memory_space<vmem>>, vector<16xf32>,
    %swap3A_940 = arith.constant 1408 : index
    %swap3A_941 = tpu.vector_load %arg5[%swap3A_940] {strides = array<i32>} : memref<2048xf32, #tpu.memory_space<vmem>>, vector<16xf32>,
    %swap3A_942 = vector.shape_cast %swap3A_941 : vector<16xf32> to vector<16xf32>
    %swap3A_943 = vector.shape_cast %broadcast_in_dim3A_5 : vector<16xf32> to vector<16xf32>
    tpu.vector_store %arg5[%swap3A_940], %swap3A_943 {strides = array<i32>} : memref<2048xf32, #tpu.memory_space<vmem>>, vector<16xf32>,
    %swap3A_944 = arith.constant 1424 : index
    %swap3A_945 = tpu.vector_load %arg5[%swap3A_944] {strides = array<i32>} : memref<2048xf32, #tpu.memory_space<vmem>>, vector<16xf32>,
    %swap3A_946 = vector.shape_cast %swap3A_945 : vector<16xf32> to vector<16xf32>
    %swap3A_947 = vector.shape_cast %broadcast_in_dim3A_5 : vector<16xf32> to vector<16xf32>
    tpu.vector_store %arg5[%swap3A_944], %swap3A_947 {strides = array<i32>} : memref<2048xf32, #tpu.memory_space<vmem>>, vector<16xf32>,
    %swap3A_948 = arith.constant 1440 : index
    %swap3A_949 = tpu.vector_load %arg5[%swap3A_948] {strides = array<i32>} : memref<2048xf32, #tpu.memory_space<vmem>>, vector<16xf32>,
    %swap3A_950 = vector.shape_cast %swap3A_949 : vector<16xf32> to vector<16xf32>
    %swap3A_951 = vector.shape_cast %broadcast_in_dim3A_5 : vector<16xf32> to vector<16xf32>
    tpu.vector_store %arg5[%swap3A_948], %swap3A_951 {strides = array<i32>} : memref<2048xf32, #tpu.memory_space<vmem>>, vector<16xf32>,
    %swap3A_952 = arith.constant 1456 : index
    %swap3A_953 = tpu.vector_load %arg5[%swap3A_952] {strides = array<i32>} : memref<2048xf32, #tpu.memory_space<vmem>>, vector<16xf32>,
    %swap3A_954 = vector.shape_cast %swap3A_953 : vector<16xf32> to vector<16xf32>
    %swap3A_955 = vector.shape_cast %broadcast_in_dim3A_5 : vector<16xf32> to vector<16xf32>
    tpu.vector_store %arg5[%swap3A_952], %swap3A_955 {strides = array<i32>} : memref<2048xf32, #tpu.memory_space<vmem>>, vector<16xf32>,
    %swap3A_956 = arith.constant 1472 : index
    %swap3A_957 = tpu.vector_load %arg5[%swap3A_956] {strides = array<i32>} : memref<2048xf32, #tpu.memory_space<vmem>>, vector<16xf32>,
    %swap3A_958 = vector.shape_cast %swap3A_957 : vector<16xf32> to vector<16xf32>
    %swap3A_959 = vector.shape_cast %broadcast_in_dim3A_5 : vector<16xf32> to vector<16xf32>
    tpu.vector_store %arg5[%swap3A_956], %swap3A_959 {strides = array<i32>} : memref<2048xf32, #tpu.memory_space<vmem>>, vector<16xf32>,
    %swap3A_960 = arith.constant 1488 : index
    %swap3A_961 = tpu.vector_load %arg5[%swap3A_960] {strides = array<i32>} : memref<2048xf32, #tpu.memory_space<vmem>>, vector<16xf32>,
    %swap3A_962 = vector.shape_cast %swap3A_961 : vector<16xf32> to vector<16xf32>
    %swap3A_963 = vector.shape_cast %broadcast_in_dim3A_5 : vector<16xf32> to vector<16xf32>
    tpu.vector_store %arg5[%swap3A_960], %swap3A_963 {strides = array<i32>} : memref<2048xf32, #tpu.memory_space<vmem>>, vector<16xf32>,
    %swap3A_964 = arith.constant 1504 : index
    %swap3A_965 = tpu.vector_load %arg5[%swap3A_964] {strides = array<i32>} : memref<2048xf32, #tpu.memory_space<vmem>>, vector<16xf32>,
    %swap3A_966 = vector.shape_cast %swap3A_965 : vector<16xf32> to vector<16xf32>
    %swap3A_967 = vector.shape_cast %broadcast_in_dim3A_5 : vector<16xf32> to vector<16xf32>
    tpu.vector_store %arg5[%swap3A_964], %swap3A_967 {strides = array<i32>} : memref<2048xf32, #tpu.memory_space<vmem>>, vector<16xf32>,
    %swap3A_968 = arith.constant 1520 : index
    %swap3A_969 = tpu.vector_load %arg5[%swap3A_968] {strides = array<i32>} : memref<2048xf32, #tpu.memory_space<vmem>>, vector<16xf32>,
    %swap3A_970 = vector.shape_cast %swap3A_969 : vector<16xf32> to vector<16xf32>
    %swap3A_971 = vector.shape_cast %broadcast_in_dim3A_5 : vector<16xf32> to vector<16xf32>
    tpu.vector_store %arg5[%swap3A_968], %swap3A_971 {strides = array<i32>} : memref<2048xf32, #tpu.memory_space<vmem>>, vector<16xf32>,
    %swap3A_972 = arith.constant 1536 : index
    %swap3A_973 = tpu.vector_load %arg5[%swap3A_972] {strides = array<i32>} : memref<2048xf32, #tpu.memory_space<vmem>>, vector<16xf32>,
    %swap3A_974 = vector.shape_cast %swap3A_973 : vector<16xf32> to vector<16xf32>
    %swap3A_975 = vector.shape_cast %broadcast_in_dim3A_5 : vector<16xf32> to vector<16xf32>
    tpu.vector_store %arg5[%swap3A_972], %swap3A_975 {strides = array<i32>} : memref<2048xf32, #tpu.memory_space<vmem>>, vector<16xf32>,
    %swap3A_976 = arith.constant 1552 : index
    %swap3A_977 = tpu.vector_load %arg5[%swap3A_976] {strides = array<i32>} : memref<2048xf32, #tpu.memory_space<vmem>>, vector<16xf32>,
    %swap3A_978 = vector.shape_cast %swap3A_977 : vector<16xf32> to vector<16xf32>
    %swap3A_979 = vector.shape_cast %broadcast_in_dim3A_5 : vector<16xf32> to vector<16xf32>
    tpu.vector_store %arg5[%swap3A_976], %swap3A_979 {strides = array<i32>} : memref<2048xf32, #tpu.memory_space<vmem>>, vector<16xf32>,
    %swap3A_980 = arith.constant 1568 : index
    %swap3A_981 = tpu.vector_load %arg5[%swap3A_980] {strides = array<i32>} : memref<2048xf32, #tpu.memory_space<vmem>>, vector<16xf32>,
    %swap3A_982 = vector.shape_cast %swap3A_981 : vector<16xf32> to vector<16xf32>
    %swap3A_983 = vector.shape_cast %broadcast_in_dim3A_5 : vector<16xf32> to vector<16xf32>
    tpu.vector_store %arg5[%swap3A_980], %swap3A_983 {strides = array<i32>} : memref<2048xf32, #tpu.memory_space<vmem>>, vector<16xf32>,
    %swap3A_984 = arith.constant 1584 : index
    %swap3A_985 = tpu.vector_load %arg5[%swap3A_984] {strides = array<i32>} : memref<2048xf32, #tpu.memory_space<vmem>>, vector<16xf32>,
    %swap3A_986 = vector.shape_cast %swap3A_985 : vector<16xf32> to vector<16xf32>
    %swap3A_987 = vector.shape_cast %broadcast_in_dim3A_5 : vector<16xf32> to vector<16xf32>
    tpu.vector_store %arg5[%swap3A_984], %swap3A_987 {strides = array<i32>} : memref<2048xf32, #tpu.memory_space<vmem>>, vector<16xf32>,
    %swap3A_988 = arith.constant 1600 : index
    %swap3A_989 = tpu.vector_load %arg5[%swap3A_988] {strides = array<i32>} : memref<2048xf32, #tpu.memory_space<vmem>>, vector<16xf32>,
    %swap3A_990 = vector.shape_cast %swap3A_989 : vector<16xf32> to vector<16xf32>
    %swap3A_991 = vector.shape_cast %broadcast_in_dim3A_5 : vector<16xf32> to vector<16xf32>
    tpu.vector_store %arg5[%swap3A_988], %swap3A_991 {strides = array<i32>} : memref<2048xf32, #tpu.memory_space<vmem>>, vector<16xf32>,
    %swap3A_992 = arith.constant 1616 : index
    %swap3A_993 = tpu.vector_load %arg5[%swap3A_992] {strides = array<i32>} : memref<2048xf32, #tpu.memory_space<vmem>>, vector<16xf32>,
    %swap3A_994 = vector.shape_cast %swap3A_993 : vector<16xf32> to vector<16xf32>
    %swap3A_995 = vector.shape_cast %broadcast_in_dim3A_5 : vector<16xf32> to vector<16xf32>
    tpu.vector_store %arg5[%swap3A_992], %swap3A_995 {strides = array<i32>} : memref<2048xf32, #tpu.memory_space<vmem>>, vector<16xf32>,
    %swap3A_996 = arith.constant 1632 : index
    %swap3A_997 = tpu.vector_load %arg5[%swap3A_996] {strides = array<i32>} : memref<2048xf32, #tpu.memory_space<vmem>>, vector<16xf32>,
    %swap3A_998 = vector.shape_cast %swap3A_997 : vector<16xf32> to vector<16xf32>
    %swap3A_999 = vector.shape_cast %broadcast_in_dim3A_5 : vector<16xf32> to vector<16xf32>
    tpu.vector_store %arg5[%swap3A_996], %swap3A_999 {strides = array<i32>} : memref<2048xf32, #tpu.memory_space<vmem>>, vector<16xf32>,
    %swap3A_1000 = arith.constant 1648 : index
    %swap3A_1001 = tpu.vector_load %arg5[%swap3A_1000] {strides = array<i32>} : memref<2048xf32, #tpu.memory_space<vmem>>, vector<16xf32>,
    %swap3A_1002 = vector.shape_cast %swap3A_1001 : vector<16xf32> to vector<16xf32>
    %swap3A_1003 = vector.shape_cast %broadcast_in_dim3A_5 : vector<16xf32> to vector<16xf32>
    tpu.vector_store %arg5[%swap3A_1000], %swap3A_1003 {strides = array<i32>} : memref<2048xf32, #tpu.memory_space<vmem>>, vector<16xf32>,
    %swap3A_1004 = arith.constant 1664 : index
    %swap3A_1005 = tpu.vector_load %arg5[%swap3A_1004] {strides = array<i32>} : memref<2048xf32, #tpu.memory_space<vmem>>, vector<16xf32>,
    %swap3A_1006 = vector.shape_cast %swap3A_1005 : vector<16xf32> to vector<16xf32>
    %swap3A_1007 = vector.shape_cast %broadcast_in_dim3A_5 : vector<16xf32> to vector<16xf32>
    tpu.vector_store %arg5[%swap3A_1004], %swap3A_1007 {strides = array<i32>} : memref<2048xf32, #tpu.memory_space<vmem>>, vector<16xf32>,
    %swap3A_1008 = arith.constant 1680 : index
    %swap3A_1009 = tpu.vector_load %arg5[%swap3A_1008] {strides = array<i32>} : memref<2048xf32, #tpu.memory_space<vmem>>, vector<16xf32>,
    %swap3A_1010 = vector.shape_cast %swap3A_1009 : vector<16xf32> to vector<16xf32>
    %swap3A_1011 = vector.shape_cast %broadcast_in_dim3A_5 : vector<16xf32> to vector<16xf32>
    tpu.vector_store %arg5[%swap3A_1008], %swap3A_1011 {strides = array<i32>} : memref<2048xf32, #tpu.memory_space<vmem>>, vector<16xf32>,
    %swap3A_1012 = arith.constant 1696 : index
    %swap3A_1013 = tpu.vector_load %arg5[%swap3A_1012] {strides = array<i32>} : memref<2048xf32, #tpu.memory_space<vmem>>, vector<16xf32>,
    %swap3A_1014 = vector.shape_cast %swap3A_1013 : vector<16xf32> to vector<16xf32>
    %swap3A_1015 = vector.shape_cast %broadcast_in_dim3A_5 : vector<16xf32> to vector<16xf32>
    tpu.vector_store %arg5[%swap3A_1012], %swap3A_1015 {strides = array<i32>} : memref<2048xf32, #tpu.memory_space<vmem>>, vector<16xf32>,
    %swap3A_1016 = arith.constant 1712 : index
    %swap3A_1017 = tpu.vector_load %arg5[%swap3A_1016] {strides = array<i32>} : memref<2048xf32, #tpu.memory_space<vmem>>, vector<16xf32>,
    %swap3A_1018 = vector.shape_cast %swap3A_1017 : vector<16xf32> to vector<16xf32>
    %swap3A_1019 = vector.shape_cast %broadcast_in_dim3A_5 : vector<16xf32> to vector<16xf32>
    tpu.vector_store %arg5[%swap3A_1016], %swap3A_1019 {strides = array<i32>} : memref<2048xf32, #tpu.memory_space<vmem>>, vector<16xf32>,
    %swap3A_1020 = arith.constant 1728 : index
    %swap3A_1021 = tpu.vector_load %arg5[%swap3A_1020] {strides = array<i32>} : memref<2048xf32, #tpu.memory_space<vmem>>, vector<16xf32>,
    %swap3A_1022 = vector.shape_cast %swap3A_1021 : vector<16xf32> to vector<16xf32>
    %swap3A_1023 = vector.shape_cast %broadcast_in_dim3A_5 : vector<16xf32> to vector<16xf32>
    tpu.vector_store %arg5[%swap3A_1020], %swap3A_1023 {strides = array<i32>} : memref<2048xf32, #tpu.memory_space<vmem>>, vector<16xf32>,
    %swap3A_1024 = arith.constant 1744 : index
    %swap3A_1025 = tpu.vector_load %arg5[%swap3A_1024] {strides = array<i32>} : memref<2048xf32, #tpu.memory_space<vmem>>, vector<16xf32>,
    %swap3A_1026 = vector.shape_cast %swap3A_1025 : vector<16xf32> to vector<16xf32>
    %swap3A_1027 = vector.shape_cast %broadcast_in_dim3A_5 : vector<16xf32> to vector<16xf32>
    tpu.vector_store %arg5[%swap3A_1024], %swap3A_1027 {strides = array<i32>} : memref<2048xf32, #tpu.memory_space<vmem>>, vector<16xf32>,
    %swap3A_1028 = arith.constant 1760 : index
    %swap3A_1029 = tpu.vector_load %arg5[%swap3A_1028] {strides = array<i32>} : memref<2048xf32, #tpu.memory_space<vmem>>, vector<16xf32>,
    %swap3A_1030 = vector.shape_cast %swap3A_1029 : vector<16xf32> to vector<16xf32>
    %swap3A_1031 = vector.shape_cast %broadcast_in_dim3A_5 : vector<16xf32> to vector<16xf32>
    tpu.vector_store %arg5[%swap3A_1028], %swap3A_1031 {strides = array<i32>} : memref<2048xf32, #tpu.memory_space<vmem>>, vector<16xf32>,
    %swap3A_1032 = arith.constant 1776 : index
    %swap3A_1033 = tpu.vector_load %arg5[%swap3A_1032] {strides = array<i32>} : memref<2048xf32, #tpu.memory_space<vmem>>, vector<16xf32>,
    %swap3A_1034 = vector.shape_cast %swap3A_1033 : vector<16xf32> to vector<16xf32>
    %swap3A_1035 = vector.shape_cast %broadcast_in_dim3A_5 : vector<16xf32> to vector<16xf32>
    tpu.vector_store %arg5[%swap3A_1032], %swap3A_1035 {strides = array<i32>} : memref<2048xf32, #tpu.memory_space<vmem>>, vector<16xf32>,
    %swap3A_1036 = arith.constant 1792 : index
    %swap3A_1037 = tpu.vector_load %arg5[%swap3A_1036] {strides = array<i32>} : memref<2048xf32, #tpu.memory_space<vmem>>, vector<16xf32>,
    %swap3A_1038 = vector.shape_cast %swap3A_1037 : vector<16xf32> to vector<16xf32>
    %swap3A_1039 = vector.shape_cast %broadcast_in_dim3A_5 : vector<16xf32> to vector<16xf32>
    tpu.vector_store %arg5[%swap3A_1036], %swap3A_1039 {strides = array<i32>} : memref<2048xf32, #tpu.memory_space<vmem>>, vector<16xf32>,
    %swap3A_1040 = arith.constant 1808 : index
    %swap3A_1041 = tpu.vector_load %arg5[%swap3A_1040] {strides = array<i32>} : memref<2048xf32, #tpu.memory_space<vmem>>, vector<16xf32>,
    %swap3A_1042 = vector.shape_cast %swap3A_1041 : vector<16xf32> to vector<16xf32>
    %swap3A_1043 = vector.shape_cast %broadcast_in_dim3A_5 : vector<16xf32> to vector<16xf32>
    tpu.vector_store %arg5[%swap3A_1040], %swap3A_1043 {strides = array<i32>} : memref<2048xf32, #tpu.memory_space<vmem>>, vector<16xf32>,
    %swap3A_1044 = arith.constant 1824 : index
    %swap3A_1045 = tpu.vector_load %arg5[%swap3A_1044] {strides = array<i32>} : memref<2048xf32, #tpu.memory_space<vmem>>, vector<16xf32>,
    %swap3A_1046 = vector.shape_cast %swap3A_1045 : vector<16xf32> to vector<16xf32>
    %swap3A_1047 = vector.shape_cast %broadcast_in_dim3A_5 : vector<16xf32> to vector<16xf32>
    tpu.vector_store %arg5[%swap3A_1044], %swap3A_1047 {strides = array<i32>} : memref<2048xf32, #tpu.memory_space<vmem>>, vector<16xf32>,
    %swap3A_1048 = arith.constant 1840 : index
    %swap3A_1049 = tpu.vector_load %arg5[%swap3A_1048] {strides = array<i32>} : memref<2048xf32, #tpu.memory_space<vmem>>, vector<16xf32>,
    %swap3A_1050 = vector.shape_cast %swap3A_1049 : vector<16xf32> to vector<16xf32>
    %swap3A_1051 = vector.shape_cast %broadcast_in_dim3A_5 : vector<16xf32> to vector<16xf32>
    tpu.vector_store %arg5[%swap3A_1048], %swap3A_1051 {strides = array<i32>} : memref<2048xf32, #tpu.memory_space<vmem>>, vector<16xf32>,
    %swap3A_1052 = arith.constant 1856 : index
    %swap3A_1053 = tpu.vector_load %arg5[%swap3A_1052] {strides = array<i32>} : memref<2048xf32, #tpu.memory_space<vmem>>, vector<16xf32>,
    %swap3A_1054 = vector.shape_cast %swap3A_1053 : vector<16xf32> to vector<16xf32>
    %swap3A_1055 = vector.shape_cast %broadcast_in_dim3A_5 : vector<16xf32> to vector<16xf32>
    tpu.vector_store %arg5[%swap3A_1052], %swap3A_1055 {strides = array<i32>} : memref<2048xf32, #tpu.memory_space<vmem>>, vector<16xf32>,
    %swap3A_1056 = arith.constant 1872 : index
    %swap3A_1057 = tpu.vector_load %arg5[%swap3A_1056] {strides = array<i32>} : memref<2048xf32, #tpu.memory_space<vmem>>, vector<16xf32>,
    %swap3A_1058 = vector.shape_cast %swap3A_1057 : vector<16xf32> to vector<16xf32>
    %swap3A_1059 = vector.shape_cast %broadcast_in_dim3A_5 : vector<16xf32> to vector<16xf32>
    tpu.vector_store %arg5[%swap3A_1056], %swap3A_1059 {strides = array<i32>} : memref<2048xf32, #tpu.memory_space<vmem>>, vector<16xf32>,
    %swap3A_1060 = arith.constant 1888 : index
    %swap3A_1061 = tpu.vector_load %arg5[%swap3A_1060] {strides = array<i32>} : memref<2048xf32, #tpu.memory_space<vmem>>, vector<16xf32>,
    %swap3A_1062 = vector.shape_cast %swap3A_1061 : vector<16xf32> to vector<16xf32>
    %swap3A_1063 = vector.shape_cast %broadcast_in_dim3A_5 : vector<16xf32> to vector<16xf32>
    tpu.vector_store %arg5[%swap3A_1060], %swap3A_1063 {strides = array<i32>} : memref<2048xf32, #tpu.memory_space<vmem>>, vector<16xf32>,
    %swap3A_1064 = arith.constant 1904 : index
    %swap3A_1065 = tpu.vector_load %arg5[%swap3A_1064] {strides = array<i32>} : memref<2048xf32, #tpu.memory_space<vmem>>, vector<16xf32>,
    %swap3A_1066 = vector.shape_cast %swap3A_1065 : vector<16xf32> to vector<16xf32>
    %swap3A_1067 = vector.shape_cast %broadcast_in_dim3A_5 : vector<16xf32> to vector<16xf32>
    tpu.vector_store %arg5[%swap3A_1064], %swap3A_1067 {strides = array<i32>} : memref<2048xf32, #tpu.memory_space<vmem>>, vector<16xf32>,
    %swap3A_1068 = arith.constant 1920 : index
    %swap3A_1069 = tpu.vector_load %arg5[%swap3A_1068] {strides = array<i32>} : memref<2048xf32, #tpu.memory_space<vmem>>, vector<16xf32>,
    %swap3A_1070 = vector.shape_cast %swap3A_1069 : vector<16xf32> to vector<16xf32>
    %swap3A_1071 = vector.shape_cast %broadcast_in_dim3A_5 : vector<16xf32> to vector<16xf32>
    tpu.vector_store %arg5[%swap3A_1068], %swap3A_1071 {strides = array<i32>} : memref<2048xf32, #tpu.memory_space<vmem>>, vector<16xf32>,
    %swap3A_1072 = arith.constant 1936 : index
    %swap3A_1073 = tpu.vector_load %arg5[%swap3A_1072] {strides = array<i32>} : memref<2048xf32, #tpu.memory_space<vmem>>, vector<16xf32>,
    %swap3A_1074 = vector.shape_cast %swap3A_1073 : vector<16xf32> to vector<16xf32>
    %swap3A_1075 = vector.shape_cast %broadcast_in_dim3A_5 : vector<16xf32> to vector<16xf32>
    tpu.vector_store %arg5[%swap3A_1072], %swap3A_1075 {strides = array<i32>} : memref<2048xf32, #tpu.memory_space<vmem>>, vector<16xf32>,
    %swap3A_1076 = arith.constant 1952 : index
    %swap3A_1077 = tpu.vector_load %arg5[%swap3A_1076] {strides = array<i32>} : memref<2048xf32, #tpu.memory_space<vmem>>, vector<16xf32>,
    %swap3A_1078 = vector.shape_cast %swap3A_1077 : vector<16xf32> to vector<16xf32>
    %swap3A_1079 = vector.shape_cast %broadcast_in_dim3A_5 : vector<16xf32> to vector<16xf32>
    tpu.vector_store %arg5[%swap3A_1076], %swap3A_1079 {strides = array<i32>} : memref<2048xf32, #tpu.memory_space<vmem>>, vector<16xf32>,
    %swap3A_1080 = arith.constant 1968 : index
    %swap3A_1081 = tpu.vector_load %arg5[%swap3A_1080] {strides = array<i32>} : memref<2048xf32, #tpu.memory_space<vmem>>, vector<16xf32>,
    %swap3A_1082 = vector.shape_cast %swap3A_1081 : vector<16xf32> to vector<16xf32>
    %swap3A_1083 = vector.shape_cast %broadcast_in_dim3A_5 : vector<16xf32> to vector<16xf32>
    tpu.vector_store %arg5[%swap3A_1080], %swap3A_1083 {strides = array<i32>} : memref<2048xf32, #tpu.memory_space<vmem>>, vector<16xf32>,
    %swap3A_1084 = arith.constant 1984 : index
    %swap3A_1085 = tpu.vector_load %arg5[%swap3A_1084] {strides = array<i32>} : memref<2048xf32, #tpu.memory_space<vmem>>, vector<16xf32>,
    %swap3A_1086 = vector.shape_cast %swap3A_1085 : vector<16xf32> to vector<16xf32>
    %swap3A_1087 = vector.shape_cast %broadcast_in_dim3A_5 : vector<16xf32> to vector<16xf32>
    tpu.vector_store %arg5[%swap3A_1084], %swap3A_1087 {strides = array<i32>} : memref<2048xf32, #tpu.memory_space<vmem>>, vector<16xf32>,
    %swap3A_1088 = arith.constant 2000 : index
    %swap3A_1089 = tpu.vector_load %arg5[%swap3A_1088] {strides = array<i32>} : memref<2048xf32, #tpu.memory_space<vmem>>, vector<16xf32>,
    %swap3A_1090 = vector.shape_cast %swap3A_1089 : vector<16xf32> to vector<16xf32>
    %swap3A_1091 = vector.shape_cast %broadcast_in_dim3A_5 : vector<16xf32> to vector<16xf32>
    tpu.vector_store %arg5[%swap3A_1088], %swap3A_1091 {strides = array<i32>} : memref<2048xf32, #tpu.memory_space<vmem>>, vector<16xf32>,
    %swap3A_1092 = arith.constant 2016 : index
    %swap3A_1093 = tpu.vector_load %arg5[%swap3A_1092] {strides = array<i32>} : memref<2048xf32, #tpu.memory_space<vmem>>, vector<16xf32>,
    %swap3A_1094 = vector.shape_cast %swap3A_1093 : vector<16xf32> to vector<16xf32>
    %swap3A_1095 = vector.shape_cast %broadcast_in_dim3A_5 : vector<16xf32> to vector<16xf32>
    tpu.vector_store %arg5[%swap3A_1092], %swap3A_1095 {strides = array<i32>} : memref<2048xf32, #tpu.memory_space<vmem>>, vector<16xf32>,
    %swap3A_1096 = arith.constant 2032 : index
    %swap3A_1097 = tpu.vector_load %arg5[%swap3A_1096] {strides = array<i32>} : memref<2048xf32, #tpu.memory_space<vmem>>, vector<16xf32>,
    %swap3A_1098 = vector.shape_cast %swap3A_1097 : vector<16xf32> to vector<16xf32>
    %swap3A_1099 = vector.shape_cast %broadcast_in_dim3A_5 : vector<16xf32> to vector<16xf32>
    tpu.vector_store %arg5[%swap3A_1096], %swap3A_1099 {strides = array<i32>} : memref<2048xf32, #tpu.memory_space<vmem>>, vector<16xf32>,
    %dma_start3A_1100 = arith.constant 1 : i32
    %dma_start3A_1101 = arith.constant 0 : i32
    %dma_start3A_1102 = arith.constant 0 : i32
    %dma_start3A_1103 = arith.constant 0 : i32
    %dma_start3A_1104 = tpu.memref_slice %arg4[%dma_start3A_1101, %dma_start3A_1102, %dma_start3A_1103] : memref<2x16x2048xf32, #tpu.memory_space<vmem>> -> memref<1x16x2048xf32, #tpu.memory_space<vmem>>
    %dma_start3A_1105 = tpu.memref_squeeze %dma_start3A_1104 : memref<1x16x2048xf32, #tpu.memory_space<vmem>> -> memref<16x2048xf32, #tpu.memory_space<vmem>>
    %dma_start3A_1106 = arith.constant 0 : i32
    %dma_start3A_1107 = tpu.memref_slice %arg2[%dma_start3A_1100, %add3A_4, %dma_start3A_1106] : memref<2x24576x2048xf32, #tpu.memory_space<hbm>> -> memref<1x16x2048xf32, #tpu.memory_space<hbm>>
    %dma_start3A_1108 = tpu.memref_squeeze %dma_start3A_1107 : memref<1x16x2048xf32, #tpu.memory_space<hbm>> -> memref<16x2048xf32, #tpu.memory_space<hbm>>
    %dma_start3A_1109 = arith.constant 0 : i32
    %dma_start3A_1110 = arith.constant 0 : i32
    %dma_start3A_1111 = tpu.memref_slice %arg4[%dma_start3A_1101, %dma_start3A_1109, %dma_start3A_1110] : memref<2x16x2048xf32, #tpu.memory_space<vmem>> -> memref<1x16x2048xf32, #tpu.memory_space<vmem>>
    %dma_start3A_1112 = tpu.memref_squeeze %dma_start3A_1111 : memref<1x16x2048xf32, #tpu.memory_space<vmem>> -> memref<16x2048xf32, #tpu.memory_space<vmem>>
    %dma_start3A_1113 = arith.constant 0 : i32
    %dma_start3A_1114 = tpu.memref_slice %arg2[%dma_start3A_1100, %add3A_4, %dma_start3A_1113] : memref<2x24576x2048xf32, #tpu.memory_space<hbm>> -> memref<1x16x2048xf32, #tpu.memory_space<hbm>>
    %dma_start3A_1115 = tpu.memref_squeeze %dma_start3A_1114 : memref<1x16x2048xf32, #tpu.memory_space<hbm>> -> memref<16x2048xf32, #tpu.memory_space<hbm>>
    tpu.enqueue_dma source(%dma_start3A_1115 : memref<16x2048xf32, #tpu.memory_space<hbm>>) target(%dma_start3A_1112 : memref<16x2048xf32, #tpu.memory_space<vmem>>) target_semaphore(%arg6 : memref<!tpu.dma_semaphore, #tpu.memory_space<semaphore_mem>>)
    %add3A_1116 = arith.constant 16 : i32
    %add3A_1117 = arith.addi %add3A_4, %add3A_1116 : i32
    %dma_start3A_1118 = arith.constant 1 : i32
    %dma_start3A_1119 = arith.constant 1 : i32
    %dma_start3A_1120 = arith.constant 0 : i32
    %dma_start3A_1121 = arith.constant 0 : i32
    %dma_start3A_1122 = tpu.memref_slice %arg4[%dma_start3A_1119, %dma_start3A_1120, %dma_start3A_1121] : memref<2x16x2048xf32, #tpu.memory_space<vmem>> -> memref<1x16x2048xf32, #tpu.memory_space<vmem>>
    %dma_start3A_1123 = tpu.memref_squeeze %dma_start3A_1122 : memref<1x16x2048xf32, #tpu.memory_space<vmem>> -> memref<16x2048xf32, #tpu.memory_space<vmem>>
    %dma_start3A_1124 = arith.constant 0 : i32
    %dma_start3A_1125 = tpu.memref_slice %arg2[%dma_start3A_1118, %add3A_1117, %dma_start3A_1124] : memref<2x24576x2048xf32, #tpu.memory_space<hbm>> -> memref<1x16x2048xf32, #tpu.memory_space<hbm>>
    %dma_start3A_1126 = tpu.memref_squeeze %dma_start3A_1125 : memref<1x16x2048xf32, #tpu.memory_space<hbm>> -> memref<16x2048xf32, #tpu.memory_space<hbm>>
    %dma_start3A_1127 = arith.constant 0 : i32
    %dma_start3A_1128 = arith.constant 0 : i32
    %dma_start3A_1129 = tpu.memref_slice %arg4[%dma_start3A_1119, %dma_start3A_1127, %dma_start3A_1128] : memref<2x16x2048xf32, #tpu.memory_space<vmem>> -> memref<1x16x2048xf32, #tpu.memory_space<vmem>>
    %dma_start3A_1130 = tpu.memref_squeeze %dma_start3A_1129 : memref<1x16x2048xf32, #tpu.memory_space<vmem>> -> memref<16x2048xf32, #tpu.memory_space<vmem>>
    %dma_start3A_1131 = arith.constant 0 : i32
    %dma_start3A_1132 = tpu.memref_slice %arg2[%dma_start3A_1118, %add3A_1117, %dma_start3A_1131] : memref<2x24576x2048xf32, #tpu.memory_space<hbm>> -> memref<1x16x2048xf32, #tpu.memory_space<hbm>>
    %dma_start3A_1133 = tpu.memref_squeeze %dma_start3A_1132 : memref<1x16x2048xf32, #tpu.memory_space<hbm>> -> memref<16x2048xf32, #tpu.memory_space<hbm>>
    tpu.enqueue_dma source(%dma_start3A_1133 : memref<16x2048xf32, #tpu.memory_space<hbm>>) target(%dma_start3A_1130 : memref<16x2048xf32, #tpu.memory_space<vmem>>) target_semaphore(%arg7 : memref<!tpu.dma_semaphore, #tpu.memory_space<semaphore_mem>>)
    %dma_wait3A_1134 = arith.constant 1 : i32
    %dma_wait3A_1135 = arith.constant 0 : i32
    %dma_wait3A_1136 = arith.constant 0 : i32
    %dma_wait3A_1137 = arith.constant 0 : i32
    %dma_wait3A_1138 = tpu.memref_slice %arg4[%dma_wait3A_1135, %dma_wait3A_1136, %dma_wait3A_1137] : memref<2x16x2048xf32, #tpu.memory_space<vmem>> -> memref<1x16x2048xf32, #tpu.memory_space<vmem>>
    %dma_wait3A_1139 = tpu.memref_squeeze %dma_wait3A_1138 : memref<1x16x2048xf32, #tpu.memory_space<vmem>> -> memref<16x2048xf32, #tpu.memory_space<vmem>>
    %dma_wait3A_1140 = arith.constant 0 : i32
    %dma_wait3A_1141 = tpu.memref_slice %arg2[%dma_wait3A_1134, %add3A_4, %dma_wait3A_1140] : memref<2x24576x2048xf32, #tpu.memory_space<hbm>> -> memref<1x16x2048xf32, #tpu.memory_space<hbm>>
    %dma_wait3A_1142 = tpu.memref_squeeze %dma_wait3A_1141 : memref<1x16x2048xf32, #tpu.memory_space<hbm>> -> memref<16x2048xf32, #tpu.memory_space<hbm>>
    %dma_wait3A_1143 = arith.constant 0 : i32
    %dma_wait3A_1144 = arith.constant 0 : i32
    %dma_wait3A_1145 = tpu.memref_slice %arg4[%dma_wait3A_1135, %dma_wait3A_1143, %dma_wait3A_1144] : memref<2x16x2048xf32, #tpu.memory_space<vmem>> -> memref<1x16x2048xf32, #tpu.memory_space<vmem>>
    %dma_wait3A_1146 = tpu.memref_squeeze %dma_wait3A_1145 : memref<1x16x2048xf32, #tpu.memory_space<vmem>> -> memref<16x2048xf32, #tpu.memory_space<vmem>>
    %dma_wait3A_1147 = arith.constant 0 : i32
    %dma_wait3A_1148 = tpu.memref_slice %arg2[%dma_wait3A_1134, %add3A_4, %dma_wait3A_1147] : memref<2x24576x2048xf32, #tpu.memory_space<hbm>> -> memref<1x16x2048xf32, #tpu.memory_space<hbm>>
    %dma_wait3A_1149 = tpu.memref_squeeze %dma_wait3A_1148 : memref<1x16x2048xf32, #tpu.memory_space<hbm>> -> memref<16x2048xf32, #tpu.memory_space<hbm>>
    tpu.wait_dma2 semaphore(%arg6 : memref<!tpu.dma_semaphore, #tpu.memory_space<semaphore_mem>>) src(%dma_wait3A_1149 : memref<16x2048xf32, #tpu.memory_space<hbm>>) dst(%dma_wait3A_1146 : memref<16x2048xf32, #tpu.memory_space<vmem>>)
    %parallel_loop3A_1150 = arith.constant 0 : i32
    %parallel_loop3A_1151 = arith.constant 128 : i32
    %parallel_loop3A_1152 = arith.constant 1 : i32
    %parallel_loop3A_1153 = arith.constant 0 : i32
    scf.for %parallel_loop3A_1175 = %parallel_loop3A_1150 to %parallel_loop3A_1151 step %parallel_loop3A_1152  : i32 {
      %parallel_loop3A_1176 = arith.constant 16 : i32
      %parallel_loop3A_1177 = arith.muli %parallel_loop3A_1175, %parallel_loop3A_1176 : i32
      %parallel_loop3A_1178 = arith.constant 0 : i32
      %parallel_loop3A_1179 = arith.constant 0 : i32
      %parallel_loop3A_1180 = arith.constant 0 : i32
      %parallel_loop3A_1181 = tpu.memref_slice %arg4[%parallel_loop3A_1153, %parallel_loop3A_1179, %parallel_loop3A_1180] : memref<2x16x2048xf32, #tpu.memory_space<vmem>> -> memref<1x16x2048xf32, #tpu.memory_space<vmem>>
      %parallel_loop3A_1182 = tpu.memref_squeeze %parallel_loop3A_1181 : memref<1x16x2048xf32, #tpu.memory_space<vmem>> -> memref<16x2048xf32, #tpu.memory_space<vmem>>
      %parallel_loop3A_1183 = arith.index_cast %parallel_loop3A_1178 : i32 to index
      %parallel_loop3A_1184 = arith.index_cast %parallel_loop3A_1177 : i32 to index
      %parallel_loop3A_1185 = tpu.vector_load %parallel_loop3A_1182[%parallel_loop3A_1183, %parallel_loop3A_1184] {strides = array<i32>} : memref<16x2048xf32, #tpu.memory_space<vmem>>, vector<1x16xf32>,
      %parallel_loop3A_1186 = vector.shape_cast %parallel_loop3A_1185 : vector<1x16xf32> to vector<16xf32>
      %parallel_loop3A_1187 = arith.constant 1 : i32
      %parallel_loop3A_1188 = arith.constant 0 : i32
      %parallel_loop3A_1189 = arith.constant 0 : i32
      %parallel_loop3A_1190 = tpu.memref_slice %arg4[%parallel_loop3A_1153, %parallel_loop3A_1188, %parallel_loop3A_1189] : memref<2x16x2048xf32, #tpu.memory_space<vmem>> -> memref<1x16x2048xf32, #tpu.memory_space<vmem>>
      %parallel_loop3A_1191 = tpu.memref_squeeze %parallel_loop3A_1190 : memref<1x16x2048xf32, #tpu.memory_space<vmem>> -> memref<16x2048xf32, #tpu.memory_space<vmem>>
      %parallel_loop3A_1192 = arith.index_cast %parallel_loop3A_1187 : i32 to index
      %parallel_loop3A_1193 = arith.index_cast %parallel_loop3A_1177 : i32 to index
      %parallel_loop3A_1194 = tpu.vector_load %parallel_loop3A_1191[%parallel_loop3A_1192, %parallel_loop3A_1193] {strides = array<i32>} : memref<16x2048xf32, #tpu.memory_space<vmem>>, vector<1x16xf32>,
      %parallel_loop3A_1195 = vector.shape_cast %parallel_loop3A_1194 : vector<1x16xf32> to vector<16xf32>
      %parallel_loop3A_1196 = arith.addf %parallel_loop3A_1186, %parallel_loop3A_1195 : vector<16xf32>
      %parallel_loop3A_1197 = arith.constant 2 : i32
      %parallel_loop3A_1198 = arith.constant 0 : i32
      %parallel_loop3A_1199 = arith.constant 0 : i32
      %parallel_loop3A_1200 = tpu.memref_slice %arg4[%parallel_loop3A_1153, %parallel_loop3A_1198, %parallel_loop3A_1199] : memref<2x16x2048xf32, #tpu.memory_space<vmem>> -> memref<1x16x2048xf32, #tpu.memory_space<vmem>>
      %parallel_loop3A_1201 = tpu.memref_squeeze %parallel_loop3A_1200 : memref<1x16x2048xf32, #tpu.memory_space<vmem>> -> memref<16x2048xf32, #tpu.memory_space<vmem>>
      %parallel_loop3A_1202 = arith.index_cast %parallel_loop3A_1197 : i32 to index
      %parallel_loop3A_1203 = arith.index_cast %parallel_loop3A_1177 : i32 to index
      %parallel_loop3A_1204 = tpu.vector_load %parallel_loop3A_1201[%parallel_loop3A_1202, %parallel_loop3A_1203] {strides = array<i32>} : memref<16x2048xf32, #tpu.memory_space<vmem>>, vector<1x16xf32>,
      %parallel_loop3A_1205 = vector.shape_cast %parallel_loop3A_1204 : vector<1x16xf32> to vector<16xf32>
      %parallel_loop3A_1206 = arith.addf %parallel_loop3A_1196, %parallel_loop3A_1205 : vector<16xf32>
      %parallel_loop3A_1207 = arith.constant 3 : i32
      %parallel_loop3A_1208 = arith.constant 0 : i32
      %parallel_loop3A_1209 = arith.constant 0 : i32
      %parallel_loop3A_1210 = tpu.memref_slice %arg4[%parallel_loop3A_1153, %parallel_loop3A_1208, %parallel_loop3A_1209] : memref<2x16x2048xf32, #tpu.memory_space<vmem>> -> memref<1x16x2048xf32, #tpu.memory_space<vmem>>
      %parallel_loop3A_1211 = tpu.memref_squeeze %parallel_loop3A_1210 : memref<1x16x2048xf32, #tpu.memory_space<vmem>> -> memref<16x2048xf32, #tpu.memory_space<vmem>>
      %parallel_loop3A_1212 = arith.index_cast %parallel_loop3A_1207 : i32 to index
      %parallel_loop3A_1213 = arith.index_cast %parallel_loop3A_1177 : i32 to index
      %parallel_loop3A_1214 = tpu.vector_load %parallel_loop3A_1211[%parallel_loop3A_1212, %parallel_loop3A_1213] {strides = array<i32>} : memref<16x2048xf32, #tpu.memory_space<vmem>>, vector<1x16xf32>,
      %parallel_loop3A_1215 = vector.shape_cast %parallel_loop3A_1214 : vector<1x16xf32> to vector<16xf32>
      %parallel_loop3A_1216 = arith.addf %parallel_loop3A_1206, %parallel_loop3A_1215 : vector<16xf32>
      %parallel_loop3A_1217 = arith.constant 4 : i32
      %parallel_loop3A_1218 = arith.constant 0 : i32
      %parallel_loop3A_1219 = arith.constant 0 : i32
      %parallel_loop3A_1220 = tpu.memref_slice %arg4[%parallel_loop3A_1153, %parallel_loop3A_1218, %parallel_loop3A_1219] : memref<2x16x2048xf32, #tpu.memory_space<vmem>> -> memref<1x16x2048xf32, #tpu.memory_space<vmem>>
      %parallel_loop3A_1221 = tpu.memref_squeeze %parallel_loop3A_1220 : memref<1x16x2048xf32, #tpu.memory_space<vmem>> -> memref<16x2048xf32, #tpu.memory_space<vmem>>
      %parallel_loop3A_1222 = arith.index_cast %parallel_loop3A_1217 : i32 to index
      %parallel_loop3A_1223 = arith.index_cast %parallel_loop3A_1177 : i32 to index
      %parallel_loop3A_1224 = tpu.vector_load %parallel_loop3A_1221[%parallel_loop3A_1222, %parallel_loop3A_1223] {strides = array<i32>} : memref<16x2048xf32, #tpu.memory_space<vmem>>, vector<1x16xf32>,
      %parallel_loop3A_1225 = vector.shape_cast %parallel_loop3A_1224 : vector<1x16xf32> to vector<16xf32>
      %parallel_loop3A_1226 = arith.addf %parallel_loop3A_1216, %parallel_loop3A_1225 : vector<16xf32>
      %parallel_loop3A_1227 = arith.constant 5 : i32
      %parallel_loop3A_1228 = arith.constant 0 : i32
      %parallel_loop3A_1229 = arith.constant 0 : i32
      %parallel_loop3A_1230 = tpu.memref_slice %arg4[%parallel_loop3A_1153, %parallel_loop3A_1228, %parallel_loop3A_1229] : memref<2x16x2048xf32, #tpu.memory_space<vmem>> -> memref<1x16x2048xf32, #tpu.memory_space<vmem>>
      %parallel_loop3A_1231 = tpu.memref_squeeze %parallel_loop3A_1230 : memref<1x16x2048xf32, #tpu.memory_space<vmem>> -> memref<16x2048xf32, #tpu.memory_space<vmem>>
      %parallel_loop3A_1232 = arith.index_cast %parallel_loop3A_1227 : i32 to index
      %parallel_loop3A_1233 = arith.index_cast %parallel_loop3A_1177 : i32 to index
      %parallel_loop3A_1234 = tpu.vector_load %parallel_loop3A_1231[%parallel_loop3A_1232, %parallel_loop3A_1233] {strides = array<i32>} : memref<16x2048xf32, #tpu.memory_space<vmem>>, vector<1x16xf32>,
      %parallel_loop3A_1235 = vector.shape_cast %parallel_loop3A_1234 : vector<1x16xf32> to vector<16xf32>
      %parallel_loop3A_1236 = arith.addf %parallel_loop3A_1226, %parallel_loop3A_1235 : vector<16xf32>
      %parallel_loop3A_1237 = arith.constant 6 : i32
      %parallel_loop3A_1238 = arith.constant 0 : i32
      %parallel_loop3A_1239 = arith.constant 0 : i32
      %parallel_loop3A_1240 = tpu.memref_slice %arg4[%parallel_loop3A_1153, %parallel_loop3A_1238, %parallel_loop3A_1239] : memref<2x16x2048xf32, #tpu.memory_space<vmem>> -> memref<1x16x2048xf32, #tpu.memory_space<vmem>>
      %parallel_loop3A_1241 = tpu.memref_squeeze %parallel_loop3A_1240 : memref<1x16x2048xf32, #tpu.memory_space<vmem>> -> memref<16x2048xf32, #tpu.memory_space<vmem>>
      %parallel_loop3A_1242 = arith.index_cast %parallel_loop3A_1237 : i32 to index
      %parallel_loop3A_1243 = arith.index_cast %parallel_loop3A_1177 : i32 to index
      %parallel_loop3A_1244 = tpu.vector_load %parallel_loop3A_1241[%parallel_loop3A_1242, %parallel_loop3A_1243] {strides = array<i32>} : memref<16x2048xf32, #tpu.memory_space<vmem>>, vector<1x16xf32>,
      %parallel_loop3A_1245 = vector.shape_cast %parallel_loop3A_1244 : vector<1x16xf32> to vector<16xf32>
      %parallel_loop3A_1246 = arith.addf %parallel_loop3A_1236, %parallel_loop3A_1245 : vector<16xf32>
      %parallel_loop3A_1247 = arith.constant 7 : i32
      %parallel_loop3A_1248 = arith.constant 0 : i32
      %parallel_loop3A_1249 = arith.constant 0 : i32
      %parallel_loop3A_1250 = tpu.memref_slice %arg4[%parallel_loop3A_1153, %parallel_loop3A_1248, %parallel_loop3A_1249] : memref<2x16x2048xf32, #tpu.memory_space<vmem>> -> memref<1x16x2048xf32, #tpu.memory_space<vmem>>
      %parallel_loop3A_1251 = tpu.memref_squeeze %parallel_loop3A_1250 : memref<1x16x2048xf32, #tpu.memory_space<vmem>> -> memref<16x2048xf32, #tpu.memory_space<vmem>>
      %parallel_loop3A_1252 = arith.index_cast %parallel_loop3A_1247 : i32 to index
      %parallel_loop3A_1253 = arith.index_cast %parallel_loop3A_1177 : i32 to index
      %parallel_loop3A_1254 = tpu.vector_load %parallel_loop3A_1251[%parallel_loop3A_1252, %parallel_loop3A_1253] {strides = array<i32>} : memref<16x2048xf32, #tpu.memory_space<vmem>>, vector<1x16xf32>,
      %parallel_loop3A_1255 = vector.shape_cast %parallel_loop3A_1254 : vector<1x16xf32> to vector<16xf32>
      %parallel_loop3A_1256 = arith.addf %parallel_loop3A_1246, %parallel_loop3A_1255 : vector<16xf32>
      %parallel_loop3A_1257 = arith.constant 8 : i32
      %parallel_loop3A_1258 = arith.constant 0 : i32
      %parallel_loop3A_1259 = arith.constant 0 : i32
      %parallel_loop3A_1260 = tpu.memref_slice %arg4[%parallel_loop3A_1153, %parallel_loop3A_1258, %parallel_loop3A_1259] : memref<2x16x2048xf32, #tpu.memory_space<vmem>> -> memref<1x16x2048xf32, #tpu.memory_space<vmem>>
      %parallel_loop3A_1261 = tpu.memref_squeeze %parallel_loop3A_1260 : memref<1x16x2048xf32, #tpu.memory_space<vmem>> -> memref<16x2048xf32, #tpu.memory_space<vmem>>
      %parallel_loop3A_1262 = arith.index_cast %parallel_loop3A_1257 : i32 to index
      %parallel_loop3A_1263 = arith.index_cast %parallel_loop3A_1177 : i32 to index
      %parallel_loop3A_1264 = tpu.vector_load %parallel_loop3A_1261[%parallel_loop3A_1262, %parallel_loop3A_1263] {strides = array<i32>} : memref<16x2048xf32, #tpu.memory_space<vmem>>, vector<1x16xf32>,
      %parallel_loop3A_1265 = vector.shape_cast %parallel_loop3A_1264 : vector<1x16xf32> to vector<16xf32>
      %parallel_loop3A_1266 = arith.addf %parallel_loop3A_1256, %parallel_loop3A_1265 : vector<16xf32>
      %parallel_loop3A_1267 = arith.constant 9 : i32
      %parallel_loop3A_1268 = arith.constant 0 : i32
      %parallel_loop3A_1269 = arith.constant 0 : i32
      %parallel_loop3A_1270 = tpu.memref_slice %arg4[%parallel_loop3A_1153, %parallel_loop3A_1268, %parallel_loop3A_1269] : memref<2x16x2048xf32, #tpu.memory_space<vmem>> -> memref<1x16x2048xf32, #tpu.memory_space<vmem>>
      %parallel_loop3A_1271 = tpu.memref_squeeze %parallel_loop3A_1270 : memref<1x16x2048xf32, #tpu.memory_space<vmem>> -> memref<16x2048xf32, #tpu.memory_space<vmem>>
      %parallel_loop3A_1272 = arith.index_cast %parallel_loop3A_1267 : i32 to index
      %parallel_loop3A_1273 = arith.index_cast %parallel_loop3A_1177 : i32 to index
      %parallel_loop3A_1274 = tpu.vector_load %parallel_loop3A_1271[%parallel_loop3A_1272, %parallel_loop3A_1273] {strides = array<i32>} : memref<16x2048xf32, #tpu.memory_space<vmem>>, vector<1x16xf32>,
      %parallel_loop3A_1275 = vector.shape_cast %parallel_loop3A_1274 : vector<1x16xf32> to vector<16xf32>
      %parallel_loop3A_1276 = arith.addf %parallel_loop3A_1266, %parallel_loop3A_1275 : vector<16xf32>
      %parallel_loop3A_1277 = arith.constant 10 : i32
      %parallel_loop3A_1278 = arith.constant 0 : i32
      %parallel_loop3A_1279 = arith.constant 0 : i32
      %parallel_loop3A_1280 = tpu.memref_slice %arg4[%parallel_loop3A_1153, %parallel_loop3A_1278, %parallel_loop3A_1279] : memref<2x16x2048xf32, #tpu.memory_space<vmem>> -> memref<1x16x2048xf32, #tpu.memory_space<vmem>>
      %parallel_loop3A_1281 = tpu.memref_squeeze %parallel_loop3A_1280 : memref<1x16x2048xf32, #tpu.memory_space<vmem>> -> memref<16x2048xf32, #tpu.memory_space<vmem>>
      %parallel_loop3A_1282 = arith.index_cast %parallel_loop3A_1277 : i32 to index
      %parallel_loop3A_1283 = arith.index_cast %parallel_loop3A_1177 : i32 to index
      %parallel_loop3A_1284 = tpu.vector_load %parallel_loop3A_1281[%parallel_loop3A_1282, %parallel_loop3A_1283] {strides = array<i32>} : memref<16x2048xf32, #tpu.memory_space<vmem>>, vector<1x16xf32>,
      %parallel_loop3A_1285 = vector.shape_cast %parallel_loop3A_1284 : vector<1x16xf32> to vector<16xf32>
      %parallel_loop3A_1286 = arith.addf %parallel_loop3A_1276, %parallel_loop3A_1285 : vector<16xf32>
      %parallel_loop3A_1287 = arith.constant 11 : i32
      %parallel_loop3A_1288 = arith.constant 0 : i32
      %parallel_loop3A_1289 = arith.constant 0 : i32
      %parallel_loop3A_1290 = tpu.memref_slice %arg4[%parallel_loop3A_1153, %parallel_loop3A_1288, %parallel_loop3A_1289] : memref<2x16x2048xf32, #tpu.memory_space<vmem>> -> memref<1x16x2048xf32, #tpu.memory_space<vmem>>
      %parallel_loop3A_1291 = tpu.memref_squeeze %parallel_loop3A_1290 : memref<1x16x2048xf32, #tpu.memory_space<vmem>> -> memref<16x2048xf32, #tpu.memory_space<vmem>>
      %parallel_loop3A_1292 = arith.index_cast %parallel_loop3A_1287 : i32 to index
      %parallel_loop3A_1293 = arith.index_cast %parallel_loop3A_1177 : i32 to index
      %parallel_loop3A_1294 = tpu.vector_load %parallel_loop3A_1291[%parallel_loop3A_1292, %parallel_loop3A_1293] {strides = array<i32>} : memref<16x2048xf32, #tpu.memory_space<vmem>>, vector<1x16xf32>,
      %parallel_loop3A_1295 = vector.shape_cast %parallel_loop3A_1294 : vector<1x16xf32> to vector<16xf32>
      %parallel_loop3A_1296 = arith.addf %parallel_loop3A_1286, %parallel_loop3A_1295 : vector<16xf32>
      %parallel_loop3A_1297 = arith.constant 12 : i32
      %parallel_loop3A_1298 = arith.constant 0 : i32
      %parallel_loop3A_1299 = arith.constant 0 : i32
      %parallel_loop3A_1300 = tpu.memref_slice %arg4[%parallel_loop3A_1153, %parallel_loop3A_1298, %parallel_loop3A_1299] : memref<2x16x2048xf32, #tpu.memory_space<vmem>> -> memref<1x16x2048xf32, #tpu.memory_space<vmem>>
      %parallel_loop3A_1301 = tpu.memref_squeeze %parallel_loop3A_1300 : memref<1x16x2048xf32, #tpu.memory_space<vmem>> -> memref<16x2048xf32, #tpu.memory_space<vmem>>
      %parallel_loop3A_1302 = arith.index_cast %parallel_loop3A_1297 : i32 to index
      %parallel_loop3A_1303 = arith.index_cast %parallel_loop3A_1177 : i32 to index
      %parallel_loop3A_1304 = tpu.vector_load %parallel_loop3A_1301[%parallel_loop3A_1302, %parallel_loop3A_1303] {strides = array<i32>} : memref<16x2048xf32, #tpu.memory_space<vmem>>, vector<1x16xf32>,
      %parallel_loop3A_1305 = vector.shape_cast %parallel_loop3A_1304 : vector<1x16xf32> to vector<16xf32>
      %parallel_loop3A_1306 = arith.addf %parallel_loop3A_1296, %parallel_loop3A_1305 : vector<16xf32>
      %parallel_loop3A_1307 = arith.constant 13 : i32
      %parallel_loop3A_1308 = arith.constant 0 : i32
      %parallel_loop3A_1309 = arith.constant 0 : i32
      %parallel_loop3A_1310 = tpu.memref_slice %arg4[%parallel_loop3A_1153, %parallel_loop3A_1308, %parallel_loop3A_1309] : memref<2x16x2048xf32, #tpu.memory_space<vmem>> -> memref<1x16x2048xf32, #tpu.memory_space<vmem>>
      %parallel_loop3A_1311 = tpu.memref_squeeze %parallel_loop3A_1310 : memref<1x16x2048xf32, #tpu.memory_space<vmem>> -> memref<16x2048xf32, #tpu.memory_space<vmem>>
      %parallel_loop3A_1312 = arith.index_cast %parallel_loop3A_1307 : i32 to index
      %parallel_loop3A_1313 = arith.index_cast %parallel_loop3A_1177 : i32 to index
      %parallel_loop3A_1314 = tpu.vector_load %parallel_loop3A_1311[%parallel_loop3A_1312, %parallel_loop3A_1313] {strides = array<i32>} : memref<16x2048xf32, #tpu.memory_space<vmem>>, vector<1x16xf32>,
      %parallel_loop3A_1315 = vector.shape_cast %parallel_loop3A_1314 : vector<1x16xf32> to vector<16xf32>
      %parallel_loop3A_1316 = arith.addf %parallel_loop3A_1306, %parallel_loop3A_1315 : vector<16xf32>
      %parallel_loop3A_1317 = arith.constant 14 : i32
      %parallel_loop3A_1318 = arith.constant 0 : i32
      %parallel_loop3A_1319 = arith.constant 0 : i32
      %parallel_loop3A_1320 = tpu.memref_slice %arg4[%parallel_loop3A_1153, %parallel_loop3A_1318, %parallel_loop3A_1319] : memref<2x16x2048xf32, #tpu.memory_space<vmem>> -> memref<1x16x2048xf32, #tpu.memory_space<vmem>>
      %parallel_loop3A_1321 = tpu.memref_squeeze %parallel_loop3A_1320 : memref<1x16x2048xf32, #tpu.memory_space<vmem>> -> memref<16x2048xf32, #tpu.memory_space<vmem>>
      %parallel_loop3A_1322 = arith.index_cast %parallel_loop3A_1317 : i32 to index
      %parallel_loop3A_1323 = arith.index_cast %parallel_loop3A_1177 : i32 to index
      %parallel_loop3A_1324 = tpu.vector_load %parallel_loop3A_1321[%parallel_loop3A_1322, %parallel_loop3A_1323] {strides = array<i32>} : memref<16x2048xf32, #tpu.memory_space<vmem>>, vector<1x16xf32>,
      %parallel_loop3A_1325 = vector.shape_cast %parallel_loop3A_1324 : vector<1x16xf32> to vector<16xf32>
      %parallel_loop3A_1326 = arith.addf %parallel_loop3A_1316, %parallel_loop3A_1325 : vector<16xf32>
      %parallel_loop3A_1327 = arith.constant 15 : i32
      %parallel_loop3A_1328 = arith.constant 0 : i32
      %parallel_loop3A_1329 = arith.constant 0 : i32
      %parallel_loop3A_1330 = tpu.memref_slice %arg4[%parallel_loop3A_1153, %parallel_loop3A_1328, %parallel_loop3A_1329] : memref<2x16x2048xf32, #tpu.memory_space<vmem>> -> memref<1x16x2048xf32, #tpu.memory_space<vmem>>
      %parallel_loop3A_1331 = tpu.memref_squeeze %parallel_loop3A_1330 : memref<1x16x2048xf32, #tpu.memory_space<vmem>> -> memref<16x2048xf32, #tpu.memory_space<vmem>>
      %parallel_loop3A_1332 = arith.index_cast %parallel_loop3A_1327 : i32 to index
      %parallel_loop3A_1333 = arith.index_cast %parallel_loop3A_1177 : i32 to index
      %parallel_loop3A_1334 = tpu.vector_load %parallel_loop3A_1331[%parallel_loop3A_1332, %parallel_loop3A_1333] {strides = array<i32>} : memref<16x2048xf32, #tpu.memory_space<vmem>>, vector<1x16xf32>,
      %parallel_loop3A_1335 = vector.shape_cast %parallel_loop3A_1334 : vector<1x16xf32> to vector<16xf32>
      %parallel_loop3A_1336 = arith.addf %parallel_loop3A_1326, %parallel_loop3A_1335 : vector<16xf32>
      %parallel_loop3A_1337 = arith.index_cast %parallel_loop3A_1177 : i32 to index
      %parallel_loop3A_1338 = tpu.vector_load %arg5[%parallel_loop3A_1337] {strides = array<i32>} : memref<2048xf32, #tpu.memory_space<vmem>>, vector<16xf32>,
      %parallel_loop3A_1339 = vector.shape_cast %parallel_loop3A_1338 : vector<16xf32> to vector<16xf32>
      %parallel_loop3A_1340 = vector.shape_cast %parallel_loop3A_1336 : vector<16xf32> to vector<16xf32>
      tpu.vector_store %arg5[%parallel_loop3A_1337], %parallel_loop3A_1340 {add = true, strides = array<i32>} : memref<2048xf32, #tpu.memory_space<vmem>>, vector<16xf32>,
    } {sc.loop_unroll_factor = 1 : i64, sc.parallel_access}
    %dma_wait3A_1154 = arith.constant 1 : i32
    %dma_wait3A_1155 = arith.constant 1 : i32
    %dma_wait3A_1156 = arith.constant 0 : i32
    %dma_wait3A_1157 = arith.constant 0 : i32
    %dma_wait3A_1158 = tpu.memref_slice %arg4[%dma_wait3A_1155, %dma_wait3A_1156, %dma_wait3A_1157] : memref<2x16x2048xf32, #tpu.memory_space<vmem>> -> memref<1x16x2048xf32, #tpu.memory_space<vmem>>
    %dma_wait3A_1159 = tpu.memref_squeeze %dma_wait3A_1158 : memref<1x16x2048xf32, #tpu.memory_space<vmem>> -> memref<16x2048xf32, #tpu.memory_space<vmem>>
    %dma_wait3A_1160 = arith.constant 0 : i32
    %dma_wait3A_1161 = tpu.memref_slice %arg2[%dma_wait3A_1154, %add3A_1117, %dma_wait3A_1160] : memref<2x24576x2048xf32, #tpu.memory_space<hbm>> -> memref<1x16x2048xf32, #tpu.memory_space<hbm>>
    %dma_wait3A_1162 = tpu.memref_squeeze %dma_wait3A_1161 : memref<1x16x2048xf32, #tpu.memory_space<hbm>> -> memref<16x2048xf32, #tpu.memory_space<hbm>>
    %dma_wait3A_1163 = arith.constant 0 : i32
    %dma_wait3A_1164 = arith.constant 0 : i32
    %dma_wait3A_1165 = tpu.memref_slice %arg4[%dma_wait3A_1155, %dma_wait3A_1163, %dma_wait3A_1164] : memref<2x16x2048xf32, #tpu.memory_space<vmem>> -> memref<1x16x2048xf32, #tpu.memory_space<vmem>>
    %dma_wait3A_1166 = tpu.memref_squeeze %dma_wait3A_1165 : memref<1x16x2048xf32, #tpu.memory_space<vmem>> -> memref<16x2048xf32, #tpu.memory_space<vmem>>
    %dma_wait3A_1167 = arith.constant 0 : i32
    %dma_wait3A_1168 = tpu.memref_slice %arg2[%dma_wait3A_1154, %add3A_1117, %dma_wait3A_1167] : memref<2x24576x2048xf32, #tpu.memory_space<hbm>> -> memref<1x16x2048xf32, #tpu.memory_space<hbm>>
    %dma_wait3A_1169 = tpu.memref_squeeze %dma_wait3A_1168 : memref<1x16x2048xf32, #tpu.memory_space<hbm>> -> memref<16x2048xf32, #tpu.memory_space<hbm>>
    tpu.wait_dma2 semaphore(%arg7 : memref<!tpu.dma_semaphore, #tpu.memory_space<semaphore_mem>>) src(%dma_wait3A_1169 : memref<16x2048xf32, #tpu.memory_space<hbm>>) dst(%dma_wait3A_1166 : memref<16x2048xf32, #tpu.memory_space<vmem>>)
    %parallel_loop3A_1170 = arith.constant 0 : i32
    %parallel_loop3A_1171 = arith.constant 128 : i32
    %parallel_loop3A_1172 = arith.constant 1 : i32
    %parallel_loop3A_1173 = arith.constant 1 : i32
    scf.for %parallel_loop3A_1175 = %parallel_loop3A_1170 to %parallel_loop3A_1171 step %parallel_loop3A_1172  : i32 {
      %parallel_loop3A_1176 = arith.constant 16 : i32
      %parallel_loop3A_1177 = arith.muli %parallel_loop3A_1175, %parallel_loop3A_1176 : i32
      %parallel_loop3A_1178 = arith.constant 0 : i32
      %parallel_loop3A_1179 = arith.constant 0 : i32
      %parallel_loop3A_1180 = arith.constant 0 : i32
      %parallel_loop3A_1181 = tpu.memref_slice %arg4[%parallel_loop3A_1173, %parallel_loop3A_1179, %parallel_loop3A_1180] : memref<2x16x2048xf32, #tpu.memory_space<vmem>> -> memref<1x16x2048xf32, #tpu.memory_space<vmem>>
      %parallel_loop3A_1182 = tpu.memref_squeeze %parallel_loop3A_1181 : memref<1x16x2048xf32, #tpu.memory_space<vmem>> -> memref<16x2048xf32, #tpu.memory_space<vmem>>
      %parallel_loop3A_1183 = arith.index_cast %parallel_loop3A_1178 : i32 to index
      %parallel_loop3A_1184 = arith.index_cast %parallel_loop3A_1177 : i32 to index
      %parallel_loop3A_1185 = tpu.vector_load %parallel_loop3A_1182[%parallel_loop3A_1183, %parallel_loop3A_1184] {strides = array<i32>} : memref<16x2048xf32, #tpu.memory_space<vmem>>, vector<1x16xf32>,
      %parallel_loop3A_1186 = vector.shape_cast %parallel_loop3A_1185 : vector<1x16xf32> to vector<16xf32>
      %parallel_loop3A_1187 = arith.constant 1 : i32
      %parallel_loop3A_1188 = arith.constant 0 : i32
      %parallel_loop3A_1189 = arith.constant 0 : i32
      %parallel_loop3A_1190 = tpu.memref_slice %arg4[%parallel_loop3A_1173, %parallel_loop3A_1188, %parallel_loop3A_1189] : memref<2x16x2048xf32, #tpu.memory_space<vmem>> -> memref<1x16x2048xf32, #tpu.memory_space<vmem>>
      %parallel_loop3A_1191 = tpu.memref_squeeze %parallel_loop3A_1190 : memref<1x16x2048xf32, #tpu.memory_space<vmem>> -> memref<16x2048xf32, #tpu.memory_space<vmem>>
      %parallel_loop3A_1192 = arith.index_cast %parallel_loop3A_1187 : i32 to index
      %parallel_loop3A_1193 = arith.index_cast %parallel_loop3A_1177 : i32 to index
      %parallel_loop3A_1194 = tpu.vector_load %parallel_loop3A_1191[%parallel_loop3A_1192, %parallel_loop3A_1193] {strides = array<i32>} : memref<16x2048xf32, #tpu.memory_space<vmem>>, vector<1x16xf32>,
      %parallel_loop3A_1195 = vector.shape_cast %parallel_loop3A_1194 : vector<1x16xf32> to vector<16xf32>
      %parallel_loop3A_1196 = arith.addf %parallel_loop3A_1186, %parallel_loop3A_1195 : vector<16xf32>
      %parallel_loop3A_1197 = arith.constant 2 : i32
      %parallel_loop3A_1198 = arith.constant 0 : i32
      %parallel_loop3A_1199 = arith.constant 0 : i32
      %parallel_loop3A_1200 = tpu.memref_slice %arg4[%parallel_loop3A_1173, %parallel_loop3A_1198, %parallel_loop3A_1199] : memref<2x16x2048xf32, #tpu.memory_space<vmem>> -> memref<1x16x2048xf32, #tpu.memory_space<vmem>>
      %parallel_loop3A_1201 = tpu.memref_squeeze %parallel_loop3A_1200 : memref<1x16x2048xf32, #tpu.memory_space<vmem>> -> memref<16x2048xf32, #tpu.memory_space<vmem>>
      %parallel_loop3A_1202 = arith.index_cast %parallel_loop3A_1197 : i32 to index
      %parallel_loop3A_1203 = arith.index_cast %parallel_loop3A_1177 : i32 to index
      %parallel_loop3A_1204 = tpu.vector_load %parallel_loop3A_1201[%parallel_loop3A_1202, %parallel_loop3A_1203] {strides = array<i32>} : memref<16x2048xf32, #tpu.memory_space<vmem>>, vector<1x16xf32>,
      %parallel_loop3A_1205 = vector.shape_cast %parallel_loop3A_1204 : vector<1x16xf32> to vector<16xf32>
      %parallel_loop3A_1206 = arith.addf %parallel_loop3A_1196, %parallel_loop3A_1205 : vector<16xf32>
      %parallel_loop3A_1207 = arith.constant 3 : i32
      %parallel_loop3A_1208 = arith.constant 0 : i32
      %parallel_loop3A_1209 = arith.constant 0 : i32
      %parallel_loop3A_1210 = tpu.memref_slice %arg4[%parallel_loop3A_1173, %parallel_loop3A_1208, %parallel_loop3A_1209] : memref<2x16x2048xf32, #tpu.memory_space<vmem>> -> memref<1x16x2048xf32, #tpu.memory_space<vmem>>
      %parallel_loop3A_1211 = tpu.memref_squeeze %parallel_loop3A_1210 : memref<1x16x2048xf32, #tpu.memory_space<vmem>> -> memref<16x2048xf32, #tpu.memory_space<vmem>>
      %parallel_loop3A_1212 = arith.index_cast %parallel_loop3A_1207 : i32 to index
      %parallel_loop3A_1213 = arith.index_cast %parallel_loop3A_1177 : i32 to index
      %parallel_loop3A_1214 = tpu.vector_load %parallel_loop3A_1211[%parallel_loop3A_1212, %parallel_loop3A_1213] {strides = array<i32>} : memref<16x2048xf32, #tpu.memory_space<vmem>>, vector<1x16xf32>,
      %parallel_loop3A_1215 = vector.shape_cast %parallel_loop3A_1214 : vector<1x16xf32> to vector<16xf32>
      %parallel_loop3A_1216 = arith.addf %parallel_loop3A_1206, %parallel_loop3A_1215 : vector<16xf32>
      %parallel_loop3A_1217 = arith.constant 4 : i32
      %parallel_loop3A_1218 = arith.constant 0 : i32
      %parallel_loop3A_1219 = arith.constant 0 : i32
      %parallel_loop3A_1220 = tpu.memref_slice %arg4[%parallel_loop3A_1173, %parallel_loop3A_1218, %parallel_loop3A_1219] : memref<2x16x2048xf32, #tpu.memory_space<vmem>> -> memref<1x16x2048xf32, #tpu.memory_space<vmem>>
      %parallel_loop3A_1221 = tpu.memref_squeeze %parallel_loop3A_1220 : memref<1x16x2048xf32, #tpu.memory_space<vmem>> -> memref<16x2048xf32, #tpu.memory_space<vmem>>
      %parallel_loop3A_1222 = arith.index_cast %parallel_loop3A_1217 : i32 to index
      %parallel_loop3A_1223 = arith.index_cast %parallel_loop3A_1177 : i32 to index
      %parallel_loop3A_1224 = tpu.vector_load %parallel_loop3A_1221[%parallel_loop3A_1222, %parallel_loop3A_1223] {strides = array<i32>} : memref<16x2048xf32, #tpu.memory_space<vmem>>, vector<1x16xf32>,
      %parallel_loop3A_1225 = vector.shape_cast %parallel_loop3A_1224 : vector<1x16xf32> to vector<16xf32>
      %parallel_loop3A_1226 = arith.addf %parallel_loop3A_1216, %parallel_loop3A_1225 : vector<16xf32>
      %parallel_loop3A_1227 = arith.constant 5 : i32
      %parallel_loop3A_1228 = arith.constant 0 : i32
      %parallel_loop3A_1229 = arith.constant 0 : i32
      %parallel_loop3A_1230 = tpu.memref_slice %arg4[%parallel_loop3A_1173, %parallel_loop3A_1228, %parallel_loop3A_1229] : memref<2x16x2048xf32, #tpu.memory_space<vmem>> -> memref<1x16x2048xf32, #tpu.memory_space<vmem>>
      %parallel_loop3A_1231 = tpu.memref_squeeze %parallel_loop3A_1230 : memref<1x16x2048xf32, #tpu.memory_space<vmem>> -> memref<16x2048xf32, #tpu.memory_space<vmem>>
      %parallel_loop3A_1232 = arith.index_cast %parallel_loop3A_1227 : i32 to index
      %parallel_loop3A_1233 = arith.index_cast %parallel_loop3A_1177 : i32 to index
      %parallel_loop3A_1234 = tpu.vector_load %parallel_loop3A_1231[%parallel_loop3A_1232, %parallel_loop3A_1233] {strides = array<i32>} : memref<16x2048xf32, #tpu.memory_space<vmem>>, vector<1x16xf32>,
      %parallel_loop3A_1235 = vector.shape_cast %parallel_loop3A_1234 : vector<1x16xf32> to vector<16xf32>
      %parallel_loop3A_1236 = arith.addf %parallel_loop3A_1226, %parallel_loop3A_1235 : vector<16xf32>
      %parallel_loop3A_1237 = arith.constant 6 : i32
      %parallel_loop3A_1238 = arith.constant 0 : i32
      %parallel_loop3A_1239 = arith.constant 0 : i32
      %parallel_loop3A_1240 = tpu.memref_slice %arg4[%parallel_loop3A_1173, %parallel_loop3A_1238, %parallel_loop3A_1239] : memref<2x16x2048xf32, #tpu.memory_space<vmem>> -> memref<1x16x2048xf32, #tpu.memory_space<vmem>>
      %parallel_loop3A_1241 = tpu.memref_squeeze %parallel_loop3A_1240 : memref<1x16x2048xf32, #tpu.memory_space<vmem>> -> memref<16x2048xf32, #tpu.memory_space<vmem>>
      %parallel_loop3A_1242 = arith.index_cast %parallel_loop3A_1237 : i32 to index
      %parallel_loop3A_1243 = arith.index_cast %parallel_loop3A_1177 : i32 to index
      %parallel_loop3A_1244 = tpu.vector_load %parallel_loop3A_1241[%parallel_loop3A_1242, %parallel_loop3A_1243] {strides = array<i32>} : memref<16x2048xf32, #tpu.memory_space<vmem>>, vector<1x16xf32>,
      %parallel_loop3A_1245 = vector.shape_cast %parallel_loop3A_1244 : vector<1x16xf32> to vector<16xf32>
      %parallel_loop3A_1246 = arith.addf %parallel_loop3A_1236, %parallel_loop3A_1245 : vector<16xf32>
      %parallel_loop3A_1247 = arith.constant 7 : i32
      %parallel_loop3A_1248 = arith.constant 0 : i32
      %parallel_loop3A_1249 = arith.constant 0 : i32
      %parallel_loop3A_1250 = tpu.memref_slice %arg4[%parallel_loop3A_1173, %parallel_loop3A_1248, %parallel_loop3A_1249] : memref<2x16x2048xf32, #tpu.memory_space<vmem>> -> memref<1x16x2048xf32, #tpu.memory_space<vmem>>
      %parallel_loop3A_1251 = tpu.memref_squeeze %parallel_loop3A_1250 : memref<1x16x2048xf32, #tpu.memory_space<vmem>> -> memref<16x2048xf32, #tpu.memory_space<vmem>>
      %parallel_loop3A_1252 = arith.index_cast %parallel_loop3A_1247 : i32 to index
      %parallel_loop3A_1253 = arith.index_cast %parallel_loop3A_1177 : i32 to index
      %parallel_loop3A_1254 = tpu.vector_load %parallel_loop3A_1251[%parallel_loop3A_1252, %parallel_loop3A_1253] {strides = array<i32>} : memref<16x2048xf32, #tpu.memory_space<vmem>>, vector<1x16xf32>,
      %parallel_loop3A_1255 = vector.shape_cast %parallel_loop3A_1254 : vector<1x16xf32> to vector<16xf32>
      %parallel_loop3A_1256 = arith.addf %parallel_loop3A_1246, %parallel_loop3A_1255 : vector<16xf32>
      %parallel_loop3A_1257 = arith.constant 8 : i32
      %parallel_loop3A_1258 = arith.constant 0 : i32
      %parallel_loop3A_1259 = arith.constant 0 : i32
      %parallel_loop3A_1260 = tpu.memref_slice %arg4[%parallel_loop3A_1173, %parallel_loop3A_1258, %parallel_loop3A_1259] : memref<2x16x2048xf32, #tpu.memory_space<vmem>> -> memref<1x16x2048xf32, #tpu.memory_space<vmem>>
      %parallel_loop3A_1261 = tpu.memref_squeeze %parallel_loop3A_1260 : memref<1x16x2048xf32, #tpu.memory_space<vmem>> -> memref<16x2048xf32, #tpu.memory_space<vmem>>
      %parallel_loop3A_1262 = arith.index_cast %parallel_loop3A_1257 : i32 to index
      %parallel_loop3A_1263 = arith.index_cast %parallel_loop3A_1177 : i32 to index
      %parallel_loop3A_1264 = tpu.vector_load %parallel_loop3A_1261[%parallel_loop3A_1262, %parallel_loop3A_1263] {strides = array<i32>} : memref<16x2048xf32, #tpu.memory_space<vmem>>, vector<1x16xf32>,
      %parallel_loop3A_1265 = vector.shape_cast %parallel_loop3A_1264 : vector<1x16xf32> to vector<16xf32>
      %parallel_loop3A_1266 = arith.addf %parallel_loop3A_1256, %parallel_loop3A_1265 : vector<16xf32>
      %parallel_loop3A_1267 = arith.constant 9 : i32
      %parallel_loop3A_1268 = arith.constant 0 : i32
      %parallel_loop3A_1269 = arith.constant 0 : i32
      %parallel_loop3A_1270 = tpu.memref_slice %arg4[%parallel_loop3A_1173, %parallel_loop3A_1268, %parallel_loop3A_1269] : memref<2x16x2048xf32, #tpu.memory_space<vmem>> -> memref<1x16x2048xf32, #tpu.memory_space<vmem>>
      %parallel_loop3A_1271 = tpu.memref_squeeze %parallel_loop3A_1270 : memref<1x16x2048xf32, #tpu.memory_space<vmem>> -> memref<16x2048xf32, #tpu.memory_space<vmem>>
      %parallel_loop3A_1272 = arith.index_cast %parallel_loop3A_1267 : i32 to index
      %parallel_loop3A_1273 = arith.index_cast %parallel_loop3A_1177 : i32 to index
      %parallel_loop3A_1274 = tpu.vector_load %parallel_loop3A_1271[%parallel_loop3A_1272, %parallel_loop3A_1273] {strides = array<i32>} : memref<16x2048xf32, #tpu.memory_space<vmem>>, vector<1x16xf32>,
      %parallel_loop3A_1275 = vector.shape_cast %parallel_loop3A_1274 : vector<1x16xf32> to vector<16xf32>
      %parallel_loop3A_1276 = arith.addf %parallel_loop3A_1266, %parallel_loop3A_1275 : vector<16xf32>
      %parallel_loop3A_1277 = arith.constant 10 : i32
      %parallel_loop3A_1278 = arith.constant 0 : i32
      %parallel_loop3A_1279 = arith.constant 0 : i32
      %parallel_loop3A_1280 = tpu.memref_slice %arg4[%parallel_loop3A_1173, %parallel_loop3A_1278, %parallel_loop3A_1279] : memref<2x16x2048xf32, #tpu.memory_space<vmem>> -> memref<1x16x2048xf32, #tpu.memory_space<vmem>>
      %parallel_loop3A_1281 = tpu.memref_squeeze %parallel_loop3A_1280 : memref<1x16x2048xf32, #tpu.memory_space<vmem>> -> memref<16x2048xf32, #tpu.memory_space<vmem>>
      %parallel_loop3A_1282 = arith.index_cast %parallel_loop3A_1277 : i32 to index
      %parallel_loop3A_1283 = arith.index_cast %parallel_loop3A_1177 : i32 to index
      %parallel_loop3A_1284 = tpu.vector_load %parallel_loop3A_1281[%parallel_loop3A_1282, %parallel_loop3A_1283] {strides = array<i32>} : memref<16x2048xf32, #tpu.memory_space<vmem>>, vector<1x16xf32>,
      %parallel_loop3A_1285 = vector.shape_cast %parallel_loop3A_1284 : vector<1x16xf32> to vector<16xf32>
      %parallel_loop3A_1286 = arith.addf %parallel_loop3A_1276, %parallel_loop3A_1285 : vector<16xf32>
      %parallel_loop3A_1287 = arith.constant 11 : i32
      %parallel_loop3A_1288 = arith.constant 0 : i32
      %parallel_loop3A_1289 = arith.constant 0 : i32
      %parallel_loop3A_1290 = tpu.memref_slice %arg4[%parallel_loop3A_1173, %parallel_loop3A_1288, %parallel_loop3A_1289] : memref<2x16x2048xf32, #tpu.memory_space<vmem>> -> memref<1x16x2048xf32, #tpu.memory_space<vmem>>
      %parallel_loop3A_1291 = tpu.memref_squeeze %parallel_loop3A_1290 : memref<1x16x2048xf32, #tpu.memory_space<vmem>> -> memref<16x2048xf32, #tpu.memory_space<vmem>>
      %parallel_loop3A_1292 = arith.index_cast %parallel_loop3A_1287 : i32 to index
      %parallel_loop3A_1293 = arith.index_cast %parallel_loop3A_1177 : i32 to index
      %parallel_loop3A_1294 = tpu.vector_load %parallel_loop3A_1291[%parallel_loop3A_1292, %parallel_loop3A_1293] {strides = array<i32>} : memref<16x2048xf32, #tpu.memory_space<vmem>>, vector<1x16xf32>,
      %parallel_loop3A_1295 = vector.shape_cast %parallel_loop3A_1294 : vector<1x16xf32> to vector<16xf32>
      %parallel_loop3A_1296 = arith.addf %parallel_loop3A_1286, %parallel_loop3A_1295 : vector<16xf32>
      %parallel_loop3A_1297 = arith.constant 12 : i32
      %parallel_loop3A_1298 = arith.constant 0 : i32
      %parallel_loop3A_1299 = arith.constant 0 : i32
      %parallel_loop3A_1300 = tpu.memref_slice %arg4[%parallel_loop3A_1173, %parallel_loop3A_1298, %parallel_loop3A_1299] : memref<2x16x2048xf32, #tpu.memory_space<vmem>> -> memref<1x16x2048xf32, #tpu.memory_space<vmem>>
      %parallel_loop3A_1301 = tpu.memref_squeeze %parallel_loop3A_1300 : memref<1x16x2048xf32, #tpu.memory_space<vmem>> -> memref<16x2048xf32, #tpu.memory_space<vmem>>
      %parallel_loop3A_1302 = arith.index_cast %parallel_loop3A_1297 : i32 to index
      %parallel_loop3A_1303 = arith.index_cast %parallel_loop3A_1177 : i32 to index
      %parallel_loop3A_1304 = tpu.vector_load %parallel_loop3A_1301[%parallel_loop3A_1302, %parallel_loop3A_1303] {strides = array<i32>} : memref<16x2048xf32, #tpu.memory_space<vmem>>, vector<1x16xf32>,
      %parallel_loop3A_1305 = vector.shape_cast %parallel_loop3A_1304 : vector<1x16xf32> to vector<16xf32>
      %parallel_loop3A_1306 = arith.addf %parallel_loop3A_1296, %parallel_loop3A_1305 : vector<16xf32>
      %parallel_loop3A_1307 = arith.constant 13 : i32
      %parallel_loop3A_1308 = arith.constant 0 : i32
      %parallel_loop3A_1309 = arith.constant 0 : i32
      %parallel_loop3A_1310 = tpu.memref_slice %arg4[%parallel_loop3A_1173, %parallel_loop3A_1308, %parallel_loop3A_1309] : memref<2x16x2048xf32, #tpu.memory_space<vmem>> -> memref<1x16x2048xf32, #tpu.memory_space<vmem>>
      %parallel_loop3A_1311 = tpu.memref_squeeze %parallel_loop3A_1310 : memref<1x16x2048xf32, #tpu.memory_space<vmem>> -> memref<16x2048xf32, #tpu.memory_space<vmem>>
      %parallel_loop3A_1312 = arith.index_cast %parallel_loop3A_1307 : i32 to index
      %parallel_loop3A_1313 = arith.index_cast %parallel_loop3A_1177 : i32 to index
      %parallel_loop3A_1314 = tpu.vector_load %parallel_loop3A_1311[%parallel_loop3A_1312, %parallel_loop3A_1313] {strides = array<i32>} : memref<16x2048xf32, #tpu.memory_space<vmem>>, vector<1x16xf32>,
      %parallel_loop3A_1315 = vector.shape_cast %parallel_loop3A_1314 : vector<1x16xf32> to vector<16xf32>
      %parallel_loop3A_1316 = arith.addf %parallel_loop3A_1306, %parallel_loop3A_1315 : vector<16xf32>
      %parallel_loop3A_1317 = arith.constant 14 : i32
      %parallel_loop3A_1318 = arith.constant 0 : i32
      %parallel_loop3A_1319 = arith.constant 0 : i32
      %parallel_loop3A_1320 = tpu.memref_slice %arg4[%parallel_loop3A_1173, %parallel_loop3A_1318, %parallel_loop3A_1319] : memref<2x16x2048xf32, #tpu.memory_space<vmem>> -> memref<1x16x2048xf32, #tpu.memory_space<vmem>>
      %parallel_loop3A_1321 = tpu.memref_squeeze %parallel_loop3A_1320 : memref<1x16x2048xf32, #tpu.memory_space<vmem>> -> memref<16x2048xf32, #tpu.memory_space<vmem>>
      %parallel_loop3A_1322 = arith.index_cast %parallel_loop3A_1317 : i32 to index
      %parallel_loop3A_1323 = arith.index_cast %parallel_loop3A_1177 : i32 to index
      %parallel_loop3A_1324 = tpu.vector_load %parallel_loop3A_1321[%parallel_loop3A_1322, %parallel_loop3A_1323] {strides = array<i32>} : memref<16x2048xf32, #tpu.memory_space<vmem>>, vector<1x16xf32>,
      %parallel_loop3A_1325 = vector.shape_cast %parallel_loop3A_1324 : vector<1x16xf32> to vector<16xf32>
      %parallel_loop3A_1326 = arith.addf %parallel_loop3A_1316, %parallel_loop3A_1325 : vector<16xf32>
      %parallel_loop3A_1327 = arith.constant 15 : i32
      %parallel_loop3A_1328 = arith.constant 0 : i32
      %parallel_loop3A_1329 = arith.constant 0 : i32
      %parallel_loop3A_1330 = tpu.memref_slice %arg4[%parallel_loop3A_1173, %parallel_loop3A_1328, %parallel_loop3A_1329] : memref<2x16x2048xf32, #tpu.memory_space<vmem>> -> memref<1x16x2048xf32, #tpu.memory_space<vmem>>
      %parallel_loop3A_1331 = tpu.memref_squeeze %parallel_loop3A_1330 : memref<1x16x2048xf32, #tpu.memory_space<vmem>> -> memref<16x2048xf32, #tpu.memory_space<vmem>>
      %parallel_loop3A_1332 = arith.index_cast %parallel_loop3A_1327 : i32 to index
      %parallel_loop3A_1333 = arith.index_cast %parallel_loop3A_1177 : i32 to index
      %parallel_loop3A_1334 = tpu.vector_load %parallel_loop3A_1331[%parallel_loop3A_1332, %parallel_loop3A_1333] {strides = array<i32>} : memref<16x2048xf32, #tpu.memory_space<vmem>>, vector<1x16xf32>,
      %parallel_loop3A_1335 = vector.shape_cast %parallel_loop3A_1334 : vector<1x16xf32> to vector<16xf32>
      %parallel_loop3A_1336 = arith.addf %parallel_loop3A_1326, %parallel_loop3A_1335 : vector<16xf32>
      %parallel_loop3A_1337 = arith.index_cast %parallel_loop3A_1177 : i32 to index
      %parallel_loop3A_1338 = tpu.vector_load %arg5[%parallel_loop3A_1337] {strides = array<i32>} : memref<2048xf32, #tpu.memory_space<vmem>>, vector<16xf32>,
      %parallel_loop3A_1339 = vector.shape_cast %parallel_loop3A_1338 : vector<16xf32> to vector<16xf32>
      %parallel_loop3A_1340 = vector.shape_cast %parallel_loop3A_1336 : vector<16xf32> to vector<16xf32>
      tpu.vector_store %arg5[%parallel_loop3A_1337], %parallel_loop3A_1340 {add = true, strides = array<i32>} : memref<2048xf32, #tpu.memory_space<vmem>>, vector<16xf32>,
    } {sc.loop_unroll_factor = 1 : i64, sc.parallel_access}
    %run_scoped3A_1174 = arith.constant 1 : i32
    "tpu.region"() ({
      %run_scoped3A_1175 = tpu.sem_alloc : memref<!tpu.dma_semaphore, #tpu.memory_space<semaphore_mem>>
      %dma_start3A_1176 = arith.constant 0 : i32
      %dma_start3A_1177 = tpu.memref_slice %arg3[%run_scoped3A_1174, %add3A, %dma_start3A_1176] : memref<2x32x2048xf32, #tpu.memory_space<hbm>> -> memref<1x1x2048xf32, #tpu.memory_space<hbm>>
      %dma_start3A_1178 = tpu.memref_squeeze %dma_start3A_1177 : memref<1x1x2048xf32, #tpu.memory_space<hbm>> -> memref<2048xf32, #tpu.memory_space<hbm>>
      %dma_start3A_1179 = arith.constant 0 : i32
      %dma_start3A_1180 = tpu.memref_slice %arg3[%run_scoped3A_1174, %add3A, %dma_start3A_1179] : memref<2x32x2048xf32, #tpu.memory_space<hbm>> -> memref<1x1x2048xf32, #tpu.memory_space<hbm>>
      %dma_start3A_1181 = tpu.memref_squeeze %dma_start3A_1180 : memref<1x1x2048xf32, #tpu.memory_space<hbm>> -> memref<2048xf32, #tpu.memory_space<hbm>>
      tpu.enqueue_dma source(%arg5 : memref<2048xf32, #tpu.memory_space<vmem>>) target(%dma_start3A_1181 : memref<2048xf32, #tpu.memory_space<hbm>>) target_semaphore(%run_scoped3A_1175 : memref<!tpu.dma_semaphore, #tpu.memory_space<semaphore_mem>>)
      %dma_wait3A_1182 = arith.constant 0 : i32
      %dma_wait3A_1183 = tpu.memref_slice %arg3[%run_scoped3A_1174, %add3A, %dma_wait3A_1182] : memref<2x32x2048xf32, #tpu.memory_space<hbm>> -> memref<1x1x2048xf32, #tpu.memory_space<hbm>>
      %dma_wait3A_1184 = tpu.memref_squeeze %dma_wait3A_1183 : memref<1x1x2048xf32, #tpu.memory_space<hbm>> -> memref<2048xf32, #tpu.memory_space<hbm>>
      %dma_wait3A_1185 = arith.constant 0 : i32
      %dma_wait3A_1186 = tpu.memref_slice %arg3[%run_scoped3A_1174, %add3A, %dma_wait3A_1185] : memref<2x32x2048xf32, #tpu.memory_space<hbm>> -> memref<1x1x2048xf32, #tpu.memory_space<hbm>>
      %dma_wait3A_1187 = tpu.memref_squeeze %dma_wait3A_1186 : memref<1x1x2048xf32, #tpu.memory_space<hbm>> -> memref<2048xf32, #tpu.memory_space<hbm>>
      tpu.wait_dma2 semaphore(%run_scoped3A_1175 : memref<!tpu.dma_semaphore, #tpu.memory_space<semaphore_mem>>) src(%arg5 : memref<2048xf32, #tpu.memory_space<vmem>>) dst(%dma_wait3A_1187 : memref<2048xf32, #tpu.memory_space<hbm>>)
      tpu.yield
    }) : () -> ()
    return
  }
}

module attributes {stable_mosaic.version = 14 : i64} {
  func.func @_combine_body(%arg0: i32, %arg1: memref<1x1x2048xf32, #tpu.memory_space<vmem>>, %arg2: memref<1x32x2048xf32, #tpu.memory_space<vmem>>, %arg3: memref<1x1x2048xf32, #tpu.memory_space<vmem>>, %arg4: memref<1x1x2048xf32, #tpu.memory_space<vmem>>) attributes {dimension_semantics = [#tpu.dimension_semantics<arbitrary>], iteration_bounds = array<i64: 2>, scalar_prefetch = 0 : i64, scratch_operands = 0 : i64, tpu.core_type = #tpu.core_type<tc>, window_params = [{transform_indices = @transform_0, window_bounds = array<i64: 1, 1, 2048>}, {transform_indices = @transform_1, window_bounds = array<i64: 1, 32, 2048>}, {transform_indices = @transform_2, window_bounds = array<i64: 1, 1, 2048>}, {transform_indices = @transform_3, window_bounds = array<i64: 1, 1, 2048>}]} {
    %get3A = arith.constant 0 : index
    %get3A_0 = arith.constant 0 : index
    %get3A_1 = arith.constant 0 : index
    %get3A_2 = vector.load %arg1[%get3A, %get3A_0, %get3A_1] : memref<1x1x2048xf32, #tpu.memory_space<vmem>>, vector<1x1x2048xf32>
    %get3A_3 = vector.shape_cast %get3A_2 : vector<1x1x2048xf32> to vector<1x2048xf32>
    %get3A_4 = arith.constant 0 : index
    %get3A_5 = arith.constant 0 : index
    %get3A_6 = arith.constant 0 : index
    %get3A_7 = vector.load %arg2[%get3A_4, %get3A_5, %get3A_6] : memref<1x32x2048xf32, #tpu.memory_space<vmem>>, vector<1x32x2048xf32>
    %get3A_8 = vector.shape_cast %get3A_7 : vector<1x32x2048xf32> to vector<32x2048xf32>
    %reduce_sum3A = arith.constant dense<0.000000e+00> : vector<2048xf32>
    %reduce_sum3A_9 = vector.multi_reduction <add>, %get3A_8, %reduce_sum3A [0] : vector<32x2048xf32> to vector<2048xf32>
    %broadcast_in_dim3A = vector.shape_cast %reduce_sum3A_9 : vector<2048xf32> to vector<1x2048xf32>
    %add3A = arith.addf %get3A_3, %broadcast_in_dim3A : vector<1x2048xf32>
    %mul3A = arith.constant 4.06901054E-5 : f32
    %mul3A_10 = vector.broadcast %mul3A : f32 to vector<1x2048xf32>
    %mul3A_11 = arith.mulf %add3A, %mul3A_10 : vector<1x2048xf32>
    %get3A_12 = arith.constant 0 : index
    %get3A_13 = arith.constant 0 : index
    %get3A_14 = arith.constant 0 : index
    %get3A_15 = vector.load %arg3[%get3A_12, %get3A_13, %get3A_14] : memref<1x1x2048xf32, #tpu.memory_space<vmem>>, vector<1x1x2048xf32>
    %get3A_16 = vector.shape_cast %get3A_15 : vector<1x1x2048xf32> to vector<1x2048xf32>
    %reduce_sum3A_17 = vector.shape_cast %get3A_16 : vector<1x2048xf32> to vector<1x1x2048xf32>
    %reduce_sum3A_18 = arith.constant dense<0.000000e+00> : vector<1xf32>
    %reduce_sum3A_19 = vector.multi_reduction <add>, %reduce_sum3A_17, %reduce_sum3A_18 [1, 2] : vector<1x1x2048xf32> to vector<1xf32>
    %reduce_sum3A_20 = vector.shape_cast %reduce_sum3A_19 : vector<1xf32> to vector<1x1x1xf32>
    %reduce_sum3A_21 = vector.extract %reduce_sum3A_20[0, 0, 0] : f32 from vector<1x1x1xf32>
    %sub3A = arith.constant 1.000000e+00 : f32
    %sub3A_22 = arith.subf %reduce_sum3A_21, %sub3A : f32
    %convert_element_type3A = arith.fptosi %sub3A_22 : f32 to i32
    %iota3A = tpu.iota {dimensions = array<i32: 1>} : vector<1x2048xi32>
    %ge3A = arith.constant 1 : i32
    %ge3A_23 = vector.broadcast %ge3A : i32 to vector<1x2048xi32>
    %ge3A_24 = arith.cmpi sge, %iota3A, %ge3A_23 : vector<1x2048xi32>
    %sub3A_25 = arith.constant 1 : i32
    %sub3A_26 = arith.subi %convert_element_type3A, %sub3A_25 : i32
    %le3A = vector.broadcast %sub3A_26 : i32 to vector<1x2048xi32>
    %le3A_27 = arith.cmpi sle, %iota3A, %le3A : vector<1x2048xi32>
    %and3A = arith.andi %ge3A_24, %le3A_27 : vector<1x2048xi1>
    %sub3A_28 = arith.constant 1 : i32
    %sub3A_29 = arith.subi %convert_element_type3A, %sub3A_28 : i32
    %convert_element_type3A_30 = arith.sitofp %sub3A_29 : i32 to f32
    %jit3A = arith.constant 0.000000e+00 : f32
    %broadcast_in_dim3A_31 = vector.broadcast %jit3A : f32 to vector<1x2048xf32>
    %select_n3A = arith.select %and3A, %mul3A_11, %broadcast_in_dim3A_31 : vector<1x2048xi1>, vector<1x2048xf32>
    %reduce_sum3A_32 = vector.shape_cast %select_n3A : vector<1x2048xf32> to vector<1x1x2048xf32>
    %reduce_sum3A_33 = arith.constant dense<0.000000e+00> : vector<1xf32>
    %reduce_sum3A_34 = vector.multi_reduction <add>, %reduce_sum3A_32, %reduce_sum3A_33 [1, 2] : vector<1x1x2048xf32> to vector<1xf32>
    %reduce_sum3A_35 = vector.shape_cast %reduce_sum3A_34 : vector<1xf32> to vector<1x1x1xf32>
    %reduce_sum3A_36 = vector.extract %reduce_sum3A_35[0, 0, 0] : f32 from vector<1x1x1xf32>
    %div3A = arith.divf %reduce_sum3A_36, %convert_element_type3A_30 : f32
    %sub3A_37 = vector.broadcast %div3A : f32 to vector<1x2048xf32>
    %sub3A_38 = arith.subf %mul3A_11, %sub3A_37 : vector<1x2048xf32>
    %jit3A_39 = arith.constant 0.000000e+00 : f32
    %broadcast_in_dim3A_40 = vector.broadcast %jit3A_39 : f32 to vector<1x2048xf32>
    %select_n3A_41 = arith.select %and3A, %sub3A_38, %broadcast_in_dim3A_40 : vector<1x2048xi1>, vector<1x2048xf32>
    %mul3A_42 = arith.mulf %select_n3A_41, %select_n3A_41 : vector<1x2048xf32>
    %reduce_sum3A_43 = vector.shape_cast %mul3A_42 : vector<1x2048xf32> to vector<1x1x2048xf32>
    %reduce_sum3A_44 = arith.constant dense<0.000000e+00> : vector<1xf32>
    %reduce_sum3A_45 = vector.multi_reduction <add>, %reduce_sum3A_43, %reduce_sum3A_44 [1, 2] : vector<1x1x2048xf32> to vector<1xf32>
    %reduce_sum3A_46 = vector.shape_cast %reduce_sum3A_45 : vector<1xf32> to vector<1x1x1xf32>
    %reduce_sum3A_47 = vector.extract %reduce_sum3A_46[0, 0, 0] : f32 from vector<1x1x1xf32>
    %sub3A_48 = arith.constant 1.000000e+00 : f32
    %sub3A_49 = arith.subf %convert_element_type3A_30, %sub3A_48 : f32
    %div3A_50 = arith.divf %reduce_sum3A_47, %sub3A_49 : f32
    %sqrt3A = math.sqrt %div3A_50 : f32
    %mul3A_51 = arith.constant 1.500000e+00 : f32
    %mul3A_52 = arith.mulf %mul3A_51, %sqrt3A : f32
    %sub3A_53 = arith.subf %div3A, %mul3A_52 : f32
    %mul3A_54 = arith.constant 1.500000e+00 : f32
    %mul3A_55 = arith.mulf %mul3A_54, %sqrt3A : f32
    %add3A_56 = arith.addf %div3A, %mul3A_55 : f32
    %ge3A_57 = vector.broadcast %sub3A_53 : f32 to vector<1x2048xf32>
    %ge3A_58 = arith.cmpf oge, %mul3A_11, %ge3A_57 : vector<1x2048xf32>
    %and3A_59 = arith.andi %and3A, %ge3A_58 : vector<1x2048xi1>
    %le3A_60 = vector.broadcast %add3A_56 : f32 to vector<1x2048xf32>
    %le3A_61 = arith.cmpf ole, %mul3A_11, %le3A_60 : vector<1x2048xf32>
    %and3A_62 = arith.andi %and3A_59, %le3A_61 : vector<1x2048xi1>
    %eq3A = arith.constant 0 : i32
    %eq3A_63 = vector.broadcast %eq3A : i32 to vector<1x2048xi32>
    %eq3A_64 = arith.cmpi eq, %iota3A, %eq3A_63 : vector<1x2048xi32>
    %or3A = arith.ori %and3A_62, %eq3A_64 : vector<1x2048xi1>
    %eq3A_65 = vector.broadcast %convert_element_type3A : i32 to vector<1x2048xi32>
    %eq3A_66 = arith.cmpi eq, %iota3A, %eq3A_65 : vector<1x2048xi32>
    %or3A_67 = arith.ori %or3A, %eq3A_66 : vector<1x2048xi1>
    %jit3A_68 = arith.constant 1.000000e+00 : f32
    %jit3A_69 = arith.constant 0.000000e+00 : f32
    %broadcast_in_dim3A_70 = vector.broadcast %jit3A_68 : f32 to vector<1x2048xf32>
    %broadcast_in_dim3A_71 = vector.broadcast %jit3A_69 : f32 to vector<1x2048xf32>
    %select_n3A_72 = arith.select %or3A_67, %broadcast_in_dim3A_70, %broadcast_in_dim3A_71 : vector<1x2048xi1>, vector<1x2048xf32>
    %swap3A = arith.constant 0 : index
    %swap3A_73 = arith.constant 0 : index
    %swap3A_74 = arith.constant 0 : index
    %swap3A_75 = vector.load %arg4[%swap3A, %swap3A_73, %swap3A_74] : memref<1x1x2048xf32, #tpu.memory_space<vmem>>, vector<1x1x2048xf32>
    %swap3A_76 = vector.shape_cast %swap3A_75 : vector<1x1x2048xf32> to vector<1x2048xf32>
    %swap3A_77 = vector.shape_cast %select_n3A_72 : vector<1x2048xf32> to vector<1x1x2048xf32>
    tpu.vector_store %arg4[%swap3A, %swap3A_73, %swap3A_74], %swap3A_77 {strides = array<i32>} : memref<1x1x2048xf32, #tpu.memory_space<vmem>>, vector<1x1x2048xf32>,
    return
  }
  func.func @transform_0(%arg0: i32) -> (i32, i32, i32) {
    %c0_i32 = arith.constant 0 : i32
    %c0_i32_0 = arith.constant 0 : i32
    %c0_i32_1 = arith.constant 0 : i32
    return %arg0, %c0_i32, %c0_i32_0 : i32, i32, i32
  }
  func.func @transform_1(%arg0: i32) -> (i32, i32, i32) {
    %c0_i32 = arith.constant 0 : i32
    %c0_i32_0 = arith.constant 0 : i32
    %c0_i32_1 = arith.constant 0 : i32
    return %arg0, %c0_i32, %c0_i32_0 : i32, i32, i32
  }
  func.func @transform_2(%arg0: i32) -> (i32, i32, i32) {
    %c0_i32 = arith.constant 0 : i32
    %c0_i32_0 = arith.constant 0 : i32
    %c0_i32_1 = arith.constant 0 : i32
    return %arg0, %c0_i32, %c0_i32_0 : i32, i32, i32
  }
  func.func @transform_3(%arg0: i32) -> (i32, i32, i32) {
    %c0_i32 = arith.constant 0 : i32
    %c0_i32_0 = arith.constant 0 : i32
    %c0_i32_1 = arith.constant 0 : i32
    return %arg0, %c0_i32, %c0_i32_0 : i32, i32, i32
  }
}

module attributes {stable_mosaic.version = 14 : i64} {
  func.func @_tc_body(%arg0: i32, %arg1: i32, %arg2: memref<1x1024x2048xf32, #tpu.memory_space<vmem>>, %arg3: memref<1x1x2048xf32, #tpu.memory_space<vmem>>, %arg4: memref<8x2048xf32, #tpu.memory_space<vmem>>) attributes {dimension_semantics = [#tpu.dimension_semantics<arbitrary>, #tpu.dimension_semantics<arbitrary>], iteration_bounds = array<i64: 2, 23>, scalar_prefetch = 0 : i64, scratch_operands = 1 : i64, tpu.core_type = #tpu.core_type<tc>, window_params = [{transform_indices = @transform_0, window_bounds = array<i64: 1, 1024, 2048>}, {transform_indices = @transform_1, window_bounds = array<i64: 1, 1, 2048>}]} {
    %eq3A = arith.constant 0 : i32
    %eq3A_0 = arith.cmpi eq, %arg1, %eq3A : i32
    %convert_element_type3A = arith.extui %eq3A_0 : i1 to i32
    %cond3A = arith.constant 0 : i32
    %cond3A_1 = arith.cmpi ne, %convert_element_type3A, %cond3A : i32
    scf.if %cond3A_1 {
      %broadcast_in_dim3A_272 = arith.constant 0.000000e+00 : f32
      %broadcast_in_dim3A_273 = vector.broadcast %broadcast_in_dim3A_272 : f32 to vector<8x2048xf32>
      %swap3A_274 = arith.constant 0 : index
      %swap3A_275 = arith.constant 0 : index
      %swap3A_276 = vector.load %arg4[%swap3A_274, %swap3A_275] : memref<8x2048xf32, #tpu.memory_space<vmem>>, vector<8x2048xf32>
      tpu.vector_store %arg4[%swap3A_274, %swap3A_275], %broadcast_in_dim3A_273 {strides = array<i32>} : memref<8x2048xf32, #tpu.memory_space<vmem>>, vector<8x2048xf32>,
    } else {
    }
    %get3A = arith.constant 0 : index
    %get3A_2 = arith.constant 0 : index
    %get3A_3 = arith.constant 0 : index
    %get3A_4 = vector.load %arg2[%get3A, %get3A_2, %get3A_3] : memref<1x1024x2048xf32, #tpu.memory_space<vmem>>, vector<1x1024x2048xf32>
    %get3A_5 = vector.shape_cast %get3A_4 : vector<1x1024x2048xf32> to vector<1024x2048xf32>
    %broadcast_in_dim3A = arith.constant 0.000000e+00 : f32
    %broadcast_in_dim3A_6 = vector.broadcast %broadcast_in_dim3A : f32 to vector<8x2048xf32>
    %slice3A = vector.extract_strided_slice %get3A_5 {offsets = [0, 0], sizes = [8, 2048], strides = [1, 1]} : vector<1024x2048xf32> to vector<8x2048xf32>
    %add3A = arith.addf %broadcast_in_dim3A_6, %slice3A : vector<8x2048xf32>
    %slice3A_7 = vector.extract_strided_slice %get3A_5 {offsets = [8, 0], sizes = [8, 2048], strides = [1, 1]} : vector<1024x2048xf32> to vector<8x2048xf32>
    %add3A_8 = arith.addf %add3A, %slice3A_7 : vector<8x2048xf32>
    %slice3A_9 = vector.extract_strided_slice %get3A_5 {offsets = [16, 0], sizes = [8, 2048], strides = [1, 1]} : vector<1024x2048xf32> to vector<8x2048xf32>
    %add3A_10 = arith.addf %add3A_8, %slice3A_9 : vector<8x2048xf32>
    %slice3A_11 = vector.extract_strided_slice %get3A_5 {offsets = [24, 0], sizes = [8, 2048], strides = [1, 1]} : vector<1024x2048xf32> to vector<8x2048xf32>
    %add3A_12 = arith.addf %add3A_10, %slice3A_11 : vector<8x2048xf32>
    %slice3A_13 = vector.extract_strided_slice %get3A_5 {offsets = [32, 0], sizes = [8, 2048], strides = [1, 1]} : vector<1024x2048xf32> to vector<8x2048xf32>
    %add3A_14 = arith.addf %add3A_12, %slice3A_13 : vector<8x2048xf32>
    %slice3A_15 = vector.extract_strided_slice %get3A_5 {offsets = [40, 0], sizes = [8, 2048], strides = [1, 1]} : vector<1024x2048xf32> to vector<8x2048xf32>
    %add3A_16 = arith.addf %add3A_14, %slice3A_15 : vector<8x2048xf32>
    %slice3A_17 = vector.extract_strided_slice %get3A_5 {offsets = [48, 0], sizes = [8, 2048], strides = [1, 1]} : vector<1024x2048xf32> to vector<8x2048xf32>
    %add3A_18 = arith.addf %add3A_16, %slice3A_17 : vector<8x2048xf32>
    %slice3A_19 = vector.extract_strided_slice %get3A_5 {offsets = [56, 0], sizes = [8, 2048], strides = [1, 1]} : vector<1024x2048xf32> to vector<8x2048xf32>
    %add3A_20 = arith.addf %add3A_18, %slice3A_19 : vector<8x2048xf32>
    %slice3A_21 = vector.extract_strided_slice %get3A_5 {offsets = [64, 0], sizes = [8, 2048], strides = [1, 1]} : vector<1024x2048xf32> to vector<8x2048xf32>
    %add3A_22 = arith.addf %add3A_20, %slice3A_21 : vector<8x2048xf32>
    %slice3A_23 = vector.extract_strided_slice %get3A_5 {offsets = [72, 0], sizes = [8, 2048], strides = [1, 1]} : vector<1024x2048xf32> to vector<8x2048xf32>
    %add3A_24 = arith.addf %add3A_22, %slice3A_23 : vector<8x2048xf32>
    %slice3A_25 = vector.extract_strided_slice %get3A_5 {offsets = [80, 0], sizes = [8, 2048], strides = [1, 1]} : vector<1024x2048xf32> to vector<8x2048xf32>
    %add3A_26 = arith.addf %add3A_24, %slice3A_25 : vector<8x2048xf32>
    %slice3A_27 = vector.extract_strided_slice %get3A_5 {offsets = [88, 0], sizes = [8, 2048], strides = [1, 1]} : vector<1024x2048xf32> to vector<8x2048xf32>
    %add3A_28 = arith.addf %add3A_26, %slice3A_27 : vector<8x2048xf32>
    %slice3A_29 = vector.extract_strided_slice %get3A_5 {offsets = [96, 0], sizes = [8, 2048], strides = [1, 1]} : vector<1024x2048xf32> to vector<8x2048xf32>
    %add3A_30 = arith.addf %add3A_28, %slice3A_29 : vector<8x2048xf32>
    %slice3A_31 = vector.extract_strided_slice %get3A_5 {offsets = [104, 0], sizes = [8, 2048], strides = [1, 1]} : vector<1024x2048xf32> to vector<8x2048xf32>
    %add3A_32 = arith.addf %add3A_30, %slice3A_31 : vector<8x2048xf32>
    %slice3A_33 = vector.extract_strided_slice %get3A_5 {offsets = [112, 0], sizes = [8, 2048], strides = [1, 1]} : vector<1024x2048xf32> to vector<8x2048xf32>
    %add3A_34 = arith.addf %add3A_32, %slice3A_33 : vector<8x2048xf32>
    %slice3A_35 = vector.extract_strided_slice %get3A_5 {offsets = [120, 0], sizes = [8, 2048], strides = [1, 1]} : vector<1024x2048xf32> to vector<8x2048xf32>
    %add3A_36 = arith.addf %add3A_34, %slice3A_35 : vector<8x2048xf32>
    %slice3A_37 = vector.extract_strided_slice %get3A_5 {offsets = [128, 0], sizes = [8, 2048], strides = [1, 1]} : vector<1024x2048xf32> to vector<8x2048xf32>
    %add3A_38 = arith.addf %add3A_36, %slice3A_37 : vector<8x2048xf32>
    %slice3A_39 = vector.extract_strided_slice %get3A_5 {offsets = [136, 0], sizes = [8, 2048], strides = [1, 1]} : vector<1024x2048xf32> to vector<8x2048xf32>
    %add3A_40 = arith.addf %add3A_38, %slice3A_39 : vector<8x2048xf32>
    %slice3A_41 = vector.extract_strided_slice %get3A_5 {offsets = [144, 0], sizes = [8, 2048], strides = [1, 1]} : vector<1024x2048xf32> to vector<8x2048xf32>
    %add3A_42 = arith.addf %add3A_40, %slice3A_41 : vector<8x2048xf32>
    %slice3A_43 = vector.extract_strided_slice %get3A_5 {offsets = [152, 0], sizes = [8, 2048], strides = [1, 1]} : vector<1024x2048xf32> to vector<8x2048xf32>
    %add3A_44 = arith.addf %add3A_42, %slice3A_43 : vector<8x2048xf32>
    %slice3A_45 = vector.extract_strided_slice %get3A_5 {offsets = [160, 0], sizes = [8, 2048], strides = [1, 1]} : vector<1024x2048xf32> to vector<8x2048xf32>
    %add3A_46 = arith.addf %add3A_44, %slice3A_45 : vector<8x2048xf32>
    %slice3A_47 = vector.extract_strided_slice %get3A_5 {offsets = [168, 0], sizes = [8, 2048], strides = [1, 1]} : vector<1024x2048xf32> to vector<8x2048xf32>
    %add3A_48 = arith.addf %add3A_46, %slice3A_47 : vector<8x2048xf32>
    %slice3A_49 = vector.extract_strided_slice %get3A_5 {offsets = [176, 0], sizes = [8, 2048], strides = [1, 1]} : vector<1024x2048xf32> to vector<8x2048xf32>
    %add3A_50 = arith.addf %add3A_48, %slice3A_49 : vector<8x2048xf32>
    %slice3A_51 = vector.extract_strided_slice %get3A_5 {offsets = [184, 0], sizes = [8, 2048], strides = [1, 1]} : vector<1024x2048xf32> to vector<8x2048xf32>
    %add3A_52 = arith.addf %add3A_50, %slice3A_51 : vector<8x2048xf32>
    %slice3A_53 = vector.extract_strided_slice %get3A_5 {offsets = [192, 0], sizes = [8, 2048], strides = [1, 1]} : vector<1024x2048xf32> to vector<8x2048xf32>
    %add3A_54 = arith.addf %add3A_52, %slice3A_53 : vector<8x2048xf32>
    %slice3A_55 = vector.extract_strided_slice %get3A_5 {offsets = [200, 0], sizes = [8, 2048], strides = [1, 1]} : vector<1024x2048xf32> to vector<8x2048xf32>
    %add3A_56 = arith.addf %add3A_54, %slice3A_55 : vector<8x2048xf32>
    %slice3A_57 = vector.extract_strided_slice %get3A_5 {offsets = [208, 0], sizes = [8, 2048], strides = [1, 1]} : vector<1024x2048xf32> to vector<8x2048xf32>
    %add3A_58 = arith.addf %add3A_56, %slice3A_57 : vector<8x2048xf32>
    %slice3A_59 = vector.extract_strided_slice %get3A_5 {offsets = [216, 0], sizes = [8, 2048], strides = [1, 1]} : vector<1024x2048xf32> to vector<8x2048xf32>
    %add3A_60 = arith.addf %add3A_58, %slice3A_59 : vector<8x2048xf32>
    %slice3A_61 = vector.extract_strided_slice %get3A_5 {offsets = [224, 0], sizes = [8, 2048], strides = [1, 1]} : vector<1024x2048xf32> to vector<8x2048xf32>
    %add3A_62 = arith.addf %add3A_60, %slice3A_61 : vector<8x2048xf32>
    %slice3A_63 = vector.extract_strided_slice %get3A_5 {offsets = [232, 0], sizes = [8, 2048], strides = [1, 1]} : vector<1024x2048xf32> to vector<8x2048xf32>
    %add3A_64 = arith.addf %add3A_62, %slice3A_63 : vector<8x2048xf32>
    %slice3A_65 = vector.extract_strided_slice %get3A_5 {offsets = [240, 0], sizes = [8, 2048], strides = [1, 1]} : vector<1024x2048xf32> to vector<8x2048xf32>
    %add3A_66 = arith.addf %add3A_64, %slice3A_65 : vector<8x2048xf32>
    %slice3A_67 = vector.extract_strided_slice %get3A_5 {offsets = [248, 0], sizes = [8, 2048], strides = [1, 1]} : vector<1024x2048xf32> to vector<8x2048xf32>
    %add3A_68 = arith.addf %add3A_66, %slice3A_67 : vector<8x2048xf32>
    %slice3A_69 = vector.extract_strided_slice %get3A_5 {offsets = [256, 0], sizes = [8, 2048], strides = [1, 1]} : vector<1024x2048xf32> to vector<8x2048xf32>
    %add3A_70 = arith.addf %add3A_68, %slice3A_69 : vector<8x2048xf32>
    %slice3A_71 = vector.extract_strided_slice %get3A_5 {offsets = [264, 0], sizes = [8, 2048], strides = [1, 1]} : vector<1024x2048xf32> to vector<8x2048xf32>
    %add3A_72 = arith.addf %add3A_70, %slice3A_71 : vector<8x2048xf32>
    %slice3A_73 = vector.extract_strided_slice %get3A_5 {offsets = [272, 0], sizes = [8, 2048], strides = [1, 1]} : vector<1024x2048xf32> to vector<8x2048xf32>
    %add3A_74 = arith.addf %add3A_72, %slice3A_73 : vector<8x2048xf32>
    %slice3A_75 = vector.extract_strided_slice %get3A_5 {offsets = [280, 0], sizes = [8, 2048], strides = [1, 1]} : vector<1024x2048xf32> to vector<8x2048xf32>
    %add3A_76 = arith.addf %add3A_74, %slice3A_75 : vector<8x2048xf32>
    %slice3A_77 = vector.extract_strided_slice %get3A_5 {offsets = [288, 0], sizes = [8, 2048], strides = [1, 1]} : vector<1024x2048xf32> to vector<8x2048xf32>
    %add3A_78 = arith.addf %add3A_76, %slice3A_77 : vector<8x2048xf32>
    %slice3A_79 = vector.extract_strided_slice %get3A_5 {offsets = [296, 0], sizes = [8, 2048], strides = [1, 1]} : vector<1024x2048xf32> to vector<8x2048xf32>
    %add3A_80 = arith.addf %add3A_78, %slice3A_79 : vector<8x2048xf32>
    %slice3A_81 = vector.extract_strided_slice %get3A_5 {offsets = [304, 0], sizes = [8, 2048], strides = [1, 1]} : vector<1024x2048xf32> to vector<8x2048xf32>
    %add3A_82 = arith.addf %add3A_80, %slice3A_81 : vector<8x2048xf32>
    %slice3A_83 = vector.extract_strided_slice %get3A_5 {offsets = [312, 0], sizes = [8, 2048], strides = [1, 1]} : vector<1024x2048xf32> to vector<8x2048xf32>
    %add3A_84 = arith.addf %add3A_82, %slice3A_83 : vector<8x2048xf32>
    %slice3A_85 = vector.extract_strided_slice %get3A_5 {offsets = [320, 0], sizes = [8, 2048], strides = [1, 1]} : vector<1024x2048xf32> to vector<8x2048xf32>
    %add3A_86 = arith.addf %add3A_84, %slice3A_85 : vector<8x2048xf32>
    %slice3A_87 = vector.extract_strided_slice %get3A_5 {offsets = [328, 0], sizes = [8, 2048], strides = [1, 1]} : vector<1024x2048xf32> to vector<8x2048xf32>
    %add3A_88 = arith.addf %add3A_86, %slice3A_87 : vector<8x2048xf32>
    %slice3A_89 = vector.extract_strided_slice %get3A_5 {offsets = [336, 0], sizes = [8, 2048], strides = [1, 1]} : vector<1024x2048xf32> to vector<8x2048xf32>
    %add3A_90 = arith.addf %add3A_88, %slice3A_89 : vector<8x2048xf32>
    %slice3A_91 = vector.extract_strided_slice %get3A_5 {offsets = [344, 0], sizes = [8, 2048], strides = [1, 1]} : vector<1024x2048xf32> to vector<8x2048xf32>
    %add3A_92 = arith.addf %add3A_90, %slice3A_91 : vector<8x2048xf32>
    %slice3A_93 = vector.extract_strided_slice %get3A_5 {offsets = [352, 0], sizes = [8, 2048], strides = [1, 1]} : vector<1024x2048xf32> to vector<8x2048xf32>
    %add3A_94 = arith.addf %add3A_92, %slice3A_93 : vector<8x2048xf32>
    %slice3A_95 = vector.extract_strided_slice %get3A_5 {offsets = [360, 0], sizes = [8, 2048], strides = [1, 1]} : vector<1024x2048xf32> to vector<8x2048xf32>
    %add3A_96 = arith.addf %add3A_94, %slice3A_95 : vector<8x2048xf32>
    %slice3A_97 = vector.extract_strided_slice %get3A_5 {offsets = [368, 0], sizes = [8, 2048], strides = [1, 1]} : vector<1024x2048xf32> to vector<8x2048xf32>
    %add3A_98 = arith.addf %add3A_96, %slice3A_97 : vector<8x2048xf32>
    %slice3A_99 = vector.extract_strided_slice %get3A_5 {offsets = [376, 0], sizes = [8, 2048], strides = [1, 1]} : vector<1024x2048xf32> to vector<8x2048xf32>
    %add3A_100 = arith.addf %add3A_98, %slice3A_99 : vector<8x2048xf32>
    %slice3A_101 = vector.extract_strided_slice %get3A_5 {offsets = [384, 0], sizes = [8, 2048], strides = [1, 1]} : vector<1024x2048xf32> to vector<8x2048xf32>
    %add3A_102 = arith.addf %add3A_100, %slice3A_101 : vector<8x2048xf32>
    %slice3A_103 = vector.extract_strided_slice %get3A_5 {offsets = [392, 0], sizes = [8, 2048], strides = [1, 1]} : vector<1024x2048xf32> to vector<8x2048xf32>
    %add3A_104 = arith.addf %add3A_102, %slice3A_103 : vector<8x2048xf32>
    %slice3A_105 = vector.extract_strided_slice %get3A_5 {offsets = [400, 0], sizes = [8, 2048], strides = [1, 1]} : vector<1024x2048xf32> to vector<8x2048xf32>
    %add3A_106 = arith.addf %add3A_104, %slice3A_105 : vector<8x2048xf32>
    %slice3A_107 = vector.extract_strided_slice %get3A_5 {offsets = [408, 0], sizes = [8, 2048], strides = [1, 1]} : vector<1024x2048xf32> to vector<8x2048xf32>
    %add3A_108 = arith.addf %add3A_106, %slice3A_107 : vector<8x2048xf32>
    %slice3A_109 = vector.extract_strided_slice %get3A_5 {offsets = [416, 0], sizes = [8, 2048], strides = [1, 1]} : vector<1024x2048xf32> to vector<8x2048xf32>
    %add3A_110 = arith.addf %add3A_108, %slice3A_109 : vector<8x2048xf32>
    %slice3A_111 = vector.extract_strided_slice %get3A_5 {offsets = [424, 0], sizes = [8, 2048], strides = [1, 1]} : vector<1024x2048xf32> to vector<8x2048xf32>
    %add3A_112 = arith.addf %add3A_110, %slice3A_111 : vector<8x2048xf32>
    %slice3A_113 = vector.extract_strided_slice %get3A_5 {offsets = [432, 0], sizes = [8, 2048], strides = [1, 1]} : vector<1024x2048xf32> to vector<8x2048xf32>
    %add3A_114 = arith.addf %add3A_112, %slice3A_113 : vector<8x2048xf32>
    %slice3A_115 = vector.extract_strided_slice %get3A_5 {offsets = [440, 0], sizes = [8, 2048], strides = [1, 1]} : vector<1024x2048xf32> to vector<8x2048xf32>
    %add3A_116 = arith.addf %add3A_114, %slice3A_115 : vector<8x2048xf32>
    %slice3A_117 = vector.extract_strided_slice %get3A_5 {offsets = [448, 0], sizes = [8, 2048], strides = [1, 1]} : vector<1024x2048xf32> to vector<8x2048xf32>
    %add3A_118 = arith.addf %add3A_116, %slice3A_117 : vector<8x2048xf32>
    %slice3A_119 = vector.extract_strided_slice %get3A_5 {offsets = [456, 0], sizes = [8, 2048], strides = [1, 1]} : vector<1024x2048xf32> to vector<8x2048xf32>
    %add3A_120 = arith.addf %add3A_118, %slice3A_119 : vector<8x2048xf32>
    %slice3A_121 = vector.extract_strided_slice %get3A_5 {offsets = [464, 0], sizes = [8, 2048], strides = [1, 1]} : vector<1024x2048xf32> to vector<8x2048xf32>
    %add3A_122 = arith.addf %add3A_120, %slice3A_121 : vector<8x2048xf32>
    %slice3A_123 = vector.extract_strided_slice %get3A_5 {offsets = [472, 0], sizes = [8, 2048], strides = [1, 1]} : vector<1024x2048xf32> to vector<8x2048xf32>
    %add3A_124 = arith.addf %add3A_122, %slice3A_123 : vector<8x2048xf32>
    %slice3A_125 = vector.extract_strided_slice %get3A_5 {offsets = [480, 0], sizes = [8, 2048], strides = [1, 1]} : vector<1024x2048xf32> to vector<8x2048xf32>
    %add3A_126 = arith.addf %add3A_124, %slice3A_125 : vector<8x2048xf32>
    %slice3A_127 = vector.extract_strided_slice %get3A_5 {offsets = [488, 0], sizes = [8, 2048], strides = [1, 1]} : vector<1024x2048xf32> to vector<8x2048xf32>
    %add3A_128 = arith.addf %add3A_126, %slice3A_127 : vector<8x2048xf32>
    %slice3A_129 = vector.extract_strided_slice %get3A_5 {offsets = [496, 0], sizes = [8, 2048], strides = [1, 1]} : vector<1024x2048xf32> to vector<8x2048xf32>
    %add3A_130 = arith.addf %add3A_128, %slice3A_129 : vector<8x2048xf32>
    %slice3A_131 = vector.extract_strided_slice %get3A_5 {offsets = [504, 0], sizes = [8, 2048], strides = [1, 1]} : vector<1024x2048xf32> to vector<8x2048xf32>
    %add3A_132 = arith.addf %add3A_130, %slice3A_131 : vector<8x2048xf32>
    %slice3A_133 = vector.extract_strided_slice %get3A_5 {offsets = [512, 0], sizes = [8, 2048], strides = [1, 1]} : vector<1024x2048xf32> to vector<8x2048xf32>
    %add3A_134 = arith.addf %add3A_132, %slice3A_133 : vector<8x2048xf32>
    %slice3A_135 = vector.extract_strided_slice %get3A_5 {offsets = [520, 0], sizes = [8, 2048], strides = [1, 1]} : vector<1024x2048xf32> to vector<8x2048xf32>
    %add3A_136 = arith.addf %add3A_134, %slice3A_135 : vector<8x2048xf32>
    %slice3A_137 = vector.extract_strided_slice %get3A_5 {offsets = [528, 0], sizes = [8, 2048], strides = [1, 1]} : vector<1024x2048xf32> to vector<8x2048xf32>
    %add3A_138 = arith.addf %add3A_136, %slice3A_137 : vector<8x2048xf32>
    %slice3A_139 = vector.extract_strided_slice %get3A_5 {offsets = [536, 0], sizes = [8, 2048], strides = [1, 1]} : vector<1024x2048xf32> to vector<8x2048xf32>
    %add3A_140 = arith.addf %add3A_138, %slice3A_139 : vector<8x2048xf32>
    %slice3A_141 = vector.extract_strided_slice %get3A_5 {offsets = [544, 0], sizes = [8, 2048], strides = [1, 1]} : vector<1024x2048xf32> to vector<8x2048xf32>
    %add3A_142 = arith.addf %add3A_140, %slice3A_141 : vector<8x2048xf32>
    %slice3A_143 = vector.extract_strided_slice %get3A_5 {offsets = [552, 0], sizes = [8, 2048], strides = [1, 1]} : vector<1024x2048xf32> to vector<8x2048xf32>
    %add3A_144 = arith.addf %add3A_142, %slice3A_143 : vector<8x2048xf32>
    %slice3A_145 = vector.extract_strided_slice %get3A_5 {offsets = [560, 0], sizes = [8, 2048], strides = [1, 1]} : vector<1024x2048xf32> to vector<8x2048xf32>
    %add3A_146 = arith.addf %add3A_144, %slice3A_145 : vector<8x2048xf32>
    %slice3A_147 = vector.extract_strided_slice %get3A_5 {offsets = [568, 0], sizes = [8, 2048], strides = [1, 1]} : vector<1024x2048xf32> to vector<8x2048xf32>
    %add3A_148 = arith.addf %add3A_146, %slice3A_147 : vector<8x2048xf32>
    %slice3A_149 = vector.extract_strided_slice %get3A_5 {offsets = [576, 0], sizes = [8, 2048], strides = [1, 1]} : vector<1024x2048xf32> to vector<8x2048xf32>
    %add3A_150 = arith.addf %add3A_148, %slice3A_149 : vector<8x2048xf32>
    %slice3A_151 = vector.extract_strided_slice %get3A_5 {offsets = [584, 0], sizes = [8, 2048], strides = [1, 1]} : vector<1024x2048xf32> to vector<8x2048xf32>
    %add3A_152 = arith.addf %add3A_150, %slice3A_151 : vector<8x2048xf32>
    %slice3A_153 = vector.extract_strided_slice %get3A_5 {offsets = [592, 0], sizes = [8, 2048], strides = [1, 1]} : vector<1024x2048xf32> to vector<8x2048xf32>
    %add3A_154 = arith.addf %add3A_152, %slice3A_153 : vector<8x2048xf32>
    %slice3A_155 = vector.extract_strided_slice %get3A_5 {offsets = [600, 0], sizes = [8, 2048], strides = [1, 1]} : vector<1024x2048xf32> to vector<8x2048xf32>
    %add3A_156 = arith.addf %add3A_154, %slice3A_155 : vector<8x2048xf32>
    %slice3A_157 = vector.extract_strided_slice %get3A_5 {offsets = [608, 0], sizes = [8, 2048], strides = [1, 1]} : vector<1024x2048xf32> to vector<8x2048xf32>
    %add3A_158 = arith.addf %add3A_156, %slice3A_157 : vector<8x2048xf32>
    %slice3A_159 = vector.extract_strided_slice %get3A_5 {offsets = [616, 0], sizes = [8, 2048], strides = [1, 1]} : vector<1024x2048xf32> to vector<8x2048xf32>
    %add3A_160 = arith.addf %add3A_158, %slice3A_159 : vector<8x2048xf32>
    %slice3A_161 = vector.extract_strided_slice %get3A_5 {offsets = [624, 0], sizes = [8, 2048], strides = [1, 1]} : vector<1024x2048xf32> to vector<8x2048xf32>
    %add3A_162 = arith.addf %add3A_160, %slice3A_161 : vector<8x2048xf32>
    %slice3A_163 = vector.extract_strided_slice %get3A_5 {offsets = [632, 0], sizes = [8, 2048], strides = [1, 1]} : vector<1024x2048xf32> to vector<8x2048xf32>
    %add3A_164 = arith.addf %add3A_162, %slice3A_163 : vector<8x2048xf32>
    %slice3A_165 = vector.extract_strided_slice %get3A_5 {offsets = [640, 0], sizes = [8, 2048], strides = [1, 1]} : vector<1024x2048xf32> to vector<8x2048xf32>
    %add3A_166 = arith.addf %add3A_164, %slice3A_165 : vector<8x2048xf32>
    %slice3A_167 = vector.extract_strided_slice %get3A_5 {offsets = [648, 0], sizes = [8, 2048], strides = [1, 1]} : vector<1024x2048xf32> to vector<8x2048xf32>
    %add3A_168 = arith.addf %add3A_166, %slice3A_167 : vector<8x2048xf32>
    %slice3A_169 = vector.extract_strided_slice %get3A_5 {offsets = [656, 0], sizes = [8, 2048], strides = [1, 1]} : vector<1024x2048xf32> to vector<8x2048xf32>
    %add3A_170 = arith.addf %add3A_168, %slice3A_169 : vector<8x2048xf32>
    %slice3A_171 = vector.extract_strided_slice %get3A_5 {offsets = [664, 0], sizes = [8, 2048], strides = [1, 1]} : vector<1024x2048xf32> to vector<8x2048xf32>
    %add3A_172 = arith.addf %add3A_170, %slice3A_171 : vector<8x2048xf32>
    %slice3A_173 = vector.extract_strided_slice %get3A_5 {offsets = [672, 0], sizes = [8, 2048], strides = [1, 1]} : vector<1024x2048xf32> to vector<8x2048xf32>
    %add3A_174 = arith.addf %add3A_172, %slice3A_173 : vector<8x2048xf32>
    %slice3A_175 = vector.extract_strided_slice %get3A_5 {offsets = [680, 0], sizes = [8, 2048], strides = [1, 1]} : vector<1024x2048xf32> to vector<8x2048xf32>
    %add3A_176 = arith.addf %add3A_174, %slice3A_175 : vector<8x2048xf32>
    %slice3A_177 = vector.extract_strided_slice %get3A_5 {offsets = [688, 0], sizes = [8, 2048], strides = [1, 1]} : vector<1024x2048xf32> to vector<8x2048xf32>
    %add3A_178 = arith.addf %add3A_176, %slice3A_177 : vector<8x2048xf32>
    %slice3A_179 = vector.extract_strided_slice %get3A_5 {offsets = [696, 0], sizes = [8, 2048], strides = [1, 1]} : vector<1024x2048xf32> to vector<8x2048xf32>
    %add3A_180 = arith.addf %add3A_178, %slice3A_179 : vector<8x2048xf32>
    %slice3A_181 = vector.extract_strided_slice %get3A_5 {offsets = [704, 0], sizes = [8, 2048], strides = [1, 1]} : vector<1024x2048xf32> to vector<8x2048xf32>
    %add3A_182 = arith.addf %add3A_180, %slice3A_181 : vector<8x2048xf32>
    %slice3A_183 = vector.extract_strided_slice %get3A_5 {offsets = [712, 0], sizes = [8, 2048], strides = [1, 1]} : vector<1024x2048xf32> to vector<8x2048xf32>
    %add3A_184 = arith.addf %add3A_182, %slice3A_183 : vector<8x2048xf32>
    %slice3A_185 = vector.extract_strided_slice %get3A_5 {offsets = [720, 0], sizes = [8, 2048], strides = [1, 1]} : vector<1024x2048xf32> to vector<8x2048xf32>
    %add3A_186 = arith.addf %add3A_184, %slice3A_185 : vector<8x2048xf32>
    %slice3A_187 = vector.extract_strided_slice %get3A_5 {offsets = [728, 0], sizes = [8, 2048], strides = [1, 1]} : vector<1024x2048xf32> to vector<8x2048xf32>
    %add3A_188 = arith.addf %add3A_186, %slice3A_187 : vector<8x2048xf32>
    %slice3A_189 = vector.extract_strided_slice %get3A_5 {offsets = [736, 0], sizes = [8, 2048], strides = [1, 1]} : vector<1024x2048xf32> to vector<8x2048xf32>
    %add3A_190 = arith.addf %add3A_188, %slice3A_189 : vector<8x2048xf32>
    %slice3A_191 = vector.extract_strided_slice %get3A_5 {offsets = [744, 0], sizes = [8, 2048], strides = [1, 1]} : vector<1024x2048xf32> to vector<8x2048xf32>
    %add3A_192 = arith.addf %add3A_190, %slice3A_191 : vector<8x2048xf32>
    %slice3A_193 = vector.extract_strided_slice %get3A_5 {offsets = [752, 0], sizes = [8, 2048], strides = [1, 1]} : vector<1024x2048xf32> to vector<8x2048xf32>
    %add3A_194 = arith.addf %add3A_192, %slice3A_193 : vector<8x2048xf32>
    %slice3A_195 = vector.extract_strided_slice %get3A_5 {offsets = [760, 0], sizes = [8, 2048], strides = [1, 1]} : vector<1024x2048xf32> to vector<8x2048xf32>
    %add3A_196 = arith.addf %add3A_194, %slice3A_195 : vector<8x2048xf32>
    %slice3A_197 = vector.extract_strided_slice %get3A_5 {offsets = [768, 0], sizes = [8, 2048], strides = [1, 1]} : vector<1024x2048xf32> to vector<8x2048xf32>
    %add3A_198 = arith.addf %add3A_196, %slice3A_197 : vector<8x2048xf32>
    %slice3A_199 = vector.extract_strided_slice %get3A_5 {offsets = [776, 0], sizes = [8, 2048], strides = [1, 1]} : vector<1024x2048xf32> to vector<8x2048xf32>
    %add3A_200 = arith.addf %add3A_198, %slice3A_199 : vector<8x2048xf32>
    %slice3A_201 = vector.extract_strided_slice %get3A_5 {offsets = [784, 0], sizes = [8, 2048], strides = [1, 1]} : vector<1024x2048xf32> to vector<8x2048xf32>
    %add3A_202 = arith.addf %add3A_200, %slice3A_201 : vector<8x2048xf32>
    %slice3A_203 = vector.extract_strided_slice %get3A_5 {offsets = [792, 0], sizes = [8, 2048], strides = [1, 1]} : vector<1024x2048xf32> to vector<8x2048xf32>
    %add3A_204 = arith.addf %add3A_202, %slice3A_203 : vector<8x2048xf32>
    %slice3A_205 = vector.extract_strided_slice %get3A_5 {offsets = [800, 0], sizes = [8, 2048], strides = [1, 1]} : vector<1024x2048xf32> to vector<8x2048xf32>
    %add3A_206 = arith.addf %add3A_204, %slice3A_205 : vector<8x2048xf32>
    %slice3A_207 = vector.extract_strided_slice %get3A_5 {offsets = [808, 0], sizes = [8, 2048], strides = [1, 1]} : vector<1024x2048xf32> to vector<8x2048xf32>
    %add3A_208 = arith.addf %add3A_206, %slice3A_207 : vector<8x2048xf32>
    %slice3A_209 = vector.extract_strided_slice %get3A_5 {offsets = [816, 0], sizes = [8, 2048], strides = [1, 1]} : vector<1024x2048xf32> to vector<8x2048xf32>
    %add3A_210 = arith.addf %add3A_208, %slice3A_209 : vector<8x2048xf32>
    %slice3A_211 = vector.extract_strided_slice %get3A_5 {offsets = [824, 0], sizes = [8, 2048], strides = [1, 1]} : vector<1024x2048xf32> to vector<8x2048xf32>
    %add3A_212 = arith.addf %add3A_210, %slice3A_211 : vector<8x2048xf32>
    %slice3A_213 = vector.extract_strided_slice %get3A_5 {offsets = [832, 0], sizes = [8, 2048], strides = [1, 1]} : vector<1024x2048xf32> to vector<8x2048xf32>
    %add3A_214 = arith.addf %add3A_212, %slice3A_213 : vector<8x2048xf32>
    %slice3A_215 = vector.extract_strided_slice %get3A_5 {offsets = [840, 0], sizes = [8, 2048], strides = [1, 1]} : vector<1024x2048xf32> to vector<8x2048xf32>
    %add3A_216 = arith.addf %add3A_214, %slice3A_215 : vector<8x2048xf32>
    %slice3A_217 = vector.extract_strided_slice %get3A_5 {offsets = [848, 0], sizes = [8, 2048], strides = [1, 1]} : vector<1024x2048xf32> to vector<8x2048xf32>
    %add3A_218 = arith.addf %add3A_216, %slice3A_217 : vector<8x2048xf32>
    %slice3A_219 = vector.extract_strided_slice %get3A_5 {offsets = [856, 0], sizes = [8, 2048], strides = [1, 1]} : vector<1024x2048xf32> to vector<8x2048xf32>
    %add3A_220 = arith.addf %add3A_218, %slice3A_219 : vector<8x2048xf32>
    %slice3A_221 = vector.extract_strided_slice %get3A_5 {offsets = [864, 0], sizes = [8, 2048], strides = [1, 1]} : vector<1024x2048xf32> to vector<8x2048xf32>
    %add3A_222 = arith.addf %add3A_220, %slice3A_221 : vector<8x2048xf32>
    %slice3A_223 = vector.extract_strided_slice %get3A_5 {offsets = [872, 0], sizes = [8, 2048], strides = [1, 1]} : vector<1024x2048xf32> to vector<8x2048xf32>
    %add3A_224 = arith.addf %add3A_222, %slice3A_223 : vector<8x2048xf32>
    %slice3A_225 = vector.extract_strided_slice %get3A_5 {offsets = [880, 0], sizes = [8, 2048], strides = [1, 1]} : vector<1024x2048xf32> to vector<8x2048xf32>
    %add3A_226 = arith.addf %add3A_224, %slice3A_225 : vector<8x2048xf32>
    %slice3A_227 = vector.extract_strided_slice %get3A_5 {offsets = [888, 0], sizes = [8, 2048], strides = [1, 1]} : vector<1024x2048xf32> to vector<8x2048xf32>
    %add3A_228 = arith.addf %add3A_226, %slice3A_227 : vector<8x2048xf32>
    %slice3A_229 = vector.extract_strided_slice %get3A_5 {offsets = [896, 0], sizes = [8, 2048], strides = [1, 1]} : vector<1024x2048xf32> to vector<8x2048xf32>
    %add3A_230 = arith.addf %add3A_228, %slice3A_229 : vector<8x2048xf32>
    %slice3A_231 = vector.extract_strided_slice %get3A_5 {offsets = [904, 0], sizes = [8, 2048], strides = [1, 1]} : vector<1024x2048xf32> to vector<8x2048xf32>
    %add3A_232 = arith.addf %add3A_230, %slice3A_231 : vector<8x2048xf32>
    %slice3A_233 = vector.extract_strided_slice %get3A_5 {offsets = [912, 0], sizes = [8, 2048], strides = [1, 1]} : vector<1024x2048xf32> to vector<8x2048xf32>
    %add3A_234 = arith.addf %add3A_232, %slice3A_233 : vector<8x2048xf32>
    %slice3A_235 = vector.extract_strided_slice %get3A_5 {offsets = [920, 0], sizes = [8, 2048], strides = [1, 1]} : vector<1024x2048xf32> to vector<8x2048xf32>
    %add3A_236 = arith.addf %add3A_234, %slice3A_235 : vector<8x2048xf32>
    %slice3A_237 = vector.extract_strided_slice %get3A_5 {offsets = [928, 0], sizes = [8, 2048], strides = [1, 1]} : vector<1024x2048xf32> to vector<8x2048xf32>
    %add3A_238 = arith.addf %add3A_236, %slice3A_237 : vector<8x2048xf32>
    %slice3A_239 = vector.extract_strided_slice %get3A_5 {offsets = [936, 0], sizes = [8, 2048], strides = [1, 1]} : vector<1024x2048xf32> to vector<8x2048xf32>
    %add3A_240 = arith.addf %add3A_238, %slice3A_239 : vector<8x2048xf32>
    %slice3A_241 = vector.extract_strided_slice %get3A_5 {offsets = [944, 0], sizes = [8, 2048], strides = [1, 1]} : vector<1024x2048xf32> to vector<8x2048xf32>
    %add3A_242 = arith.addf %add3A_240, %slice3A_241 : vector<8x2048xf32>
    %slice3A_243 = vector.extract_strided_slice %get3A_5 {offsets = [952, 0], sizes = [8, 2048], strides = [1, 1]} : vector<1024x2048xf32> to vector<8x2048xf32>
    %add3A_244 = arith.addf %add3A_242, %slice3A_243 : vector<8x2048xf32>
    %slice3A_245 = vector.extract_strided_slice %get3A_5 {offsets = [960, 0], sizes = [8, 2048], strides = [1, 1]} : vector<1024x2048xf32> to vector<8x2048xf32>
    %add3A_246 = arith.addf %add3A_244, %slice3A_245 : vector<8x2048xf32>
    %slice3A_247 = vector.extract_strided_slice %get3A_5 {offsets = [968, 0], sizes = [8, 2048], strides = [1, 1]} : vector<1024x2048xf32> to vector<8x2048xf32>
    %add3A_248 = arith.addf %add3A_246, %slice3A_247 : vector<8x2048xf32>
    %slice3A_249 = vector.extract_strided_slice %get3A_5 {offsets = [976, 0], sizes = [8, 2048], strides = [1, 1]} : vector<1024x2048xf32> to vector<8x2048xf32>
    %add3A_250 = arith.addf %add3A_248, %slice3A_249 : vector<8x2048xf32>
    %slice3A_251 = vector.extract_strided_slice %get3A_5 {offsets = [984, 0], sizes = [8, 2048], strides = [1, 1]} : vector<1024x2048xf32> to vector<8x2048xf32>
    %add3A_252 = arith.addf %add3A_250, %slice3A_251 : vector<8x2048xf32>
    %slice3A_253 = vector.extract_strided_slice %get3A_5 {offsets = [992, 0], sizes = [8, 2048], strides = [1, 1]} : vector<1024x2048xf32> to vector<8x2048xf32>
    %add3A_254 = arith.addf %add3A_252, %slice3A_253 : vector<8x2048xf32>
    %slice3A_255 = vector.extract_strided_slice %get3A_5 {offsets = [1000, 0], sizes = [8, 2048], strides = [1, 1]} : vector<1024x2048xf32> to vector<8x2048xf32>
    %add3A_256 = arith.addf %add3A_254, %slice3A_255 : vector<8x2048xf32>
    %slice3A_257 = vector.extract_strided_slice %get3A_5 {offsets = [1008, 0], sizes = [8, 2048], strides = [1, 1]} : vector<1024x2048xf32> to vector<8x2048xf32>
    %add3A_258 = arith.addf %add3A_256, %slice3A_257 : vector<8x2048xf32>
    %slice3A_259 = vector.extract_strided_slice %get3A_5 {offsets = [1016, 0], sizes = [8, 2048], strides = [1, 1]} : vector<1024x2048xf32> to vector<8x2048xf32>
    %add3A_260 = arith.addf %add3A_258, %slice3A_259 : vector<8x2048xf32>
    %get3A_261 = arith.constant 0 : index
    %get3A_262 = arith.constant 0 : index
    %get3A_263 = vector.load %arg4[%get3A_261, %get3A_262] : memref<8x2048xf32, #tpu.memory_space<vmem>>, vector<8x2048xf32>
    %add3A_264 = arith.addf %get3A_263, %add3A_260 : vector<8x2048xf32>
    %swap3A = arith.constant 0 : index
    %swap3A_265 = arith.constant 0 : index
    %swap3A_266 = vector.load %arg4[%swap3A, %swap3A_265] : memref<8x2048xf32, #tpu.memory_space<vmem>>, vector<8x2048xf32>
    tpu.vector_store %arg4[%swap3A, %swap3A_265], %add3A_264 {strides = array<i32>} : memref<8x2048xf32, #tpu.memory_space<vmem>>, vector<8x2048xf32>,
    %eq3A_267 = arith.constant 22 : i32
    %eq3A_268 = arith.cmpi eq, %arg1, %eq3A_267 : i32
    %convert_element_type3A_269 = arith.extui %eq3A_268 : i1 to i32
    %cond3A_270 = arith.constant 0 : i32
    %cond3A_271 = arith.cmpi ne, %convert_element_type3A_269, %cond3A_270 : i32
    scf.if %cond3A_271 {
      %get3A_272 = arith.constant 0 : index
      %get3A_273 = arith.constant 0 : index
      %get3A_274 = vector.load %arg4[%get3A_272, %get3A_273] : memref<8x2048xf32, #tpu.memory_space<vmem>>, vector<8x2048xf32>
      %reduce_sum3A = arith.constant dense<0.000000e+00> : vector<2048xf32>
      %reduce_sum3A_275 = vector.multi_reduction <add>, %get3A_274, %reduce_sum3A [0] : vector<8x2048xf32> to vector<2048xf32>
      %broadcast_in_dim3A_276 = vector.shape_cast %reduce_sum3A_275 : vector<2048xf32> to vector<1x2048xf32>
      %swap3A_277 = arith.constant 0 : index
      %swap3A_278 = arith.constant 0 : index
      %swap3A_279 = arith.constant 0 : index
      %swap3A_280 = vector.load %arg3[%swap3A_277, %swap3A_278, %swap3A_279] : memref<1x1x2048xf32, #tpu.memory_space<vmem>>, vector<1x1x2048xf32>
      %swap3A_281 = vector.shape_cast %swap3A_280 : vector<1x1x2048xf32> to vector<1x2048xf32>
      %swap3A_282 = vector.shape_cast %broadcast_in_dim3A_276 : vector<1x2048xf32> to vector<1x1x2048xf32>
      tpu.vector_store %arg3[%swap3A_277, %swap3A_278, %swap3A_279], %swap3A_282 {strides = array<i32>} : memref<1x1x2048xf32, #tpu.memory_space<vmem>>, vector<1x1x2048xf32>,
    } else {
    }
    return
  }
  func.func @transform_0(%arg0: i32, %arg1: i32) -> (i32, i32, i32) {
    %c0_i32 = arith.constant 0 : i32
    %c0_i32_0 = arith.constant 0 : i32
    return %arg0, %arg1, %c0_i32 : i32, i32, i32
  }
  func.func @transform_1(%arg0: i32, %arg1: i32) -> (i32, i32, i32) {
    %c0_i32 = arith.constant 0 : i32
    %c0_i32_0 = arith.constant 0 : i32
    %c0_i32_1 = arith.constant 0 : i32
    return %arg0, %c0_i32, %c0_i32_0 : i32, i32, i32
  }
}

</mosaic_0001>

<sc_bundles>
// kernel: kernel.5.cloned.1.call-start
scs
__scs_entry_jumppad:
0x0: {  	(pc) =	sbr.rel $0x88, $3  }
0x1: {  	(tag) =	ssettag $0x0;
	lr =	simm.s32 $0x1  }
0x2: {  	[smem:$0x3F9F] =	sst lr;
	_ =	strace $0xD0000000  }
0x3: {  	_ = 	snop  }
0x4: {  	_ = 	snop  }
0x5: {  	_ = 	snop  }
0x6: {  	_ = 	snop  }
0x7: {  	_ = 	snop  }
__scs_overlays_trampoline_lowered:
0x8: {  	[smem:$0x3FAE] =	sst s0  }
0x9: {  	[smem:$0x3FAF] =	sst s1  }
0xa: {  	[smem:$0x3FB0] =	sst s2  }
0xb: {  	[smem:$0x3FB1] =	sst s3  }
0xc: {  	[smem:$0x3FB2] =	sst s4  }
0xd: {  	[smem:$0x3FB3] =	sst s5  }
0xe: {  	[smem:$0x3FB4] =	sst s6  }
0xf: {  	[smem:$0x3FB5] =	sst s7  }
0x10: {  	[smem:$0x3FB6] =	sst s8  }
0x11: {  	[smem:$0x3FB7] =	sst s9;
	s0 =	simm.s32 @!p0 $0x0  }
0x12: {  	s1 =	sld [smem:$0x3F9D];
	s0 =	simm.s32 @p0 $0x1  }
0x13: {  	[smem:$0x3FB8] =	sst s0;
	s0 =	simm.s32 @!p1 $0x0  }
0x14: {  	s2 =	sld [smem:$0x3F9C];
	s0 =	simm.s32 @p1 $0x1  }
0x15: {  	[smem:$0x3FB9] =	sst s0;
	s0 =	simm.s32 @!p2 $0x0  }
0x16: {  	s3 =	sld [smem:$0x3FDB];
	s0 =	simm.s32 @p2 $0x1  }
0x17: {  	s4 =	simm.s32 $0x1BF5;
	[smem:$0x3FBB] =	sst s0  }
0x18: {  	s0 =	sld [smem:$0x3F9E];
	_ =	swait.ge [sflag:s4], $0x0  }
0x19: {  	s7 =	sld [smem:$0x3F9F]  }
0x1a: {  	s8 =	sadd.s32 $0xFFFFE003, lr  }
0x1b: {  	s9 =	sadd.s32 $0xFFFFFEF7, lr;
	s5 =	simm.s32 $0xFFFFFFFF;
	p2 =	slt.u32 s8, $0xFFFFF086  }
0x1c: {  	p1 =	slt.u32 s9, $0xF7A;
	s5 =	simm.s32 @!p2 $0x0  }
0x1d: {  	s5 =	simm.s32 @p1 $0x1;
	p0 =	seq.s32 s7, s2  }
0x1e: {  	s7 =	smul.u32 @!p0 $0xF7A, s2;
	p2 =	seq.s32 @!p0 s5, $0x0  }
0x1f: {  	s9 =	smul.u32 $0xF7A, s1;
	s8 =	simm.s32 @!p0 $0x1BF5;
	p2 =	por !p2, p0  }
0x20: {  	[sflag:s8] =	ssyncset.s32 @!p0 $0xFFFFF086;
	s6 =	sadd.s32 @!p0 s3, s7;
	s7 =	simm.s32 @!p0 $0x108  }
0x21: {  	s3 =	sadd.s32 s3, s9;
	s6 =	sadd.s32 @!p0 $0x88, s6;
	s7 =	simm.s32 @p2 $0x1082  }
0x22: {  	[simem:s7], [sflag:s8] =	dma.local @!p0 [hbm:s6], $0xF7A  }
0x23: {  	s9 =	sor.u32 $0xD0000000, s2;
	s6 =	simm.s32 $0x108;
	_ =	swait.ge @!p0 [sflag:s8], $0x0  }
0x24: {  	s3 =	sadd.s32 $0x88, s3;
	s6 =	simm.s32 @!p1 $0x1082;
	[sflag:s4] =	ssyncset.s32 $0xFFFFF086  }
0x25: {  	[simem:s6], [sflag:s4] =	dma.local [hbm:s3], $0xF7A  }
0x26: {  	[smem:$0x3F9F] =	sst s1;
	(tag) =	ssettag s2;
	_ =	strace s9  }
0x27: {  	s1 =	sld [smem:$0x3FAF]  }
0x28: {  	s2 =	sld [smem:$0x3FB0]  }
0x29: {  	s4 =	sld [smem:$0x3FB2]  }
0x2a: {  	p0 =	seq.s32 s5, $0x0;
	s5 =	sld [smem:$0x3FB3]  }
0x2b: {  	s6 =	sld [smem:$0x3FB4]  }
0x2c: {  	s7 =	sld [smem:$0x3FB5]  }
0x2d: {  	s3 =	simm.s32 $0x108;
	s8 =	sld [smem:$0x3FB6]  }
0x2e: {  	s3 =	simm.s32 @!p0 $0x1082;
	s9 =	sld [smem:$0x3FB7]  }
0x2f: {  	lr =	sadd.s32 s0, s3;
	s0 =	sld [smem:$0x3FAE]  }
0x30: {  	s3 =	sld [smem:$0x3FB1]  }
0x31: {  	[smem:$0x3FBA] =	sst s10  }
0x32: {  	s10 =	sld [smem:$0x3FB8];
	_ =	sdelay $0x3  }
0x33: {  	p0 =	seq.s32 s10, $0x1;
	s10 =	sld [smem:$0x3FBA];
	_ =	sdelay $0x3  }
0x34: {  	[smem:$0x3FBA] =	sst s10  }
0x35: {  	s10 =	sld [smem:$0x3FB9];
	_ =	sdelay $0x3  }
0x36: {  	p1 =	seq.s32 s10, $0x1;
	s10 =	sld [smem:$0x3FBA];
	_ =	sdelay $0x3  }
0x37: {  	[smem:$0x3FBA] =	sst s10  }
0x38: {  	s10 =	sld [smem:$0x3FBB]  }
0x39: {  	_ = 	snop;
	(pc) =	sbr.ind lr, $3  }
0x3a: {  	_ = 	snop  }
0x3b: {  	_ = 	snop  }
0x3c: {  	p2 =	seq.s32 s10, $0x1;
	s10 =	sld [smem:$0x3FBA]  }
0x3d: {  	_ =	shalt  }
0x3e: {  	_ =	shalt  }
0x3f: {  	_ =	shalt  }
0x40: {  	_ =	shalt  }
0x41: {  	_ =	shalt  }
0x42: {  	_ =	shalt  }
0x43: {  	_ =	shalt  }
0x44: {  	_ =	shalt  }
0x45: {  	_ =	shalt  }
0x46: {  	_ =	shalt  }
0x47: {  	_ =	shalt  }
0x48: {  	_ =	shalt  }
0x49: {  	_ =	shalt  }
0x4a: {  	_ =	shalt  }
0x4b: {  	_ =	shalt  }
0x4c: {  	_ =	shalt  }
0x4d: {  	_ =	shalt  }
0x4e: {  	_ =	shalt  }
0x4f: {  	_ =	shalt  }
0x50: {  	_ =	shalt  }
0x51: {  	_ =	shalt  }
0x52: {  	_ =	shalt  }
0x53: {  	_ =	shalt  }
0x54: {  	_ =	shalt  }
0x55: {  	_ =	shalt  }
0x56: {  	_ =	shalt  }
0x57: {  	_ =	shalt  }
0x58: {  	_ =	shalt  }
0x59: {  	_ =	shalt  }
0x5a: {  	_ =	shalt  }
0x5b: {  	_ =	shalt  }
0x5c: {  	_ =	shalt  }
0x5d: {  	_ =	shalt  }
0x5e: {  	_ =	shalt  }
0x5f: {  	_ =	shalt  }
0x60: {  	_ =	shalt  }
0x61: {  	_ =	shalt  }
0x62: {  	_ =	shalt  }
0x63: {  	_ =	shalt  }
0x64: {  	_ =	shalt  }
0x65: {  	_ =	shalt  }
0x66: {  	_ =	shalt  }
0x67: {  	_ =	shalt  }
0x68: {  	_ =	shalt  }
0x69: {  	_ =	shalt  }
0x6a: {  	_ =	shalt  }
0x6b: {  	_ =	shalt  }
0x6c: {  	_ =	shalt  }
0x6d: {  	_ =	shalt  }
0x6e: {  	_ =	shalt  }
0x6f: {  	_ =	shalt  }
0x70: {  	_ =	shalt  }
0x71: {  	_ =	shalt  }
0x72: {  	_ =	shalt  }
0x73: {  	_ =	shalt  }
0x74: {  	_ =	shalt  }
0x75: {  	_ =	shalt  }
0x76: {  	_ =	shalt  }
0x77: {  	_ =	shalt  }
0x78: {  	_ =	shalt  }
0x79: {  	_ =	shalt  }
0x7a: {  	_ =	shalt  }
0x7b: {  	_ =	shalt  }
0x7c: {  	_ =	shalt  }
0x7d: {  	_ =	shalt  }
0x7e: {  	_ =	shalt  }
0x7f: {  	_ =	shalt  }
0x80: {  	_ =	shalt  }
0x81: {  	_ =	shalt  }
0x82: {  	_ =	shalt  }
0x83: {  	_ =	shalt  }
0x84: {  	_ =	shalt  }
0x85: {  	_ =	shalt  }
0x86: {  	_ =	shalt  }
0x87: {  	_ =	shalt  }
.Lfunc_end0:
.L_simem_size_0:
called_computation_lowered:
.L_overlay_start_0:
0x88: {  	s2 =	sld [smem:$0x3FD9]  }
0x89: {  	s3 =	sld [smem:$0x3FFE];
	_ =	sdelay $0x1  }
0x8a: {  	s1 =	srdreg.scid  }
0x8b: {  	s0 =	sand.u32 $0x1, s1  }
0x8c: {  	s17 =	sshll.u32 s0, $0xA;
	s2 =	sadd.s32 s3, s2  }
0x8d: {  	s2 =	sadd.s32 s2, s17  }
0x8e: {  	[smem:$0x3FC6] =	sst s2  }
0x8f: {  	_ = 	snop  }
0x90: {  	s2 =	sld [smem:$0x3FC9];
	(tm) =	ssettm $0x1  }
0x91: {  	s18 =	sld [smem:$0x3FFB];
	_ =	sdelay $0x3  }
0x92: {  	_ =	strace s18  }
0x93: {  	s3 =	sld [smem:$0x3FFC];
	_ =	sdelay $0x3  }
0x94: {  	_ =	strace s3  }
0x95: {  	s3 =	sld [smem:$0x3FFD];
	_ =	sdelay $0x3  }
0x96: {  	_ =	strace s3  }
0x97: {  	_ =	strace $0x8FFFFFFF  }
0x98: {  	s19 =	sld [smem:$0x3FDB];
	_ =	sdelay $0x1  }
0x99: {  	s4 =	simm.s32 $_scs_section_size  }
0x9a: {  	s5 =	simm.s32 $_size__tile_overlayer_lowered;
	s6 =	simm.s32 $_tile_overlayer_lowered  }
0x9b: {  	s22 =	simm.s32 $0x1BFF;
	s21 =	sshll.u32 s6, $0x1;
	s3 =	sadd.s32 s4, s19  }
0x9c: {  	s7 =	simm.s32 $0x0;
	s20 =	sshll.u32 s5, $0x1;
	s5 =	sadd.s32 s21, s3  }
0x9d: {  	[timem:s7], [sflag:s22] =	dma.local [hbm:s5], s20  }
0x9e: {  	_ =	swait.ge [sflag:s22], s20  }
0x9f: {  	s4 =	ssub.s32 $0x0, s20;
	[sflag:s22] =	ssyncset.done $0x0  }
0xa0: {  	[sflag:s22] =	ssyncadd.s32 s4;
	_ =	sdelay $0x1  }
0xa1: {  	s23 =	simm.s32 $0x1B8B  }
0xa2: {  	_ =	swait.ge [sflag:s23], $0x1  }
0xa3: {  	[sflag:s23] =	ssyncset.done $0x0  }
0xa4: {  	s25 =	simm.s32 $0x1B8E;
	s24 =	sld [smem:$0x3FFE];
	[sflag:s23] =	ssyncadd.s32 $0xFFFFFFFF  }
0xa5: {  	s26 =	simm.s32 $execute0_lowered;
	[smem:$0x3FD2] =	sst s25  }
0xa6: {  	s5 =	sshll.u32 s26, $0x1;
	_ =	strace $0x80000046;
	[dreg:$0x1] =	wrdreg $0xFFFFFFFF  }
0xa7: {  	s28 =	simm.s32 $_size_execute0_lowered;
	s3 =	sadd.s32 s3, s5;
	[dreg:$0x0] =	wrdreg $0x0  }
0xa8: {  	s5 =	sshll.u32 s28, $0x1;
	[dreg:$0x2] =	wrdreg s3  }
0xa9: {  	[dreg:$0x3] =	wrdreg s5  }
0xaa: {  	[dreg:$0x4] =	wrdreg $0xC0  }
0xab: {  	_ =	task [dreg:s7], $0x5FFFF  }
0xac: {  	[dreg:$0x1] =	wrdreg $0xFFFFFFFF  }
0xad: {  	[dreg:$0x0] =	wrdreg $0x60  }
0xae: {  	[dreg:$0x2] =	wrdreg s2  }
0xaf: {  	[dreg:$0x3] =	wrdreg s24  }
0xb0: {  	[dreg:$0x4] =	wrdreg $0x9  }
0xb1: {  	_ =	task.clear_ibuf [dreg:s7], $0x5FFFF;
	_ =	strace $0x90000046  }
0xb2: {  	s29 =	simm.s32 $0x9;
	_ =	strace $0x80000048  }
0xb3: {  	_ =	swait.ge [sflag:s29], $0x1  }
0xb4: {  	[sflag:s29] =	ssyncadd.s32 $0xFFFFFFFF  }
0xb5: {  	_ =	strace $0x90000048  }
0xb6: {  	_ =	sfence  }
0xb7: {  	s30 =	sld [smem:$0x0];
	_ =	sdelay $0x2  }
0xb8: {  	s31 =	sshll.u32 s1, $0xD;
	s1 =	sshrl.u32 s1, $0x2  }
0xb9: {  	s3 =	sand.u32 $0x4000, s31;
	s1 =	sadd.s32 s1, s30  }
0xba: {  	s0 =	sor.u32 s3, s0;
	s1 =	sshll.u32 s1, $0x11  }
0xbb: {  	s0 =	sor.u32 s1, s0  }
0xbc: {  	s0 =	sadd.s32 $0x8F2B, s0  }
0xbd: {  	[sflag:s0] =	ssyncadd.remote.s32 $0x1  }
0xbe: {  	_ =	sfence.sel $0xFFFF  }
0xbf: {  	[dreg:$0x0] =	wrdreg $0xFFFFFFFF;
	(pc) =	sbr.abs _section_cstart, $3  }
0xc0: {  	[dreg:$0x1] =	wrdreg $0xFFFFFFFF  }
0xc1: {  	_ =	task.clear_ibuf [dreg:s7], $0x2FFFF;
	_ =	strace $0x9FFFFFFF  }
0xc2: {  	(tm) =	ssettm $0x7FFFFFFF  }
0xc3: {  	_ =	shalt  }
tec
execute0_lowered:
.L_overlay_start_1:
0x0: {  	(tag) =	ssettag $0x1  }
0x1: {  	s3 =	rddreg [dreg:$0x0]  }
0x2: {  	s1 =	srdreg.scid;
	s0 =	stileid.u32  }
0x3: {  	s4 =	rddreg [dreg:$0x1];
	s2 =	simm.s32 $0x0;
	s11 =	simm.s32 $0x1  }
0x4: {  	s12 =	simm.s32 $0x2;
	s13 =	simm.s32 $0x80;
	s14 =	simm.s32 $0x400  }
0x5: {  	s15 =	simm.s32 $0x3;
	s16 =	simm.s32 $0x10000;
	s17 =	simm.s32 $0x0  }
0x6: {  	s5 =	sand.u32 $0x1, s1;
	s6 =	sshll.u32 s0, $0x1;
	s1 =	rddreg [dreg:$0x2]  }
0x7: {  	[smem:$0x7FF] =	sst s2;
	s7 =	sshll.u32 s0, $0x9;
	s6 =	sor.u32 s5, s6  }
0x8: {  	_ =	strace $0x80000047;
	s5 =	ssub.s32 $0x2, s5;
	s8 =	sshll.u32 s6, $0x4  }
0x9: {  	s30 =	sshrl.u32 s5, $0x1;
	s6 =	sshll.u32 s6, $0xD;
	s7 =	sor.u32 s7, s8  }
0xa: {  	s10 =	ssub.s32 s5, s30;
	s31 =	sadd.s32 s6, s3;
	s7 =	sand.u32 $0x1870, s7  }
0xb: {  	s3 =	sadd.s32 $0x5C0000, s31;
	s6 =	sadd.s32 $0xBC0000, s31;
	s9 =	sadd.s32 s7, s4  }
0xc: {  	s4 =	sadd.s32 $0x5C1000, s31;
	s7 =	sadd.s32 $0xBC1000, s31;
	s5 =	sadd.s32 $0x800, s9  }
0xd: {  	v0 =	vimm.f32 $0.0e+00;
	s8 =	sadd.s32 $0x2800, s9;
	s9 =	smax.u32 s10, $0x1;
	s10 =	simm.s32 $0x8000  }
.LBB2_1:
0xe: {  	[tilespmem:$0x10000] =	vst v0  }
0xf: {  	[tilespmem:$0x10010] =	vst v0  }
0x10: {  	[tilespmem:$0x10020] =	vst v0  }
0x11: {  	[tilespmem:$0x10030] =	vst v0  }
0x12: {  	[tilespmem:$0x10040] =	vst v0  }
0x13: {  	[tilespmem:$0x10050] =	vst v0  }
0x14: {  	[tilespmem:$0x10060] =	vst v0  }
0x15: {  	[tilespmem:$0x10070] =	vst v0  }
0x16: {  	[tilespmem:$0x10080] =	vst v0  }
0x17: {  	[tilespmem:$0x10090] =	vst v0  }
0x18: {  	[tilespmem:$0x100A0] =	vst v0  }
0x19: {  	[tilespmem:$0x100B0] =	vst v0  }
0x1a: {  	[tilespmem:$0x100C0] =	vst v0  }
0x1b: {  	[tilespmem:$0x100D0] =	vst v0  }
0x1c: {  	[tilespmem:$0x100E0] =	vst v0  }
0x1d: {  	[tilespmem:$0x100F0] =	vst v0  }
0x1e: {  	[tilespmem:$0x10100] =	vst v0  }
0x1f: {  	[tilespmem:$0x10110] =	vst v0  }
0x20: {  	[tilespmem:$0x10120] =	vst v0  }
0x21: {  	[tilespmem:$0x10130] =	vst v0  }
0x22: {  	[tilespmem:$0x10140] =	vst v0  }
0x23: {  	[tilespmem:$0x10150] =	vst v0  }
0x24: {  	[tilespmem:$0x10160] =	vst v0  }
0x25: {  	[tilespmem:$0x10170] =	vst v0  }
0x26: {  	[tilespmem:$0x10180] =	vst v0  }
0x27: {  	[tilespmem:$0x10190] =	vst v0  }
0x28: {  	[tilespmem:$0x101A0] =	vst v0  }
0x29: {  	[tilespmem:$0x101B0] =	vst v0  }
0x2a: {  	[tilespmem:$0x101C0] =	vst v0  }
0x2b: {  	[tilespmem:$0x101D0] =	vst v0  }
0x2c: {  	[tilespmem:$0x101E0] =	vst v0  }
0x2d: {  	[tilespmem:$0x101F0] =	vst v0  }
0x2e: {  	[tilespmem:$0x10200] =	vst v0  }
0x2f: {  	[tilespmem:$0x10210] =	vst v0  }
0x30: {  	[tilespmem:$0x10220] =	vst v0  }
0x31: {  	[tilespmem:$0x10230] =	vst v0  }
0x32: {  	[tilespmem:$0x10240] =	vst v0  }
0x33: {  	[tilespmem:$0x10250] =	vst v0  }
0x34: {  	[tilespmem:$0x10260] =	vst v0  }
0x35: {  	[tilespmem:$0x10270] =	vst v0  }
0x36: {  	[tilespmem:$0x10280] =	vst v0  }
0x37: {  	[tilespmem:$0x10290] =	vst v0  }
0x38: {  	[tilespmem:$0x102A0] =	vst v0  }
0x39: {  	[tilespmem:$0x102B0] =	vst v0  }
0x3a: {  	[tilespmem:$0x102C0] =	vst v0  }
0x3b: {  	[tilespmem:$0x102D0] =	vst v0  }
0x3c: {  	[tilespmem:$0x102E0] =	vst v0  }
0x3d: {  	[tilespmem:$0x102F0] =	vst v0  }
0x3e: {  	[tilespmem:$0x10300] =	vst v0  }
0x3f: {  	[tilespmem:$0x10310] =	vst v0  }
0x40: {  	[tilespmem:$0x10320] =	vst v0  }
0x41: {  	[tilespmem:$0x10330] =	vst v0  }
0x42: {  	[tilespmem:$0x10340] =	vst v0  }
0x43: {  	[tilespmem:$0x10350] =	vst v0  }
0x44: {  	[tilespmem:$0x10360] =	vst v0  }
0x45: {  	[tilespmem:$0x10370] =	vst v0  }
0x46: {  	[tilespmem:$0x10380] =	vst v0  }
0x47: {  	[tilespmem:$0x10390] =	vst v0  }
0x48: {  	[tilespmem:$0x103A0] =	vst v0  }
0x49: {  	[tilespmem:$0x103B0] =	vst v0  }
0x4a: {  	[tilespmem:$0x103C0] =	vst v0  }
0x4b: {  	[tilespmem:$0x103D0] =	vst v0  }
0x4c: {  	[tilespmem:$0x103E0] =	vst v0  }
0x4d: {  	[tilespmem:$0x103F0] =	vst v0  }
0x4e: {  	[tilespmem:$0x10400] =	vst v0  }
0x4f: {  	[tilespmem:$0x10410] =	vst v0  }
0x50: {  	[tilespmem:$0x10420] =	vst v0  }
0x51: {  	[tilespmem:$0x10430] =	vst v0  }
0x52: {  	[tilespmem:$0x10440] =	vst v0  }
0x53: {  	[tilespmem:$0x10450] =	vst v0  }
0x54: {  	[tilespmem:$0x10460] =	vst v0  }
0x55: {  	[tilespmem:$0x10470] =	vst v0  }
0x56: {  	[tilespmem:$0x10480] =	vst v0  }
0x57: {  	[tilespmem:$0x10490] =	vst v0  }
0x58: {  	[tilespmem:$0x104A0] =	vst v0  }
0x59: {  	[tilespmem:$0x104B0] =	vst v0  }
0x5a: {  	[tilespmem:$0x104C0] =	vst v0  }
0x5b: {  	[tilespmem:$0x104D0] =	vst v0  }
0x5c: {  	[tilespmem:$0x104E0] =	vst v0  }
0x5d: {  	[tilespmem:$0x104F0] =	vst v0  }
0x5e: {  	[tilespmem:$0x10500] =	vst v0  }
0x5f: {  	[tilespmem:$0x10510] =	vst v0  }
0x60: {  	[tilespmem:$0x10520] =	vst v0  }
0x61: {  	[tilespmem:$0x10530] =	vst v0  }
0x62: {  	[tilespmem:$0x10540] =	vst v0  }
0x63: {  	[tilespmem:$0x10550] =	vst v0  }
0x64: {  	[tilespmem:$0x10560] =	vst v0  }
0x65: {  	[tilespmem:$0x10570] =	vst v0  }
0x66: {  	[tilespmem:$0x10580] =	vst v0  }
0x67: {  	[tilespmem:$0x10590] =	vst v0  }
0x68: {  	[tilespmem:$0x105A0] =	vst v0  }
0x69: {  	[tilespmem:$0x105B0] =	vst v0  }
0x6a: {  	[tilespmem:$0x105C0] =	vst v0  }
0x6b: {  	[tilespmem:$0x105D0] =	vst v0  }
0x6c: {  	[tilespmem:$0x105E0] =	vst v0  }
0x6d: {  	[tilespmem:$0x105F0] =	vst v0  }
0x6e: {  	[tilespmem:$0x10600] =	vst v0  }
0x6f: {  	[tilespmem:$0x10610] =	vst v0  }
0x70: {  	[tilespmem:$0x10620] =	vst v0  }
0x71: {  	[tilespmem:$0x10630] =	vst v0  }
0x72: {  	[tilespmem:$0x10640] =	vst v0  }
0x73: {  	[tilespmem:$0x10650] =	vst v0  }
0x74: {  	[tilespmem:$0x10660] =	vst v0  }
0x75: {  	[tilespmem:$0x10670] =	vst v0  }
0x76: {  	[tilespmem:$0x10680] =	vst v0  }
0x77: {  	[tilespmem:$0x10690] =	vst v0  }
0x78: {  	[tilespmem:$0x106A0] =	vst v0  }
0x79: {  	[tilespmem:$0x106B0] =	vst v0  }
0x7a: {  	[tilespmem:$0x106C0] =	vst v0  }
0x7b: {  	[tilespmem:$0x106D0] =	vst v0  }
0x7c: {  	[tilespmem:$0x106E0] =	vst v0  }
0x7d: {  	[tilespmem:$0x106F0] =	vst v0  }
0x7e: {  	[tilespmem:$0x10700] =	vst v0  }
0x7f: {  	[tilespmem:$0x10710] =	vst v0  }
0x80: {  	[tilespmem:$0x10720] =	vst v0  }
0x81: {  	[tilespmem:$0x10730] =	vst v0  }
0x82: {  	[tilespmem:$0x10740] =	vst v0  }
0x83: {  	[tilespmem:$0x10750] =	vst v0  }
0x84: {  	[tilespmem:$0x10760] =	vst v0  }
0x85: {  	[tilespmem:$0x10770] =	vst v0  }
0x86: {  	[tilespmem:$0x10780] =	vst v0  }
0x87: {  	[tilespmem:$0x10790] =	vst v0  }
0x88: {  	[tilespmem:$0x107A0] =	vst v0  }
0x89: {  	[tilespmem:$0x107B0] =	vst v0  }
0x8a: {  	[tilespmem:$0x107C0] =	vst v0  }
0x8b: {  	[tilespmem:$0x107D0] =	vst v0  }
0x8c: {  	[tilespmem:$0x107E0] =	vst v0  }
0x8d: {  	[tilespmem:$0x107F0] =	vst v0  }
0x8e: {  	[tilespmem:s2], [sflag:$0x1] =	stream.linear.gather [hbm4b:s3+s2], $0x8000, $0x38;
	[tilespmem:$0x10800] =	vst v63  }
0x8f: {  	_ = 	snop  }
0x90: {  	[tilespmem:s10], [sflag:$0x2] =	stream.linear.gather [hbm4b:s4+s2], $0x8000, $0x38;
	[tilespmem:$0x10800] =	vst v63  }
0x91: {  	_ =	swait.ge [sflag:s11], $0x8000  }
0x92: {  	s18 =	sand.u32 $0x70, s2;
	s19 =	sand.u32 $0x3C00, s2;
	[sflag:s11] =	ssyncset.done $0x0  }
0x93: {  	s18 =	sor.u32 s18, s19;
	[sflag:s11] =	ssyncadd.s32 $0xFFFF8000  }
0x94: {  	v1 =	vld [tilespmem:s18+$0x0]  }
0x95: {  	v2 =	vld [tilespmem:s18+$0x80];
	_ =	sdelay $0x1  }
0x96: {  	v3 =	vld [tilespmem:s18+$0x100];
	_ =	sdelay $0x1  }
0x97: {  	v4 =	vld [tilespmem:s18+$0x180]  }
0x98: {  	v1 =	vadd.f32 v2, v1  }
0x99: {  	v2 =	vld [tilespmem:s18+$0x200]  }
0x9a: {  	v1 =	vadd.f32 v3, v1  }
0x9b: {  	v3 =	vld [tilespmem:s18+$0x280]  }
0x9c: {  	v1 =	vadd.f32 v4, v1  }
0x9d: {  	v4 =	vld [tilespmem:s18+$0x300]  }
0x9e: {  	v1 =	vadd.f32 v2, v1  }
0x9f: {  	s26 =	simm.s32 $0x10;
	s20 =	simm.s32 $0x80;
	v2 =	vld [tilespmem:s18+$0x380]  }
0xa0: {  	s19 =	sand.u32 $0x70, s26;
	s20 =	sand.u32 $0x3C00, s20;
	v1 =	vadd.f32 v3, v1  }
0xa1: {  	s19 =	sor.u32 s19, s20;
	v3 =	vld [tilespmem:s18+$0x4000]  }
0xa2: {  	v6 =	vld [tilespmem:s19+$0x0];
	v1 =	vadd.f32 v4, v1  }
0xa3: {  	v4 =	vld [tilespmem:s18+$0x4080]  }
0xa4: {  	v1 =	vadd.f32 v2, v1;
	v2 =	vld [tilespmem:s19+$0x80]  }
0xa5: {  	v5 =	vld [tilespmem:s18+$0x4100]  }
0xa6: {  	v7 =	vld [tilespmem:s19+$0x100];
	v1 =	vadd.f32 v3, v1  }
0xa7: {  	v3 =	vld [tilespmem:s18+$0x4180]  }
0xa8: {  	v8 =	vld [tilespmem:s19+$0x180];
	v1 =	vadd.f32 v4, v1  }
0xa9: {  	v4 =	vld [tilespmem:s18+$0x4200];
	v2 =	vadd.f32 v2, v6  }
0xaa: {  	v6 =	vld [tilespmem:s19+$0x200];
	v1 =	vadd.f32 v5, v1  }
0xab: {  	v5 =	vld [tilespmem:s18+$0x4280];
	v2 =	vadd.f32 v7, v2  }
0xac: {  	v7 =	vld [tilespmem:s19+$0x280];
	v1 =	vadd.f32 v3, v1  }
0xad: {  	v3 =	vld [tilespmem:s18+$0x4300];
	v2 =	vadd.f32 v8, v2  }
0xae: {  	v8 =	vld [tilespmem:s19+$0x300];
	v1 =	vadd.f32 v4, v1  }
0xaf: {  	v4 =	vld [tilespmem:s18+$0x4380];
	v2 =	vadd.f32 v6, v2  }
0xb0: {  	v6 =	vld [tilespmem:s19+$0x380];
	v1 =	vadd.f32 v5, v1  }
0xb1: {  	s28 =	simm.s32 $0x20;
	s29 =	simm.s32 $0x100;
	v5 =	vld [tilespmem:s19+$0x4100];
	v2 =	vadd.f32 v7, v2  }
0xb2: {  	s20 =	sand.u32 $0x3C00, s29;
	s18 =	sand.u32 $0x70, s28;
	v7 =	vld [tilespmem:s19+$0x4000];
	v1 =	vadd.f32 v3, v1  }
0xb3: {  	s18 =	sor.u32 s18, s20;
	v3 =	vld [tilespmem:s19+$0x4080];
	v2 =	vadd.f32 v8, v2  }
0xb4: {  	v8 =	vld [tilespmem:s18+$0x0];
	v1 =	vadd.f32 v4, v1  }
0xb5: {  	v4 =	vld [tilespmem:s18+$0x80];
	v2 =	vadd.f32 v6, v2  }
0xb6: {  	[tilespmem:s16+$0x0] =	vst.add.f32.msk $0xffff, v1  }
0xb7: {  	v1 =	vld [tilespmem:s18+$0x100];
	v2 =	vadd.f32 v7, v2  }
0xb8: {  	v6 =	vld [tilespmem:s19+$0x4180]  }
0xb9: {  	v7 =	vld [tilespmem:s18+$0x180];
	v2 =	vadd.f32 v3, v2  }
0xba: {  	v3 =	vadd.f32 v4, v8;
	v4 =	vld [tilespmem:s19+$0x4200]  }
0xbb: {  	v8 =	vld [tilespmem:s18+$0x200];
	v2 =	vadd.f32 v5, v2  }
0xbc: {  	v1 =	vadd.f32 v1, v3;
	v3 =	vld [tilespmem:s19+$0x4280]  }
0xbd: {  	v5 =	vld [tilespmem:s18+$0x280];
	v2 =	vadd.f32 v6, v2  }
0xbe: {  	v1 =	vadd.f32 v7, v1;
	v6 =	vld [tilespmem:s19+$0x4300]  }
0xbf: {  	v7 =	vld [tilespmem:s18+$0x300];
	v2 =	vadd.f32 v4, v2  }
0xc0: {  	v8 =	vadd.f32 v8, v1;
	v1 =	vld [tilespmem:s19+$0x4380]  }
0xc1: {  	v4 =	vld [tilespmem:s18+$0x380];
	v3 =	vadd.f32 v3, v2  }
0xc2: {  	s30 =	simm.s32 $0x30;
	s21 =	simm.s32 $0x180;
	v8 =	vadd.f32 v5, v8;
	v2 =	vld [tilespmem:s18+$0x4100]  }
0xc3: {  	s31 =	sand.u32 $0x3C00, s21;
	s19 =	sand.u32 $0x70, s30;
	v5 =	vld [tilespmem:s18+$0x4000];
	v3 =	vadd.f32 v6, v3  }
0xc4: {  	s22 =	simm.s32 $0x40;
	s20 =	sor.u32 s19, s31;
	s19 =	simm.s32 $0x10000;
	v7 =	vadd.f32 v7, v8;
	v6 =	vld [tilespmem:s18+$0x4080]  }
.LBB2_2:
0xc5: {  	p0 =	sne.s32 s22, $0x7F0;
	v8 =	vld [tilespmem:s20+$0x0];
	v1 =	vadd.f32 v1, v3  }
0xc6: {  	s19 =	sadd.s32 $0x10, s19;
	v3 =	vld [tilespmem:s20+$0x80];
	v4 =	vadd.f32 v4, v7  }
0xc7: {  	[tilespmem:s19+$0x0] =	vst.add.f32.msk $0xffff, v1  }
0xc8: {  	v1 =	vld [tilespmem:s20+$0x100];
	v4 =	vadd.f32 v5, v4  }
0xc9: {  	v5 =	vld [tilespmem:s18+$0x4180]  }
0xca: {  	v7 =	vld [tilespmem:s20+$0x180];
	v4 =	vadd.f32 v6, v4  }
0xcb: {  	v3 =	vadd.f32 v3, v8;
	v6 =	vld [tilespmem:s18+$0x4200]  }
0xcc: {  	v8 =	vld [tilespmem:s20+$0x200];
	v2 =	vadd.f32 v2, v4  }
0xcd: {  	v1 =	vadd.f32 v1, v3;
	v3 =	vld [tilespmem:s18+$0x4280]  }
0xce: {  	v9 =	vld [tilespmem:s20+$0x280];
	v2 =	vadd.f32 v5, v2  }
0xcf: {  	v1 =	vadd.f32 v7, v1;
	v7 =	vld [tilespmem:s18+$0x4300]  }
0xd0: {  	v10 =	vld [tilespmem:s20+$0x300];
	v2 =	vadd.f32 v6, v2  }
.Ltmp0:
0xd1: {  	v5 =	vadd.f32 v8, v1;
	v1 =	vld [tilespmem:s18+$0x4380];
	s18 =	smov.u32 s20;
	(pc) =	sbr.rel @p0 .LBB2_2-.Ltmp0, $4  }
0xd2: {  	v4 =	vld [tilespmem:s18+$0x380];
	v3 =	vadd.f32 v3, v2  }
0xd3: {  	s21 =	sadd.s32 $0x80, s21;
	v6 =	vadd.f32 v9, v5;
	v2 =	vld [tilespmem:s18+$0x4100]  }
0xd4: {  	s23 =	sand.u32 $0x3C00, s21;
	s20 =	sand.u32 $0x70, s22;
	v5 =	vld [tilespmem:s18+$0x4000];
	v3 =	vadd.f32 v7, v3  }
0xd5: {  	s22 =	sadd.s32 $0x10, s22;
	s20 =	sor.u32 s20, s23;
	v7 =	vadd.f32 v10, v6;
	v6 =	vld [tilespmem:s18+$0x4080]  }
0xd6: {  	v8 =	vld [tilespmem:s20+$0x0]  }
0xd7: {  	v9 =	vld [tilespmem:s20+$0x80];
	_ =	sdelay $0x1  }
0xd8: {  	v10 =	vld [tilespmem:s20+$0x100];
	_ =	sdelay $0x1  }
0xd9: {  	v11 =	vld [tilespmem:s20+$0x180]  }
0xda: {  	v8 =	vadd.f32 v9, v8  }
0xdb: {  	v57 =	vld [tilespmem:s20+$0x200]  }
0xdc: {  	v8 =	vadd.f32 v10, v8  }
0xdd: {  	v58 =	vld [tilespmem:s20+$0x280]  }
0xde: {  	v8 =	vadd.f32 v11, v8  }
0xdf: {  	v59 =	vld [tilespmem:s20+$0x300]  }
0xe0: {  	v8 =	vadd.f32 v57, v8  }
0xe1: {  	v60 =	vld [tilespmem:s20+$0x380]  }
0xe2: {  	v8 =	vadd.f32 v58, v8  }
0xe3: {  	v61 =	vld [tilespmem:s20+$0x4000]  }
0xe4: {  	v8 =	vadd.f32 v59, v8  }
0xe5: {  	v4 =	vadd.f32 v4, v7;
	v7 =	vld [tilespmem:s20+$0x4080]  }
0xe6: {  	v8 =	vadd.f32 v60, v8  }
0xe7: {  	v4 =	vadd.f32 v5, v4;
	v5 =	vld [tilespmem:s20+$0x4100]  }
0xe8: {  	v62 =	vld [tilespmem:s18+$0x4180];
	v8 =	vadd.f32 v61, v8  }
0xe9: {  	v4 =	vadd.f32 v6, v4;
	v6 =	vld [tilespmem:s20+$0x4180]  }
0xea: {  	v7 =	vadd.f32 v7, v8;
	v8 =	vld [tilespmem:s18+$0x4200]  }
0xeb: {  	v2 =	vadd.f32 v2, v4;
	v4 =	vld [tilespmem:s20+$0x4200]  }
0xec: {  	v5 =	vadd.f32 v5, v7;
	v7 =	vld [tilespmem:s18+$0x4280]  }
0xed: {  	v63 =	vld [tilespmem:s20+$0x4280];
	v2 =	vadd.f32 v62, v2  }
0xee: {  	v5 =	vadd.f32 v6, v5;
	v6 =	vld [tilespmem:s18+$0x4300]  }
0xef: {  	v2 =	vadd.f32 v8, v2;
	v8 =	vld [tilespmem:s20+$0x4300]  }
0xf0: {  	v4 =	vadd.f32 v4, v5;
	v5 =	vld [tilespmem:s18+$0x4380]  }
0xf1: {  	v2 =	vadd.f32 v7, v2;
	v7 =	vld [tilespmem:s20+$0x4380]  }
0xf2: {  	v4 =	vadd.f32 v63, v4  }
0xf3: {  	v2 =	vadd.f32 v6, v2  }
0xf4: {  	v1 =	vadd.f32 v1, v3;
	v3 =	vadd.f32 v8, v4  }
0xf5: {  	s23 =	sadd.s32 $0x10, s19;
	v2 =	vadd.f32 v5, v2  }
0xf6: {  	[tilespmem:s23+$0x0] =	vst.add.f32.msk $0xffff, v1;
	s18 =	sadd.s32 $0x10, s23;
	v1 =	vadd.f32 v7, v3  }
0xf7: {  	[tilespmem:s18+$0x0] =	vst.add.f32.msk $0xffff, v2;
	s18 =	sadd.s32 $0x10, s18  }
0xf8: {  	[tilespmem:s18+$0x0] =	vst.add.f32.msk $0xffff, v1  }
0xf9: {  	s24 =	simm.s32 $0x0;
	_ =	swait.ge [sflag:s12], $0x8000  }
0xfa: {  	s25 =	sand.u32 $0x70, s24;
	s18 =	sand.u32 $0x3C00, s24;
	[sflag:s12] =	ssyncset.done $0x0  }
0xfb: {  	s18 =	sor.u32 s25, s18;
	[sflag:s12] =	ssyncadd.s32 $0xFFFF8000  }
0xfc: {  	v1 =	vld [tilespmem:s18+$0x8000]  }
0xfd: {  	v2 =	vld [tilespmem:s18+$0x8080];
	_ =	sdelay $0x1  }
0xfe: {  	v3 =	vld [tilespmem:s18+$0x8100];
	_ =	sdelay $0x1  }
0xff: {  	v4 =	vld [tilespmem:s18+$0x8180]  }
0x100: {  	v1 =	vadd.f32 v2, v1  }
0x101: {  	v2 =	vld [tilespmem:s18+$0x8200]  }
0x102: {  	v1 =	vadd.f32 v3, v1  }
0x103: {  	v3 =	vld [tilespmem:s18+$0x8280]  }
0x104: {  	v1 =	vadd.f32 v4, v1  }
0x105: {  	v4 =	vld [tilespmem:s18+$0x8300]  }
0x106: {  	v1 =	vadd.f32 v2, v1  }
0x107: {  	s26 =	simm.s32 $0x10;
	s28 =	simm.s32 $0x80;
	v2 =	vld [tilespmem:s18+$0x8380]  }
0x108: {  	s19 =	sand.u32 $0x70, s26;
	s20 =	sand.u32 $0x3C00, s28;
	v1 =	vadd.f32 v3, v1  }
0x109: {  	s20 =	sor.u32 s19, s20;
	v3 =	vld [tilespmem:s18+$0xC000]  }
0x10a: {  	v6 =	vld [tilespmem:s20+$0x8000];
	v1 =	vadd.f32 v4, v1  }
0x10b: {  	v4 =	vld [tilespmem:s18+$0xC080]  }
0x10c: {  	v1 =	vadd.f32 v2, v1;
	v2 =	vld [tilespmem:s20+$0x8080]  }
0x10d: {  	v5 =	vld [tilespmem:s18+$0xC100]  }
0x10e: {  	v7 =	vld [tilespmem:s20+$0x8100];
	v1 =	vadd.f32 v3, v1  }
0x10f: {  	v3 =	vld [tilespmem:s18+$0xC180]  }
0x110: {  	v8 =	vld [tilespmem:s20+$0x8180];
	v1 =	vadd.f32 v4, v1  }
0x111: {  	v4 =	vld [tilespmem:s18+$0xC200];
	v2 =	vadd.f32 v2, v6  }
0x112: {  	v6 =	vld [tilespmem:s20+$0x8200];
	v1 =	vadd.f32 v5, v1  }
0x113: {  	v5 =	vld [tilespmem:s18+$0xC280];
	v2 =	vadd.f32 v7, v2  }
0x114: {  	v7 =	vld [tilespmem:s20+$0x8280];
	v1 =	vadd.f32 v3, v1  }
0x115: {  	v3 =	vld [tilespmem:s18+$0xC300];
	v2 =	vadd.f32 v8, v2  }
0x116: {  	v8 =	vld [tilespmem:s20+$0x8300];
	v1 =	vadd.f32 v4, v1  }
0x117: {  	v4 =	vld [tilespmem:s18+$0xC380];
	v2 =	vadd.f32 v6, v2  }
0x118: {  	v6 =	vld [tilespmem:s20+$0x8380];
	v1 =	vadd.f32 v5, v1  }
0x119: {  	s29 =	simm.s32 $0x20;
	s30 =	simm.s32 $0x100;
	v5 =	vld [tilespmem:s20+$0xC100];
	v2 =	vadd.f32 v7, v2  }
0x11a: {  	s19 =	sand.u32 $0x3C00, s30;
	s18 =	sand.u32 $0x70, s29;
	v7 =	vld [tilespmem:s20+$0xC000];
	v1 =	vadd.f32 v3, v1  }
0x11b: {  	s19 =	sor.u32 s18, s19;
	v3 =	vld [tilespmem:s20+$0xC080];
	v2 =	vadd.f32 v8, v2  }
0x11c: {  	v8 =	vld [tilespmem:s19+$0x8000];
	v1 =	vadd.f32 v4, v1  }
0x11d: {  	s18 =	simm.s32 $0x10000;
	v4 =	vld [tilespmem:s19+$0x8080];
	v2 =	vadd.f32 v6, v2  }
0x11e: {  	[tilespmem:s18+$0x0] =	vst.add.f32.msk $0xffff, v1  }
0x11f: {  	v1 =	vld [tilespmem:s19+$0x8100];
	v2 =	vadd.f32 v7, v2  }
0x120: {  	v6 =	vld [tilespmem:s20+$0xC180]  }
0x121: {  	v7 =	vld [tilespmem:s19+$0x8180];
	v2 =	vadd.f32 v3, v2  }
0x122: {  	v3 =	vadd.f32 v4, v8;
	v4 =	vld [tilespmem:s20+$0xC200]  }
0x123: {  	v8 =	vld [tilespmem:s19+$0x8200];
	v2 =	vadd.f32 v5, v2  }
0x124: {  	v1 =	vadd.f32 v1, v3;
	v3 =	vld [tilespmem:s20+$0xC280]  }
0x125: {  	v5 =	vld [tilespmem:s19+$0x8280];
	v2 =	vadd.f32 v6, v2  }
0x126: {  	v1 =	vadd.f32 v7, v1;
	v6 =	vld [tilespmem:s20+$0xC300]  }
0x127: {  	v7 =	vld [tilespmem:s19+$0x8300];
	v2 =	vadd.f32 v4, v2  }
0x128: {  	v8 =	vadd.f32 v8, v1;
	v1 =	vld [tilespmem:s20+$0xC380]  }
0x129: {  	v4 =	vld [tilespmem:s19+$0x8380];
	v3 =	vadd.f32 v3, v2  }
0x12a: {  	s31 =	simm.s32 $0x30;
	s21 =	simm.s32 $0x180;
	v8 =	vadd.f32 v5, v8;
	v2 =	vld [tilespmem:s19+$0xC100]  }
0x12b: {  	s22 =	sand.u32 $0x3C00, s21;
	s20 =	sand.u32 $0x70, s31;
	v5 =	vld [tilespmem:s19+$0xC000];
	v3 =	vadd.f32 v6, v3  }
0x12c: {  	s20 =	sor.u32 s20, s22;
	s22 =	simm.s32 $0x40;
	v7 =	vadd.f32 v7, v8;
	v6 =	vld [tilespmem:s19+$0xC080]  }
.LBB2_4:
0x12d: {  	p0 =	sne.s32 s22, $0x7F0;
	v8 =	vld [tilespmem:s20+$0x8000];
	v1 =	vadd.f32 v1, v3  }
0x12e: {  	s18 =	sadd.s32 $0x10, s18;
	v3 =	vld [tilespmem:s20+$0x8080];
	v4 =	vadd.f32 v4, v7  }
0x12f: {  	[tilespmem:s18+$0x0] =	vst.add.f32.msk $0xffff, v1  }
0x130: {  	v1 =	vld [tilespmem:s20+$0x8100];
	v4 =	vadd.f32 v5, v4  }
0x131: {  	v5 =	vld [tilespmem:s19+$0xC180]  }
0x132: {  	v7 =	vld [tilespmem:s20+$0x8180];
	v4 =	vadd.f32 v6, v4  }
0x133: {  	v3 =	vadd.f32 v3, v8;
	v6 =	vld [tilespmem:s19+$0xC200]  }
0x134: {  	v8 =	vld [tilespmem:s20+$0x8200];
	v2 =	vadd.f32 v2, v4  }
0x135: {  	v1 =	vadd.f32 v1, v3;
	v3 =	vld [tilespmem:s19+$0xC280]  }
0x136: {  	v9 =	vld [tilespmem:s20+$0x8280];
	v2 =	vadd.f32 v5, v2  }
0x137: {  	v1 =	vadd.f32 v7, v1;
	v7 =	vld [tilespmem:s19+$0xC300]  }
0x138: {  	v10 =	vld [tilespmem:s20+$0x8300];
	v2 =	vadd.f32 v6, v2  }
.Ltmp1:
0x139: {  	v5 =	vadd.f32 v8, v1;
	v1 =	vld [tilespmem:s19+$0xC380];
	s19 =	smov.u32 s20;
	(pc) =	sbr.rel @p0 .LBB2_4-.Ltmp1, $4  }
0x13a: {  	v4 =	vld [tilespmem:s19+$0x8380];
	v3 =	vadd.f32 v3, v2  }
0x13b: {  	s21 =	sadd.s32 $0x80, s21;
	v6 =	vadd.f32 v9, v5;
	v2 =	vld [tilespmem:s19+$0xC100]  }
0x13c: {  	s23 =	sand.u32 $0x3C00, s21;
	s20 =	sand.u32 $0x70, s22;
	v5 =	vld [tilespmem:s19+$0xC000];
	v3 =	vadd.f32 v7, v3  }
0x13d: {  	s22 =	sadd.s32 $0x10, s22;
	s20 =	sor.u32 s20, s23;
	v7 =	vadd.f32 v10, v6;
	v6 =	vld [tilespmem:s19+$0xC080]  }
0x13e: {  	v8 =	vld [tilespmem:s20+$0x8000]  }
0x13f: {  	v9 =	vld [tilespmem:s20+$0x8080];
	_ =	sdelay $0x1  }
0x140: {  	v10 =	vld [tilespmem:s20+$0x8100];
	_ =	sdelay $0x1  }
0x141: {  	v11 =	vld [tilespmem:s20+$0x8180]  }
0x142: {  	v8 =	vadd.f32 v9, v8  }
0x143: {  	v57 =	vld [tilespmem:s20+$0x8200]  }
0x144: {  	v8 =	vadd.f32 v10, v8  }
0x145: {  	v58 =	vld [tilespmem:s20+$0x8280]  }
0x146: {  	v8 =	vadd.f32 v11, v8  }
0x147: {  	v59 =	vld [tilespmem:s20+$0x8300]  }
0x148: {  	v8 =	vadd.f32 v57, v8  }
0x149: {  	v60 =	vld [tilespmem:s20+$0x8380]  }
0x14a: {  	v8 =	vadd.f32 v58, v8  }
0x14b: {  	v61 =	vld [tilespmem:s20+$0xC000]  }
0x14c: {  	v8 =	vadd.f32 v59, v8  }
0x14d: {  	v4 =	vadd.f32 v4, v7;
	v7 =	vld [tilespmem:s20+$0xC080]  }
0x14e: {  	v8 =	vadd.f32 v60, v8  }
0x14f: {  	v4 =	vadd.f32 v5, v4;
	v5 =	vld [tilespmem:s20+$0xC100]  }
0x150: {  	v62 =	vld [tilespmem:s19+$0xC180];
	v8 =	vadd.f32 v61, v8  }
0x151: {  	v4 =	vadd.f32 v6, v4;
	v6 =	vld [tilespmem:s20+$0xC180]  }
0x152: {  	v7 =	vadd.f32 v7, v8;
	v8 =	vld [tilespmem:s19+$0xC200]  }
0x153: {  	v2 =	vadd.f32 v2, v4;
	v4 =	vld [tilespmem:s20+$0xC200]  }
0x154: {  	v5 =	vadd.f32 v5, v7;
	v7 =	vld [tilespmem:s19+$0xC280]  }
0x155: {  	v63 =	vld [tilespmem:s20+$0xC280];
	v2 =	vadd.f32 v62, v2  }
0x156: {  	v5 =	vadd.f32 v6, v5;
	v6 =	vld [tilespmem:s19+$0xC300]  }
0x157: {  	v2 =	vadd.f32 v8, v2;
	v8 =	vld [tilespmem:s20+$0xC300]  }
0x158: {  	v4 =	vadd.f32 v4, v5;
	v5 =	vld [tilespmem:s19+$0xC380]  }
0x159: {  	v2 =	vadd.f32 v7, v2;
	v7 =	vld [tilespmem:s20+$0xC380]  }
0x15a: {  	v4 =	vadd.f32 v63, v4  }
0x15b: {  	v2 =	vadd.f32 v6, v2  }
0x15c: {  	v1 =	vadd.f32 v1, v3;
	v3 =	vadd.f32 v8, v4  }
0x15d: {  	s18 =	sadd.s32 $0x10, s18;
	v2 =	vadd.f32 v5, v2  }
0x15e: {  	[tilespmem:s18+$0x0] =	vst.add.f32.msk $0xffff, v1;
	s18 =	sadd.s32 $0x10, s18;
	v1 =	vadd.f32 v7, v3  }
0x15f: {  	[tilespmem:s18+$0x0] =	vst.add.f32.msk $0xffff, v2;
	s18 =	sadd.s32 $0x10, s18  }
0x160: {  	[tilespmem:s18+$0x0] =	vst.add.f32.msk $0xffff, v1;
	s18 =	simm.s32 $0x10000  }
0x161: {  	[hbm4b:s5+s13] =	stream.strided.scatter [tilespmem:s18], [sflag:$0x3], $0x800, s14, s13, $0x38;
	[tilespmem:$0x10800] =	vst v63  }
0x162: {  	_ =	swait.ge [sflag:s15], $0x800  }
0x163: {  	[sflag:s15] =	ssyncset.done $0x0  }
0x164: {  	[sflag:s15] =	ssyncadd.s32 $0xFFFFF800  }
0x165: {  	[tilespmem:$0x10000] =	vst v0  }
0x166: {  	[tilespmem:$0x10010] =	vst v0  }
0x167: {  	[tilespmem:$0x10020] =	vst v0  }
0x168: {  	[tilespmem:$0x10030] =	vst v0  }
0x169: {  	[tilespmem:$0x10040] =	vst v0  }
0x16a: {  	[tilespmem:$0x10050] =	vst v0  }
0x16b: {  	[tilespmem:$0x10060] =	vst v0  }
0x16c: {  	[tilespmem:$0x10070] =	vst v0  }
0x16d: {  	[tilespmem:$0x10080] =	vst v0  }
0x16e: {  	[tilespmem:$0x10090] =	vst v0  }
0x16f: {  	[tilespmem:$0x100A0] =	vst v0  }
0x170: {  	[tilespmem:$0x100B0] =	vst v0  }
0x171: {  	[tilespmem:$0x100C0] =	vst v0  }
0x172: {  	[tilespmem:$0x100D0] =	vst v0  }
0x173: {  	[tilespmem:$0x100E0] =	vst v0  }
0x174: {  	[tilespmem:$0x100F0] =	vst v0  }
0x175: {  	[tilespmem:$0x10100] =	vst v0  }
0x176: {  	[tilespmem:$0x10110] =	vst v0  }
0x177: {  	[tilespmem:$0x10120] =	vst v0  }
0x178: {  	[tilespmem:$0x10130] =	vst v0  }
0x179: {  	[tilespmem:$0x10140] =	vst v0  }
0x17a: {  	[tilespmem:$0x10150] =	vst v0  }
0x17b: {  	[tilespmem:$0x10160] =	vst v0  }
0x17c: {  	[tilespmem:$0x10170] =	vst v0  }
0x17d: {  	[tilespmem:$0x10180] =	vst v0  }
0x17e: {  	[tilespmem:$0x10190] =	vst v0  }
0x17f: {  	[tilespmem:$0x101A0] =	vst v0  }
0x180: {  	[tilespmem:$0x101B0] =	vst v0  }
0x181: {  	[tilespmem:$0x101C0] =	vst v0  }
0x182: {  	[tilespmem:$0x101D0] =	vst v0  }
0x183: {  	[tilespmem:$0x101E0] =	vst v0  }
0x184: {  	[tilespmem:$0x101F0] =	vst v0  }
0x185: {  	[tilespmem:$0x10200] =	vst v0  }
0x186: {  	[tilespmem:$0x10210] =	vst v0  }
0x187: {  	[tilespmem:$0x10220] =	vst v0  }
0x188: {  	[tilespmem:$0x10230] =	vst v0  }
0x189: {  	[tilespmem:$0x10240] =	vst v0  }
0x18a: {  	[tilespmem:$0x10250] =	vst v0  }
0x18b: {  	[tilespmem:$0x10260] =	vst v0  }
0x18c: {  	[tilespmem:$0x10270] =	vst v0  }
0x18d: {  	[tilespmem:$0x10280] =	vst v0  }
0x18e: {  	[tilespmem:$0x10290] =	vst v0  }
0x18f: {  	[tilespmem:$0x102A0] =	vst v0  }
0x190: {  	[tilespmem:$0x102B0] =	vst v0  }
0x191: {  	[tilespmem:$0x102C0] =	vst v0  }
0x192: {  	[tilespmem:$0x102D0] =	vst v0  }
0x193: {  	[tilespmem:$0x102E0] =	vst v0  }
0x194: {  	[tilespmem:$0x102F0] =	vst v0  }
0x195: {  	[tilespmem:$0x10300] =	vst v0  }
0x196: {  	[tilespmem:$0x10310] =	vst v0  }
0x197: {  	[tilespmem:$0x10320] =	vst v0  }
0x198: {  	[tilespmem:$0x10330] =	vst v0  }
0x199: {  	[tilespmem:$0x10340] =	vst v0  }
0x19a: {  	[tilespmem:$0x10350] =	vst v0  }
0x19b: {  	[tilespmem:$0x10360] =	vst v0  }
0x19c: {  	[tilespmem:$0x10370] =	vst v0  }
0x19d: {  	[tilespmem:$0x10380] =	vst v0  }
0x19e: {  	[tilespmem:$0x10390] =	vst v0  }
0x19f: {  	[tilespmem:$0x103A0] =	vst v0  }
0x1a0: {  	[tilespmem:$0x103B0] =	vst v0  }
0x1a1: {  	[tilespmem:$0x103C0] =	vst v0  }
0x1a2: {  	[tilespmem:$0x103D0] =	vst v0  }
0x1a3: {  	[tilespmem:$0x103E0] =	vst v0  }
0x1a4: {  	[tilespmem:$0x103F0] =	vst v0  }
0x1a5: {  	[tilespmem:$0x10400] =	vst v0  }
0x1a6: {  	[tilespmem:$0x10410] =	vst v0  }
0x1a7: {  	[tilespmem:$0x10420] =	vst v0  }
0x1a8: {  	[tilespmem:$0x10430] =	vst v0  }
0x1a9: {  	[tilespmem:$0x10440] =	vst v0  }
0x1aa: {  	[tilespmem:$0x10450] =	vst v0  }
0x1ab: {  	[tilespmem:$0x10460] =	vst v0  }
0x1ac: {  	[tilespmem:$0x10470] =	vst v0  }
0x1ad: {  	[tilespmem:$0x10480] =	vst v0  }
0x1ae: {  	[tilespmem:$0x10490] =	vst v0  }
0x1af: {  	[tilespmem:$0x104A0] =	vst v0  }
0x1b0: {  	[tilespmem:$0x104B0] =	vst v0  }
0x1b1: {  	[tilespmem:$0x104C0] =	vst v0  }
0x1b2: {  	[tilespmem:$0x104D0] =	vst v0  }
0x1b3: {  	[tilespmem:$0x104E0] =	vst v0  }
0x1b4: {  	[tilespmem:$0x104F0] =	vst v0  }
0x1b5: {  	[tilespmem:$0x10500] =	vst v0  }
0x1b6: {  	[tilespmem:$0x10510] =	vst v0  }
0x1b7: {  	[tilespmem:$0x10520] =	vst v0  }
0x1b8: {  	[tilespmem:$0x10530] =	vst v0  }
0x1b9: {  	[tilespmem:$0x10540] =	vst v0  }
0x1ba: {  	[tilespmem:$0x10550] =	vst v0  }
0x1bb: {  	[tilespmem:$0x10560] =	vst v0  }
0x1bc: {  	[tilespmem:$0x10570] =	vst v0  }
0x1bd: {  	[tilespmem:$0x10580] =	vst v0  }
0x1be: {  	[tilespmem:$0x10590] =	vst v0  }
0x1bf: {  	[tilespmem:$0x105A0] =	vst v0  }
0x1c0: {  	[tilespmem:$0x105B0] =	vst v0  }
0x1c1: {  	[tilespmem:$0x105C0] =	vst v0  }
0x1c2: {  	[tilespmem:$0x105D0] =	vst v0  }
0x1c3: {  	[tilespmem:$0x105E0] =	vst v0  }
0x1c4: {  	[tilespmem:$0x105F0] =	vst v0  }
0x1c5: {  	[tilespmem:$0x10600] =	vst v0  }
0x1c6: {  	[tilespmem:$0x10610] =	vst v0  }
0x1c7: {  	[tilespmem:$0x10620] =	vst v0  }
0x1c8: {  	[tilespmem:$0x10630] =	vst v0  }
0x1c9: {  	[tilespmem:$0x10640] =	vst v0  }
0x1ca: {  	[tilespmem:$0x10650] =	vst v0  }
0x1cb: {  	[tilespmem:$0x10660] =	vst v0  }
0x1cc: {  	[tilespmem:$0x10670] =	vst v0  }
0x1cd: {  	[tilespmem:$0x10680] =	vst v0  }
0x1ce: {  	[tilespmem:$0x10690] =	vst v0  }
0x1cf: {  	[tilespmem:$0x106A0] =	vst v0  }
0x1d0: {  	[tilespmem:$0x106B0] =	vst v0  }
0x1d1: {  	[tilespmem:$0x106C0] =	vst v0  }
0x1d2: {  	[tilespmem:$0x106D0] =	vst v0  }
0x1d3: {  	[tilespmem:$0x106E0] =	vst v0  }
0x1d4: {  	[tilespmem:$0x106F0] =	vst v0  }
0x1d5: {  	[tilespmem:$0x10700] =	vst v0  }
0x1d6: {  	[tilespmem:$0x10710] =	vst v0  }
0x1d7: {  	[tilespmem:$0x10720] =	vst v0  }
0x1d8: {  	[tilespmem:$0x10730] =	vst v0  }
0x1d9: {  	[tilespmem:$0x10740] =	vst v0  }
0x1da: {  	[tilespmem:$0x10750] =	vst v0  }
0x1db: {  	[tilespmem:$0x10760] =	vst v0  }
0x1dc: {  	[tilespmem:$0x10770] =	vst v0  }
0x1dd: {  	[tilespmem:$0x10780] =	vst v0  }
0x1de: {  	[tilespmem:$0x10790] =	vst v0  }
0x1df: {  	[tilespmem:$0x107A0] =	vst v0  }
0x1e0: {  	[tilespmem:$0x107B0] =	vst v0  }
0x1e1: {  	[tilespmem:$0x107C0] =	vst v0  }
0x1e2: {  	[tilespmem:$0x107D0] =	vst v0  }
0x1e3: {  	[tilespmem:$0x107E0] =	vst v0  }
0x1e4: {  	s25 =	simm.s32 $0x0;
	[tilespmem:$0x107F0] =	vst v0  }
0x1e5: {  	[tilespmem:s25], [sflag:$0x1] =	stream.linear.gather [hbm4b:s6+s25], $0x8000, $0x38;
	[tilespmem:$0x10800] =	vst v63  }
0x1e6: {  	_ = 	snop  }
0x1e7: {  	[tilespmem:s10], [sflag:$0x2] =	stream.linear.gather [hbm4b:s7+s25], $0x8000, $0x38;
	[tilespmem:$0x10800] =	vst v63  }
0x1e8: {  	_ =	swait.ge [sflag:s11], $0x8000  }
0x1e9: {  	s26 =	sand.u32 $0x70, s25;
	s19 =	sand.u32 $0x3C00, s25;
	[sflag:s11] =	ssyncset.done $0x0  }
0x1ea: {  	s19 =	sor.u32 s26, s19;
	[sflag:s11] =	ssyncadd.s32 $0xFFFF8000  }
0x1eb: {  	v1 =	vld [tilespmem:s19+$0x0]  }
0x1ec: {  	v2 =	vld [tilespmem:s19+$0x80];
	_ =	sdelay $0x1  }
0x1ed: {  	v3 =	vld [tilespmem:s19+$0x100];
	_ =	sdelay $0x1  }
0x1ee: {  	v4 =	vld [tilespmem:s19+$0x180]  }
0x1ef: {  	v1 =	vadd.f32 v2, v1  }
0x1f0: {  	v2 =	vld [tilespmem:s19+$0x200]  }
0x1f1: {  	v1 =	vadd.f32 v3, v1  }
0x1f2: {  	v3 =	vld [tilespmem:s19+$0x280]  }
0x1f3: {  	v1 =	vadd.f32 v4, v1  }
0x1f4: {  	v4 =	vld [tilespmem:s19+$0x300]  }
0x1f5: {  	v1 =	vadd.f32 v2, v1  }
0x1f6: {  	s28 =	simm.s32 $0x10;
	s21 =	simm.s32 $0x80;
	v2 =	vld [tilespmem:s19+$0x380]  }
0x1f7: {  	s21 =	sand.u32 $0x3C00, s21;
	s20 =	sand.u32 $0x70, s28;
	v1 =	vadd.f32 v3, v1  }
0x1f8: {  	s20 =	sor.u32 s20, s21;
	v3 =	vld [tilespmem:s19+$0x4000]  }
0x1f9: {  	v6 =	vld [tilespmem:s20+$0x0];
	v1 =	vadd.f32 v4, v1  }
0x1fa: {  	v4 =	vld [tilespmem:s19+$0x4080]  }
0x1fb: {  	v1 =	vadd.f32 v2, v1;
	v2 =	vld [tilespmem:s20+$0x80]  }
0x1fc: {  	v5 =	vld [tilespmem:s19+$0x4100]  }
0x1fd: {  	v7 =	vld [tilespmem:s20+$0x100];
	v1 =	vadd.f32 v3, v1  }
0x1fe: {  	v3 =	vld [tilespmem:s19+$0x4180]  }
0x1ff: {  	v8 =	vld [tilespmem:s20+$0x180];
	v1 =	vadd.f32 v4, v1  }
0x200: {  	v4 =	vld [tilespmem:s19+$0x4200];
	v2 =	vadd.f32 v2, v6  }
0x201: {  	v6 =	vld [tilespmem:s20+$0x200];
	v1 =	vadd.f32 v5, v1  }
0x202: {  	v5 =	vld [tilespmem:s19+$0x4280];
	v2 =	vadd.f32 v7, v2  }
0x203: {  	v7 =	vld [tilespmem:s20+$0x280];
	v1 =	vadd.f32 v3, v1  }
0x204: {  	v3 =	vld [tilespmem:s19+$0x4300];
	v2 =	vadd.f32 v8, v2  }
0x205: {  	v8 =	vld [tilespmem:s20+$0x300];
	v1 =	vadd.f32 v4, v1  }
0x206: {  	v4 =	vld [tilespmem:s19+$0x4380];
	v2 =	vadd.f32 v6, v2  }
0x207: {  	v6 =	vld [tilespmem:s20+$0x380];
	v1 =	vadd.f32 v5, v1  }
0x208: {  	s29 =	simm.s32 $0x20;
	s30 =	simm.s32 $0x100;
	v5 =	vld [tilespmem:s20+$0x4100];
	v2 =	vadd.f32 v7, v2  }
0x209: {  	s21 =	sand.u32 $0x3C00, s30;
	s19 =	sand.u32 $0x70, s29;
	v7 =	vld [tilespmem:s20+$0x4000];
	v1 =	vadd.f32 v3, v1  }
0x20a: {  	s19 =	sor.u32 s19, s21;
	v3 =	vld [tilespmem:s20+$0x4080];
	v2 =	vadd.f32 v8, v2  }
0x20b: {  	v8 =	vld [tilespmem:s19+$0x0];
	v1 =	vadd.f32 v4, v1  }
0x20c: {  	v4 =	vld [tilespmem:s19+$0x80];
	v2 =	vadd.f32 v6, v2  }
0x20d: {  	[tilespmem:s18+$0x0] =	vst.add.f32.msk $0xffff, v1  }
0x20e: {  	v1 =	vld [tilespmem:s19+$0x100];
	v2 =	vadd.f32 v7, v2  }
0x20f: {  	v6 =	vld [tilespmem:s20+$0x4180]  }
0x210: {  	v7 =	vld [tilespmem:s19+$0x180];
	v2 =	vadd.f32 v3, v2  }
0x211: {  	v3 =	vadd.f32 v4, v8;
	v4 =	vld [tilespmem:s20+$0x4200]  }
0x212: {  	v8 =	vld [tilespmem:s19+$0x200];
	v2 =	vadd.f32 v5, v2  }
0x213: {  	v1 =	vadd.f32 v1, v3;
	v3 =	vld [tilespmem:s20+$0x4280]  }
0x214: {  	v5 =	vld [tilespmem:s19+$0x280];
	v2 =	vadd.f32 v6, v2  }
0x215: {  	v1 =	vadd.f32 v7, v1;
	v6 =	vld [tilespmem:s20+$0x4300]  }
0x216: {  	v7 =	vld [tilespmem:s19+$0x300];
	v2 =	vadd.f32 v4, v2  }
0x217: {  	v8 =	vadd.f32 v8, v1;
	v1 =	vld [tilespmem:s20+$0x4380]  }
0x218: {  	v4 =	vld [tilespmem:s19+$0x380];
	v3 =	vadd.f32 v3, v2  }
0x219: {  	s31 =	simm.s32 $0x30;
	s21 =	simm.s32 $0x180;
	v8 =	vadd.f32 v5, v8;
	v2 =	vld [tilespmem:s19+$0x4100]  }
0x21a: {  	s22 =	sand.u32 $0x3C00, s21;
	s20 =	sand.u32 $0x70, s31;
	v5 =	vld [tilespmem:s19+$0x4000];
	v3 =	vadd.f32 v6, v3  }
0x21b: {  	s20 =	sor.u32 s20, s22;
	s22 =	simm.s32 $0x40;
	v7 =	vadd.f32 v7, v8;
	v6 =	vld [tilespmem:s19+$0x4080]  }
.LBB2_6:
0x21c: {  	p0 =	sne.s32 s22, $0x7F0;
	v8 =	vld [tilespmem:s20+$0x0];
	v1 =	vadd.f32 v1, v3  }
0x21d: {  	s18 =	sadd.s32 $0x10, s18;
	v3 =	vld [tilespmem:s20+$0x80];
	v4 =	vadd.f32 v4, v7  }
0x21e: {  	[tilespmem:s18+$0x0] =	vst.add.f32.msk $0xffff, v1  }
0x21f: {  	v1 =	vld [tilespmem:s20+$0x100];
	v4 =	vadd.f32 v5, v4  }
0x220: {  	v5 =	vld [tilespmem:s19+$0x4180]  }
0x221: {  	v7 =	vld [tilespmem:s20+$0x180];
	v4 =	vadd.f32 v6, v4  }
0x222: {  	v3 =	vadd.f32 v3, v8;
	v6 =	vld [tilespmem:s19+$0x4200]  }
0x223: {  	v8 =	vld [tilespmem:s20+$0x200];
	v2 =	vadd.f32 v2, v4  }
0x224: {  	v1 =	vadd.f32 v1, v3;
	v3 =	vld [tilespmem:s19+$0x4280]  }
0x225: {  	v9 =	vld [tilespmem:s20+$0x280];
	v2 =	vadd.f32 v5, v2  }
0x226: {  	v1 =	vadd.f32 v7, v1;
	v7 =	vld [tilespmem:s19+$0x4300]  }
0x227: {  	v10 =	vld [tilespmem:s20+$0x300];
	v2 =	vadd.f32 v6, v2  }
.Ltmp2:
0x228: {  	v5 =	vadd.f32 v8, v1;
	v1 =	vld [tilespmem:s19+$0x4380];
	s19 =	smov.u32 s20;
	(pc) =	sbr.rel @p0 .LBB2_6-.Ltmp2, $4  }
0x229: {  	v4 =	vld [tilespmem:s19+$0x380];
	v3 =	vadd.f32 v3, v2  }
0x22a: {  	s21 =	sadd.s32 $0x80, s21;
	v6 =	vadd.f32 v9, v5;
	v2 =	vld [tilespmem:s19+$0x4100]  }
0x22b: {  	s23 =	sand.u32 $0x3C00, s21;
	s20 =	sand.u32 $0x70, s22;
	v5 =	vld [tilespmem:s19+$0x4000];
	v3 =	vadd.f32 v7, v3  }
0x22c: {  	s22 =	sadd.s32 $0x10, s22;
	s20 =	sor.u32 s20, s23;
	v7 =	vadd.f32 v10, v6;
	v6 =	vld [tilespmem:s19+$0x4080]  }
0x22d: {  	v8 =	vld [tilespmem:s20+$0x0]  }
0x22e: {  	v9 =	vld [tilespmem:s20+$0x80];
	_ =	sdelay $0x1  }
0x22f: {  	v10 =	vld [tilespmem:s20+$0x100];
	_ =	sdelay $0x1  }
0x230: {  	v11 =	vld [tilespmem:s20+$0x180]  }
0x231: {  	v8 =	vadd.f32 v9, v8  }
0x232: {  	v57 =	vld [tilespmem:s20+$0x200]  }
0x233: {  	v8 =	vadd.f32 v10, v8  }
0x234: {  	v58 =	vld [tilespmem:s20+$0x280]  }
0x235: {  	v8 =	vadd.f32 v11, v8  }
0x236: {  	v59 =	vld [tilespmem:s20+$0x300]  }
0x237: {  	v8 =	vadd.f32 v57, v8  }
0x238: {  	v60 =	vld [tilespmem:s20+$0x380]  }
0x239: {  	v8 =	vadd.f32 v58, v8  }
0x23a: {  	v61 =	vld [tilespmem:s20+$0x4000]  }
0x23b: {  	v8 =	vadd.f32 v59, v8  }
0x23c: {  	v4 =	vadd.f32 v4, v7;
	v7 =	vld [tilespmem:s20+$0x4080]  }
0x23d: {  	v8 =	vadd.f32 v60, v8  }
0x23e: {  	v4 =	vadd.f32 v5, v4;
	v5 =	vld [tilespmem:s20+$0x4100]  }
0x23f: {  	v62 =	vld [tilespmem:s19+$0x4180];
	v8 =	vadd.f32 v61, v8  }
0x240: {  	v4 =	vadd.f32 v6, v4;
	v6 =	vld [tilespmem:s20+$0x4180]  }
0x241: {  	v7 =	vadd.f32 v7, v8;
	v8 =	vld [tilespmem:s19+$0x4200]  }
0x242: {  	v2 =	vadd.f32 v2, v4;
	v4 =	vld [tilespmem:s20+$0x4200]  }
0x243: {  	v5 =	vadd.f32 v5, v7;
	v7 =	vld [tilespmem:s19+$0x4280]  }
0x244: {  	v63 =	vld [tilespmem:s20+$0x4280];
	v2 =	vadd.f32 v62, v2  }
0x245: {  	v5 =	vadd.f32 v6, v5;
	v6 =	vld [tilespmem:s19+$0x4300]  }
0x246: {  	v2 =	vadd.f32 v8, v2;
	v8 =	vld [tilespmem:s20+$0x4300]  }
0x247: {  	v4 =	vadd.f32 v4, v5;
	v5 =	vld [tilespmem:s19+$0x4380]  }
0x248: {  	v2 =	vadd.f32 v7, v2;
	v7 =	vld [tilespmem:s20+$0x4380]  }
0x249: {  	v4 =	vadd.f32 v63, v4  }
0x24a: {  	v2 =	vadd.f32 v6, v2  }
0x24b: {  	v1 =	vadd.f32 v1, v3;
	v3 =	vadd.f32 v8, v4  }
0x24c: {  	s18 =	sadd.s32 $0x10, s18;
	v2 =	vadd.f32 v5, v2  }
0x24d: {  	[tilespmem:s18+$0x0] =	vst.add.f32.msk $0xffff, v1;
	s18 =	sadd.s32 $0x10, s18;
	v1 =	vadd.f32 v7, v3  }
0x24e: {  	[tilespmem:s18+$0x0] =	vst.add.f32.msk $0xffff, v2;
	s18 =	sadd.s32 $0x10, s18  }
0x24f: {  	[tilespmem:s18+$0x0] =	vst.add.f32.msk $0xffff, v1  }
0x250: {  	s24 =	simm.s32 $0x0;
	_ =	swait.ge [sflag:s12], $0x8000  }
0x251: {  	s25 =	sand.u32 $0x70, s24;
	s18 =	sand.u32 $0x3C00, s24;
	[sflag:s12] =	ssyncset.done $0x0  }
0x252: {  	s18 =	sor.u32 s25, s18;
	[sflag:s12] =	ssyncadd.s32 $0xFFFF8000  }
0x253: {  	v1 =	vld [tilespmem:s18+$0x8000]  }
0x254: {  	v2 =	vld [tilespmem:s18+$0x8080];
	_ =	sdelay $0x1  }
0x255: {  	v3 =	vld [tilespmem:s18+$0x8100];
	_ =	sdelay $0x1  }
0x256: {  	v4 =	vld [tilespmem:s18+$0x8180]  }
0x257: {  	v1 =	vadd.f32 v2, v1  }
0x258: {  	v2 =	vld [tilespmem:s18+$0x8200]  }
0x259: {  	v1 =	vadd.f32 v3, v1  }
0x25a: {  	v3 =	vld [tilespmem:s18+$0x8280]  }
0x25b: {  	v1 =	vadd.f32 v4, v1  }
0x25c: {  	v4 =	vld [tilespmem:s18+$0x8300]  }
0x25d: {  	v1 =	vadd.f32 v2, v1  }
0x25e: {  	s26 =	simm.s32 $0x10;
	s28 =	simm.s32 $0x80;
	v2 =	vld [tilespmem:s18+$0x8380]  }
0x25f: {  	s19 =	sand.u32 $0x70, s26;
	s20 =	sand.u32 $0x3C00, s28;
	v1 =	vadd.f32 v3, v1  }
0x260: {  	s20 =	sor.u32 s19, s20;
	v3 =	vld [tilespmem:s18+$0xC000]  }
0x261: {  	v6 =	vld [tilespmem:s20+$0x8000];
	v1 =	vadd.f32 v4, v1  }
0x262: {  	v4 =	vld [tilespmem:s18+$0xC080]  }
0x263: {  	v1 =	vadd.f32 v2, v1;
	v2 =	vld [tilespmem:s20+$0x8080]  }
0x264: {  	v5 =	vld [tilespmem:s18+$0xC100]  }
0x265: {  	v7 =	vld [tilespmem:s20+$0x8100];
	v1 =	vadd.f32 v3, v1  }
0x266: {  	v3 =	vld [tilespmem:s18+$0xC180]  }
0x267: {  	v8 =	vld [tilespmem:s20+$0x8180];
	v1 =	vadd.f32 v4, v1  }
0x268: {  	v4 =	vld [tilespmem:s18+$0xC200];
	v2 =	vadd.f32 v2, v6  }
0x269: {  	v6 =	vld [tilespmem:s20+$0x8200];
	v1 =	vadd.f32 v5, v1  }
0x26a: {  	v5 =	vld [tilespmem:s18+$0xC280];
	v2 =	vadd.f32 v7, v2  }
0x26b: {  	v7 =	vld [tilespmem:s20+$0x8280];
	v1 =	vadd.f32 v3, v1  }
0x26c: {  	v3 =	vld [tilespmem:s18+$0xC300];
	v2 =	vadd.f32 v8, v2  }
0x26d: {  	v8 =	vld [tilespmem:s20+$0x8300];
	v1 =	vadd.f32 v4, v1  }
0x26e: {  	v4 =	vld [tilespmem:s18+$0xC380];
	v2 =	vadd.f32 v6, v2  }
0x26f: {  	v6 =	vld [tilespmem:s20+$0x8380];
	v1 =	vadd.f32 v5, v1  }
0x270: {  	s29 =	simm.s32 $0x20;
	s30 =	simm.s32 $0x100;
	v5 =	vld [tilespmem:s20+$0xC100];
	v2 =	vadd.f32 v7, v2  }
0x271: {  	s19 =	sand.u32 $0x3C00, s30;
	s18 =	sand.u32 $0x70, s29;
	v7 =	vld [tilespmem:s20+$0xC000];
	v1 =	vadd.f32 v3, v1  }
0x272: {  	s19 =	sor.u32 s18, s19;
	v3 =	vld [tilespmem:s20+$0xC080];
	v2 =	vadd.f32 v8, v2  }
0x273: {  	v8 =	vld [tilespmem:s19+$0x8000];
	v1 =	vadd.f32 v4, v1  }
0x274: {  	s18 =	simm.s32 $0x10000;
	v4 =	vld [tilespmem:s19+$0x8080];
	v2 =	vadd.f32 v6, v2  }
0x275: {  	[tilespmem:s18+$0x0] =	vst.add.f32.msk $0xffff, v1  }
0x276: {  	v1 =	vld [tilespmem:s19+$0x8100];
	v2 =	vadd.f32 v7, v2  }
0x277: {  	v6 =	vld [tilespmem:s20+$0xC180]  }
0x278: {  	v7 =	vld [tilespmem:s19+$0x8180];
	v2 =	vadd.f32 v3, v2  }
0x279: {  	v3 =	vadd.f32 v4, v8;
	v4 =	vld [tilespmem:s20+$0xC200]  }
0x27a: {  	v8 =	vld [tilespmem:s19+$0x8200];
	v2 =	vadd.f32 v5, v2  }
0x27b: {  	v1 =	vadd.f32 v1, v3;
	v3 =	vld [tilespmem:s20+$0xC280]  }
0x27c: {  	v5 =	vld [tilespmem:s19+$0x8280];
	v2 =	vadd.f32 v6, v2  }
0x27d: {  	v1 =	vadd.f32 v7, v1;
	v6 =	vld [tilespmem:s20+$0xC300]  }
0x27e: {  	v7 =	vld [tilespmem:s19+$0x8300];
	v2 =	vadd.f32 v4, v2  }
0x27f: {  	v8 =	vadd.f32 v8, v1;
	v1 =	vld [tilespmem:s20+$0xC380]  }
0x280: {  	v4 =	vld [tilespmem:s19+$0x8380];
	v3 =	vadd.f32 v3, v2  }
0x281: {  	s31 =	simm.s32 $0x30;
	s21 =	simm.s32 $0x180;
	v8 =	vadd.f32 v5, v8;
	v2 =	vld [tilespmem:s19+$0xC100]  }
0x282: {  	s22 =	sand.u32 $0x3C00, s21;
	s20 =	sand.u32 $0x70, s31;
	v5 =	vld [tilespmem:s19+$0xC000];
	v3 =	vadd.f32 v6, v3  }
0x283: {  	s20 =	sor.u32 s20, s22;
	s22 =	simm.s32 $0x40;
	v7 =	vadd.f32 v7, v8;
	v6 =	vld [tilespmem:s19+$0xC080]  }
.LBB2_8:
0x284: {  	p0 =	sne.s32 s22, $0x7F0;
	v8 =	vld [tilespmem:s20+$0x8000];
	v1 =	vadd.f32 v1, v3  }
0x285: {  	s18 =	sadd.s32 $0x10, s18;
	v3 =	vld [tilespmem:s20+$0x8080];
	v4 =	vadd.f32 v4, v7  }
0x286: {  	[tilespmem:s18+$0x0] =	vst.add.f32.msk $0xffff, v1  }
0x287: {  	v1 =	vld [tilespmem:s20+$0x8100];
	v4 =	vadd.f32 v5, v4  }
0x288: {  	v5 =	vld [tilespmem:s19+$0xC180]  }
0x289: {  	v7 =	vld [tilespmem:s20+$0x8180];
	v4 =	vadd.f32 v6, v4  }
0x28a: {  	v3 =	vadd.f32 v3, v8;
	v6 =	vld [tilespmem:s19+$0xC200]  }
0x28b: {  	v8 =	vld [tilespmem:s20+$0x8200];
	v2 =	vadd.f32 v2, v4  }
0x28c: {  	v1 =	vadd.f32 v1, v3;
	v3 =	vld [tilespmem:s19+$0xC280]  }
0x28d: {  	v9 =	vld [tilespmem:s20+$0x8280];
	v2 =	vadd.f32 v5, v2  }
0x28e: {  	v1 =	vadd.f32 v7, v1;
	v7 =	vld [tilespmem:s19+$0xC300]  }
0x28f: {  	v10 =	vld [tilespmem:s20+$0x8300];
	v2 =	vadd.f32 v6, v2  }
.Ltmp3:
0x290: {  	v5 =	vadd.f32 v8, v1;
	v1 =	vld [tilespmem:s19+$0xC380];
	s19 =	smov.u32 s20;
	(pc) =	sbr.rel @p0 .LBB2_8-.Ltmp3, $4  }
0x291: {  	v4 =	vld [tilespmem:s19+$0x8380];
	v3 =	vadd.f32 v3, v2  }
0x292: {  	s21 =	sadd.s32 $0x80, s21;
	v6 =	vadd.f32 v9, v5;
	v2 =	vld [tilespmem:s19+$0xC100]  }
0x293: {  	s23 =	sand.u32 $0x3C00, s21;
	s20 =	sand.u32 $0x70, s22;
	v5 =	vld [tilespmem:s19+$0xC000];
	v3 =	vadd.f32 v7, v3  }
0x294: {  	s22 =	sadd.s32 $0x10, s22;
	s20 =	sor.u32 s20, s23;
	v7 =	vadd.f32 v10, v6;
	v6 =	vld [tilespmem:s19+$0xC080]  }
0x295: {  	v8 =	vld [tilespmem:s20+$0x8000]  }
0x296: {  	v9 =	vld [tilespmem:s20+$0x8080];
	_ =	sdelay $0x1  }
0x297: {  	v10 =	vld [tilespmem:s20+$0x8100];
	_ =	sdelay $0x1  }
0x298: {  	v11 =	vld [tilespmem:s20+$0x8180]  }
0x299: {  	v8 =	vadd.f32 v9, v8  }
0x29a: {  	v47 =	vld [tilespmem:s20+$0x8200]  }
0x29b: {  	v8 =	vadd.f32 v10, v8  }
0x29c: {  	v48 =	vld [tilespmem:s20+$0x8280]  }
0x29d: {  	v8 =	vadd.f32 v11, v8  }
0x29e: {  	v49 =	vld [tilespmem:s20+$0x8300]  }
0x29f: {  	v8 =	vadd.f32 v47, v8  }
0x2a0: {  	v50 =	vld [tilespmem:s20+$0x8380]  }
0x2a1: {  	v8 =	vadd.f32 v48, v8  }
0x2a2: {  	v51 =	vld [tilespmem:s20+$0xC000]  }
0x2a3: {  	v8 =	vadd.f32 v49, v8  }
0x2a4: {  	v52 =	vld [tilespmem:s20+$0xC080];
	v4 =	vadd.f32 v4, v7  }
0x2a5: {  	v8 =	vadd.f32 v50, v8  }
0x2a6: {  	v53 =	vld [tilespmem:s20+$0xC100];
	v4 =	vadd.f32 v5, v4  }
0x2a7: {  	v54 =	vld [tilespmem:s19+$0xC180];
	v8 =	vadd.f32 v51, v8  }
0x2a8: {  	v55 =	vld [tilespmem:s20+$0xC180];
	v4 =	vadd.f32 v6, v4  }
0x2a9: {  	v56 =	vld [tilespmem:s19+$0xC200];
	v7 =	vadd.f32 v52, v8  }
0x2aa: {  	v57 =	vld [tilespmem:s20+$0xC200];
	v2 =	vadd.f32 v2, v4  }
0x2ab: {  	v58 =	vld [tilespmem:s19+$0xC280];
	v5 =	vadd.f32 v53, v7  }
0x2ac: {  	v59 =	vld [tilespmem:s20+$0xC280];
	v2 =	vadd.f32 v54, v2  }
0x2ad: {  	v60 =	vld [tilespmem:s19+$0xC300];
	v5 =	vadd.f32 v55, v5  }
0x2ae: {  	v61 =	vld [tilespmem:s20+$0xC300];
	v2 =	vadd.f32 v56, v2  }
0x2af: {  	v62 =	vld [tilespmem:s19+$0xC380];
	v4 =	vadd.f32 v57, v5  }
0x2b0: {  	v63 =	vld [tilespmem:s20+$0xC380];
	v2 =	vadd.f32 v58, v2  }
0x2b1: {  	v4 =	vadd.f32 v59, v4  }
0x2b2: {  	v2 =	vadd.f32 v60, v2  }
0x2b3: {  	v1 =	vadd.f32 v1, v3;
	v3 =	vadd.f32 v61, v4  }
0x2b4: {  	s18 =	sadd.s32 $0x10, s18;
	v2 =	vadd.f32 v62, v2  }
0x2b5: {  	s17 =	sadd.s32 $0x1, s17;
	[tilespmem:s18+$0x0] =	vst.add.f32.msk $0xffff, v1;
	s18 =	sadd.s32 $0x10, s18;
	v1 =	vadd.f32 v63, v3  }
0x2b6: {  	p0 =	sne.s32 s17, s9;
	[tilespmem:s18+$0x0] =	vst.add.f32.msk $0xffff, v2;
	s18 =	sadd.s32 $0x10, s18  }
.Ltmp4:
0x2b7: {  	[tilespmem:s18+$0x0] =	vst.add.f32.msk $0xffff, v1;
	(pc) =	sbr.rel @p0 .LBB2_1-.Ltmp4, $4  }
0x2b8: {  	[hbm4b:s8+s13] =	stream.strided.scatter [tilespmem:s16], [sflag:$0x3], $0x800, s14, s13, $0x38;
	[tilespmem:$0x10800] =	vst v63  }
0x2b9: {  	_ =	swait.ge [sflag:s15], $0x800  }
0x2ba: {  	[sflag:s15] =	ssyncset.done $0x0  }
0x2bb: {  	[sflag:s15] =	ssyncadd.s32 $0xFFFFF800  }
0x2bc: {  	_ =	sfence.sel $0x180000  }
0x2bd: {  	[bflag:$0x0] =	sbarrier.arrive $0xFFFF  }
0x2be: {  	p0 =	sne.s32 s0, $0x0;
	_ =	strace $0x90000047  }
0x2bf: {  	s0 =	sadd.s32 @!p0 $0x100000, s1;
	[bflag:$0x2] =	sbarrier.arrive $0xFFFF  }
0x2c0: {  	[sflag:s0] =	ssyncadd.tile.s32 @!p0 $0x1;
	_ =	shalt  }
.Lfunc_end2:
_tile_overlayer_lowered:
.L_overlay_start_2:
0x2c1: {  	(tag) =	ssettag $0x2  }
0x2c2: {  	s0 =	rddreg [dreg:$0x0];
	s2 =	stileid.u32  }
0x2c3: {  	s1 =	rddreg [dreg:$0x1];
	p0 =	sne.s32 s2, $0x0  }
0x2c4: {  	s3 =	rddreg [dreg:$0x2];
	[bflag:$0x3] =	sbarrier.arrive $0xFFFF;
	s2 =	simm.s32 @!p0 $0x1C03  }
0x2c5: {  	[timem:s3], [sflag:s2] =	dma.local @!p0 [hbm:s0], s1  }
0x2c6: {  	s0 =	simm.s32 @!p0 $0x3  }
0x2c7: {  	_ =	swait.ge @!p0 [sflag:s0], s1  }
0x2c8: {  	s1 =	ssub.s32 @!p0 $0x0, s1;
	[sflag:s0] =	ssyncset.done @!p0 $0x0  }
0x2c9: {  	[sflag:s0] =	ssyncadd.s32 @!p0 s1  }
0x2ca: {  	[bflag:$0x3] =	sbarrier.arrive $0xFFFF  }
0x2cb: {  	_ =	shalt  }

</sc_bundles>
